<compile_context>
chip_gen: v7x
topology: tpu7x:2x2x1
jax: 0.10.2.dev20260603
libtpu: 0.0.44.dev20260713+nightly
codegen_flags: <defaults>
</compile_context>

<pallas_src>
import functools

import jax
import jax.numpy as jnp
from jax import lax
from jax.experimental import pallas as pl
from jax.experimental.pallas import tpu as pltpu
from jax.experimental.pallas import tpu_sc as plsc

B = 4096
L = 50
D = 32
NC = 2
NS = 16
NW = NC * NS
R = B // NW
G = 16
NG = R // G
IDX_PER_GROUP = G * L
STREAM = 80
NSTREAM = IDX_PER_GROUP // STREAM

ENT = 1000001
CHUNK = 512
NFULL = ENT // CHUNK
TAIL0 = NFULL * CHUNK
NTAIL = ENT - TAIL0
ENT_PAD = 1000064
DUMMY_ROW = 1000448
OUT_ROWS = DUMMY_ROW + CHUNK
SLOTS = ((NFULL + NW - 1) // NW) + 1
LAST_E0 = TAIL0 - CHUNK


def _tr_body(ent_t_hbm, tail_hbm, out_hbm,
             inb0, inb1, obuf0, obuf1, sbuf, sbuf2, tvm,
             sem_i0, sem_i1, sem_o0, sem_o1):
    wid = lax.axis_index("s") * NC + lax.axis_index("c")
    lanes = lax.iota(jnp.int32, 16)
    skew17 = lanes * 17
    bufs = ((inb0, obuf0, sem_i0, sem_o0), (inb1, obuf1, sem_i1, sem_o1))

    def src_e0(slot):
        g = slot * NW + wid
        e0 = jnp.minimum(g, NFULL - 1) * CHUNK
        return pl.multiple_of(e0, CHUNK), g

    def fire_in(slot, p):
        inb, _, sem_i, _ = bufs[p]
        e0, _ = src_e0(slot)
        for b in range(4):
            pltpu.async_copy(
                ent_t_hbm.at[pl.ds(b * 8, 8), pl.ds(e0, CHUNK)],
                inb.at[pl.ds(b * 8, 8), :], sem_i)

    def wait_in(p):
        inb, _, sem_i, _ = bufs[p]
        for b in range(4):
            pltpu.make_async_copy(
                ent_t_hbm.at[pl.ds(0, 8), pl.ds(0, CHUNK)],
                inb.at[pl.ds(b * 8, 8), :], sem_i).wait()

    def out_slice(slot):
        e0, g = src_e0(slot)
        dst = jnp.where(g < NFULL, e0 * D, DUMMY_ROW * D)
        return pl.multiple_of(dst, CHUNK * D)

    def fire_out(slot, p):
        _, obuf, _, sem_o = bufs[p]
        pltpu.async_copy(obuf, out_hbm.at[pl.ds(out_slice(slot), CHUNK * D)],
                         sem_o)

    def wait_out(p):
        _, obuf, _, sem_o = bufs[p]
        pltpu.make_async_copy(
            obuf, out_hbm.at[pl.ds(0, CHUNK * D)], sem_o).wait()

    def compute(p):
        inb, obuf, _, _ = bufs[p]

        def block(j, sb):
            col0 = pl.multiple_of(j * 16, 16)
            base = j * (16 * D)
            vs = [inb[c, pl.ds(col0, 16)] for c in range(D)]
            for c in range(D):
                plsc.store_scatter(sb, [lanes + c * 17], vs[c])
            outs = []
            for i in range(16):
                for h in range(2):
                    outs.append(plsc.load_gather(
                        sb, [skew17 + (h * (16 * 17) + i)]))
            for i in range(16):
                for h in range(2):
                    obuf[pl.ds(pl.multiple_of(base + i * D + h * 16, 16),
                               16)] = outs[i * 2 + h]

        def j_body(t, _):
            block(t * 2, sbuf)
            block(t * 2 + 1, sbuf2)
            return 0
        lax.fori_loop(0, CHUNK // 32, j_body, 0)

    fire_in(0, 0)
    fire_in(1, 1)

    def q_body(q2, _):
        for p in range(2):
            s = q2 * 2 + p
            wait_in(p)
            @pl.when(q2 > 0)
            def _():
                wait_out(p)
            compute(p)
            fire_out(s, p)
            fire_in(s + 2, p)
        return 0
    lax.fori_loop(0, SLOTS // 2, q_body, 0)

    wait_out(0)
    wait_out(1)
    wait_in(0)
    wait_in(1)

    @pl.when(wid == 0)
    def _():
        pltpu.sync_copy(tail_hbm, tvm)
        pltpu.sync_copy(tvm, out_hbm.at[pl.ds(TAIL0 * D, NTAIL * D)])


def _sc_body(entity_hbm, edge_hbm, relt_hbm, idxe_hbm, idxr_hbm, reli_hbm,
             posi_hbm, negi_hbm, out_t_hbm, out_p_hbm, out_n_hbm,
             idxe_v, idxr_v, reli_v, posi_v, negi_v,
             ebuf, wbuf, wnorm, relbuf, obuf, pbuf, nbuf,
             sem_e, sem_w, sem_r, sem_p, sem_n):
    wid = lax.axis_index("s") * NC + lax.axis_index("c")
    base = pl.multiple_of(wid * R, R)
    ibase = pl.multiple_of(wid * (R * L), R * L)

    pltpu.sync_copy(idxe_hbm.at[pl.ds(ibase, R * L)], idxe_v)
    pltpu.sync_copy(idxr_hbm.at[pl.ds(ibase, R * L)], idxr_v)
    pltpu.sync_copy(reli_hbm.at[pl.ds(base, R)], reli_v)
    pltpu.sync_copy(posi_hbm.at[pl.ds(base, R)], posi_v)
    pltpu.sync_copy(negi_hbm.at[pl.ds(base, R)], negi_v)

    hp = pltpu.async_copy(entity_hbm.at[posi_v], pbuf, sem_p)
    hn = pltpu.async_copy(entity_hbm.at[negi_v], nbuf, sem_n)

    lanes = lax.iota(jnp.int32, 16)
    zeros_i = jnp.zeros((16,), jnp.int32)
    row_of_lane = lanes * L

    def do_group(g, _):
        goff = pl.multiple_of(g * IDX_PER_GROUP, IDX_PER_GROUP)
        handles = []
        for t in range(NSTREAM):
            src = idxe_v.at[pl.ds(goff + t * STREAM, STREAM)]
            handles.append(pltpu.async_copy(
                entity_hbm.at[src], ebuf.at[pl.ds(t * STREAM, STREAM), :],
                sem_e))
            srcw = idxr_v.at[pl.ds(goff + t * STREAM, STREAM)]
            handles.append(pltpu.async_copy(
                edge_hbm.at[srcw], wbuf.at[pl.ds(t * STREAM, STREAM)],
                sem_w))
        grow = pl.multiple_of(g * G, G)
        hrel = pltpu.async_copy(relt_hbm.at[reli_v.at[pl.ds(grow, G)]],
                                relbuf, sem_r)
        for h in handles:
            h.wait()
        hrel.wait()

        def max_body(j, m):
            v = plsc.load_gather(wbuf, [row_of_lane + j])
            return jnp.maximum(m, v)
        m = lax.fori_loop(0, L, max_body, jnp.full((16,), -jnp.inf, jnp.float32))

        def exp_body(j, s):
            v = plsc.load_gather(wbuf, [row_of_lane + j])
            e = jnp.exp(v - m)
            wnorm[pl.ds(pl.multiple_of(j * 16, 16), 16)] = e
            return s + e
        s = lax.fori_loop(0, L, exp_body, jnp.zeros((16,), jnp.float32))
        rcp = 1.0 / s

        for half in range(2):
            def acc_body(j, accs):
                wj = wnorm[pl.ds(pl.multiple_of(j * 16, 16), 16)]
                ridx = row_of_lane + j
                return tuple(
                    accs[k] + wj * plsc.load_gather(
                        ebuf,
                        [ridx, jnp.full((16,), half * 16 + k, jnp.int32)])
                    for k in range(16))
            accs = lax.fori_loop(
                0, L, acc_body,
                tuple(jnp.zeros((16,), jnp.float32) for _ in range(16)))
            for k in range(16):
                cc = jnp.full((16,), half * 16 + k, jnp.int32)
                relv = plsc.load_gather(relbuf, [lanes, cc])
                plsc.store_scatter(obuf, [lanes, cc], accs[k] * rcp + relv)
        pltpu.sync_copy(obuf, out_t_hbm.at[pl.ds(base + grow, G), :])
        return 0

    lax.fori_loop(0, NG, do_group, 0)

    hp.wait()
    hn.wait()
    pltpu.sync_copy(pbuf, out_p_hbm.at[pl.ds(base, R), :])
    pltpu.sync_copy(nbuf, out_n_hbm.at[pl.ds(base, R), :])


@jax.jit
def _run(entity_table, edge_table, rel_table, idx_e, idx_r, rel_i, pos_i, neg_i):
    f32 = jnp.float32
    mesh = plsc.VectorSubcoreMesh(core_axis_name="c", subcore_axis_name="s")
    ent_t = entity_table.T
    tail = entity_table[TAIL0:, :].reshape(-1)
    tr_call = pl.kernel(
        _tr_body,
        mesh=mesh,
        compiler_params=pltpu.CompilerParams(needs_layout_passes=False,
                                             use_tc_tiling_on_sc=True),
        out_type=jax.ShapeDtypeStruct((OUT_ROWS * D,), f32),
        scratch_types=[
            pltpu.VMEM((D, CHUNK), f32),
            pltpu.VMEM((D, CHUNK), f32),
            pltpu.VMEM((CHUNK * D,), f32),
            pltpu.VMEM((CHUNK * D,), f32),
            pltpu.VMEM((D * 17,), f32),
            pltpu.VMEM((D * 17,), f32),
            pltpu.VMEM((NTAIL * D,), f32),
            pltpu.SemaphoreType.DMA,
            pltpu.SemaphoreType.DMA,
            pltpu.SemaphoreType.DMA,
            pltpu.SemaphoreType.DMA,
        ],
    )
    table_lin = tr_call(ent_t, tail).reshape(OUT_ROWS, D)
    call = pl.kernel(
        _sc_body,
        mesh=mesh,
        compiler_params=pltpu.CompilerParams(needs_layout_passes=False,
                                             use_tc_tiling_on_sc=False),
        out_type=(
            jax.ShapeDtypeStruct((B, D), f32),
            jax.ShapeDtypeStruct((B, D), f32),
            jax.ShapeDtypeStruct((B, D), f32),
        ),
        scratch_types=[
            pltpu.VMEM((R * L,), jnp.int32),
            pltpu.VMEM((R * L,), jnp.int32),
            pltpu.VMEM((R,), jnp.int32),
            pltpu.VMEM((R,), jnp.int32),
            pltpu.VMEM((R,), jnp.int32),
            pltpu.VMEM((IDX_PER_GROUP, D), f32),
            pltpu.VMEM((IDX_PER_GROUP,), f32),
            pltpu.VMEM((IDX_PER_GROUP,), f32),
            pltpu.VMEM((G, D), f32),
            pltpu.VMEM((G, D), f32),
            pltpu.VMEM((R, D), f32),
            pltpu.VMEM((R, D), f32),
            pltpu.SemaphoreType.DMA,
            pltpu.SemaphoreType.DMA,
            pltpu.SemaphoreType.DMA,
            pltpu.SemaphoreType.DMA,
            pltpu.SemaphoreType.DMA,
        ],
    )
    return call(table_lin, edge_table, rel_table, idx_e, idx_r,
                rel_i, pos_i, neg_i)


def kernel(data_r, data_e, rel, pos_id, neg_id, entity_table, edge_table,
           rel_table):
    idx_e = data_e.reshape(-1).astype(jnp.int32)
    idx_r = data_r.reshape(-1).astype(jnp.int32)
    edge_table = edge_table.reshape(-1)
    rel_i = rel.astype(jnp.int32)
    pos_i = pos_id.astype(jnp.int32)
    neg_i = neg_id.astype(jnp.int32)
    return _run(entity_table, edge_table, rel_table, idx_e, idx_r,
                rel_i, pos_i, neg_i)

# --- scband reference (transcript-rebuilt; emitter-appended) ---
"""Pipeline reference for scband-network-26611617366437 (READ-ONLY COPY).

The authoritative reference and input builder live on the scoring server;
editing this copy changes nothing except your own understanding.
"""

import jax, jax.numpy as jnp
import numpy as np

ENTITY_SIZE = 1000000
DIM = 32
REL_SIZE = 500
B = 4096
L = 50
EDGE_VOCAB = REL_SIZE * (REL_SIZE + 1) + 1


def setup_inputs(seed: int = 0) -> dict:
    key = jax.random.key(seed)
    ks = jax.random.split(key, 8)
    data_r = jax.random.randint(ks[0], (B, L), 0, EDGE_VOCAB, dtype=jnp.int32).astype(jnp.int64)
    data_e = jax.random.randint(ks[1], (B, L), 0, ENTITY_SIZE + 1, dtype=jnp.int32).astype(jnp.int64)
    rel = jax.random.randint(ks[2], (B,), 0, REL_SIZE, dtype=jnp.int32).astype(jnp.int64)
    pos_id = jax.random.randint(ks[3], (B,), 0, ENTITY_SIZE + 1, dtype=jnp.int32).astype(jnp.int64)
    neg_id = jax.random.randint(ks[4], (B,), 0, ENTITY_SIZE + 1, dtype=jnp.int32).astype(jnp.int64)
    entity_table = jax.random.normal(ks[5], (ENTITY_SIZE + 1, DIM), dtype=jnp.float32)
    edge_table = jax.random.normal(ks[6], (EDGE_VOCAB, 1), dtype=jnp.float32)
    rel_table = jax.random.normal(ks[7], (REL_SIZE, DIM), dtype=jnp.float32)
    return {
        "data_r": data_r,
        "data_e": data_e,
        "rel": rel,
        "pos_id": pos_id,
        "neg_id": neg_id,
        "entity_table": entity_table,
        "edge_table": edge_table,
        "rel_table": rel_table,
    }


def reference(data_r, data_e, rel, pos_id, neg_id, entity_table, edge_table, rel_table):
    # get_t: attention-weighted neighborhood aggregation
    data_r_emb = jnp.take(edge_table, data_r, axis=0)            # [B, L, 1]
    data_r_emb = data_r_emb.reshape(data_e.shape[0], -1)          # [B, L]
    data_w = jax.nn.softmax(data_r_emb, axis=1)                   # [B, L]
    data_w = data_w.reshape(data_e.shape[0], -1, 1)               # [B, L, 1]
    e = jnp.take(entity_table, data_e, axis=0)                    # [B, L, D]
    Eh = e * data_w                                               # [B, L, D]
    Eh = jnp.transpose(Eh, (0, 2, 1))                             # [B, D, L]
    Eh = jnp.sum(Eh, axis=2)                                      # [B, D]
    r = jnp.take(rel_table, rel, axis=0)                          # [B, D]
    out_t = Eh + r
    pos_out = jnp.take(entity_table, pos_id, axis=0)              # [B, D]
    neg_out = jnp.take(entity_table, neg_id, axis=0)              # [B, D]
    return (out_t, pos_out, neg_out)

if __name__ == "__main__":
    import jax
    _d = setup_inputs()
    print(jax.jit(kernel)(*tuple(_d.values())))

</pallas_src>

<mosaic_0001>
#map = affine_map<(d0, d1) -> (0, 0)>
#map1 = affine_map<(d0, d1) -> (0)>
module attributes {stable_mosaic.version = 14 : i64} {
  func.func @_sc_body(%arg0: i32, %arg1: i32, %arg2: memref<1000960x32xf32, #tpu.memory_space<hbm>>, %arg3: memref<250501xf32, #tpu.memory_space<hbm>>, %arg4: memref<500x32xf32, #tpu.memory_space<hbm>>, %arg5: memref<204800xi32, #tpu.memory_space<hbm>>, %arg6: memref<204800xi32, #tpu.memory_space<hbm>>, %arg7: memref<4096xi32, #tpu.memory_space<hbm>>, %arg8: memref<4096xi32, #tpu.memory_space<hbm>>, %arg9: memref<4096xi32, #tpu.memory_space<hbm>>, %arg10: memref<4096x32xf32, #tpu.memory_space<hbm>>, %arg11: memref<4096x32xf32, #tpu.memory_space<hbm>>, %arg12: memref<4096x32xf32, #tpu.memory_space<hbm>>, %arg13: memref<6400xi32, #tpu.memory_space<vmem>>, %arg14: memref<6400xi32, #tpu.memory_space<vmem>>, %arg15: memref<128xi32, #tpu.memory_space<vmem>>, %arg16: memref<128xi32, #tpu.memory_space<vmem>>, %arg17: memref<128xi32, #tpu.memory_space<vmem>>, %arg18: memref<800x32xf32, #tpu.memory_space<vmem>>, %arg19: memref<800xf32, #tpu.memory_space<vmem>>, %arg20: memref<800xf32, #tpu.memory_space<vmem>>, %arg21: memref<16x32xf32, #tpu.memory_space<vmem>>, %arg22: memref<16x32xf32, #tpu.memory_space<vmem>>, %arg23: memref<128x32xf32, #tpu.memory_space<vmem>>, %arg24: memref<128x32xf32, #tpu.memory_space<vmem>>, %arg25: memref<!tpu.dma_semaphore, #tpu.memory_space<semaphore_mem>>, %arg26: memref<!tpu.dma_semaphore, #tpu.memory_space<semaphore_mem>>, %arg27: memref<!tpu.dma_semaphore, #tpu.memory_space<semaphore_mem>>, %arg28: memref<!tpu.dma_semaphore, #tpu.memory_space<semaphore_mem>>, %arg29: memref<!tpu.dma_semaphore, #tpu.memory_space<semaphore_mem>>) attributes {dimension_semantics = [#tpu.dimension_semantics<core_parallel>, #tpu.dimension_semantics<subcore_parallel>], iteration_bounds = array<i64: 2, 16>, scalar_prefetch = 0 : i64, scratch_operands = 17 : i64, tpu.core_type = #tpu.core_type<sc_vector_subcore>, window_params = [{transform_indices = #map}, {transform_indices = #map1}, {transform_indices = #map}, {transform_indices = #map1}, {transform_indices = #map1}, {transform_indices = #map1}, {transform_indices = #map1}, {transform_indices = #map1}, {transform_indices = #map}, {transform_indices = #map}, {transform_indices = #map}]} {
    %mul3A = arith.constant 2 : i32
    %mul3A_0 = arith.muli %arg1, %mul3A : i32
    %add3A = arith.addi %mul3A_0, %arg0 : i32
    %mul3A_1 = arith.constant 128 : i32
    %mul3A_2 = arith.muli %add3A, %mul3A_1 : i32
    %multiple_of3A = tpu.assume_multiple %mul3A_2, 128 : i32
    %mul3A_3 = arith.constant 6400 : i32
    %mul3A_4 = arith.muli %add3A, %mul3A_3 : i32
    %multiple_of3A_5 = tpu.assume_multiple %mul3A_4, 6400 : i32
    "tpu.region"() ({
      %run_scoped3A = tpu.sem_alloc : memref<!tpu.dma_semaphore, #tpu.memory_space<semaphore_mem>>
      %dma_start3A_26 = tpu.memref_slice %arg5[%multiple_of3A_5] : memref<204800xi32, #tpu.memory_space<hbm>> -> memref<6400xi32, #tpu.memory_space<hbm>>
      %dma_start3A_27 = tpu.memref_slice %arg5[%multiple_of3A_5] : memref<204800xi32, #tpu.memory_space<hbm>> -> memref<6400xi32, #tpu.memory_space<hbm>>
      tpu.enqueue_dma source(%dma_start3A_27 : memref<6400xi32, #tpu.memory_space<hbm>>) target(%arg13 : memref<6400xi32, #tpu.memory_space<vmem>>) target_semaphore(%run_scoped3A : memref<!tpu.dma_semaphore, #tpu.memory_space<semaphore_mem>>)
      %dma_wait3A_28 = tpu.memref_slice %arg5[%multiple_of3A_5] : memref<204800xi32, #tpu.memory_space<hbm>> -> memref<6400xi32, #tpu.memory_space<hbm>>
      %dma_wait3A_29 = tpu.memref_slice %arg5[%multiple_of3A_5] : memref<204800xi32, #tpu.memory_space<hbm>> -> memref<6400xi32, #tpu.memory_space<hbm>>
      tpu.wait_dma2 semaphore(%run_scoped3A : memref<!tpu.dma_semaphore, #tpu.memory_space<semaphore_mem>>) src(%dma_wait3A_29 : memref<6400xi32, #tpu.memory_space<hbm>>) dst(%arg13 : memref<6400xi32, #tpu.memory_space<vmem>>)
      tpu.yield
    }) : () -> ()
    "tpu.region"() ({
      %run_scoped3A = tpu.sem_alloc : memref<!tpu.dma_semaphore, #tpu.memory_space<semaphore_mem>>
      %dma_start3A_26 = tpu.memref_slice %arg6[%multiple_of3A_5] : memref<204800xi32, #tpu.memory_space<hbm>> -> memref<6400xi32, #tpu.memory_space<hbm>>
      %dma_start3A_27 = tpu.memref_slice %arg6[%multiple_of3A_5] : memref<204800xi32, #tpu.memory_space<hbm>> -> memref<6400xi32, #tpu.memory_space<hbm>>
      tpu.enqueue_dma source(%dma_start3A_27 : memref<6400xi32, #tpu.memory_space<hbm>>) target(%arg14 : memref<6400xi32, #tpu.memory_space<vmem>>) target_semaphore(%run_scoped3A : memref<!tpu.dma_semaphore, #tpu.memory_space<semaphore_mem>>)
      %dma_wait3A_28 = tpu.memref_slice %arg6[%multiple_of3A_5] : memref<204800xi32, #tpu.memory_space<hbm>> -> memref<6400xi32, #tpu.memory_space<hbm>>
      %dma_wait3A_29 = tpu.memref_slice %arg6[%multiple_of3A_5] : memref<204800xi32, #tpu.memory_space<hbm>> -> memref<6400xi32, #tpu.memory_space<hbm>>
      tpu.wait_dma2 semaphore(%run_scoped3A : memref<!tpu.dma_semaphore, #tpu.memory_space<semaphore_mem>>) src(%dma_wait3A_29 : memref<6400xi32, #tpu.memory_space<hbm>>) dst(%arg14 : memref<6400xi32, #tpu.memory_space<vmem>>)
      tpu.yield
    }) : () -> ()
    "tpu.region"() ({
      %run_scoped3A = tpu.sem_alloc : memref<!tpu.dma_semaphore, #tpu.memory_space<semaphore_mem>>
      %dma_start3A_26 = tpu.memref_slice %arg7[%multiple_of3A] : memref<4096xi32, #tpu.memory_space<hbm>> -> memref<128xi32, #tpu.memory_space<hbm>>
      %dma_start3A_27 = tpu.memref_slice %arg7[%multiple_of3A] : memref<4096xi32, #tpu.memory_space<hbm>> -> memref<128xi32, #tpu.memory_space<hbm>>
      tpu.enqueue_dma source(%dma_start3A_27 : memref<128xi32, #tpu.memory_space<hbm>>) target(%arg15 : memref<128xi32, #tpu.memory_space<vmem>>) target_semaphore(%run_scoped3A : memref<!tpu.dma_semaphore, #tpu.memory_space<semaphore_mem>>)
      %dma_wait3A_28 = tpu.memref_slice %arg7[%multiple_of3A] : memref<4096xi32, #tpu.memory_space<hbm>> -> memref<128xi32, #tpu.memory_space<hbm>>
      %dma_wait3A_29 = tpu.memref_slice %arg7[%multiple_of3A] : memref<4096xi32, #tpu.memory_space<hbm>> -> memref<128xi32, #tpu.memory_space<hbm>>
      tpu.wait_dma2 semaphore(%run_scoped3A : memref<!tpu.dma_semaphore, #tpu.memory_space<semaphore_mem>>) src(%dma_wait3A_29 : memref<128xi32, #tpu.memory_space<hbm>>) dst(%arg15 : memref<128xi32, #tpu.memory_space<vmem>>)
      tpu.yield
    }) : () -> ()
    "tpu.region"() ({
      %run_scoped3A = tpu.sem_alloc : memref<!tpu.dma_semaphore, #tpu.memory_space<semaphore_mem>>
      %dma_start3A_26 = tpu.memref_slice %arg8[%multiple_of3A] : memref<4096xi32, #tpu.memory_space<hbm>> -> memref<128xi32, #tpu.memory_space<hbm>>
      %dma_start3A_27 = tpu.memref_slice %arg8[%multiple_of3A] : memref<4096xi32, #tpu.memory_space<hbm>> -> memref<128xi32, #tpu.memory_space<hbm>>
      tpu.enqueue_dma source(%dma_start3A_27 : memref<128xi32, #tpu.memory_space<hbm>>) target(%arg16 : memref<128xi32, #tpu.memory_space<vmem>>) target_semaphore(%run_scoped3A : memref<!tpu.dma_semaphore, #tpu.memory_space<semaphore_mem>>)
      %dma_wait3A_28 = tpu.memref_slice %arg8[%multiple_of3A] : memref<4096xi32, #tpu.memory_space<hbm>> -> memref<128xi32, #tpu.memory_space<hbm>>
      %dma_wait3A_29 = tpu.memref_slice %arg8[%multiple_of3A] : memref<4096xi32, #tpu.memory_space<hbm>> -> memref<128xi32, #tpu.memory_space<hbm>>
      tpu.wait_dma2 semaphore(%run_scoped3A : memref<!tpu.dma_semaphore, #tpu.memory_space<semaphore_mem>>) src(%dma_wait3A_29 : memref<128xi32, #tpu.memory_space<hbm>>) dst(%arg16 : memref<128xi32, #tpu.memory_space<vmem>>)
      tpu.yield
    }) : () -> ()
    "tpu.region"() ({
      %run_scoped3A = tpu.sem_alloc : memref<!tpu.dma_semaphore, #tpu.memory_space<semaphore_mem>>
      %dma_start3A_26 = tpu.memref_slice %arg9[%multiple_of3A] : memref<4096xi32, #tpu.memory_space<hbm>> -> memref<128xi32, #tpu.memory_space<hbm>>
      %dma_start3A_27 = tpu.memref_slice %arg9[%multiple_of3A] : memref<4096xi32, #tpu.memory_space<hbm>> -> memref<128xi32, #tpu.memory_space<hbm>>
      tpu.enqueue_dma source(%dma_start3A_27 : memref<128xi32, #tpu.memory_space<hbm>>) target(%arg17 : memref<128xi32, #tpu.memory_space<vmem>>) target_semaphore(%run_scoped3A : memref<!tpu.dma_semaphore, #tpu.memory_space<semaphore_mem>>)
      %dma_wait3A_28 = tpu.memref_slice %arg9[%multiple_of3A] : memref<4096xi32, #tpu.memory_space<hbm>> -> memref<128xi32, #tpu.memory_space<hbm>>
      %dma_wait3A_29 = tpu.memref_slice %arg9[%multiple_of3A] : memref<4096xi32, #tpu.memory_space<hbm>> -> memref<128xi32, #tpu.memory_space<hbm>>
      tpu.wait_dma2 semaphore(%run_scoped3A : memref<!tpu.dma_semaphore, #tpu.memory_space<semaphore_mem>>) src(%dma_wait3A_29 : memref<128xi32, #tpu.memory_space<hbm>>) dst(%arg17 : memref<128xi32, #tpu.memory_space<vmem>>)
      tpu.yield
    }) : () -> ()
    %dma_start3A = arith.constant 0 : i32
    %dma_start3A_6 = arith.constant 0 : i32
    %dma_start3A_7 = tpu.memref_slice %arg2[%dma_start3A, %dma_start3A_6] : memref<1000960x32xf32, #tpu.memory_space<hbm>> -> memref<1000960x32xf32, #tpu.memory_space<hbm>>
    tpu.enqueue_indirect_dma source(%dma_start3A_7 : memref<1000960x32xf32, #tpu.memory_space<hbm>>) target(%arg23 : memref<128x32xf32, #tpu.memory_space<vmem>>) offsets(%arg16 : memref<128xi32, #tpu.memory_space<vmem>>) semaphore(%arg28 : memref<!tpu.dma_semaphore, #tpu.memory_space<semaphore_mem>>)
    %dma_start3A_8 = arith.constant 0 : i32
    %dma_start3A_9 = arith.constant 0 : i32
    %dma_start3A_10 = tpu.memref_slice %arg2[%dma_start3A_8, %dma_start3A_9] : memref<1000960x32xf32, #tpu.memory_space<hbm>> -> memref<1000960x32xf32, #tpu.memory_space<hbm>>
    tpu.enqueue_indirect_dma source(%dma_start3A_10 : memref<1000960x32xf32, #tpu.memory_space<hbm>>) target(%arg24 : memref<128x32xf32, #tpu.memory_space<vmem>>) offsets(%arg17 : memref<128xi32, #tpu.memory_space<vmem>>) semaphore(%arg29 : memref<!tpu.dma_semaphore, #tpu.memory_space<semaphore_mem>>)
    %iota3A = tpu.iota {dimensions = array<i32: 0>} : vector<16xi32>
    %broadcast_in_dim3A = arith.constant 0 : i32
    %broadcast_in_dim3A_11 = vector.broadcast %broadcast_in_dim3A : i32 to vector<16xi32>
    %mul3A_12 = arith.constant 50 : i32
    %mul3A_13 = vector.broadcast %mul3A_12 : i32 to vector<16xi32>
    %mul3A_14 = arith.muli %iota3A, %mul3A_13 : vector<16xi32>
    %scan3A = arith.constant 0 : i32
    %scan3A_15 = arith.constant 0 : i32
    %scan3A_16 = arith.constant 8 : i32
    %scan3A_17 = arith.addi %scan3A_15, %scan3A_16 : i32
    %scan3A_18 = arith.constant 1 : i32
    %scan3A_19 = scf.for %scan3A_26 = %scan3A_15 to %scan3A_17 step %scan3A_18 iter_args(%scan3A_27 = %scan3A) -> (i32)  : i32 {
      %mul3A_28 = arith.constant 800 : i32
      %mul3A_29 = arith.muli %scan3A_26, %mul3A_28 : i32
      %multiple_of3A_30 = tpu.assume_multiple %mul3A_29, 800 : i32
      %add3A_31 = arith.constant 0 : i32
      %add3A_32 = arith.addi %multiple_of3A_30, %add3A_31 : i32
      %dma_start3A_33 = arith.constant 0 : i32
      %dma_start3A_34 = arith.constant 0 : i32
      %dma_start3A_35 = tpu.memref_slice %arg18[%dma_start3A_33, %dma_start3A_34] : memref<800x32xf32, #tpu.memory_space<vmem>> -> memref<80x32xf32, #tpu.memory_space<vmem>>
      %dma_start3A_36 = tpu.memref_slice %arg13[%add3A_32] : memref<6400xi32, #tpu.memory_space<vmem>> -> memref<80xi32, #tpu.memory_space<vmem>>
      %dma_start3A_37 = arith.constant 0 : i32
      %dma_start3A_38 = arith.constant 0 : i32
      %dma_start3A_39 = tpu.memref_slice %arg2[%dma_start3A_37, %dma_start3A_38] : memref<1000960x32xf32, #tpu.memory_space<hbm>> -> memref<1000960x32xf32, #tpu.memory_space<hbm>>
      tpu.enqueue_indirect_dma source(%dma_start3A_39 : memref<1000960x32xf32, #tpu.memory_space<hbm>>) target(%dma_start3A_35 : memref<80x32xf32, #tpu.memory_space<vmem>>) offsets(%dma_start3A_36 : memref<80xi32, #tpu.memory_space<vmem>>) semaphore(%arg25 : memref<!tpu.dma_semaphore, #tpu.memory_space<semaphore_mem>>)
      %add3A_40 = arith.constant 0 : i32
      %add3A_41 = arith.addi %multiple_of3A_30, %add3A_40 : i32
      %dma_start3A_42 = arith.constant 0 : i32
      %dma_start3A_43 = tpu.memref_slice %arg19[%dma_start3A_42] : memref<800xf32, #tpu.memory_space<vmem>> -> memref<80xf32, #tpu.memory_space<vmem>>
      %dma_start3A_44 = tpu.memref_slice %arg14[%add3A_41] : memref<6400xi32, #tpu.memory_space<vmem>> -> memref<80xi32, #tpu.memory_space<vmem>>
      %dma_start3A_45 = arith.constant 0 : i32
      %dma_start3A_46 = tpu.memref_slice %arg3[%dma_start3A_45] : memref<250501xf32, #tpu.memory_space<hbm>> -> memref<250501xf32, #tpu.memory_space<hbm>>
      tpu.enqueue_indirect_dma source(%dma_start3A_46 : memref<250501xf32, #tpu.memory_space<hbm>>) target(%dma_start3A_43 : memref<80xf32, #tpu.memory_space<vmem>>) offsets(%dma_start3A_44 : memref<80xi32, #tpu.memory_space<vmem>>) semaphore(%arg26 : memref<!tpu.dma_semaphore, #tpu.memory_space<semaphore_mem>>)
      %add3A_47 = arith.constant 80 : i32
      %add3A_48 = arith.addi %multiple_of3A_30, %add3A_47 : i32
      %dma_start3A_49 = arith.constant 80 : i32
      %dma_start3A_50 = arith.constant 0 : i32
      %dma_start3A_51 = tpu.memref_slice %arg18[%dma_start3A_49, %dma_start3A_50] : memref<800x32xf32, #tpu.memory_space<vmem>> -> memref<80x32xf32, #tpu.memory_space<vmem>>
      %dma_start3A_52 = tpu.memref_slice %arg13[%add3A_48] : memref<6400xi32, #tpu.memory_space<vmem>> -> memref<80xi32, #tpu.memory_space<vmem>>
      %dma_start3A_53 = arith.constant 0 : i32
      %dma_start3A_54 = arith.constant 0 : i32
      %dma_start3A_55 = tpu.memref_slice %arg2[%dma_start3A_53, %dma_start3A_54] : memref<1000960x32xf32, #tpu.memory_space<hbm>> -> memref<1000960x32xf32, #tpu.memory_space<hbm>>
      tpu.enqueue_indirect_dma source(%dma_start3A_55 : memref<1000960x32xf32, #tpu.memory_space<hbm>>) target(%dma_start3A_51 : memref<80x32xf32, #tpu.memory_space<vmem>>) offsets(%dma_start3A_52 : memref<80xi32, #tpu.memory_space<vmem>>) semaphore(%arg25 : memref<!tpu.dma_semaphore, #tpu.memory_space<semaphore_mem>>)
      %add3A_56 = arith.constant 80 : i32
      %add3A_57 = arith.addi %multiple_of3A_30, %add3A_56 : i32
      %dma_start3A_58 = arith.constant 80 : i32
      %dma_start3A_59 = tpu.memref_slice %arg19[%dma_start3A_58] : memref<800xf32, #tpu.memory_space<vmem>> -> memref<80xf32, #tpu.memory_space<vmem>>
      %dma_start3A_60 = tpu.memref_slice %arg14[%add3A_57] : memref<6400xi32, #tpu.memory_space<vmem>> -> memref<80xi32, #tpu.memory_space<vmem>>
      %dma_start3A_61 = arith.constant 0 : i32
      %dma_start3A_62 = tpu.memref_slice %arg3[%dma_start3A_61] : memref<250501xf32, #tpu.memory_space<hbm>> -> memref<250501xf32, #tpu.memory_space<hbm>>
      tpu.enqueue_indirect_dma source(%dma_start3A_62 : memref<250501xf32, #tpu.memory_space<hbm>>) target(%dma_start3A_59 : memref<80xf32, #tpu.memory_space<vmem>>) offsets(%dma_start3A_60 : memref<80xi32, #tpu.memory_space<vmem>>) semaphore(%arg26 : memref<!tpu.dma_semaphore, #tpu.memory_space<semaphore_mem>>)
      %add3A_63 = arith.constant 160 : i32
      %add3A_64 = arith.addi %multiple_of3A_30, %add3A_63 : i32
      %dma_start3A_65 = arith.constant 160 : i32
      %dma_start3A_66 = arith.constant 0 : i32
      %dma_start3A_67 = tpu.memref_slice %arg18[%dma_start3A_65, %dma_start3A_66] : memref<800x32xf32, #tpu.memory_space<vmem>> -> memref<80x32xf32, #tpu.memory_space<vmem>>
      %dma_start3A_68 = tpu.memref_slice %arg13[%add3A_64] : memref<6400xi32, #tpu.memory_space<vmem>> -> memref<80xi32, #tpu.memory_space<vmem>>
      %dma_start3A_69 = arith.constant 0 : i32
      %dma_start3A_70 = arith.constant 0 : i32
      %dma_start3A_71 = tpu.memref_slice %arg2[%dma_start3A_69, %dma_start3A_70] : memref<1000960x32xf32, #tpu.memory_space<hbm>> -> memref<1000960x32xf32, #tpu.memory_space<hbm>>
      tpu.enqueue_indirect_dma source(%dma_start3A_71 : memref<1000960x32xf32, #tpu.memory_space<hbm>>) target(%dma_start3A_67 : memref<80x32xf32, #tpu.memory_space<vmem>>) offsets(%dma_start3A_68 : memref<80xi32, #tpu.memory_space<vmem>>) semaphore(%arg25 : memref<!tpu.dma_semaphore, #tpu.memory_space<semaphore_mem>>)
      %add3A_72 = arith.constant 160 : i32
      %add3A_73 = arith.addi %multiple_of3A_30, %add3A_72 : i32
      %dma_start3A_74 = arith.constant 160 : i32
      %dma_start3A_75 = tpu.memref_slice %arg19[%dma_start3A_74] : memref<800xf32, #tpu.memory_space<vmem>> -> memref<80xf32, #tpu.memory_space<vmem>>
      %dma_start3A_76 = tpu.memref_slice %arg14[%add3A_73] : memref<6400xi32, #tpu.memory_space<vmem>> -> memref<80xi32, #tpu.memory_space<vmem>>
      %dma_start3A_77 = arith.constant 0 : i32
      %dma_start3A_78 = tpu.memref_slice %arg3[%dma_start3A_77] : memref<250501xf32, #tpu.memory_space<hbm>> -> memref<250501xf32, #tpu.memory_space<hbm>>
      tpu.enqueue_indirect_dma source(%dma_start3A_78 : memref<250501xf32, #tpu.memory_space<hbm>>) target(%dma_start3A_75 : memref<80xf32, #tpu.memory_space<vmem>>) offsets(%dma_start3A_76 : memref<80xi32, #tpu.memory_space<vmem>>) semaphore(%arg26 : memref<!tpu.dma_semaphore, #tpu.memory_space<semaphore_mem>>)
      %add3A_79 = arith.constant 240 : i32
      %add3A_80 = arith.addi %multiple_of3A_30, %add3A_79 : i32
      %dma_start3A_81 = arith.constant 240 : i32
      %dma_start3A_82 = arith.constant 0 : i32
      %dma_start3A_83 = tpu.memref_slice %arg18[%dma_start3A_81, %dma_start3A_82] : memref<800x32xf32, #tpu.memory_space<vmem>> -> memref<80x32xf32, #tpu.memory_space<vmem>>
      %dma_start3A_84 = tpu.memref_slice %arg13[%add3A_80] : memref<6400xi32, #tpu.memory_space<vmem>> -> memref<80xi32, #tpu.memory_space<vmem>>
      %dma_start3A_85 = arith.constant 0 : i32
      %dma_start3A_86 = arith.constant 0 : i32
      %dma_start3A_87 = tpu.memref_slice %arg2[%dma_start3A_85, %dma_start3A_86] : memref<1000960x32xf32, #tpu.memory_space<hbm>> -> memref<1000960x32xf32, #tpu.memory_space<hbm>>
      tpu.enqueue_indirect_dma source(%dma_start3A_87 : memref<1000960x32xf32, #tpu.memory_space<hbm>>) target(%dma_start3A_83 : memref<80x32xf32, #tpu.memory_space<vmem>>) offsets(%dma_start3A_84 : memref<80xi32, #tpu.memory_space<vmem>>) semaphore(%arg25 : memref<!tpu.dma_semaphore, #tpu.memory_space<semaphore_mem>>)
      %add3A_88 = arith.constant 240 : i32
      %add3A_89 = arith.addi %multiple_of3A_30, %add3A_88 : i32
      %dma_start3A_90 = arith.constant 240 : i32
      %dma_start3A_91 = tpu.memref_slice %arg19[%dma_start3A_90] : memref<800xf32, #tpu.memory_space<vmem>> -> memref<80xf32, #tpu.memory_space<vmem>>
      %dma_start3A_92 = tpu.memref_slice %arg14[%add3A_89] : memref<6400xi32, #tpu.memory_space<vmem>> -> memref<80xi32, #tpu.memory_space<vmem>>
      %dma_start3A_93 = arith.constant 0 : i32
      %dma_start3A_94 = tpu.memref_slice %arg3[%dma_start3A_93] : memref<250501xf32, #tpu.memory_space<hbm>> -> memref<250501xf32, #tpu.memory_space<hbm>>
      tpu.enqueue_indirect_dma source(%dma_start3A_94 : memref<250501xf32, #tpu.memory_space<hbm>>) target(%dma_start3A_91 : memref<80xf32, #tpu.memory_space<vmem>>) offsets(%dma_start3A_92 : memref<80xi32, #tpu.memory_space<vmem>>) semaphore(%arg26 : memref<!tpu.dma_semaphore, #tpu.memory_space<semaphore_mem>>)
      %add3A_95 = arith.constant 320 : i32
      %add3A_96 = arith.addi %multiple_of3A_30, %add3A_95 : i32
      %dma_start3A_97 = arith.constant 320 : i32
      %dma_start3A_98 = arith.constant 0 : i32
      %dma_start3A_99 = tpu.memref_slice %arg18[%dma_start3A_97, %dma_start3A_98] : memref<800x32xf32, #tpu.memory_space<vmem>> -> memref<80x32xf32, #tpu.memory_space<vmem>>
      %dma_start3A_100 = tpu.memref_slice %arg13[%add3A_96] : memref<6400xi32, #tpu.memory_space<vmem>> -> memref<80xi32, #tpu.memory_space<vmem>>
      %dma_start3A_101 = arith.constant 0 : i32
      %dma_start3A_102 = arith.constant 0 : i32
      %dma_start3A_103 = tpu.memref_slice %arg2[%dma_start3A_101, %dma_start3A_102] : memref<1000960x32xf32, #tpu.memory_space<hbm>> -> memref<1000960x32xf32, #tpu.memory_space<hbm>>
      tpu.enqueue_indirect_dma source(%dma_start3A_103 : memref<1000960x32xf32, #tpu.memory_space<hbm>>) target(%dma_start3A_99 : memref<80x32xf32, #tpu.memory_space<vmem>>) offsets(%dma_start3A_100 : memref<80xi32, #tpu.memory_space<vmem>>) semaphore(%arg25 : memref<!tpu.dma_semaphore, #tpu.memory_space<semaphore_mem>>)
      %add3A_104 = arith.constant 320 : i32
      %add3A_105 = arith.addi %multiple_of3A_30, %add3A_104 : i32
      %dma_start3A_106 = arith.constant 320 : i32
      %dma_start3A_107 = tpu.memref_slice %arg19[%dma_start3A_106] : memref<800xf32, #tpu.memory_space<vmem>> -> memref<80xf32, #tpu.memory_space<vmem>>
      %dma_start3A_108 = tpu.memref_slice %arg14[%add3A_105] : memref<6400xi32, #tpu.memory_space<vmem>> -> memref<80xi32, #tpu.memory_space<vmem>>
      %dma_start3A_109 = arith.constant 0 : i32
      %dma_start3A_110 = tpu.memref_slice %arg3[%dma_start3A_109] : memref<250501xf32, #tpu.memory_space<hbm>> -> memref<250501xf32, #tpu.memory_space<hbm>>
      tpu.enqueue_indirect_dma source(%dma_start3A_110 : memref<250501xf32, #tpu.memory_space<hbm>>) target(%dma_start3A_107 : memref<80xf32, #tpu.memory_space<vmem>>) offsets(%dma_start3A_108 : memref<80xi32, #tpu.memory_space<vmem>>) semaphore(%arg26 : memref<!tpu.dma_semaphore, #tpu.memory_space<semaphore_mem>>)
      %add3A_111 = arith.constant 400 : i32
      %add3A_112 = arith.addi %multiple_of3A_30, %add3A_111 : i32
      %dma_start3A_113 = arith.constant 400 : i32
      %dma_start3A_114 = arith.constant 0 : i32
      %dma_start3A_115 = tpu.memref_slice %arg18[%dma_start3A_113, %dma_start3A_114] : memref<800x32xf32, #tpu.memory_space<vmem>> -> memref<80x32xf32, #tpu.memory_space<vmem>>
      %dma_start3A_116 = tpu.memref_slice %arg13[%add3A_112] : memref<6400xi32, #tpu.memory_space<vmem>> -> memref<80xi32, #tpu.memory_space<vmem>>
      %dma_start3A_117 = arith.constant 0 : i32
      %dma_start3A_118 = arith.constant 0 : i32
      %dma_start3A_119 = tpu.memref_slice %arg2[%dma_start3A_117, %dma_start3A_118] : memref<1000960x32xf32, #tpu.memory_space<hbm>> -> memref<1000960x32xf32, #tpu.memory_space<hbm>>
      tpu.enqueue_indirect_dma source(%dma_start3A_119 : memref<1000960x32xf32, #tpu.memory_space<hbm>>) target(%dma_start3A_115 : memref<80x32xf32, #tpu.memory_space<vmem>>) offsets(%dma_start3A_116 : memref<80xi32, #tpu.memory_space<vmem>>) semaphore(%arg25 : memref<!tpu.dma_semaphore, #tpu.memory_space<semaphore_mem>>)
      %add3A_120 = arith.constant 400 : i32
      %add3A_121 = arith.addi %multiple_of3A_30, %add3A_120 : i32
      %dma_start3A_122 = arith.constant 400 : i32
      %dma_start3A_123 = tpu.memref_slice %arg19[%dma_start3A_122] : memref<800xf32, #tpu.memory_space<vmem>> -> memref<80xf32, #tpu.memory_space<vmem>>
      %dma_start3A_124 = tpu.memref_slice %arg14[%add3A_121] : memref<6400xi32, #tpu.memory_space<vmem>> -> memref<80xi32, #tpu.memory_space<vmem>>
      %dma_start3A_125 = arith.constant 0 : i32
      %dma_start3A_126 = tpu.memref_slice %arg3[%dma_start3A_125] : memref<250501xf32, #tpu.memory_space<hbm>> -> memref<250501xf32, #tpu.memory_space<hbm>>
      tpu.enqueue_indirect_dma source(%dma_start3A_126 : memref<250501xf32, #tpu.memory_space<hbm>>) target(%dma_start3A_123 : memref<80xf32, #tpu.memory_space<vmem>>) offsets(%dma_start3A_124 : memref<80xi32, #tpu.memory_space<vmem>>) semaphore(%arg26 : memref<!tpu.dma_semaphore, #tpu.memory_space<semaphore_mem>>)
      %add3A_127 = arith.constant 480 : i32
      %add3A_128 = arith.addi %multiple_of3A_30, %add3A_127 : i32
      %dma_start3A_129 = arith.constant 480 : i32
      %dma_start3A_130 = arith.constant 0 : i32
      %dma_start3A_131 = tpu.memref_slice %arg18[%dma_start3A_129, %dma_start3A_130] : memref<800x32xf32, #tpu.memory_space<vmem>> -> memref<80x32xf32, #tpu.memory_space<vmem>>
      %dma_start3A_132 = tpu.memref_slice %arg13[%add3A_128] : memref<6400xi32, #tpu.memory_space<vmem>> -> memref<80xi32, #tpu.memory_space<vmem>>
      %dma_start3A_133 = arith.constant 0 : i32
      %dma_start3A_134 = arith.constant 0 : i32
      %dma_start3A_135 = tpu.memref_slice %arg2[%dma_start3A_133, %dma_start3A_134] : memref<1000960x32xf32, #tpu.memory_space<hbm>> -> memref<1000960x32xf32, #tpu.memory_space<hbm>>
      tpu.enqueue_indirect_dma source(%dma_start3A_135 : memref<1000960x32xf32, #tpu.memory_space<hbm>>) target(%dma_start3A_131 : memref<80x32xf32, #tpu.memory_space<vmem>>) offsets(%dma_start3A_132 : memref<80xi32, #tpu.memory_space<vmem>>) semaphore(%arg25 : memref<!tpu.dma_semaphore, #tpu.memory_space<semaphore_mem>>)
      %add3A_136 = arith.constant 480 : i32
      %add3A_137 = arith.addi %multiple_of3A_30, %add3A_136 : i32
      %dma_start3A_138 = arith.constant 480 : i32
      %dma_start3A_139 = tpu.memref_slice %arg19[%dma_start3A_138] : memref<800xf32, #tpu.memory_space<vmem>> -> memref<80xf32, #tpu.memory_space<vmem>>
      %dma_start3A_140 = tpu.memref_slice %arg14[%add3A_137] : memref<6400xi32, #tpu.memory_space<vmem>> -> memref<80xi32, #tpu.memory_space<vmem>>
      %dma_start3A_141 = arith.constant 0 : i32
      %dma_start3A_142 = tpu.memref_slice %arg3[%dma_start3A_141] : memref<250501xf32, #tpu.memory_space<hbm>> -> memref<250501xf32, #tpu.memory_space<hbm>>
      tpu.enqueue_indirect_dma source(%dma_start3A_142 : memref<250501xf32, #tpu.memory_space<hbm>>) target(%dma_start3A_139 : memref<80xf32, #tpu.memory_space<vmem>>) offsets(%dma_start3A_140 : memref<80xi32, #tpu.memory_space<vmem>>) semaphore(%arg26 : memref<!tpu.dma_semaphore, #tpu.memory_space<semaphore_mem>>)
      %add3A_143 = arith.constant 560 : i32
      %add3A_144 = arith.addi %multiple_of3A_30, %add3A_143 : i32
      %dma_start3A_145 = arith.constant 560 : i32
      %dma_start3A_146 = arith.constant 0 : i32
      %dma_start3A_147 = tpu.memref_slice %arg18[%dma_start3A_145, %dma_start3A_146] : memref<800x32xf32, #tpu.memory_space<vmem>> -> memref<80x32xf32, #tpu.memory_space<vmem>>
      %dma_start3A_148 = tpu.memref_slice %arg13[%add3A_144] : memref<6400xi32, #tpu.memory_space<vmem>> -> memref<80xi32, #tpu.memory_space<vmem>>
      %dma_start3A_149 = arith.constant 0 : i32
      %dma_start3A_150 = arith.constant 0 : i32
      %dma_start3A_151 = tpu.memref_slice %arg2[%dma_start3A_149, %dma_start3A_150] : memref<1000960x32xf32, #tpu.memory_space<hbm>> -> memref<1000960x32xf32, #tpu.memory_space<hbm>>
      tpu.enqueue_indirect_dma source(%dma_start3A_151 : memref<1000960x32xf32, #tpu.memory_space<hbm>>) target(%dma_start3A_147 : memref<80x32xf32, #tpu.memory_space<vmem>>) offsets(%dma_start3A_148 : memref<80xi32, #tpu.memory_space<vmem>>) semaphore(%arg25 : memref<!tpu.dma_semaphore, #tpu.memory_space<semaphore_mem>>)
      %add3A_152 = arith.constant 560 : i32
      %add3A_153 = arith.addi %multiple_of3A_30, %add3A_152 : i32
      %dma_start3A_154 = arith.constant 560 : i32
      %dma_start3A_155 = tpu.memref_slice %arg19[%dma_start3A_154] : memref<800xf32, #tpu.memory_space<vmem>> -> memref<80xf32, #tpu.memory_space<vmem>>
      %dma_start3A_156 = tpu.memref_slice %arg14[%add3A_153] : memref<6400xi32, #tpu.memory_space<vmem>> -> memref<80xi32, #tpu.memory_space<vmem>>
      %dma_start3A_157 = arith.constant 0 : i32
      %dma_start3A_158 = tpu.memref_slice %arg3[%dma_start3A_157] : memref<250501xf32, #tpu.memory_space<hbm>> -> memref<250501xf32, #tpu.memory_space<hbm>>
      tpu.enqueue_indirect_dma source(%dma_start3A_158 : memref<250501xf32, #tpu.memory_space<hbm>>) target(%dma_start3A_155 : memref<80xf32, #tpu.memory_space<vmem>>) offsets(%dma_start3A_156 : memref<80xi32, #tpu.memory_space<vmem>>) semaphore(%arg26 : memref<!tpu.dma_semaphore, #tpu.memory_space<semaphore_mem>>)
      %add3A_159 = arith.constant 640 : i32
      %add3A_160 = arith.addi %multiple_of3A_30, %add3A_159 : i32
      %dma_start3A_161 = arith.constant 640 : i32
      %dma_start3A_162 = arith.constant 0 : i32
      %dma_start3A_163 = tpu.memref_slice %arg18[%dma_start3A_161, %dma_start3A_162] : memref<800x32xf32, #tpu.memory_space<vmem>> -> memref<80x32xf32, #tpu.memory_space<vmem>>
      %dma_start3A_164 = tpu.memref_slice %arg13[%add3A_160] : memref<6400xi32, #tpu.memory_space<vmem>> -> memref<80xi32, #tpu.memory_space<vmem>>
      %dma_start3A_165 = arith.constant 0 : i32
      %dma_start3A_166 = arith.constant 0 : i32
      %dma_start3A_167 = tpu.memref_slice %arg2[%dma_start3A_165, %dma_start3A_166] : memref<1000960x32xf32, #tpu.memory_space<hbm>> -> memref<1000960x32xf32, #tpu.memory_space<hbm>>
      tpu.enqueue_indirect_dma source(%dma_start3A_167 : memref<1000960x32xf32, #tpu.memory_space<hbm>>) target(%dma_start3A_163 : memref<80x32xf32, #tpu.memory_space<vmem>>) offsets(%dma_start3A_164 : memref<80xi32, #tpu.memory_space<vmem>>) semaphore(%arg25 : memref<!tpu.dma_semaphore, #tpu.memory_space<semaphore_mem>>)
      %add3A_168 = arith.constant 640 : i32
      %add3A_169 = arith.addi %multiple_of3A_30, %add3A_168 : i32
      %dma_start3A_170 = arith.constant 640 : i32
      %dma_start3A_171 = tpu.memref_slice %arg19[%dma_start3A_170] : memref<800xf32, #tpu.memory_space<vmem>> -> memref<80xf32, #tpu.memory_space<vmem>>
      %dma_start3A_172 = tpu.memref_slice %arg14[%add3A_169] : memref<6400xi32, #tpu.memory_space<vmem>> -> memref<80xi32, #tpu.memory_space<vmem>>
      %dma_start3A_173 = arith.constant 0 : i32
      %dma_start3A_174 = tpu.memref_slice %arg3[%dma_start3A_173] : memref<250501xf32, #tpu.memory_space<hbm>> -> memref<250501xf32, #tpu.memory_space<hbm>>
      tpu.enqueue_indirect_dma source(%dma_start3A_174 : memref<250501xf32, #tpu.memory_space<hbm>>) target(%dma_start3A_171 : memref<80xf32, #tpu.memory_space<vmem>>) offsets(%dma_start3A_172 : memref<80xi32, #tpu.memory_space<vmem>>) semaphore(%arg26 : memref<!tpu.dma_semaphore, #tpu.memory_space<semaphore_mem>>)
      %add3A_175 = arith.constant 720 : i32
      %add3A_176 = arith.addi %multiple_of3A_30, %add3A_175 : i32
      %dma_start3A_177 = arith.constant 720 : i32
      %dma_start3A_178 = arith.constant 0 : i32
      %dma_start3A_179 = tpu.memref_slice %arg18[%dma_start3A_177, %dma_start3A_178] : memref<800x32xf32, #tpu.memory_space<vmem>> -> memref<80x32xf32, #tpu.memory_space<vmem>>
      %dma_start3A_180 = tpu.memref_slice %arg13[%add3A_176] : memref<6400xi32, #tpu.memory_space<vmem>> -> memref<80xi32, #tpu.memory_space<vmem>>
      %dma_start3A_181 = arith.constant 0 : i32
      %dma_start3A_182 = arith.constant 0 : i32
      %dma_start3A_183 = tpu.memref_slice %arg2[%dma_start3A_181, %dma_start3A_182] : memref<1000960x32xf32, #tpu.memory_space<hbm>> -> memref<1000960x32xf32, #tpu.memory_space<hbm>>
      tpu.enqueue_indirect_dma source(%dma_start3A_183 : memref<1000960x32xf32, #tpu.memory_space<hbm>>) target(%dma_start3A_179 : memref<80x32xf32, #tpu.memory_space<vmem>>) offsets(%dma_start3A_180 : memref<80xi32, #tpu.memory_space<vmem>>) semaphore(%arg25 : memref<!tpu.dma_semaphore, #tpu.memory_space<semaphore_mem>>)
      %add3A_184 = arith.constant 720 : i32
      %add3A_185 = arith.addi %multiple_of3A_30, %add3A_184 : i32
      %dma_start3A_186 = arith.constant 720 : i32
      %dma_start3A_187 = tpu.memref_slice %arg19[%dma_start3A_186] : memref<800xf32, #tpu.memory_space<vmem>> -> memref<80xf32, #tpu.memory_space<vmem>>
      %dma_start3A_188 = tpu.memref_slice %arg14[%add3A_185] : memref<6400xi32, #tpu.memory_space<vmem>> -> memref<80xi32, #tpu.memory_space<vmem>>
      %dma_start3A_189 = arith.constant 0 : i32
      %dma_start3A_190 = tpu.memref_slice %arg3[%dma_start3A_189] : memref<250501xf32, #tpu.memory_space<hbm>> -> memref<250501xf32, #tpu.memory_space<hbm>>
      tpu.enqueue_indirect_dma source(%dma_start3A_190 : memref<250501xf32, #tpu.memory_space<hbm>>) target(%dma_start3A_187 : memref<80xf32, #tpu.memory_space<vmem>>) offsets(%dma_start3A_188 : memref<80xi32, #tpu.memory_space<vmem>>) semaphore(%arg26 : memref<!tpu.dma_semaphore, #tpu.memory_space<semaphore_mem>>)
      %mul3A_191 = arith.constant 16 : i32
      %mul3A_192 = arith.muli %scan3A_26, %mul3A_191 : i32
      %multiple_of3A_193 = tpu.assume_multiple %mul3A_192, 16 : i32
      %dma_start3A_194 = tpu.memref_slice %arg15[%multiple_of3A_193] : memref<128xi32, #tpu.memory_space<vmem>> -> memref<16xi32, #tpu.memory_space<vmem>>
      %dma_start3A_195 = arith.constant 0 : i32
      %dma_start3A_196 = arith.constant 0 : i32
      %dma_start3A_197 = tpu.memref_slice %arg4[%dma_start3A_195, %dma_start3A_196] : memref<500x32xf32, #tpu.memory_space<hbm>> -> memref<500x32xf32, #tpu.memory_space<hbm>>
      tpu.enqueue_indirect_dma source(%dma_start3A_197 : memref<500x32xf32, #tpu.memory_space<hbm>>) target(%arg21 : memref<16x32xf32, #tpu.memory_space<vmem>>) offsets(%dma_start3A_194 : memref<16xi32, #tpu.memory_space<vmem>>) semaphore(%arg27 : memref<!tpu.dma_semaphore, #tpu.memory_space<semaphore_mem>>)
      %dma_wait3A_198 = arith.constant 0 : i32
      %dma_wait3A_199 = arith.constant 0 : i32
      %dma_wait3A_200 = tpu.memref_slice %arg18[%dma_wait3A_198, %dma_wait3A_199] : memref<800x32xf32, #tpu.memory_space<vmem>> -> memref<80x32xf32, #tpu.memory_space<vmem>>
      %dma_wait3A_201 = tpu.memref_slice %arg13[%add3A_32] : memref<6400xi32, #tpu.memory_space<vmem>> -> memref<80xi32, #tpu.memory_space<vmem>>
      %dma_wait3A_202 = arith.constant 0 : i32
      %dma_wait3A_203 = arith.constant 0 : i32
      %dma_wait3A_204 = tpu.memref_slice %arg2[%dma_wait3A_202, %dma_wait3A_203] : memref<1000960x32xf32, #tpu.memory_space<hbm>> -> memref<1000960x32xf32, #tpu.memory_space<hbm>>
      tpu.wait_indirect_dma semaphore(%arg25 : memref<!tpu.dma_semaphore, #tpu.memory_space<semaphore_mem>>) src(%dma_wait3A_204 : memref<1000960x32xf32, #tpu.memory_space<hbm>>) dst(%dma_wait3A_200 : memref<80x32xf32, #tpu.memory_space<vmem>>)
      %dma_wait3A_205 = arith.constant 0 : i32
      %dma_wait3A_206 = tpu.memref_slice %arg19[%dma_wait3A_205] : memref<800xf32, #tpu.memory_space<vmem>> -> memref<80xf32, #tpu.memory_space<vmem>>
      %dma_wait3A_207 = tpu.memref_slice %arg14[%add3A_41] : memref<6400xi32, #tpu.memory_space<vmem>> -> memref<80xi32, #tpu.memory_space<vmem>>
      %dma_wait3A_208 = arith.constant 0 : i32
      %dma_wait3A_209 = tpu.memref_slice %arg3[%dma_wait3A_208] : memref<250501xf32, #tpu.memory_space<hbm>> -> memref<250501xf32, #tpu.memory_space<hbm>>
      tpu.wait_indirect_dma semaphore(%arg26 : memref<!tpu.dma_semaphore, #tpu.memory_space<semaphore_mem>>) src(%dma_wait3A_209 : memref<250501xf32, #tpu.memory_space<hbm>>) dst(%dma_wait3A_206 : memref<80xf32, #tpu.memory_space<vmem>>)
      %dma_wait3A_210 = arith.constant 80 : i32
      %dma_wait3A_211 = arith.constant 0 : i32
      %dma_wait3A_212 = tpu.memref_slice %arg18[%dma_wait3A_210, %dma_wait3A_211] : memref<800x32xf32, #tpu.memory_space<vmem>> -> memref<80x32xf32, #tpu.memory_space<vmem>>
      %dma_wait3A_213 = tpu.memref_slice %arg13[%add3A_48] : memref<6400xi32, #tpu.memory_space<vmem>> -> memref<80xi32, #tpu.memory_space<vmem>>
      %dma_wait3A_214 = arith.constant 0 : i32
      %dma_wait3A_215 = arith.constant 0 : i32
      %dma_wait3A_216 = tpu.memref_slice %arg2[%dma_wait3A_214, %dma_wait3A_215] : memref<1000960x32xf32, #tpu.memory_space<hbm>> -> memref<1000960x32xf32, #tpu.memory_space<hbm>>
      tpu.wait_indirect_dma semaphore(%arg25 : memref<!tpu.dma_semaphore, #tpu.memory_space<semaphore_mem>>) src(%dma_wait3A_216 : memref<1000960x32xf32, #tpu.memory_space<hbm>>) dst(%dma_wait3A_212 : memref<80x32xf32, #tpu.memory_space<vmem>>)
      %dma_wait3A_217 = arith.constant 80 : i32
      %dma_wait3A_218 = tpu.memref_slice %arg19[%dma_wait3A_217] : memref<800xf32, #tpu.memory_space<vmem>> -> memref<80xf32, #tpu.memory_space<vmem>>
      %dma_wait3A_219 = tpu.memref_slice %arg14[%add3A_57] : memref<6400xi32, #tpu.memory_space<vmem>> -> memref<80xi32, #tpu.memory_space<vmem>>
      %dma_wait3A_220 = arith.constant 0 : i32
      %dma_wait3A_221 = tpu.memref_slice %arg3[%dma_wait3A_220] : memref<250501xf32, #tpu.memory_space<hbm>> -> memref<250501xf32, #tpu.memory_space<hbm>>
      tpu.wait_indirect_dma semaphore(%arg26 : memref<!tpu.dma_semaphore, #tpu.memory_space<semaphore_mem>>) src(%dma_wait3A_221 : memref<250501xf32, #tpu.memory_space<hbm>>) dst(%dma_wait3A_218 : memref<80xf32, #tpu.memory_space<vmem>>)
      %dma_wait3A_222 = arith.constant 160 : i32
      %dma_wait3A_223 = arith.constant 0 : i32
      %dma_wait3A_224 = tpu.memref_slice %arg18[%dma_wait3A_222, %dma_wait3A_223] : memref<800x32xf32, #tpu.memory_space<vmem>> -> memref<80x32xf32, #tpu.memory_space<vmem>>
      %dma_wait3A_225 = tpu.memref_slice %arg13[%add3A_64] : memref<6400xi32, #tpu.memory_space<vmem>> -> memref<80xi32, #tpu.memory_space<vmem>>
      %dma_wait3A_226 = arith.constant 0 : i32
      %dma_wait3A_227 = arith.constant 0 : i32
      %dma_wait3A_228 = tpu.memref_slice %arg2[%dma_wait3A_226, %dma_wait3A_227] : memref<1000960x32xf32, #tpu.memory_space<hbm>> -> memref<1000960x32xf32, #tpu.memory_space<hbm>>
      tpu.wait_indirect_dma semaphore(%arg25 : memref<!tpu.dma_semaphore, #tpu.memory_space<semaphore_mem>>) src(%dma_wait3A_228 : memref<1000960x32xf32, #tpu.memory_space<hbm>>) dst(%dma_wait3A_224 : memref<80x32xf32, #tpu.memory_space<vmem>>)
      %dma_wait3A_229 = arith.constant 160 : i32
      %dma_wait3A_230 = tpu.memref_slice %arg19[%dma_wait3A_229] : memref<800xf32, #tpu.memory_space<vmem>> -> memref<80xf32, #tpu.memory_space<vmem>>
      %dma_wait3A_231 = tpu.memref_slice %arg14[%add3A_73] : memref<6400xi32, #tpu.memory_space<vmem>> -> memref<80xi32, #tpu.memory_space<vmem>>
      %dma_wait3A_232 = arith.constant 0 : i32
      %dma_wait3A_233 = tpu.memref_slice %arg3[%dma_wait3A_232] : memref<250501xf32, #tpu.memory_space<hbm>> -> memref<250501xf32, #tpu.memory_space<hbm>>
      tpu.wait_indirect_dma semaphore(%arg26 : memref<!tpu.dma_semaphore, #tpu.memory_space<semaphore_mem>>) src(%dma_wait3A_233 : memref<250501xf32, #tpu.memory_space<hbm>>) dst(%dma_wait3A_230 : memref<80xf32, #tpu.memory_space<vmem>>)
      %dma_wait3A_234 = arith.constant 240 : i32
      %dma_wait3A_235 = arith.constant 0 : i32
      %dma_wait3A_236 = tpu.memref_slice %arg18[%dma_wait3A_234, %dma_wait3A_235] : memref<800x32xf32, #tpu.memory_space<vmem>> -> memref<80x32xf32, #tpu.memory_space<vmem>>
      %dma_wait3A_237 = tpu.memref_slice %arg13[%add3A_80] : memref<6400xi32, #tpu.memory_space<vmem>> -> memref<80xi32, #tpu.memory_space<vmem>>
      %dma_wait3A_238 = arith.constant 0 : i32
      %dma_wait3A_239 = arith.constant 0 : i32
      %dma_wait3A_240 = tpu.memref_slice %arg2[%dma_wait3A_238, %dma_wait3A_239] : memref<1000960x32xf32, #tpu.memory_space<hbm>> -> memref<1000960x32xf32, #tpu.memory_space<hbm>>
      tpu.wait_indirect_dma semaphore(%arg25 : memref<!tpu.dma_semaphore, #tpu.memory_space<semaphore_mem>>) src(%dma_wait3A_240 : memref<1000960x32xf32, #tpu.memory_space<hbm>>) dst(%dma_wait3A_236 : memref<80x32xf32, #tpu.memory_space<vmem>>)
      %dma_wait3A_241 = arith.constant 240 : i32
      %dma_wait3A_242 = tpu.memref_slice %arg19[%dma_wait3A_241] : memref<800xf32, #tpu.memory_space<vmem>> -> memref<80xf32, #tpu.memory_space<vmem>>
      %dma_wait3A_243 = tpu.memref_slice %arg14[%add3A_89] : memref<6400xi32, #tpu.memory_space<vmem>> -> memref<80xi32, #tpu.memory_space<vmem>>
      %dma_wait3A_244 = arith.constant 0 : i32
      %dma_wait3A_245 = tpu.memref_slice %arg3[%dma_wait3A_244] : memref<250501xf32, #tpu.memory_space<hbm>> -> memref<250501xf32, #tpu.memory_space<hbm>>
      tpu.wait_indirect_dma semaphore(%arg26 : memref<!tpu.dma_semaphore, #tpu.memory_space<semaphore_mem>>) src(%dma_wait3A_245 : memref<250501xf32, #tpu.memory_space<hbm>>) dst(%dma_wait3A_242 : memref<80xf32, #tpu.memory_space<vmem>>)
      %dma_wait3A_246 = arith.constant 320 : i32
      %dma_wait3A_247 = arith.constant 0 : i32
      %dma_wait3A_248 = tpu.memref_slice %arg18[%dma_wait3A_246, %dma_wait3A_247] : memref<800x32xf32, #tpu.memory_space<vmem>> -> memref<80x32xf32, #tpu.memory_space<vmem>>
      %dma_wait3A_249 = tpu.memref_slice %arg13[%add3A_96] : memref<6400xi32, #tpu.memory_space<vmem>> -> memref<80xi32, #tpu.memory_space<vmem>>
      %dma_wait3A_250 = arith.constant 0 : i32
      %dma_wait3A_251 = arith.constant 0 : i32
      %dma_wait3A_252 = tpu.memref_slice %arg2[%dma_wait3A_250, %dma_wait3A_251] : memref<1000960x32xf32, #tpu.memory_space<hbm>> -> memref<1000960x32xf32, #tpu.memory_space<hbm>>
      tpu.wait_indirect_dma semaphore(%arg25 : memref<!tpu.dma_semaphore, #tpu.memory_space<semaphore_mem>>) src(%dma_wait3A_252 : memref<1000960x32xf32, #tpu.memory_space<hbm>>) dst(%dma_wait3A_248 : memref<80x32xf32, #tpu.memory_space<vmem>>)
      %dma_wait3A_253 = arith.constant 320 : i32
      %dma_wait3A_254 = tpu.memref_slice %arg19[%dma_wait3A_253] : memref<800xf32, #tpu.memory_space<vmem>> -> memref<80xf32, #tpu.memory_space<vmem>>
      %dma_wait3A_255 = tpu.memref_slice %arg14[%add3A_105] : memref<6400xi32, #tpu.memory_space<vmem>> -> memref<80xi32, #tpu.memory_space<vmem>>
      %dma_wait3A_256 = arith.constant 0 : i32
      %dma_wait3A_257 = tpu.memref_slice %arg3[%dma_wait3A_256] : memref<250501xf32, #tpu.memory_space<hbm>> -> memref<250501xf32, #tpu.memory_space<hbm>>
      tpu.wait_indirect_dma semaphore(%arg26 : memref<!tpu.dma_semaphore, #tpu.memory_space<semaphore_mem>>) src(%dma_wait3A_257 : memref<250501xf32, #tpu.memory_space<hbm>>) dst(%dma_wait3A_254 : memref<80xf32, #tpu.memory_space<vmem>>)
      %dma_wait3A_258 = arith.constant 400 : i32
      %dma_wait3A_259 = arith.constant 0 : i32
      %dma_wait3A_260 = tpu.memref_slice %arg18[%dma_wait3A_258, %dma_wait3A_259] : memref<800x32xf32, #tpu.memory_space<vmem>> -> memref<80x32xf32, #tpu.memory_space<vmem>>
      %dma_wait3A_261 = tpu.memref_slice %arg13[%add3A_112] : memref<6400xi32, #tpu.memory_space<vmem>> -> memref<80xi32, #tpu.memory_space<vmem>>
      %dma_wait3A_262 = arith.constant 0 : i32
      %dma_wait3A_263 = arith.constant 0 : i32
      %dma_wait3A_264 = tpu.memref_slice %arg2[%dma_wait3A_262, %dma_wait3A_263] : memref<1000960x32xf32, #tpu.memory_space<hbm>> -> memref<1000960x32xf32, #tpu.memory_space<hbm>>
      tpu.wait_indirect_dma semaphore(%arg25 : memref<!tpu.dma_semaphore, #tpu.memory_space<semaphore_mem>>) src(%dma_wait3A_264 : memref<1000960x32xf32, #tpu.memory_space<hbm>>) dst(%dma_wait3A_260 : memref<80x32xf32, #tpu.memory_space<vmem>>)
      %dma_wait3A_265 = arith.constant 400 : i32
      %dma_wait3A_266 = tpu.memref_slice %arg19[%dma_wait3A_265] : memref<800xf32, #tpu.memory_space<vmem>> -> memref<80xf32, #tpu.memory_space<vmem>>
      %dma_wait3A_267 = tpu.memref_slice %arg14[%add3A_121] : memref<6400xi32, #tpu.memory_space<vmem>> -> memref<80xi32, #tpu.memory_space<vmem>>
      %dma_wait3A_268 = arith.constant 0 : i32
      %dma_wait3A_269 = tpu.memref_slice %arg3[%dma_wait3A_268] : memref<250501xf32, #tpu.memory_space<hbm>> -> memref<250501xf32, #tpu.memory_space<hbm>>
      tpu.wait_indirect_dma semaphore(%arg26 : memref<!tpu.dma_semaphore, #tpu.memory_space<semaphore_mem>>) src(%dma_wait3A_269 : memref<250501xf32, #tpu.memory_space<hbm>>) dst(%dma_wait3A_266 : memref<80xf32, #tpu.memory_space<vmem>>)
      %dma_wait3A_270 = arith.constant 480 : i32
      %dma_wait3A_271 = arith.constant 0 : i32
      %dma_wait3A_272 = tpu.memref_slice %arg18[%dma_wait3A_270, %dma_wait3A_271] : memref<800x32xf32, #tpu.memory_space<vmem>> -> memref<80x32xf32, #tpu.memory_space<vmem>>
      %dma_wait3A_273 = tpu.memref_slice %arg13[%add3A_128] : memref<6400xi32, #tpu.memory_space<vmem>> -> memref<80xi32, #tpu.memory_space<vmem>>
      %dma_wait3A_274 = arith.constant 0 : i32
      %dma_wait3A_275 = arith.constant 0 : i32
      %dma_wait3A_276 = tpu.memref_slice %arg2[%dma_wait3A_274, %dma_wait3A_275] : memref<1000960x32xf32, #tpu.memory_space<hbm>> -> memref<1000960x32xf32, #tpu.memory_space<hbm>>
      tpu.wait_indirect_dma semaphore(%arg25 : memref<!tpu.dma_semaphore, #tpu.memory_space<semaphore_mem>>) src(%dma_wait3A_276 : memref<1000960x32xf32, #tpu.memory_space<hbm>>) dst(%dma_wait3A_272 : memref<80x32xf32, #tpu.memory_space<vmem>>)
      %dma_wait3A_277 = arith.constant 480 : i32
      %dma_wait3A_278 = tpu.memref_slice %arg19[%dma_wait3A_277] : memref<800xf32, #tpu.memory_space<vmem>> -> memref<80xf32, #tpu.memory_space<vmem>>
      %dma_wait3A_279 = tpu.memref_slice %arg14[%add3A_137] : memref<6400xi32, #tpu.memory_space<vmem>> -> memref<80xi32, #tpu.memory_space<vmem>>
      %dma_wait3A_280 = arith.constant 0 : i32
      %dma_wait3A_281 = tpu.memref_slice %arg3[%dma_wait3A_280] : memref<250501xf32, #tpu.memory_space<hbm>> -> memref<250501xf32, #tpu.memory_space<hbm>>
      tpu.wait_indirect_dma semaphore(%arg26 : memref<!tpu.dma_semaphore, #tpu.memory_space<semaphore_mem>>) src(%dma_wait3A_281 : memref<250501xf32, #tpu.memory_space<hbm>>) dst(%dma_wait3A_278 : memref<80xf32, #tpu.memory_space<vmem>>)
      %dma_wait3A_282 = arith.constant 560 : i32
      %dma_wait3A_283 = arith.constant 0 : i32
      %dma_wait3A_284 = tpu.memref_slice %arg18[%dma_wait3A_282, %dma_wait3A_283] : memref<800x32xf32, #tpu.memory_space<vmem>> -> memref<80x32xf32, #tpu.memory_space<vmem>>
      %dma_wait3A_285 = tpu.memref_slice %arg13[%add3A_144] : memref<6400xi32, #tpu.memory_space<vmem>> -> memref<80xi32, #tpu.memory_space<vmem>>
      %dma_wait3A_286 = arith.constant 0 : i32
      %dma_wait3A_287 = arith.constant 0 : i32
      %dma_wait3A_288 = tpu.memref_slice %arg2[%dma_wait3A_286, %dma_wait3A_287] : memref<1000960x32xf32, #tpu.memory_space<hbm>> -> memref<1000960x32xf32, #tpu.memory_space<hbm>>
      tpu.wait_indirect_dma semaphore(%arg25 : memref<!tpu.dma_semaphore, #tpu.memory_space<semaphore_mem>>) src(%dma_wait3A_288 : memref<1000960x32xf32, #tpu.memory_space<hbm>>) dst(%dma_wait3A_284 : memref<80x32xf32, #tpu.memory_space<vmem>>)
      %dma_wait3A_289 = arith.constant 560 : i32
      %dma_wait3A_290 = tpu.memref_slice %arg19[%dma_wait3A_289] : memref<800xf32, #tpu.memory_space<vmem>> -> memref<80xf32, #tpu.memory_space<vmem>>
      %dma_wait3A_291 = tpu.memref_slice %arg14[%add3A_153] : memref<6400xi32, #tpu.memory_space<vmem>> -> memref<80xi32, #tpu.memory_space<vmem>>
      %dma_wait3A_292 = arith.constant 0 : i32
      %dma_wait3A_293 = tpu.memref_slice %arg3[%dma_wait3A_292] : memref<250501xf32, #tpu.memory_space<hbm>> -> memref<250501xf32, #tpu.memory_space<hbm>>
      tpu.wait_indirect_dma semaphore(%arg26 : memref<!tpu.dma_semaphore, #tpu.memory_space<semaphore_mem>>) src(%dma_wait3A_293 : memref<250501xf32, #tpu.memory_space<hbm>>) dst(%dma_wait3A_290 : memref<80xf32, #tpu.memory_space<vmem>>)
      %dma_wait3A_294 = arith.constant 640 : i32
      %dma_wait3A_295 = arith.constant 0 : i32
      %dma_wait3A_296 = tpu.memref_slice %arg18[%dma_wait3A_294, %dma_wait3A_295] : memref<800x32xf32, #tpu.memory_space<vmem>> -> memref<80x32xf32, #tpu.memory_space<vmem>>
      %dma_wait3A_297 = tpu.memref_slice %arg13[%add3A_160] : memref<6400xi32, #tpu.memory_space<vmem>> -> memref<80xi32, #tpu.memory_space<vmem>>
      %dma_wait3A_298 = arith.constant 0 : i32
      %dma_wait3A_299 = arith.constant 0 : i32
      %dma_wait3A_300 = tpu.memref_slice %arg2[%dma_wait3A_298, %dma_wait3A_299] : memref<1000960x32xf32, #tpu.memory_space<hbm>> -> memref<1000960x32xf32, #tpu.memory_space<hbm>>
      tpu.wait_indirect_dma semaphore(%arg25 : memref<!tpu.dma_semaphore, #tpu.memory_space<semaphore_mem>>) src(%dma_wait3A_300 : memref<1000960x32xf32, #tpu.memory_space<hbm>>) dst(%dma_wait3A_296 : memref<80x32xf32, #tpu.memory_space<vmem>>)
      %dma_wait3A_301 = arith.constant 640 : i32
      %dma_wait3A_302 = tpu.memref_slice %arg19[%dma_wait3A_301] : memref<800xf32, #tpu.memory_space<vmem>> -> memref<80xf32, #tpu.memory_space<vmem>>
      %dma_wait3A_303 = tpu.memref_slice %arg14[%add3A_169] : memref<6400xi32, #tpu.memory_space<vmem>> -> memref<80xi32, #tpu.memory_space<vmem>>
      %dma_wait3A_304 = arith.constant 0 : i32
      %dma_wait3A_305 = tpu.memref_slice %arg3[%dma_wait3A_304] : memref<250501xf32, #tpu.memory_space<hbm>> -> memref<250501xf32, #tpu.memory_space<hbm>>
      tpu.wait_indirect_dma semaphore(%arg26 : memref<!tpu.dma_semaphore, #tpu.memory_space<semaphore_mem>>) src(%dma_wait3A_305 : memref<250501xf32, #tpu.memory_space<hbm>>) dst(%dma_wait3A_302 : memref<80xf32, #tpu.memory_space<vmem>>)
      %dma_wait3A_306 = arith.constant 720 : i32
      %dma_wait3A_307 = arith.constant 0 : i32
      %dma_wait3A_308 = tpu.memref_slice %arg18[%dma_wait3A_306, %dma_wait3A_307] : memref<800x32xf32, #tpu.memory_space<vmem>> -> memref<80x32xf32, #tpu.memory_space<vmem>>
      %dma_wait3A_309 = tpu.memref_slice %arg13[%add3A_176] : memref<6400xi32, #tpu.memory_space<vmem>> -> memref<80xi32, #tpu.memory_space<vmem>>
      %dma_wait3A_310 = arith.constant 0 : i32
      %dma_wait3A_311 = arith.constant 0 : i32
      %dma_wait3A_312 = tpu.memref_slice %arg2[%dma_wait3A_310, %dma_wait3A_311] : memref<1000960x32xf32, #tpu.memory_space<hbm>> -> memref<1000960x32xf32, #tpu.memory_space<hbm>>
      tpu.wait_indirect_dma semaphore(%arg25 : memref<!tpu.dma_semaphore, #tpu.memory_space<semaphore_mem>>) src(%dma_wait3A_312 : memref<1000960x32xf32, #tpu.memory_space<hbm>>) dst(%dma_wait3A_308 : memref<80x32xf32, #tpu.memory_space<vmem>>)
      %dma_wait3A_313 = arith.constant 720 : i32
      %dma_wait3A_314 = tpu.memref_slice %arg19[%dma_wait3A_313] : memref<800xf32, #tpu.memory_space<vmem>> -> memref<80xf32, #tpu.memory_space<vmem>>
      %dma_wait3A_315 = tpu.memref_slice %arg14[%add3A_185] : memref<6400xi32, #tpu.memory_space<vmem>> -> memref<80xi32, #tpu.memory_space<vmem>>
      %dma_wait3A_316 = arith.constant 0 : i32
      %dma_wait3A_317 = tpu.memref_slice %arg3[%dma_wait3A_316] : memref<250501xf32, #tpu.memory_space<hbm>> -> memref<250501xf32, #tpu.memory_space<hbm>>
      tpu.wait_indirect_dma semaphore(%arg26 : memref<!tpu.dma_semaphore, #tpu.memory_space<semaphore_mem>>) src(%dma_wait3A_317 : memref<250501xf32, #tpu.memory_space<hbm>>) dst(%dma_wait3A_314 : memref<80xf32, #tpu.memory_space<vmem>>)
      %dma_wait3A_318 = tpu.memref_slice %arg15[%multiple_of3A_193] : memref<128xi32, #tpu.memory_space<vmem>> -> memref<16xi32, #tpu.memory_space<vmem>>
      %dma_wait3A_319 = arith.constant 0 : i32
      %dma_wait3A_320 = arith.constant 0 : i32
      %dma_wait3A_321 = tpu.memref_slice %arg4[%dma_wait3A_319, %dma_wait3A_320] : memref<500x32xf32, #tpu.memory_space<hbm>> -> memref<500x32xf32, #tpu.memory_space<hbm>>
      tpu.wait_indirect_dma semaphore(%arg27 : memref<!tpu.dma_semaphore, #tpu.memory_space<semaphore_mem>>) src(%dma_wait3A_321 : memref<500x32xf32, #tpu.memory_space<hbm>>) dst(%arg21 : memref<16x32xf32, #tpu.memory_space<vmem>>)
      %broadcast_in_dim3A_322 = arith.constant 0xFF800000 : f32
      %broadcast_in_dim3A_323 = vector.broadcast %broadcast_in_dim3A_322 : f32 to vector<16xf32>
      %scan3A_324 = arith.constant 0 : i32
      %scan3A_325 = arith.constant 50 : i32
      %scan3A_326 = arith.addi %scan3A_324, %scan3A_325 : i32
      %scan3A_327 = arith.constant 1 : i32
      %scan3A_328 = scf.for %scan3A_577 = %scan3A_324 to %scan3A_326 step %scan3A_327 iter_args(%scan3A_578 = %broadcast_in_dim3A_323) -> (vector<16xf32>)  : i32 {
        %add3A_579 = vector.broadcast %scan3A_577 : i32 to vector<16xi32>
        %add3A_580 = arith.addi %mul3A_14, %add3A_579 : vector<16xi32>
        %gather3A_581 = tpu.vector_load_idx %arg19[%add3A_580] : memref<800xf32, #tpu.memory_space<vmem>>[vector<16xi32>], vector<16xf32>,
        %max3A = arith.maximumf %scan3A_578, %gather3A_581 : vector<16xf32>
        scf.yield %max3A : vector<16xf32>
      }
      %scan3A_329 = arith.constant 50 : i32
      %broadcast_in_dim3A_330 = arith.constant 0.000000e+00 : f32
      %broadcast_in_dim3A_331 = vector.broadcast %broadcast_in_dim3A_330 : f32 to vector<16xf32>
      %scan3A_332 = arith.constant 0 : i32
      %scan3A_333 = arith.constant 50 : i32
      %scan3A_334 = arith.addi %scan3A_332, %scan3A_333 : i32
      %scan3A_335 = arith.constant 1 : i32
      %scan3A_336 = scf.for %scan3A_577 = %scan3A_332 to %scan3A_334 step %scan3A_335 iter_args(%scan3A_578 = %broadcast_in_dim3A_331) -> (vector<16xf32>)  : i32 {
        %add3A_579 = vector.broadcast %scan3A_577 : i32 to vector<16xi32>
        %add3A_580 = arith.addi %mul3A_14, %add3A_579 : vector<16xi32>
        %gather3A_581 = tpu.vector_load_idx %arg19[%add3A_580] : memref<800xf32, #tpu.memory_space<vmem>>[vector<16xi32>], vector<16xf32>,
        %sub3A = arith.subf %gather3A_581, %scan3A_328 : vector<16xf32>
        %exp3A = math.exp %sub3A : vector<16xf32>
        %mul3A_582 = arith.constant 16 : i32
        %mul3A_583 = arith.muli %scan3A_577, %mul3A_582 : i32
        %multiple_of3A_584 = tpu.assume_multiple %mul3A_583, 16 : i32
        %swap3A = arith.index_cast %multiple_of3A_584 : i32 to index
        %swap3A_585 = tpu.vector_load %arg20[%swap3A] {strides = array<i32>} : memref<800xf32, #tpu.memory_space<vmem>>, vector<16xf32>,
        tpu.vector_store %arg20[%swap3A], %exp3A {strides = array<i32>} : memref<800xf32, #tpu.memory_space<vmem>>, vector<16xf32>,
        %add3A_586 = arith.addf %scan3A_578, %exp3A : vector<16xf32>
        scf.yield %add3A_586 : vector<16xf32>
      }
      %scan3A_337 = arith.constant 50 : i32
      %div3A = arith.constant 1.000000e+00 : f32
      %div3A_338 = vector.broadcast %div3A : f32 to vector<16xf32>
      %div3A_339 = arith.divf %div3A_338, %scan3A_336 : vector<16xf32>
      %broadcast_in_dim3A_340 = arith.constant 0.000000e+00 : f32
      %broadcast_in_dim3A_341 = vector.broadcast %broadcast_in_dim3A_340 : f32 to vector<16xf32>
      %broadcast_in_dim3A_342 = arith.constant 0.000000e+00 : f32
      %broadcast_in_dim3A_343 = vector.broadcast %broadcast_in_dim3A_342 : f32 to vector<16xf32>
      %broadcast_in_dim3A_344 = arith.constant 0.000000e+00 : f32
      %broadcast_in_dim3A_345 = vector.broadcast %broadcast_in_dim3A_344 : f32 to vector<16xf32>
      %broadcast_in_dim3A_346 = arith.constant 0.000000e+00 : f32
      %broadcast_in_dim3A_347 = vector.broadcast %broadcast_in_dim3A_346 : f32 to vector<16xf32>
      %broadcast_in_dim3A_348 = arith.constant 0.000000e+00 : f32
      %broadcast_in_dim3A_349 = vector.broadcast %broadcast_in_dim3A_348 : f32 to vector<16xf32>
      %broadcast_in_dim3A_350 = arith.constant 0.000000e+00 : f32
      %broadcast_in_dim3A_351 = vector.broadcast %broadcast_in_dim3A_350 : f32 to vector<16xf32>
      %broadcast_in_dim3A_352 = arith.constant 0.000000e+00 : f32
      %broadcast_in_dim3A_353 = vector.broadcast %broadcast_in_dim3A_352 : f32 to vector<16xf32>
      %broadcast_in_dim3A_354 = arith.constant 0.000000e+00 : f32
      %broadcast_in_dim3A_355 = vector.broadcast %broadcast_in_dim3A_354 : f32 to vector<16xf32>
      %broadcast_in_dim3A_356 = arith.constant 0.000000e+00 : f32
      %broadcast_in_dim3A_357 = vector.broadcast %broadcast_in_dim3A_356 : f32 to vector<16xf32>
      %broadcast_in_dim3A_358 = arith.constant 0.000000e+00 : f32
      %broadcast_in_dim3A_359 = vector.broadcast %broadcast_in_dim3A_358 : f32 to vector<16xf32>
      %broadcast_in_dim3A_360 = arith.constant 0.000000e+00 : f32
      %broadcast_in_dim3A_361 = vector.broadcast %broadcast_in_dim3A_360 : f32 to vector<16xf32>
      %broadcast_in_dim3A_362 = arith.constant 0.000000e+00 : f32
      %broadcast_in_dim3A_363 = vector.broadcast %broadcast_in_dim3A_362 : f32 to vector<16xf32>
      %broadcast_in_dim3A_364 = arith.constant 0.000000e+00 : f32
      %broadcast_in_dim3A_365 = vector.broadcast %broadcast_in_dim3A_364 : f32 to vector<16xf32>
      %broadcast_in_dim3A_366 = arith.constant 0.000000e+00 : f32
      %broadcast_in_dim3A_367 = vector.broadcast %broadcast_in_dim3A_366 : f32 to vector<16xf32>
      %broadcast_in_dim3A_368 = arith.constant 0.000000e+00 : f32
      %broadcast_in_dim3A_369 = vector.broadcast %broadcast_in_dim3A_368 : f32 to vector<16xf32>
      %broadcast_in_dim3A_370 = arith.constant 0.000000e+00 : f32
      %broadcast_in_dim3A_371 = vector.broadcast %broadcast_in_dim3A_370 : f32 to vector<16xf32>
      %scan3A_372 = arith.constant 0 : i32
      %scan3A_373 = arith.constant 50 : i32
      %scan3A_374 = arith.addi %scan3A_372, %scan3A_373 : i32
      %scan3A_375 = arith.constant 1 : i32
      %scan3A_376:16 = scf.for %scan3A_577 = %scan3A_372 to %scan3A_374 step %scan3A_375 iter_args(%scan3A_578 = %broadcast_in_dim3A_341, %scan3A_579 = %broadcast_in_dim3A_343, %scan3A_580 = %broadcast_in_dim3A_345, %scan3A_581 = %broadcast_in_dim3A_347, %scan3A_582 = %broadcast_in_dim3A_349, %scan3A_583 = %broadcast_in_dim3A_351, %scan3A_584 = %broadcast_in_dim3A_353, %scan3A_585 = %broadcast_in_dim3A_355, %scan3A_586 = %broadcast_in_dim3A_357, %scan3A_587 = %broadcast_in_dim3A_359, %scan3A_588 = %broadcast_in_dim3A_361, %scan3A_589 = %broadcast_in_dim3A_363, %scan3A_590 = %broadcast_in_dim3A_365, %scan3A_591 = %broadcast_in_dim3A_367, %scan3A_592 = %broadcast_in_dim3A_369, %scan3A_593 = %broadcast_in_dim3A_371) -> (vector<16xf32>, vector<16xf32>, vector<16xf32>, vector<16xf32>, vector<16xf32>, vector<16xf32>, vector<16xf32>, vector<16xf32>, vector<16xf32>, vector<16xf32>, vector<16xf32>, vector<16xf32>, vector<16xf32>, vector<16xf32>, vector<16xf32>, vector<16xf32>)  : i32 {
        %mul3A_594 = arith.constant 16 : i32
        %mul3A_595 = arith.muli %scan3A_577, %mul3A_594 : i32
        %multiple_of3A_596 = tpu.assume_multiple %mul3A_595, 16 : i32
        %get3A = arith.index_cast %multiple_of3A_596 : i32 to index
        %get3A_597 = tpu.vector_load %arg20[%get3A] {strides = array<i32>} : memref<800xf32, #tpu.memory_space<vmem>>, vector<16xf32>,
        %add3A_598 = vector.broadcast %scan3A_577 : i32 to vector<16xi32>
        %add3A_599 = arith.addi %mul3A_14, %add3A_598 : vector<16xi32>
        %broadcast_in_dim3A_600 = arith.constant 0 : i32
        %broadcast_in_dim3A_601 = vector.broadcast %broadcast_in_dim3A_600 : i32 to vector<16xi32>
        %gather3A_602 = tpu.vector_load_idx %arg18[%add3A_599, %broadcast_in_dim3A_601] : memref<800x32xf32, #tpu.memory_space<vmem>>[vector<16xi32>, vector<16xi32>], vector<16xf32>,
        %mul3A_603 = arith.mulf %get3A_597, %gather3A_602 : vector<16xf32>
        %add3A_604 = arith.addf %scan3A_578, %mul3A_603 : vector<16xf32>
        %broadcast_in_dim3A_605 = arith.constant 1 : i32
        %broadcast_in_dim3A_606 = vector.broadcast %broadcast_in_dim3A_605 : i32 to vector<16xi32>
        %gather3A_607 = tpu.vector_load_idx %arg18[%add3A_599, %broadcast_in_dim3A_606] : memref<800x32xf32, #tpu.memory_space<vmem>>[vector<16xi32>, vector<16xi32>], vector<16xf32>,
        %mul3A_608 = arith.mulf %get3A_597, %gather3A_607 : vector<16xf32>
        %add3A_609 = arith.addf %scan3A_579, %mul3A_608 : vector<16xf32>
        %broadcast_in_dim3A_610 = arith.constant 2 : i32
        %broadcast_in_dim3A_611 = vector.broadcast %broadcast_in_dim3A_610 : i32 to vector<16xi32>
        %gather3A_612 = tpu.vector_load_idx %arg18[%add3A_599, %broadcast_in_dim3A_611] : memref<800x32xf32, #tpu.memory_space<vmem>>[vector<16xi32>, vector<16xi32>], vector<16xf32>,
        %mul3A_613 = arith.mulf %get3A_597, %gather3A_612 : vector<16xf32>
        %add3A_614 = arith.addf %scan3A_580, %mul3A_613 : vector<16xf32>
        %broadcast_in_dim3A_615 = arith.constant 3 : i32
        %broadcast_in_dim3A_616 = vector.broadcast %broadcast_in_dim3A_615 : i32 to vector<16xi32>
        %gather3A_617 = tpu.vector_load_idx %arg18[%add3A_599, %broadcast_in_dim3A_616] : memref<800x32xf32, #tpu.memory_space<vmem>>[vector<16xi32>, vector<16xi32>], vector<16xf32>,
        %mul3A_618 = arith.mulf %get3A_597, %gather3A_617 : vector<16xf32>
        %add3A_619 = arith.addf %scan3A_581, %mul3A_618 : vector<16xf32>
        %broadcast_in_dim3A_620 = arith.constant 4 : i32
        %broadcast_in_dim3A_621 = vector.broadcast %broadcast_in_dim3A_620 : i32 to vector<16xi32>
        %gather3A_622 = tpu.vector_load_idx %arg18[%add3A_599, %broadcast_in_dim3A_621] : memref<800x32xf32, #tpu.memory_space<vmem>>[vector<16xi32>, vector<16xi32>], vector<16xf32>,
        %mul3A_623 = arith.mulf %get3A_597, %gather3A_622 : vector<16xf32>
        %add3A_624 = arith.addf %scan3A_582, %mul3A_623 : vector<16xf32>
        %broadcast_in_dim3A_625 = arith.constant 5 : i32
        %broadcast_in_dim3A_626 = vector.broadcast %broadcast_in_dim3A_625 : i32 to vector<16xi32>
        %gather3A_627 = tpu.vector_load_idx %arg18[%add3A_599, %broadcast_in_dim3A_626] : memref<800x32xf32, #tpu.memory_space<vmem>>[vector<16xi32>, vector<16xi32>], vector<16xf32>,
        %mul3A_628 = arith.mulf %get3A_597, %gather3A_627 : vector<16xf32>
        %add3A_629 = arith.addf %scan3A_583, %mul3A_628 : vector<16xf32>
        %broadcast_in_dim3A_630 = arith.constant 6 : i32
        %broadcast_in_dim3A_631 = vector.broadcast %broadcast_in_dim3A_630 : i32 to vector<16xi32>
        %gather3A_632 = tpu.vector_load_idx %arg18[%add3A_599, %broadcast_in_dim3A_631] : memref<800x32xf32, #tpu.memory_space<vmem>>[vector<16xi32>, vector<16xi32>], vector<16xf32>,
        %mul3A_633 = arith.mulf %get3A_597, %gather3A_632 : vector<16xf32>
        %add3A_634 = arith.addf %scan3A_584, %mul3A_633 : vector<16xf32>
        %broadcast_in_dim3A_635 = arith.constant 7 : i32
        %broadcast_in_dim3A_636 = vector.broadcast %broadcast_in_dim3A_635 : i32 to vector<16xi32>
        %gather3A_637 = tpu.vector_load_idx %arg18[%add3A_599, %broadcast_in_dim3A_636] : memref<800x32xf32, #tpu.memory_space<vmem>>[vector<16xi32>, vector<16xi32>], vector<16xf32>,
        %mul3A_638 = arith.mulf %get3A_597, %gather3A_637 : vector<16xf32>
        %add3A_639 = arith.addf %scan3A_585, %mul3A_638 : vector<16xf32>
        %broadcast_in_dim3A_640 = arith.constant 8 : i32
        %broadcast_in_dim3A_641 = vector.broadcast %broadcast_in_dim3A_640 : i32 to vector<16xi32>
        %gather3A_642 = tpu.vector_load_idx %arg18[%add3A_599, %broadcast_in_dim3A_641] : memref<800x32xf32, #tpu.memory_space<vmem>>[vector<16xi32>, vector<16xi32>], vector<16xf32>,
        %mul3A_643 = arith.mulf %get3A_597, %gather3A_642 : vector<16xf32>
        %add3A_644 = arith.addf %scan3A_586, %mul3A_643 : vector<16xf32>
        %broadcast_in_dim3A_645 = arith.constant 9 : i32
        %broadcast_in_dim3A_646 = vector.broadcast %broadcast_in_dim3A_645 : i32 to vector<16xi32>
        %gather3A_647 = tpu.vector_load_idx %arg18[%add3A_599, %broadcast_in_dim3A_646] : memref<800x32xf32, #tpu.memory_space<vmem>>[vector<16xi32>, vector<16xi32>], vector<16xf32>,
        %mul3A_648 = arith.mulf %get3A_597, %gather3A_647 : vector<16xf32>
        %add3A_649 = arith.addf %scan3A_587, %mul3A_648 : vector<16xf32>
        %broadcast_in_dim3A_650 = arith.constant 10 : i32
        %broadcast_in_dim3A_651 = vector.broadcast %broadcast_in_dim3A_650 : i32 to vector<16xi32>
        %gather3A_652 = tpu.vector_load_idx %arg18[%add3A_599, %broadcast_in_dim3A_651] : memref<800x32xf32, #tpu.memory_space<vmem>>[vector<16xi32>, vector<16xi32>], vector<16xf32>,
        %mul3A_653 = arith.mulf %get3A_597, %gather3A_652 : vector<16xf32>
        %add3A_654 = arith.addf %scan3A_588, %mul3A_653 : vector<16xf32>
        %broadcast_in_dim3A_655 = arith.constant 11 : i32
        %broadcast_in_dim3A_656 = vector.broadcast %broadcast_in_dim3A_655 : i32 to vector<16xi32>
        %gather3A_657 = tpu.vector_load_idx %arg18[%add3A_599, %broadcast_in_dim3A_656] : memref<800x32xf32, #tpu.memory_space<vmem>>[vector<16xi32>, vector<16xi32>], vector<16xf32>,
        %mul3A_658 = arith.mulf %get3A_597, %gather3A_657 : vector<16xf32>
        %add3A_659 = arith.addf %scan3A_589, %mul3A_658 : vector<16xf32>
        %broadcast_in_dim3A_660 = arith.constant 12 : i32
        %broadcast_in_dim3A_661 = vector.broadcast %broadcast_in_dim3A_660 : i32 to vector<16xi32>
        %gather3A_662 = tpu.vector_load_idx %arg18[%add3A_599, %broadcast_in_dim3A_661] : memref<800x32xf32, #tpu.memory_space<vmem>>[vector<16xi32>, vector<16xi32>], vector<16xf32>,
        %mul3A_663 = arith.mulf %get3A_597, %gather3A_662 : vector<16xf32>
        %add3A_664 = arith.addf %scan3A_590, %mul3A_663 : vector<16xf32>
        %broadcast_in_dim3A_665 = arith.constant 13 : i32
        %broadcast_in_dim3A_666 = vector.broadcast %broadcast_in_dim3A_665 : i32 to vector<16xi32>
        %gather3A_667 = tpu.vector_load_idx %arg18[%add3A_599, %broadcast_in_dim3A_666] : memref<800x32xf32, #tpu.memory_space<vmem>>[vector<16xi32>, vector<16xi32>], vector<16xf32>,
        %mul3A_668 = arith.mulf %get3A_597, %gather3A_667 : vector<16xf32>
        %add3A_669 = arith.addf %scan3A_591, %mul3A_668 : vector<16xf32>
        %broadcast_in_dim3A_670 = arith.constant 14 : i32
        %broadcast_in_dim3A_671 = vector.broadcast %broadcast_in_dim3A_670 : i32 to vector<16xi32>
        %gather3A_672 = tpu.vector_load_idx %arg18[%add3A_599, %broadcast_in_dim3A_671] : memref<800x32xf32, #tpu.memory_space<vmem>>[vector<16xi32>, vector<16xi32>], vector<16xf32>,
        %mul3A_673 = arith.mulf %get3A_597, %gather3A_672 : vector<16xf32>
        %add3A_674 = arith.addf %scan3A_592, %mul3A_673 : vector<16xf32>
        %broadcast_in_dim3A_675 = arith.constant 15 : i32
        %broadcast_in_dim3A_676 = vector.broadcast %broadcast_in_dim3A_675 : i32 to vector<16xi32>
        %gather3A_677 = tpu.vector_load_idx %arg18[%add3A_599, %broadcast_in_dim3A_676] : memref<800x32xf32, #tpu.memory_space<vmem>>[vector<16xi32>, vector<16xi32>], vector<16xf32>,
        %mul3A_678 = arith.mulf %get3A_597, %gather3A_677 : vector<16xf32>
        %add3A_679 = arith.addf %scan3A_593, %mul3A_678 : vector<16xf32>
        scf.yield %add3A_604, %add3A_609, %add3A_614, %add3A_619, %add3A_624, %add3A_629, %add3A_634, %add3A_639, %add3A_644, %add3A_649, %add3A_654, %add3A_659, %add3A_664, %add3A_669, %add3A_674, %add3A_679 : vector<16xf32>, vector<16xf32>, vector<16xf32>, vector<16xf32>, vector<16xf32>, vector<16xf32>, vector<16xf32>, vector<16xf32>, vector<16xf32>, vector<16xf32>, vector<16xf32>, vector<16xf32>, vector<16xf32>, vector<16xf32>, vector<16xf32>, vector<16xf32>
      }
      %scan3A_377 = arith.constant 50 : i32
      %broadcast_in_dim3A_378 = arith.constant 0 : i32
      %broadcast_in_dim3A_379 = vector.broadcast %broadcast_in_dim3A_378 : i32 to vector<16xi32>
      %gather3A = tpu.vector_load_idx %arg21[%iota3A, %broadcast_in_dim3A_379] : memref<16x32xf32, #tpu.memory_space<vmem>>[vector<16xi32>, vector<16xi32>], vector<16xf32>,
      %mul3A_380 = arith.mulf %scan3A_376#0, %div3A_339 : vector<16xf32>
      %add3A_381 = arith.addf %mul3A_380, %gather3A : vector<16xf32>
      tpu.vector_store_idx %arg22[%iota3A, %broadcast_in_dim3A_379], %add3A_381 : memref<16x32xf32, #tpu.memory_space<vmem>>[vector<16xi32>, vector<16xi32>], vector<16xf32>,
      %broadcast_in_dim3A_382 = arith.constant 1 : i32
      %broadcast_in_dim3A_383 = vector.broadcast %broadcast_in_dim3A_382 : i32 to vector<16xi32>
      %gather3A_384 = tpu.vector_load_idx %arg21[%iota3A, %broadcast_in_dim3A_383] : memref<16x32xf32, #tpu.memory_space<vmem>>[vector<16xi32>, vector<16xi32>], vector<16xf32>,
      %mul3A_385 = arith.mulf %scan3A_376#1, %div3A_339 : vector<16xf32>
      %add3A_386 = arith.addf %mul3A_385, %gather3A_384 : vector<16xf32>
      tpu.vector_store_idx %arg22[%iota3A, %broadcast_in_dim3A_383], %add3A_386 : memref<16x32xf32, #tpu.memory_space<vmem>>[vector<16xi32>, vector<16xi32>], vector<16xf32>,
      %broadcast_in_dim3A_387 = arith.constant 2 : i32
      %broadcast_in_dim3A_388 = vector.broadcast %broadcast_in_dim3A_387 : i32 to vector<16xi32>
      %gather3A_389 = tpu.vector_load_idx %arg21[%iota3A, %broadcast_in_dim3A_388] : memref<16x32xf32, #tpu.memory_space<vmem>>[vector<16xi32>, vector<16xi32>], vector<16xf32>,
      %mul3A_390 = arith.mulf %scan3A_376#2, %div3A_339 : vector<16xf32>
      %add3A_391 = arith.addf %mul3A_390, %gather3A_389 : vector<16xf32>
      tpu.vector_store_idx %arg22[%iota3A, %broadcast_in_dim3A_388], %add3A_391 : memref<16x32xf32, #tpu.memory_space<vmem>>[vector<16xi32>, vector<16xi32>], vector<16xf32>,
      %broadcast_in_dim3A_392 = arith.constant 3 : i32
      %broadcast_in_dim3A_393 = vector.broadcast %broadcast_in_dim3A_392 : i32 to vector<16xi32>
      %gather3A_394 = tpu.vector_load_idx %arg21[%iota3A, %broadcast_in_dim3A_393] : memref<16x32xf32, #tpu.memory_space<vmem>>[vector<16xi32>, vector<16xi32>], vector<16xf32>,
      %mul3A_395 = arith.mulf %scan3A_376#3, %div3A_339 : vector<16xf32>
      %add3A_396 = arith.addf %mul3A_395, %gather3A_394 : vector<16xf32>
      tpu.vector_store_idx %arg22[%iota3A, %broadcast_in_dim3A_393], %add3A_396 : memref<16x32xf32, #tpu.memory_space<vmem>>[vector<16xi32>, vector<16xi32>], vector<16xf32>,
      %broadcast_in_dim3A_397 = arith.constant 4 : i32
      %broadcast_in_dim3A_398 = vector.broadcast %broadcast_in_dim3A_397 : i32 to vector<16xi32>
      %gather3A_399 = tpu.vector_load_idx %arg21[%iota3A, %broadcast_in_dim3A_398] : memref<16x32xf32, #tpu.memory_space<vmem>>[vector<16xi32>, vector<16xi32>], vector<16xf32>,
      %mul3A_400 = arith.mulf %scan3A_376#4, %div3A_339 : vector<16xf32>
      %add3A_401 = arith.addf %mul3A_400, %gather3A_399 : vector<16xf32>
      tpu.vector_store_idx %arg22[%iota3A, %broadcast_in_dim3A_398], %add3A_401 : memref<16x32xf32, #tpu.memory_space<vmem>>[vector<16xi32>, vector<16xi32>], vector<16xf32>,
      %broadcast_in_dim3A_402 = arith.constant 5 : i32
      %broadcast_in_dim3A_403 = vector.broadcast %broadcast_in_dim3A_402 : i32 to vector<16xi32>
      %gather3A_404 = tpu.vector_load_idx %arg21[%iota3A, %broadcast_in_dim3A_403] : memref<16x32xf32, #tpu.memory_space<vmem>>[vector<16xi32>, vector<16xi32>], vector<16xf32>,
      %mul3A_405 = arith.mulf %scan3A_376#5, %div3A_339 : vector<16xf32>
      %add3A_406 = arith.addf %mul3A_405, %gather3A_404 : vector<16xf32>
      tpu.vector_store_idx %arg22[%iota3A, %broadcast_in_dim3A_403], %add3A_406 : memref<16x32xf32, #tpu.memory_space<vmem>>[vector<16xi32>, vector<16xi32>], vector<16xf32>,
      %broadcast_in_dim3A_407 = arith.constant 6 : i32
      %broadcast_in_dim3A_408 = vector.broadcast %broadcast_in_dim3A_407 : i32 to vector<16xi32>
      %gather3A_409 = tpu.vector_load_idx %arg21[%iota3A, %broadcast_in_dim3A_408] : memref<16x32xf32, #tpu.memory_space<vmem>>[vector<16xi32>, vector<16xi32>], vector<16xf32>,
      %mul3A_410 = arith.mulf %scan3A_376#6, %div3A_339 : vector<16xf32>
      %add3A_411 = arith.addf %mul3A_410, %gather3A_409 : vector<16xf32>
      tpu.vector_store_idx %arg22[%iota3A, %broadcast_in_dim3A_408], %add3A_411 : memref<16x32xf32, #tpu.memory_space<vmem>>[vector<16xi32>, vector<16xi32>], vector<16xf32>,
      %broadcast_in_dim3A_412 = arith.constant 7 : i32
      %broadcast_in_dim3A_413 = vector.broadcast %broadcast_in_dim3A_412 : i32 to vector<16xi32>
      %gather3A_414 = tpu.vector_load_idx %arg21[%iota3A, %broadcast_in_dim3A_413] : memref<16x32xf32, #tpu.memory_space<vmem>>[vector<16xi32>, vector<16xi32>], vector<16xf32>,
      %mul3A_415 = arith.mulf %scan3A_376#7, %div3A_339 : vector<16xf32>
      %add3A_416 = arith.addf %mul3A_415, %gather3A_414 : vector<16xf32>
      tpu.vector_store_idx %arg22[%iota3A, %broadcast_in_dim3A_413], %add3A_416 : memref<16x32xf32, #tpu.memory_space<vmem>>[vector<16xi32>, vector<16xi32>], vector<16xf32>,
      %broadcast_in_dim3A_417 = arith.constant 8 : i32
      %broadcast_in_dim3A_418 = vector.broadcast %broadcast_in_dim3A_417 : i32 to vector<16xi32>
      %gather3A_419 = tpu.vector_load_idx %arg21[%iota3A, %broadcast_in_dim3A_418] : memref<16x32xf32, #tpu.memory_space<vmem>>[vector<16xi32>, vector<16xi32>], vector<16xf32>,
      %mul3A_420 = arith.mulf %scan3A_376#8, %div3A_339 : vector<16xf32>
      %add3A_421 = arith.addf %mul3A_420, %gather3A_419 : vector<16xf32>
      tpu.vector_store_idx %arg22[%iota3A, %broadcast_in_dim3A_418], %add3A_421 : memref<16x32xf32, #tpu.memory_space<vmem>>[vector<16xi32>, vector<16xi32>], vector<16xf32>,
      %broadcast_in_dim3A_422 = arith.constant 9 : i32
      %broadcast_in_dim3A_423 = vector.broadcast %broadcast_in_dim3A_422 : i32 to vector<16xi32>
      %gather3A_424 = tpu.vector_load_idx %arg21[%iota3A, %broadcast_in_dim3A_423] : memref<16x32xf32, #tpu.memory_space<vmem>>[vector<16xi32>, vector<16xi32>], vector<16xf32>,
      %mul3A_425 = arith.mulf %scan3A_376#9, %div3A_339 : vector<16xf32>
      %add3A_426 = arith.addf %mul3A_425, %gather3A_424 : vector<16xf32>
      tpu.vector_store_idx %arg22[%iota3A, %broadcast_in_dim3A_423], %add3A_426 : memref<16x32xf32, #tpu.memory_space<vmem>>[vector<16xi32>, vector<16xi32>], vector<16xf32>,
      %broadcast_in_dim3A_427 = arith.constant 10 : i32
      %broadcast_in_dim3A_428 = vector.broadcast %broadcast_in_dim3A_427 : i32 to vector<16xi32>
      %gather3A_429 = tpu.vector_load_idx %arg21[%iota3A, %broadcast_in_dim3A_428] : memref<16x32xf32, #tpu.memory_space<vmem>>[vector<16xi32>, vector<16xi32>], vector<16xf32>,
      %mul3A_430 = arith.mulf %scan3A_376#10, %div3A_339 : vector<16xf32>
      %add3A_431 = arith.addf %mul3A_430, %gather3A_429 : vector<16xf32>
      tpu.vector_store_idx %arg22[%iota3A, %broadcast_in_dim3A_428], %add3A_431 : memref<16x32xf32, #tpu.memory_space<vmem>>[vector<16xi32>, vector<16xi32>], vector<16xf32>,
      %broadcast_in_dim3A_432 = arith.constant 11 : i32
      %broadcast_in_dim3A_433 = vector.broadcast %broadcast_in_dim3A_432 : i32 to vector<16xi32>
      %gather3A_434 = tpu.vector_load_idx %arg21[%iota3A, %broadcast_in_dim3A_433] : memref<16x32xf32, #tpu.memory_space<vmem>>[vector<16xi32>, vector<16xi32>], vector<16xf32>,
      %mul3A_435 = arith.mulf %scan3A_376#11, %div3A_339 : vector<16xf32>
      %add3A_436 = arith.addf %mul3A_435, %gather3A_434 : vector<16xf32>
      tpu.vector_store_idx %arg22[%iota3A, %broadcast_in_dim3A_433], %add3A_436 : memref<16x32xf32, #tpu.memory_space<vmem>>[vector<16xi32>, vector<16xi32>], vector<16xf32>,
      %broadcast_in_dim3A_437 = arith.constant 12 : i32
      %broadcast_in_dim3A_438 = vector.broadcast %broadcast_in_dim3A_437 : i32 to vector<16xi32>
      %gather3A_439 = tpu.vector_load_idx %arg21[%iota3A, %broadcast_in_dim3A_438] : memref<16x32xf32, #tpu.memory_space<vmem>>[vector<16xi32>, vector<16xi32>], vector<16xf32>,
      %mul3A_440 = arith.mulf %scan3A_376#12, %div3A_339 : vector<16xf32>
      %add3A_441 = arith.addf %mul3A_440, %gather3A_439 : vector<16xf32>
      tpu.vector_store_idx %arg22[%iota3A, %broadcast_in_dim3A_438], %add3A_441 : memref<16x32xf32, #tpu.memory_space<vmem>>[vector<16xi32>, vector<16xi32>], vector<16xf32>,
      %broadcast_in_dim3A_442 = arith.constant 13 : i32
      %broadcast_in_dim3A_443 = vector.broadcast %broadcast_in_dim3A_442 : i32 to vector<16xi32>
      %gather3A_444 = tpu.vector_load_idx %arg21[%iota3A, %broadcast_in_dim3A_443] : memref<16x32xf32, #tpu.memory_space<vmem>>[vector<16xi32>, vector<16xi32>], vector<16xf32>,
      %mul3A_445 = arith.mulf %scan3A_376#13, %div3A_339 : vector<16xf32>
      %add3A_446 = arith.addf %mul3A_445, %gather3A_444 : vector<16xf32>
      tpu.vector_store_idx %arg22[%iota3A, %broadcast_in_dim3A_443], %add3A_446 : memref<16x32xf32, #tpu.memory_space<vmem>>[vector<16xi32>, vector<16xi32>], vector<16xf32>,
      %broadcast_in_dim3A_447 = arith.constant 14 : i32
      %broadcast_in_dim3A_448 = vector.broadcast %broadcast_in_dim3A_447 : i32 to vector<16xi32>
      %gather3A_449 = tpu.vector_load_idx %arg21[%iota3A, %broadcast_in_dim3A_448] : memref<16x32xf32, #tpu.memory_space<vmem>>[vector<16xi32>, vector<16xi32>], vector<16xf32>,
      %mul3A_450 = arith.mulf %scan3A_376#14, %div3A_339 : vector<16xf32>
      %add3A_451 = arith.addf %mul3A_450, %gather3A_449 : vector<16xf32>
      tpu.vector_store_idx %arg22[%iota3A, %broadcast_in_dim3A_448], %add3A_451 : memref<16x32xf32, #tpu.memory_space<vmem>>[vector<16xi32>, vector<16xi32>], vector<16xf32>,
      %broadcast_in_dim3A_452 = arith.constant 15 : i32
      %broadcast_in_dim3A_453 = vector.broadcast %broadcast_in_dim3A_452 : i32 to vector<16xi32>
      %gather3A_454 = tpu.vector_load_idx %arg21[%iota3A, %broadcast_in_dim3A_453] : memref<16x32xf32, #tpu.memory_space<vmem>>[vector<16xi32>, vector<16xi32>], vector<16xf32>,
      %mul3A_455 = arith.mulf %scan3A_376#15, %div3A_339 : vector<16xf32>
      %add3A_456 = arith.addf %mul3A_455, %gather3A_454 : vector<16xf32>
      tpu.vector_store_idx %arg22[%iota3A, %broadcast_in_dim3A_453], %add3A_456 : memref<16x32xf32, #tpu.memory_space<vmem>>[vector<16xi32>, vector<16xi32>], vector<16xf32>,
      %broadcast_in_dim3A_457 = arith.constant 0.000000e+00 : f32
      %broadcast_in_dim3A_458 = vector.broadcast %broadcast_in_dim3A_457 : f32 to vector<16xf32>
      %broadcast_in_dim3A_459 = arith.constant 0.000000e+00 : f32
      %broadcast_in_dim3A_460 = vector.broadcast %broadcast_in_dim3A_459 : f32 to vector<16xf32>
      %broadcast_in_dim3A_461 = arith.constant 0.000000e+00 : f32
      %broadcast_in_dim3A_462 = vector.broadcast %broadcast_in_dim3A_461 : f32 to vector<16xf32>
      %broadcast_in_dim3A_463 = arith.constant 0.000000e+00 : f32
      %broadcast_in_dim3A_464 = vector.broadcast %broadcast_in_dim3A_463 : f32 to vector<16xf32>
      %broadcast_in_dim3A_465 = arith.constant 0.000000e+00 : f32
      %broadcast_in_dim3A_466 = vector.broadcast %broadcast_in_dim3A_465 : f32 to vector<16xf32>
      %broadcast_in_dim3A_467 = arith.constant 0.000000e+00 : f32
      %broadcast_in_dim3A_468 = vector.broadcast %broadcast_in_dim3A_467 : f32 to vector<16xf32>
      %broadcast_in_dim3A_469 = arith.constant 0.000000e+00 : f32
      %broadcast_in_dim3A_470 = vector.broadcast %broadcast_in_dim3A_469 : f32 to vector<16xf32>
      %broadcast_in_dim3A_471 = arith.constant 0.000000e+00 : f32
      %broadcast_in_dim3A_472 = vector.broadcast %broadcast_in_dim3A_471 : f32 to vector<16xf32>
      %broadcast_in_dim3A_473 = arith.constant 0.000000e+00 : f32
      %broadcast_in_dim3A_474 = vector.broadcast %broadcast_in_dim3A_473 : f32 to vector<16xf32>
      %broadcast_in_dim3A_475 = arith.constant 0.000000e+00 : f32
      %broadcast_in_dim3A_476 = vector.broadcast %broadcast_in_dim3A_475 : f32 to vector<16xf32>
      %broadcast_in_dim3A_477 = arith.constant 0.000000e+00 : f32
      %broadcast_in_dim3A_478 = vector.broadcast %broadcast_in_dim3A_477 : f32 to vector<16xf32>
      %broadcast_in_dim3A_479 = arith.constant 0.000000e+00 : f32
      %broadcast_in_dim3A_480 = vector.broadcast %broadcast_in_dim3A_479 : f32 to vector<16xf32>
      %broadcast_in_dim3A_481 = arith.constant 0.000000e+00 : f32
      %broadcast_in_dim3A_482 = vector.broadcast %broadcast_in_dim3A_481 : f32 to vector<16xf32>
      %broadcast_in_dim3A_483 = arith.constant 0.000000e+00 : f32
      %broadcast_in_dim3A_484 = vector.broadcast %broadcast_in_dim3A_483 : f32 to vector<16xf32>
      %broadcast_in_dim3A_485 = arith.constant 0.000000e+00 : f32
      %broadcast_in_dim3A_486 = vector.broadcast %broadcast_in_dim3A_485 : f32 to vector<16xf32>
      %broadcast_in_dim3A_487 = arith.constant 0.000000e+00 : f32
      %broadcast_in_dim3A_488 = vector.broadcast %broadcast_in_dim3A_487 : f32 to vector<16xf32>
      %scan3A_489 = arith.constant 0 : i32
      %scan3A_490 = arith.constant 50 : i32
      %scan3A_491 = arith.addi %scan3A_489, %scan3A_490 : i32
      %scan3A_492 = arith.constant 1 : i32
      %scan3A_493:16 = scf.for %scan3A_577 = %scan3A_489 to %scan3A_491 step %scan3A_492 iter_args(%scan3A_578 = %broadcast_in_dim3A_458, %scan3A_579 = %broadcast_in_dim3A_460, %scan3A_580 = %broadcast_in_dim3A_462, %scan3A_581 = %broadcast_in_dim3A_464, %scan3A_582 = %broadcast_in_dim3A_466, %scan3A_583 = %broadcast_in_dim3A_468, %scan3A_584 = %broadcast_in_dim3A_470, %scan3A_585 = %broadcast_in_dim3A_472, %scan3A_586 = %broadcast_in_dim3A_474, %scan3A_587 = %broadcast_in_dim3A_476, %scan3A_588 = %broadcast_in_dim3A_478, %scan3A_589 = %broadcast_in_dim3A_480, %scan3A_590 = %broadcast_in_dim3A_482, %scan3A_591 = %broadcast_in_dim3A_484, %scan3A_592 = %broadcast_in_dim3A_486, %scan3A_593 = %broadcast_in_dim3A_488) -> (vector<16xf32>, vector<16xf32>, vector<16xf32>, vector<16xf32>, vector<16xf32>, vector<16xf32>, vector<16xf32>, vector<16xf32>, vector<16xf32>, vector<16xf32>, vector<16xf32>, vector<16xf32>, vector<16xf32>, vector<16xf32>, vector<16xf32>, vector<16xf32>)  : i32 {
        %mul3A_594 = arith.constant 16 : i32
        %mul3A_595 = arith.muli %scan3A_577, %mul3A_594 : i32
        %multiple_of3A_596 = tpu.assume_multiple %mul3A_595, 16 : i32
        %get3A = arith.index_cast %multiple_of3A_596 : i32 to index
        %get3A_597 = tpu.vector_load %arg20[%get3A] {strides = array<i32>} : memref<800xf32, #tpu.memory_space<vmem>>, vector<16xf32>,
        %add3A_598 = vector.broadcast %scan3A_577 : i32 to vector<16xi32>
        %add3A_599 = arith.addi %mul3A_14, %add3A_598 : vector<16xi32>
        %broadcast_in_dim3A_600 = arith.constant 16 : i32
        %broadcast_in_dim3A_601 = vector.broadcast %broadcast_in_dim3A_600 : i32 to vector<16xi32>
        %gather3A_602 = tpu.vector_load_idx %arg18[%add3A_599, %broadcast_in_dim3A_601] : memref<800x32xf32, #tpu.memory_space<vmem>>[vector<16xi32>, vector<16xi32>], vector<16xf32>,
        %mul3A_603 = arith.mulf %get3A_597, %gather3A_602 : vector<16xf32>
        %add3A_604 = arith.addf %scan3A_578, %mul3A_603 : vector<16xf32>
        %broadcast_in_dim3A_605 = arith.constant 17 : i32
        %broadcast_in_dim3A_606 = vector.broadcast %broadcast_in_dim3A_605 : i32 to vector<16xi32>
        %gather3A_607 = tpu.vector_load_idx %arg18[%add3A_599, %broadcast_in_dim3A_606] : memref<800x32xf32, #tpu.memory_space<vmem>>[vector<16xi32>, vector<16xi32>], vector<16xf32>,
        %mul3A_608 = arith.mulf %get3A_597, %gather3A_607 : vector<16xf32>
        %add3A_609 = arith.addf %scan3A_579, %mul3A_608 : vector<16xf32>
        %broadcast_in_dim3A_610 = arith.constant 18 : i32
        %broadcast_in_dim3A_611 = vector.broadcast %broadcast_in_dim3A_610 : i32 to vector<16xi32>
        %gather3A_612 = tpu.vector_load_idx %arg18[%add3A_599, %broadcast_in_dim3A_611] : memref<800x32xf32, #tpu.memory_space<vmem>>[vector<16xi32>, vector<16xi32>], vector<16xf32>,
        %mul3A_613 = arith.mulf %get3A_597, %gather3A_612 : vector<16xf32>
        %add3A_614 = arith.addf %scan3A_580, %mul3A_613 : vector<16xf32>
        %broadcast_in_dim3A_615 = arith.constant 19 : i32
        %broadcast_in_dim3A_616 = vector.broadcast %broadcast_in_dim3A_615 : i32 to vector<16xi32>
        %gather3A_617 = tpu.vector_load_idx %arg18[%add3A_599, %broadcast_in_dim3A_616] : memref<800x32xf32, #tpu.memory_space<vmem>>[vector<16xi32>, vector<16xi32>], vector<16xf32>,
        %mul3A_618 = arith.mulf %get3A_597, %gather3A_617 : vector<16xf32>
        %add3A_619 = arith.addf %scan3A_581, %mul3A_618 : vector<16xf32>
        %broadcast_in_dim3A_620 = arith.constant 20 : i32
        %broadcast_in_dim3A_621 = vector.broadcast %broadcast_in_dim3A_620 : i32 to vector<16xi32>
        %gather3A_622 = tpu.vector_load_idx %arg18[%add3A_599, %broadcast_in_dim3A_621] : memref<800x32xf32, #tpu.memory_space<vmem>>[vector<16xi32>, vector<16xi32>], vector<16xf32>,
        %mul3A_623 = arith.mulf %get3A_597, %gather3A_622 : vector<16xf32>
        %add3A_624 = arith.addf %scan3A_582, %mul3A_623 : vector<16xf32>
        %broadcast_in_dim3A_625 = arith.constant 21 : i32
        %broadcast_in_dim3A_626 = vector.broadcast %broadcast_in_dim3A_625 : i32 to vector<16xi32>
        %gather3A_627 = tpu.vector_load_idx %arg18[%add3A_599, %broadcast_in_dim3A_626] : memref<800x32xf32, #tpu.memory_space<vmem>>[vector<16xi32>, vector<16xi32>], vector<16xf32>,
        %mul3A_628 = arith.mulf %get3A_597, %gather3A_627 : vector<16xf32>
        %add3A_629 = arith.addf %scan3A_583, %mul3A_628 : vector<16xf32>
        %broadcast_in_dim3A_630 = arith.constant 22 : i32
        %broadcast_in_dim3A_631 = vector.broadcast %broadcast_in_dim3A_630 : i32 to vector<16xi32>
        %gather3A_632 = tpu.vector_load_idx %arg18[%add3A_599, %broadcast_in_dim3A_631] : memref<800x32xf32, #tpu.memory_space<vmem>>[vector<16xi32>, vector<16xi32>], vector<16xf32>,
        %mul3A_633 = arith.mulf %get3A_597, %gather3A_632 : vector<16xf32>
        %add3A_634 = arith.addf %scan3A_584, %mul3A_633 : vector<16xf32>
        %broadcast_in_dim3A_635 = arith.constant 23 : i32
        %broadcast_in_dim3A_636 = vector.broadcast %broadcast_in_dim3A_635 : i32 to vector<16xi32>
        %gather3A_637 = tpu.vector_load_idx %arg18[%add3A_599, %broadcast_in_dim3A_636] : memref<800x32xf32, #tpu.memory_space<vmem>>[vector<16xi32>, vector<16xi32>], vector<16xf32>,
        %mul3A_638 = arith.mulf %get3A_597, %gather3A_637 : vector<16xf32>
        %add3A_639 = arith.addf %scan3A_585, %mul3A_638 : vector<16xf32>
        %broadcast_in_dim3A_640 = arith.constant 24 : i32
        %broadcast_in_dim3A_641 = vector.broadcast %broadcast_in_dim3A_640 : i32 to vector<16xi32>
        %gather3A_642 = tpu.vector_load_idx %arg18[%add3A_599, %broadcast_in_dim3A_641] : memref<800x32xf32, #tpu.memory_space<vmem>>[vector<16xi32>, vector<16xi32>], vector<16xf32>,
        %mul3A_643 = arith.mulf %get3A_597, %gather3A_642 : vector<16xf32>
        %add3A_644 = arith.addf %scan3A_586, %mul3A_643 : vector<16xf32>
        %broadcast_in_dim3A_645 = arith.constant 25 : i32
        %broadcast_in_dim3A_646 = vector.broadcast %broadcast_in_dim3A_645 : i32 to vector<16xi32>
        %gather3A_647 = tpu.vector_load_idx %arg18[%add3A_599, %broadcast_in_dim3A_646] : memref<800x32xf32, #tpu.memory_space<vmem>>[vector<16xi32>, vector<16xi32>], vector<16xf32>,
        %mul3A_648 = arith.mulf %get3A_597, %gather3A_647 : vector<16xf32>
        %add3A_649 = arith.addf %scan3A_587, %mul3A_648 : vector<16xf32>
        %broadcast_in_dim3A_650 = arith.constant 26 : i32
        %broadcast_in_dim3A_651 = vector.broadcast %broadcast_in_dim3A_650 : i32 to vector<16xi32>
        %gather3A_652 = tpu.vector_load_idx %arg18[%add3A_599, %broadcast_in_dim3A_651] : memref<800x32xf32, #tpu.memory_space<vmem>>[vector<16xi32>, vector<16xi32>], vector<16xf32>,
        %mul3A_653 = arith.mulf %get3A_597, %gather3A_652 : vector<16xf32>
        %add3A_654 = arith.addf %scan3A_588, %mul3A_653 : vector<16xf32>
        %broadcast_in_dim3A_655 = arith.constant 27 : i32
        %broadcast_in_dim3A_656 = vector.broadcast %broadcast_in_dim3A_655 : i32 to vector<16xi32>
        %gather3A_657 = tpu.vector_load_idx %arg18[%add3A_599, %broadcast_in_dim3A_656] : memref<800x32xf32, #tpu.memory_space<vmem>>[vector<16xi32>, vector<16xi32>], vector<16xf32>,
        %mul3A_658 = arith.mulf %get3A_597, %gather3A_657 : vector<16xf32>
        %add3A_659 = arith.addf %scan3A_589, %mul3A_658 : vector<16xf32>
        %broadcast_in_dim3A_660 = arith.constant 28 : i32
        %broadcast_in_dim3A_661 = vector.broadcast %broadcast_in_dim3A_660 : i32 to vector<16xi32>
        %gather3A_662 = tpu.vector_load_idx %arg18[%add3A_599, %broadcast_in_dim3A_661] : memref<800x32xf32, #tpu.memory_space<vmem>>[vector<16xi32>, vector<16xi32>], vector<16xf32>,
        %mul3A_663 = arith.mulf %get3A_597, %gather3A_662 : vector<16xf32>
        %add3A_664 = arith.addf %scan3A_590, %mul3A_663 : vector<16xf32>
        %broadcast_in_dim3A_665 = arith.constant 29 : i32
        %broadcast_in_dim3A_666 = vector.broadcast %broadcast_in_dim3A_665 : i32 to vector<16xi32>
        %gather3A_667 = tpu.vector_load_idx %arg18[%add3A_599, %broadcast_in_dim3A_666] : memref<800x32xf32, #tpu.memory_space<vmem>>[vector<16xi32>, vector<16xi32>], vector<16xf32>,
        %mul3A_668 = arith.mulf %get3A_597, %gather3A_667 : vector<16xf32>
        %add3A_669 = arith.addf %scan3A_591, %mul3A_668 : vector<16xf32>
        %broadcast_in_dim3A_670 = arith.constant 30 : i32
        %broadcast_in_dim3A_671 = vector.broadcast %broadcast_in_dim3A_670 : i32 to vector<16xi32>
        %gather3A_672 = tpu.vector_load_idx %arg18[%add3A_599, %broadcast_in_dim3A_671] : memref<800x32xf32, #tpu.memory_space<vmem>>[vector<16xi32>, vector<16xi32>], vector<16xf32>,
        %mul3A_673 = arith.mulf %get3A_597, %gather3A_672 : vector<16xf32>
        %add3A_674 = arith.addf %scan3A_592, %mul3A_673 : vector<16xf32>
        %broadcast_in_dim3A_675 = arith.constant 31 : i32
        %broadcast_in_dim3A_676 = vector.broadcast %broadcast_in_dim3A_675 : i32 to vector<16xi32>
        %gather3A_677 = tpu.vector_load_idx %arg18[%add3A_599, %broadcast_in_dim3A_676] : memref<800x32xf32, #tpu.memory_space<vmem>>[vector<16xi32>, vector<16xi32>], vector<16xf32>,
        %mul3A_678 = arith.mulf %get3A_597, %gather3A_677 : vector<16xf32>
        %add3A_679 = arith.addf %scan3A_593, %mul3A_678 : vector<16xf32>
        scf.yield %add3A_604, %add3A_609, %add3A_614, %add3A_619, %add3A_624, %add3A_629, %add3A_634, %add3A_639, %add3A_644, %add3A_649, %add3A_654, %add3A_659, %add3A_664, %add3A_669, %add3A_674, %add3A_679 : vector<16xf32>, vector<16xf32>, vector<16xf32>, vector<16xf32>, vector<16xf32>, vector<16xf32>, vector<16xf32>, vector<16xf32>, vector<16xf32>, vector<16xf32>, vector<16xf32>, vector<16xf32>, vector<16xf32>, vector<16xf32>, vector<16xf32>, vector<16xf32>
      }
      %scan3A_494 = arith.constant 50 : i32
      %broadcast_in_dim3A_495 = arith.constant 16 : i32
      %broadcast_in_dim3A_496 = vector.broadcast %broadcast_in_dim3A_495 : i32 to vector<16xi32>
      %gather3A_497 = tpu.vector_load_idx %arg21[%iota3A, %broadcast_in_dim3A_496] : memref<16x32xf32, #tpu.memory_space<vmem>>[vector<16xi32>, vector<16xi32>], vector<16xf32>,
      %mul3A_498 = arith.mulf %scan3A_493#0, %div3A_339 : vector<16xf32>
      %add3A_499 = arith.addf %mul3A_498, %gather3A_497 : vector<16xf32>
      tpu.vector_store_idx %arg22[%iota3A, %broadcast_in_dim3A_496], %add3A_499 : memref<16x32xf32, #tpu.memory_space<vmem>>[vector<16xi32>, vector<16xi32>], vector<16xf32>,
      %broadcast_in_dim3A_500 = arith.constant 17 : i32
      %broadcast_in_dim3A_501 = vector.broadcast %broadcast_in_dim3A_500 : i32 to vector<16xi32>
      %gather3A_502 = tpu.vector_load_idx %arg21[%iota3A, %broadcast_in_dim3A_501] : memref<16x32xf32, #tpu.memory_space<vmem>>[vector<16xi32>, vector<16xi32>], vector<16xf32>,
      %mul3A_503 = arith.mulf %scan3A_493#1, %div3A_339 : vector<16xf32>
      %add3A_504 = arith.addf %mul3A_503, %gather3A_502 : vector<16xf32>
      tpu.vector_store_idx %arg22[%iota3A, %broadcast_in_dim3A_501], %add3A_504 : memref<16x32xf32, #tpu.memory_space<vmem>>[vector<16xi32>, vector<16xi32>], vector<16xf32>,
      %broadcast_in_dim3A_505 = arith.constant 18 : i32
      %broadcast_in_dim3A_506 = vector.broadcast %broadcast_in_dim3A_505 : i32 to vector<16xi32>
      %gather3A_507 = tpu.vector_load_idx %arg21[%iota3A, %broadcast_in_dim3A_506] : memref<16x32xf32, #tpu.memory_space<vmem>>[vector<16xi32>, vector<16xi32>], vector<16xf32>,
      %mul3A_508 = arith.mulf %scan3A_493#2, %div3A_339 : vector<16xf32>
      %add3A_509 = arith.addf %mul3A_508, %gather3A_507 : vector<16xf32>
      tpu.vector_store_idx %arg22[%iota3A, %broadcast_in_dim3A_506], %add3A_509 : memref<16x32xf32, #tpu.memory_space<vmem>>[vector<16xi32>, vector<16xi32>], vector<16xf32>,
      %broadcast_in_dim3A_510 = arith.constant 19 : i32
      %broadcast_in_dim3A_511 = vector.broadcast %broadcast_in_dim3A_510 : i32 to vector<16xi32>
      %gather3A_512 = tpu.vector_load_idx %arg21[%iota3A, %broadcast_in_dim3A_511] : memref<16x32xf32, #tpu.memory_space<vmem>>[vector<16xi32>, vector<16xi32>], vector<16xf32>,
      %mul3A_513 = arith.mulf %scan3A_493#3, %div3A_339 : vector<16xf32>
      %add3A_514 = arith.addf %mul3A_513, %gather3A_512 : vector<16xf32>
      tpu.vector_store_idx %arg22[%iota3A, %broadcast_in_dim3A_511], %add3A_514 : memref<16x32xf32, #tpu.memory_space<vmem>>[vector<16xi32>, vector<16xi32>], vector<16xf32>,
      %broadcast_in_dim3A_515 = arith.constant 20 : i32
      %broadcast_in_dim3A_516 = vector.broadcast %broadcast_in_dim3A_515 : i32 to vector<16xi32>
      %gather3A_517 = tpu.vector_load_idx %arg21[%iota3A, %broadcast_in_dim3A_516] : memref<16x32xf32, #tpu.memory_space<vmem>>[vector<16xi32>, vector<16xi32>], vector<16xf32>,
      %mul3A_518 = arith.mulf %scan3A_493#4, %div3A_339 : vector<16xf32>
      %add3A_519 = arith.addf %mul3A_518, %gather3A_517 : vector<16xf32>
      tpu.vector_store_idx %arg22[%iota3A, %broadcast_in_dim3A_516], %add3A_519 : memref<16x32xf32, #tpu.memory_space<vmem>>[vector<16xi32>, vector<16xi32>], vector<16xf32>,
      %broadcast_in_dim3A_520 = arith.constant 21 : i32
      %broadcast_in_dim3A_521 = vector.broadcast %broadcast_in_dim3A_520 : i32 to vector<16xi32>
      %gather3A_522 = tpu.vector_load_idx %arg21[%iota3A, %broadcast_in_dim3A_521] : memref<16x32xf32, #tpu.memory_space<vmem>>[vector<16xi32>, vector<16xi32>], vector<16xf32>,
      %mul3A_523 = arith.mulf %scan3A_493#5, %div3A_339 : vector<16xf32>
      %add3A_524 = arith.addf %mul3A_523, %gather3A_522 : vector<16xf32>
      tpu.vector_store_idx %arg22[%iota3A, %broadcast_in_dim3A_521], %add3A_524 : memref<16x32xf32, #tpu.memory_space<vmem>>[vector<16xi32>, vector<16xi32>], vector<16xf32>,
      %broadcast_in_dim3A_525 = arith.constant 22 : i32
      %broadcast_in_dim3A_526 = vector.broadcast %broadcast_in_dim3A_525 : i32 to vector<16xi32>
      %gather3A_527 = tpu.vector_load_idx %arg21[%iota3A, %broadcast_in_dim3A_526] : memref<16x32xf32, #tpu.memory_space<vmem>>[vector<16xi32>, vector<16xi32>], vector<16xf32>,
      %mul3A_528 = arith.mulf %scan3A_493#6, %div3A_339 : vector<16xf32>
      %add3A_529 = arith.addf %mul3A_528, %gather3A_527 : vector<16xf32>
      tpu.vector_store_idx %arg22[%iota3A, %broadcast_in_dim3A_526], %add3A_529 : memref<16x32xf32, #tpu.memory_space<vmem>>[vector<16xi32>, vector<16xi32>], vector<16xf32>,
      %broadcast_in_dim3A_530 = arith.constant 23 : i32
      %broadcast_in_dim3A_531 = vector.broadcast %broadcast_in_dim3A_530 : i32 to vector<16xi32>
      %gather3A_532 = tpu.vector_load_idx %arg21[%iota3A, %broadcast_in_dim3A_531] : memref<16x32xf32, #tpu.memory_space<vmem>>[vector<16xi32>, vector<16xi32>], vector<16xf32>,
      %mul3A_533 = arith.mulf %scan3A_493#7, %div3A_339 : vector<16xf32>
      %add3A_534 = arith.addf %mul3A_533, %gather3A_532 : vector<16xf32>
      tpu.vector_store_idx %arg22[%iota3A, %broadcast_in_dim3A_531], %add3A_534 : memref<16x32xf32, #tpu.memory_space<vmem>>[vector<16xi32>, vector<16xi32>], vector<16xf32>,
      %broadcast_in_dim3A_535 = arith.constant 24 : i32
      %broadcast_in_dim3A_536 = vector.broadcast %broadcast_in_dim3A_535 : i32 to vector<16xi32>
      %gather3A_537 = tpu.vector_load_idx %arg21[%iota3A, %broadcast_in_dim3A_536] : memref<16x32xf32, #tpu.memory_space<vmem>>[vector<16xi32>, vector<16xi32>], vector<16xf32>,
      %mul3A_538 = arith.mulf %scan3A_493#8, %div3A_339 : vector<16xf32>
      %add3A_539 = arith.addf %mul3A_538, %gather3A_537 : vector<16xf32>
      tpu.vector_store_idx %arg22[%iota3A, %broadcast_in_dim3A_536], %add3A_539 : memref<16x32xf32, #tpu.memory_space<vmem>>[vector<16xi32>, vector<16xi32>], vector<16xf32>,
      %broadcast_in_dim3A_540 = arith.constant 25 : i32
      %broadcast_in_dim3A_541 = vector.broadcast %broadcast_in_dim3A_540 : i32 to vector<16xi32>
      %gather3A_542 = tpu.vector_load_idx %arg21[%iota3A, %broadcast_in_dim3A_541] : memref<16x32xf32, #tpu.memory_space<vmem>>[vector<16xi32>, vector<16xi32>], vector<16xf32>,
      %mul3A_543 = arith.mulf %scan3A_493#9, %div3A_339 : vector<16xf32>
      %add3A_544 = arith.addf %mul3A_543, %gather3A_542 : vector<16xf32>
      tpu.vector_store_idx %arg22[%iota3A, %broadcast_in_dim3A_541], %add3A_544 : memref<16x32xf32, #tpu.memory_space<vmem>>[vector<16xi32>, vector<16xi32>], vector<16xf32>,
      %broadcast_in_dim3A_545 = arith.constant 26 : i32
      %broadcast_in_dim3A_546 = vector.broadcast %broadcast_in_dim3A_545 : i32 to vector<16xi32>
      %gather3A_547 = tpu.vector_load_idx %arg21[%iota3A, %broadcast_in_dim3A_546] : memref<16x32xf32, #tpu.memory_space<vmem>>[vector<16xi32>, vector<16xi32>], vector<16xf32>,
      %mul3A_548 = arith.mulf %scan3A_493#10, %div3A_339 : vector<16xf32>
      %add3A_549 = arith.addf %mul3A_548, %gather3A_547 : vector<16xf32>
      tpu.vector_store_idx %arg22[%iota3A, %broadcast_in_dim3A_546], %add3A_549 : memref<16x32xf32, #tpu.memory_space<vmem>>[vector<16xi32>, vector<16xi32>], vector<16xf32>,
      %broadcast_in_dim3A_550 = arith.constant 27 : i32
      %broadcast_in_dim3A_551 = vector.broadcast %broadcast_in_dim3A_550 : i32 to vector<16xi32>
      %gather3A_552 = tpu.vector_load_idx %arg21[%iota3A, %broadcast_in_dim3A_551] : memref<16x32xf32, #tpu.memory_space<vmem>>[vector<16xi32>, vector<16xi32>], vector<16xf32>,
      %mul3A_553 = arith.mulf %scan3A_493#11, %div3A_339 : vector<16xf32>
      %add3A_554 = arith.addf %mul3A_553, %gather3A_552 : vector<16xf32>
      tpu.vector_store_idx %arg22[%iota3A, %broadcast_in_dim3A_551], %add3A_554 : memref<16x32xf32, #tpu.memory_space<vmem>>[vector<16xi32>, vector<16xi32>], vector<16xf32>,
      %broadcast_in_dim3A_555 = arith.constant 28 : i32
      %broadcast_in_dim3A_556 = vector.broadcast %broadcast_in_dim3A_555 : i32 to vector<16xi32>
      %gather3A_557 = tpu.vector_load_idx %arg21[%iota3A, %broadcast_in_dim3A_556] : memref<16x32xf32, #tpu.memory_space<vmem>>[vector<16xi32>, vector<16xi32>], vector<16xf32>,
      %mul3A_558 = arith.mulf %scan3A_493#12, %div3A_339 : vector<16xf32>
      %add3A_559 = arith.addf %mul3A_558, %gather3A_557 : vector<16xf32>
      tpu.vector_store_idx %arg22[%iota3A, %broadcast_in_dim3A_556], %add3A_559 : memref<16x32xf32, #tpu.memory_space<vmem>>[vector<16xi32>, vector<16xi32>], vector<16xf32>,
      %broadcast_in_dim3A_560 = arith.constant 29 : i32
      %broadcast_in_dim3A_561 = vector.broadcast %broadcast_in_dim3A_560 : i32 to vector<16xi32>
      %gather3A_562 = tpu.vector_load_idx %arg21[%iota3A, %broadcast_in_dim3A_561] : memref<16x32xf32, #tpu.memory_space<vmem>>[vector<16xi32>, vector<16xi32>], vector<16xf32>,
      %mul3A_563 = arith.mulf %scan3A_493#13, %div3A_339 : vector<16xf32>
      %add3A_564 = arith.addf %mul3A_563, %gather3A_562 : vector<16xf32>
      tpu.vector_store_idx %arg22[%iota3A, %broadcast_in_dim3A_561], %add3A_564 : memref<16x32xf32, #tpu.memory_space<vmem>>[vector<16xi32>, vector<16xi32>], vector<16xf32>,
      %broadcast_in_dim3A_565 = arith.constant 30 : i32
      %broadcast_in_dim3A_566 = vector.broadcast %broadcast_in_dim3A_565 : i32 to vector<16xi32>
      %gather3A_567 = tpu.vector_load_idx %arg21[%iota3A, %broadcast_in_dim3A_566] : memref<16x32xf32, #tpu.memory_space<vmem>>[vector<16xi32>, vector<16xi32>], vector<16xf32>,
      %mul3A_568 = arith.mulf %scan3A_493#14, %div3A_339 : vector<16xf32>
      %add3A_569 = arith.addf %mul3A_568, %gather3A_567 : vector<16xf32>
      tpu.vector_store_idx %arg22[%iota3A, %broadcast_in_dim3A_566], %add3A_569 : memref<16x32xf32, #tpu.memory_space<vmem>>[vector<16xi32>, vector<16xi32>], vector<16xf32>,
      %broadcast_in_dim3A_570 = arith.constant 31 : i32
      %broadcast_in_dim3A_571 = vector.broadcast %broadcast_in_dim3A_570 : i32 to vector<16xi32>
      %gather3A_572 = tpu.vector_load_idx %arg21[%iota3A, %broadcast_in_dim3A_571] : memref<16x32xf32, #tpu.memory_space<vmem>>[vector<16xi32>, vector<16xi32>], vector<16xf32>,
      %mul3A_573 = arith.mulf %scan3A_493#15, %div3A_339 : vector<16xf32>
      %add3A_574 = arith.addf %mul3A_573, %gather3A_572 : vector<16xf32>
      tpu.vector_store_idx %arg22[%iota3A, %broadcast_in_dim3A_571], %add3A_574 : memref<16x32xf32, #tpu.memory_space<vmem>>[vector<16xi32>, vector<16xi32>], vector<16xf32>,
      %add3A_575 = arith.addi %multiple_of3A, %multiple_of3A_193 : i32
      "tpu.region"() ({
        %run_scoped3A = tpu.sem_alloc : memref<!tpu.dma_semaphore, #tpu.memory_space<semaphore_mem>>
        %dma_start3A_577 = arith.constant 0 : i32
        %dma_start3A_578 = tpu.memref_slice %arg10[%add3A_575, %dma_start3A_577] : memref<4096x32xf32, #tpu.memory_space<hbm>> -> memref<16x32xf32, #tpu.memory_space<hbm>>
        %dma_start3A_579 = arith.constant 0 : i32
        %dma_start3A_580 = tpu.memref_slice %arg10[%add3A_575, %dma_start3A_579] : memref<4096x32xf32, #tpu.memory_space<hbm>> -> memref<16x32xf32, #tpu.memory_space<hbm>>
        tpu.enqueue_dma source(%arg22 : memref<16x32xf32, #tpu.memory_space<vmem>>) target(%dma_start3A_580 : memref<16x32xf32, #tpu.memory_space<hbm>>) target_semaphore(%run_scoped3A : memref<!tpu.dma_semaphore, #tpu.memory_space<semaphore_mem>>)
        %dma_wait3A_581 = arith.constant 0 : i32
        %dma_wait3A_582 = tpu.memref_slice %arg10[%add3A_575, %dma_wait3A_581] : memref<4096x32xf32, #tpu.memory_space<hbm>> -> memref<16x32xf32, #tpu.memory_space<hbm>>
        %dma_wait3A_583 = arith.constant 0 : i32
        %dma_wait3A_584 = tpu.memref_slice %arg10[%add3A_575, %dma_wait3A_583] : memref<4096x32xf32, #tpu.memory_space<hbm>> -> memref<16x32xf32, #tpu.memory_space<hbm>>
        tpu.wait_dma2 semaphore(%run_scoped3A : memref<!tpu.dma_semaphore, #tpu.memory_space<semaphore_mem>>) src(%arg22 : memref<16x32xf32, #tpu.memory_space<vmem>>) dst(%dma_wait3A_584 : memref<16x32xf32, #tpu.memory_space<hbm>>)
        tpu.yield
      }) : () -> ()
      %scan3A_576 = arith.constant 0 : i32
      scf.yield %scan3A_576 : i32
    }
    %scan3A_20 = arith.constant 8 : i32
    %dma_wait3A = arith.constant 0 : i32
    %dma_wait3A_21 = arith.constant 0 : i32
    %dma_wait3A_22 = tpu.memref_slice %arg2[%dma_wait3A, %dma_wait3A_21] : memref<1000960x32xf32, #tpu.memory_space<hbm>> -> memref<1000960x32xf32, #tpu.memory_space<hbm>>
    tpu.wait_indirect_dma semaphore(%arg28 : memref<!tpu.dma_semaphore, #tpu.memory_space<semaphore_mem>>) src(%dma_wait3A_22 : memref<1000960x32xf32, #tpu.memory_space<hbm>>) dst(%arg23 : memref<128x32xf32, #tpu.memory_space<vmem>>)
    %dma_wait3A_23 = arith.constant 0 : i32
    %dma_wait3A_24 = arith.constant 0 : i32
    %dma_wait3A_25 = tpu.memref_slice %arg2[%dma_wait3A_23, %dma_wait3A_24] : memref<1000960x32xf32, #tpu.memory_space<hbm>> -> memref<1000960x32xf32, #tpu.memory_space<hbm>>
    tpu.wait_indirect_dma semaphore(%arg29 : memref<!tpu.dma_semaphore, #tpu.memory_space<semaphore_mem>>) src(%dma_wait3A_25 : memref<1000960x32xf32, #tpu.memory_space<hbm>>) dst(%arg24 : memref<128x32xf32, #tpu.memory_space<vmem>>)
    "tpu.region"() ({
      %run_scoped3A = tpu.sem_alloc : memref<!tpu.dma_semaphore, #tpu.memory_space<semaphore_mem>>
      %dma_start3A_26 = arith.constant 0 : i32
      %dma_start3A_27 = tpu.memref_slice %arg11[%multiple_of3A, %dma_start3A_26] : memref<4096x32xf32, #tpu.memory_space<hbm>> -> memref<128x32xf32, #tpu.memory_space<hbm>>
      %dma_start3A_28 = arith.constant 0 : i32
      %dma_start3A_29 = tpu.memref_slice %arg11[%multiple_of3A, %dma_start3A_28] : memref<4096x32xf32, #tpu.memory_space<hbm>> -> memref<128x32xf32, #tpu.memory_space<hbm>>
      tpu.enqueue_dma source(%arg23 : memref<128x32xf32, #tpu.memory_space<vmem>>) target(%dma_start3A_29 : memref<128x32xf32, #tpu.memory_space<hbm>>) target_semaphore(%run_scoped3A : memref<!tpu.dma_semaphore, #tpu.memory_space<semaphore_mem>>)
      %dma_wait3A_30 = arith.constant 0 : i32
      %dma_wait3A_31 = tpu.memref_slice %arg11[%multiple_of3A, %dma_wait3A_30] : memref<4096x32xf32, #tpu.memory_space<hbm>> -> memref<128x32xf32, #tpu.memory_space<hbm>>
      %dma_wait3A_32 = arith.constant 0 : i32
      %dma_wait3A_33 = tpu.memref_slice %arg11[%multiple_of3A, %dma_wait3A_32] : memref<4096x32xf32, #tpu.memory_space<hbm>> -> memref<128x32xf32, #tpu.memory_space<hbm>>
      tpu.wait_dma2 semaphore(%run_scoped3A : memref<!tpu.dma_semaphore, #tpu.memory_space<semaphore_mem>>) src(%arg23 : memref<128x32xf32, #tpu.memory_space<vmem>>) dst(%dma_wait3A_33 : memref<128x32xf32, #tpu.memory_space<hbm>>)
      tpu.yield
    }) : () -> ()
    "tpu.region"() ({
      %run_scoped3A = tpu.sem_alloc : memref<!tpu.dma_semaphore, #tpu.memory_space<semaphore_mem>>
      %dma_start3A_26 = arith.constant 0 : i32
      %dma_start3A_27 = tpu.memref_slice %arg12[%multiple_of3A, %dma_start3A_26] : memref<4096x32xf32, #tpu.memory_space<hbm>> -> memref<128x32xf32, #tpu.memory_space<hbm>>
      %dma_start3A_28 = arith.constant 0 : i32
      %dma_start3A_29 = tpu.memref_slice %arg12[%multiple_of3A, %dma_start3A_28] : memref<4096x32xf32, #tpu.memory_space<hbm>> -> memref<128x32xf32, #tpu.memory_space<hbm>>
      tpu.enqueue_dma source(%arg24 : memref<128x32xf32, #tpu.memory_space<vmem>>) target(%dma_start3A_29 : memref<128x32xf32, #tpu.memory_space<hbm>>) target_semaphore(%run_scoped3A : memref<!tpu.dma_semaphore, #tpu.memory_space<semaphore_mem>>)
      %dma_wait3A_30 = arith.constant 0 : i32
      %dma_wait3A_31 = tpu.memref_slice %arg12[%multiple_of3A, %dma_wait3A_30] : memref<4096x32xf32, #tpu.memory_space<hbm>> -> memref<128x32xf32, #tpu.memory_space<hbm>>
      %dma_wait3A_32 = arith.constant 0 : i32
      %dma_wait3A_33 = tpu.memref_slice %arg12[%multiple_of3A, %dma_wait3A_32] : memref<4096x32xf32, #tpu.memory_space<hbm>> -> memref<128x32xf32, #tpu.memory_space<hbm>>
      tpu.wait_dma2 semaphore(%run_scoped3A : memref<!tpu.dma_semaphore, #tpu.memory_space<semaphore_mem>>) src(%arg24 : memref<128x32xf32, #tpu.memory_space<vmem>>) dst(%dma_wait3A_33 : memref<128x32xf32, #tpu.memory_space<hbm>>)
      tpu.yield
    }) : () -> ()
    return
  }
}

#map = affine_map<(d0, d1) -> (0, 0)>
#map1 = affine_map<(d0, d1) -> (0)>
module attributes {stable_mosaic.version = 14 : i64} {
  func.func @_tr_body(%arg0: i32, %arg1: i32, %arg2: memref<32x1000001xf32, #tpu.memory_space<hbm>>, %arg3: memref<2080xf32, #tpu.memory_space<hbm>>, %arg4: memref<32030720xf32, #tpu.memory_space<hbm>>, %arg5: memref<32x512xf32, #tpu.memory_space<vmem>>, %arg6: memref<32x512xf32, #tpu.memory_space<vmem>>, %arg7: memref<16384xf32, #tpu.memory_space<vmem>>, %arg8: memref<16384xf32, #tpu.memory_space<vmem>>, %arg9: memref<544xf32, #tpu.memory_space<vmem>>, %arg10: memref<544xf32, #tpu.memory_space<vmem>>, %arg11: memref<2080xf32, #tpu.memory_space<vmem>>, %arg12: memref<!tpu.dma_semaphore, #tpu.memory_space<semaphore_mem>>, %arg13: memref<!tpu.dma_semaphore, #tpu.memory_space<semaphore_mem>>, %arg14: memref<!tpu.dma_semaphore, #tpu.memory_space<semaphore_mem>>, %arg15: memref<!tpu.dma_semaphore, #tpu.memory_space<semaphore_mem>>) attributes {dimension_semantics = [#tpu.dimension_semantics<core_parallel>, #tpu.dimension_semantics<subcore_parallel>], iteration_bounds = array<i64: 2, 16>, scalar_prefetch = 0 : i64, scratch_operands = 11 : i64, tpu.core_type = #tpu.core_type<sc_vector_subcore>, window_params = [{transform_indices = #map}, {transform_indices = #map1}, {transform_indices = #map1}]} {
    %mul3A = arith.constant 2 : i32
    %mul3A_0 = arith.muli %arg1, %mul3A : i32
    %add3A = arith.addi %mul3A_0, %arg0 : i32
    %iota3A = tpu.iota {dimensions = array<i32: 0>} : vector<16xi32>
    %mul3A_1 = arith.constant 17 : i32
    %mul3A_2 = vector.broadcast %mul3A_1 : i32 to vector<16xi32>
    %mul3A_3 = arith.muli %iota3A, %mul3A_2 : vector<16xi32>
    %add3A_4 = arith.constant 0 : i32
    %add3A_5 = arith.addi %add3A_4, %add3A : i32
    %min3A = arith.constant 1952 : i32
    %min3A_6 = arith.minsi %add3A_5, %min3A : i32
    %mul3A_7 = arith.constant 512 : i32
    %mul3A_8 = arith.muli %min3A_6, %mul3A_7 : i32
    %multiple_of3A = tpu.assume_multiple %mul3A_8, 512 : i32
    %dma_start3A = arith.constant 0 : i32
    %dma_start3A_9 = arith.constant 0 : i32
    %dma_start3A_10 = tpu.memref_slice %arg5[%dma_start3A, %dma_start3A_9] : memref<32x512xf32, #tpu.memory_space<vmem>> -> memref<8x512xf32, #tpu.memory_space<vmem>>
    %dma_start3A_11 = arith.constant 0 : i32
    %dma_start3A_12 = tpu.memref_slice %arg2[%dma_start3A_11, %multiple_of3A] : memref<32x1000001xf32, #tpu.memory_space<hbm>> -> memref<8x512xf32, #tpu.memory_space<hbm>>
    %dma_start3A_13 = arith.constant 0 : i32
    %dma_start3A_14 = arith.constant 0 : i32
    %dma_start3A_15 = tpu.memref_slice %arg5[%dma_start3A_13, %dma_start3A_14] : memref<32x512xf32, #tpu.memory_space<vmem>> -> memref<8x512xf32, #tpu.memory_space<vmem>>
    %dma_start3A_16 = arith.constant 0 : i32
    %dma_start3A_17 = tpu.memref_slice %arg2[%dma_start3A_16, %multiple_of3A] : memref<32x1000001xf32, #tpu.memory_space<hbm>> -> memref<8x512xf32, #tpu.memory_space<hbm>>
    tpu.enqueue_dma source(%dma_start3A_17 : memref<8x512xf32, #tpu.memory_space<hbm>>) target(%dma_start3A_15 : memref<8x512xf32, #tpu.memory_space<vmem>>) target_semaphore(%arg12 : memref<!tpu.dma_semaphore, #tpu.memory_space<semaphore_mem>>)
    %dma_start3A_18 = arith.constant 8 : i32
    %dma_start3A_19 = arith.constant 0 : i32
    %dma_start3A_20 = tpu.memref_slice %arg5[%dma_start3A_18, %dma_start3A_19] : memref<32x512xf32, #tpu.memory_space<vmem>> -> memref<8x512xf32, #tpu.memory_space<vmem>>
    %dma_start3A_21 = arith.constant 8 : i32
    %dma_start3A_22 = tpu.memref_slice %arg2[%dma_start3A_21, %multiple_of3A] : memref<32x1000001xf32, #tpu.memory_space<hbm>> -> memref<8x512xf32, #tpu.memory_space<hbm>>
    %dma_start3A_23 = arith.constant 8 : i32
    %dma_start3A_24 = arith.constant 0 : i32
    %dma_start3A_25 = tpu.memref_slice %arg5[%dma_start3A_23, %dma_start3A_24] : memref<32x512xf32, #tpu.memory_space<vmem>> -> memref<8x512xf32, #tpu.memory_space<vmem>>
    %dma_start3A_26 = arith.constant 8 : i32
    %dma_start3A_27 = tpu.memref_slice %arg2[%dma_start3A_26, %multiple_of3A] : memref<32x1000001xf32, #tpu.memory_space<hbm>> -> memref<8x512xf32, #tpu.memory_space<hbm>>
    tpu.enqueue_dma source(%dma_start3A_27 : memref<8x512xf32, #tpu.memory_space<hbm>>) target(%dma_start3A_25 : memref<8x512xf32, #tpu.memory_space<vmem>>) target_semaphore(%arg12 : memref<!tpu.dma_semaphore, #tpu.memory_space<semaphore_mem>>)
    %dma_start3A_28 = arith.constant 16 : i32
    %dma_start3A_29 = arith.constant 0 : i32
    %dma_start3A_30 = tpu.memref_slice %arg5[%dma_start3A_28, %dma_start3A_29] : memref<32x512xf32, #tpu.memory_space<vmem>> -> memref<8x512xf32, #tpu.memory_space<vmem>>
    %dma_start3A_31 = arith.constant 16 : i32
    %dma_start3A_32 = tpu.memref_slice %arg2[%dma_start3A_31, %multiple_of3A] : memref<32x1000001xf32, #tpu.memory_space<hbm>> -> memref<8x512xf32, #tpu.memory_space<hbm>>
    %dma_start3A_33 = arith.constant 16 : i32
    %dma_start3A_34 = arith.constant 0 : i32
    %dma_start3A_35 = tpu.memref_slice %arg5[%dma_start3A_33, %dma_start3A_34] : memref<32x512xf32, #tpu.memory_space<vmem>> -> memref<8x512xf32, #tpu.memory_space<vmem>>
    %dma_start3A_36 = arith.constant 16 : i32
    %dma_start3A_37 = tpu.memref_slice %arg2[%dma_start3A_36, %multiple_of3A] : memref<32x1000001xf32, #tpu.memory_space<hbm>> -> memref<8x512xf32, #tpu.memory_space<hbm>>
    tpu.enqueue_dma source(%dma_start3A_37 : memref<8x512xf32, #tpu.memory_space<hbm>>) target(%dma_start3A_35 : memref<8x512xf32, #tpu.memory_space<vmem>>) target_semaphore(%arg12 : memref<!tpu.dma_semaphore, #tpu.memory_space<semaphore_mem>>)
    %dma_start3A_38 = arith.constant 24 : i32
    %dma_start3A_39 = arith.constant 0 : i32
    %dma_start3A_40 = tpu.memref_slice %arg5[%dma_start3A_38, %dma_start3A_39] : memref<32x512xf32, #tpu.memory_space<vmem>> -> memref<8x512xf32, #tpu.memory_space<vmem>>
    %dma_start3A_41 = arith.constant 24 : i32
    %dma_start3A_42 = tpu.memref_slice %arg2[%dma_start3A_41, %multiple_of3A] : memref<32x1000001xf32, #tpu.memory_space<hbm>> -> memref<8x512xf32, #tpu.memory_space<hbm>>
    %dma_start3A_43 = arith.constant 24 : i32
    %dma_start3A_44 = arith.constant 0 : i32
    %dma_start3A_45 = tpu.memref_slice %arg5[%dma_start3A_43, %dma_start3A_44] : memref<32x512xf32, #tpu.memory_space<vmem>> -> memref<8x512xf32, #tpu.memory_space<vmem>>
    %dma_start3A_46 = arith.constant 24 : i32
    %dma_start3A_47 = tpu.memref_slice %arg2[%dma_start3A_46, %multiple_of3A] : memref<32x1000001xf32, #tpu.memory_space<hbm>> -> memref<8x512xf32, #tpu.memory_space<hbm>>
    tpu.enqueue_dma source(%dma_start3A_47 : memref<8x512xf32, #tpu.memory_space<hbm>>) target(%dma_start3A_45 : memref<8x512xf32, #tpu.memory_space<vmem>>) target_semaphore(%arg12 : memref<!tpu.dma_semaphore, #tpu.memory_space<semaphore_mem>>)
    %add3A_48 = arith.constant 32 : i32
    %add3A_49 = arith.addi %add3A_48, %add3A : i32
    %min3A_50 = arith.constant 1952 : i32
    %min3A_51 = arith.minsi %add3A_49, %min3A_50 : i32
    %mul3A_52 = arith.constant 512 : i32
    %mul3A_53 = arith.muli %min3A_51, %mul3A_52 : i32
    %multiple_of3A_54 = tpu.assume_multiple %mul3A_53, 512 : i32
    %dma_start3A_55 = arith.constant 0 : i32
    %dma_start3A_56 = arith.constant 0 : i32
    %dma_start3A_57 = tpu.memref_slice %arg6[%dma_start3A_55, %dma_start3A_56] : memref<32x512xf32, #tpu.memory_space<vmem>> -> memref<8x512xf32, #tpu.memory_space<vmem>>
    %dma_start3A_58 = arith.constant 0 : i32
    %dma_start3A_59 = tpu.memref_slice %arg2[%dma_start3A_58, %multiple_of3A_54] : memref<32x1000001xf32, #tpu.memory_space<hbm>> -> memref<8x512xf32, #tpu.memory_space<hbm>>
    %dma_start3A_60 = arith.constant 0 : i32
    %dma_start3A_61 = arith.constant 0 : i32
    %dma_start3A_62 = tpu.memref_slice %arg6[%dma_start3A_60, %dma_start3A_61] : memref<32x512xf32, #tpu.memory_space<vmem>> -> memref<8x512xf32, #tpu.memory_space<vmem>>
    %dma_start3A_63 = arith.constant 0 : i32
    %dma_start3A_64 = tpu.memref_slice %arg2[%dma_start3A_63, %multiple_of3A_54] : memref<32x1000001xf32, #tpu.memory_space<hbm>> -> memref<8x512xf32, #tpu.memory_space<hbm>>
    tpu.enqueue_dma source(%dma_start3A_64 : memref<8x512xf32, #tpu.memory_space<hbm>>) target(%dma_start3A_62 : memref<8x512xf32, #tpu.memory_space<vmem>>) target_semaphore(%arg13 : memref<!tpu.dma_semaphore, #tpu.memory_space<semaphore_mem>>)
    %dma_start3A_65 = arith.constant 8 : i32
    %dma_start3A_66 = arith.constant 0 : i32
    %dma_start3A_67 = tpu.memref_slice %arg6[%dma_start3A_65, %dma_start3A_66] : memref<32x512xf32, #tpu.memory_space<vmem>> -> memref<8x512xf32, #tpu.memory_space<vmem>>
    %dma_start3A_68 = arith.constant 8 : i32
    %dma_start3A_69 = tpu.memref_slice %arg2[%dma_start3A_68, %multiple_of3A_54] : memref<32x1000001xf32, #tpu.memory_space<hbm>> -> memref<8x512xf32, #tpu.memory_space<hbm>>
    %dma_start3A_70 = arith.constant 8 : i32
    %dma_start3A_71 = arith.constant 0 : i32
    %dma_start3A_72 = tpu.memref_slice %arg6[%dma_start3A_70, %dma_start3A_71] : memref<32x512xf32, #tpu.memory_space<vmem>> -> memref<8x512xf32, #tpu.memory_space<vmem>>
    %dma_start3A_73 = arith.constant 8 : i32
    %dma_start3A_74 = tpu.memref_slice %arg2[%dma_start3A_73, %multiple_of3A_54] : memref<32x1000001xf32, #tpu.memory_space<hbm>> -> memref<8x512xf32, #tpu.memory_space<hbm>>
    tpu.enqueue_dma source(%dma_start3A_74 : memref<8x512xf32, #tpu.memory_space<hbm>>) target(%dma_start3A_72 : memref<8x512xf32, #tpu.memory_space<vmem>>) target_semaphore(%arg13 : memref<!tpu.dma_semaphore, #tpu.memory_space<semaphore_mem>>)
    %dma_start3A_75 = arith.constant 16 : i32
    %dma_start3A_76 = arith.constant 0 : i32
    %dma_start3A_77 = tpu.memref_slice %arg6[%dma_start3A_75, %dma_start3A_76] : memref<32x512xf32, #tpu.memory_space<vmem>> -> memref<8x512xf32, #tpu.memory_space<vmem>>
    %dma_start3A_78 = arith.constant 16 : i32
    %dma_start3A_79 = tpu.memref_slice %arg2[%dma_start3A_78, %multiple_of3A_54] : memref<32x1000001xf32, #tpu.memory_space<hbm>> -> memref<8x512xf32, #tpu.memory_space<hbm>>
    %dma_start3A_80 = arith.constant 16 : i32
    %dma_start3A_81 = arith.constant 0 : i32
    %dma_start3A_82 = tpu.memref_slice %arg6[%dma_start3A_80, %dma_start3A_81] : memref<32x512xf32, #tpu.memory_space<vmem>> -> memref<8x512xf32, #tpu.memory_space<vmem>>
    %dma_start3A_83 = arith.constant 16 : i32
    %dma_start3A_84 = tpu.memref_slice %arg2[%dma_start3A_83, %multiple_of3A_54] : memref<32x1000001xf32, #tpu.memory_space<hbm>> -> memref<8x512xf32, #tpu.memory_space<hbm>>
    tpu.enqueue_dma source(%dma_start3A_84 : memref<8x512xf32, #tpu.memory_space<hbm>>) target(%dma_start3A_82 : memref<8x512xf32, #tpu.memory_space<vmem>>) target_semaphore(%arg13 : memref<!tpu.dma_semaphore, #tpu.memory_space<semaphore_mem>>)
    %dma_start3A_85 = arith.constant 24 : i32
    %dma_start3A_86 = arith.constant 0 : i32
    %dma_start3A_87 = tpu.memref_slice %arg6[%dma_start3A_85, %dma_start3A_86] : memref<32x512xf32, #tpu.memory_space<vmem>> -> memref<8x512xf32, #tpu.memory_space<vmem>>
    %dma_start3A_88 = arith.constant 24 : i32
    %dma_start3A_89 = tpu.memref_slice %arg2[%dma_start3A_88, %multiple_of3A_54] : memref<32x1000001xf32, #tpu.memory_space<hbm>> -> memref<8x512xf32, #tpu.memory_space<hbm>>
    %dma_start3A_90 = arith.constant 24 : i32
    %dma_start3A_91 = arith.constant 0 : i32
    %dma_start3A_92 = tpu.memref_slice %arg6[%dma_start3A_90, %dma_start3A_91] : memref<32x512xf32, #tpu.memory_space<vmem>> -> memref<8x512xf32, #tpu.memory_space<vmem>>
    %dma_start3A_93 = arith.constant 24 : i32
    %dma_start3A_94 = tpu.memref_slice %arg2[%dma_start3A_93, %multiple_of3A_54] : memref<32x1000001xf32, #tpu.memory_space<hbm>> -> memref<8x512xf32, #tpu.memory_space<hbm>>
    tpu.enqueue_dma source(%dma_start3A_94 : memref<8x512xf32, #tpu.memory_space<hbm>>) target(%dma_start3A_92 : memref<8x512xf32, #tpu.memory_space<vmem>>) target_semaphore(%arg13 : memref<!tpu.dma_semaphore, #tpu.memory_space<semaphore_mem>>)
    %scan3A = arith.constant 0 : i32
    %scan3A_95 = arith.constant 0 : i32
    %scan3A_96 = arith.constant 31 : i32
    %scan3A_97 = arith.addi %scan3A_95, %scan3A_96 : i32
    %scan3A_98 = arith.constant 1 : i32
    %scan3A_99 = scf.for %scan3A_206 = %scan3A_95 to %scan3A_97 step %scan3A_98 iter_args(%scan3A_207 = %scan3A) -> (i32)  : i32 {
      %mul3A_208 = arith.constant 2 : i32
      %mul3A_209 = arith.muli %scan3A_206, %mul3A_208 : i32
      %add3A_210 = arith.constant 0 : i32
      %add3A_211 = arith.addi %mul3A_209, %add3A_210 : i32
      %dma_wait3A_212 = arith.constant 0 : i32
      %dma_wait3A_213 = arith.constant 0 : i32
      %dma_wait3A_214 = tpu.memref_slice %arg5[%dma_wait3A_212, %dma_wait3A_213] : memref<32x512xf32, #tpu.memory_space<vmem>> -> memref<8x512xf32, #tpu.memory_space<vmem>>
      %dma_wait3A_215 = arith.constant 0 : i32
      %dma_wait3A_216 = arith.constant 0 : i32
      %dma_wait3A_217 = tpu.memref_slice %arg2[%dma_wait3A_215, %dma_wait3A_216] : memref<32x1000001xf32, #tpu.memory_space<hbm>> -> memref<8x512xf32, #tpu.memory_space<hbm>>
      %dma_wait3A_218 = arith.constant 0 : i32
      %dma_wait3A_219 = arith.constant 0 : i32
      %dma_wait3A_220 = tpu.memref_slice %arg5[%dma_wait3A_218, %dma_wait3A_219] : memref<32x512xf32, #tpu.memory_space<vmem>> -> memref<8x512xf32, #tpu.memory_space<vmem>>
      %dma_wait3A_221 = arith.constant 0 : i32
      %dma_wait3A_222 = arith.constant 0 : i32
      %dma_wait3A_223 = tpu.memref_slice %arg2[%dma_wait3A_221, %dma_wait3A_222] : memref<32x1000001xf32, #tpu.memory_space<hbm>> -> memref<8x512xf32, #tpu.memory_space<hbm>>
      tpu.wait_dma2 semaphore(%arg12 : memref<!tpu.dma_semaphore, #tpu.memory_space<semaphore_mem>>) src(%dma_wait3A_223 : memref<8x512xf32, #tpu.memory_space<hbm>>) dst(%dma_wait3A_220 : memref<8x512xf32, #tpu.memory_space<vmem>>)
      %dma_wait3A_224 = arith.constant 8 : i32
      %dma_wait3A_225 = arith.constant 0 : i32
      %dma_wait3A_226 = tpu.memref_slice %arg5[%dma_wait3A_224, %dma_wait3A_225] : memref<32x512xf32, #tpu.memory_space<vmem>> -> memref<8x512xf32, #tpu.memory_space<vmem>>
      %dma_wait3A_227 = arith.constant 0 : i32
      %dma_wait3A_228 = arith.constant 0 : i32
      %dma_wait3A_229 = tpu.memref_slice %arg2[%dma_wait3A_227, %dma_wait3A_228] : memref<32x1000001xf32, #tpu.memory_space<hbm>> -> memref<8x512xf32, #tpu.memory_space<hbm>>
      %dma_wait3A_230 = arith.constant 8 : i32
      %dma_wait3A_231 = arith.constant 0 : i32
      %dma_wait3A_232 = tpu.memref_slice %arg5[%dma_wait3A_230, %dma_wait3A_231] : memref<32x512xf32, #tpu.memory_space<vmem>> -> memref<8x512xf32, #tpu.memory_space<vmem>>
      %dma_wait3A_233 = arith.constant 0 : i32
      %dma_wait3A_234 = arith.constant 0 : i32
      %dma_wait3A_235 = tpu.memref_slice %arg2[%dma_wait3A_233, %dma_wait3A_234] : memref<32x1000001xf32, #tpu.memory_space<hbm>> -> memref<8x512xf32, #tpu.memory_space<hbm>>
      tpu.wait_dma2 semaphore(%arg12 : memref<!tpu.dma_semaphore, #tpu.memory_space<semaphore_mem>>) src(%dma_wait3A_235 : memref<8x512xf32, #tpu.memory_space<hbm>>) dst(%dma_wait3A_232 : memref<8x512xf32, #tpu.memory_space<vmem>>)
      %dma_wait3A_236 = arith.constant 16 : i32
      %dma_wait3A_237 = arith.constant 0 : i32
      %dma_wait3A_238 = tpu.memref_slice %arg5[%dma_wait3A_236, %dma_wait3A_237] : memref<32x512xf32, #tpu.memory_space<vmem>> -> memref<8x512xf32, #tpu.memory_space<vmem>>
      %dma_wait3A_239 = arith.constant 0 : i32
      %dma_wait3A_240 = arith.constant 0 : i32
      %dma_wait3A_241 = tpu.memref_slice %arg2[%dma_wait3A_239, %dma_wait3A_240] : memref<32x1000001xf32, #tpu.memory_space<hbm>> -> memref<8x512xf32, #tpu.memory_space<hbm>>
      %dma_wait3A_242 = arith.constant 16 : i32
      %dma_wait3A_243 = arith.constant 0 : i32
      %dma_wait3A_244 = tpu.memref_slice %arg5[%dma_wait3A_242, %dma_wait3A_243] : memref<32x512xf32, #tpu.memory_space<vmem>> -> memref<8x512xf32, #tpu.memory_space<vmem>>
      %dma_wait3A_245 = arith.constant 0 : i32
      %dma_wait3A_246 = arith.constant 0 : i32
      %dma_wait3A_247 = tpu.memref_slice %arg2[%dma_wait3A_245, %dma_wait3A_246] : memref<32x1000001xf32, #tpu.memory_space<hbm>> -> memref<8x512xf32, #tpu.memory_space<hbm>>
      tpu.wait_dma2 semaphore(%arg12 : memref<!tpu.dma_semaphore, #tpu.memory_space<semaphore_mem>>) src(%dma_wait3A_247 : memref<8x512xf32, #tpu.memory_space<hbm>>) dst(%dma_wait3A_244 : memref<8x512xf32, #tpu.memory_space<vmem>>)
      %dma_wait3A_248 = arith.constant 24 : i32
      %dma_wait3A_249 = arith.constant 0 : i32
      %dma_wait3A_250 = tpu.memref_slice %arg5[%dma_wait3A_248, %dma_wait3A_249] : memref<32x512xf32, #tpu.memory_space<vmem>> -> memref<8x512xf32, #tpu.memory_space<vmem>>
      %dma_wait3A_251 = arith.constant 0 : i32
      %dma_wait3A_252 = arith.constant 0 : i32
      %dma_wait3A_253 = tpu.memref_slice %arg2[%dma_wait3A_251, %dma_wait3A_252] : memref<32x1000001xf32, #tpu.memory_space<hbm>> -> memref<8x512xf32, #tpu.memory_space<hbm>>
      %dma_wait3A_254 = arith.constant 24 : i32
      %dma_wait3A_255 = arith.constant 0 : i32
      %dma_wait3A_256 = tpu.memref_slice %arg5[%dma_wait3A_254, %dma_wait3A_255] : memref<32x512xf32, #tpu.memory_space<vmem>> -> memref<8x512xf32, #tpu.memory_space<vmem>>
      %dma_wait3A_257 = arith.constant 0 : i32
      %dma_wait3A_258 = arith.constant 0 : i32
      %dma_wait3A_259 = tpu.memref_slice %arg2[%dma_wait3A_257, %dma_wait3A_258] : memref<32x1000001xf32, #tpu.memory_space<hbm>> -> memref<8x512xf32, #tpu.memory_space<hbm>>
      tpu.wait_dma2 semaphore(%arg12 : memref<!tpu.dma_semaphore, #tpu.memory_space<semaphore_mem>>) src(%dma_wait3A_259 : memref<8x512xf32, #tpu.memory_space<hbm>>) dst(%dma_wait3A_256 : memref<8x512xf32, #tpu.memory_space<vmem>>)
      %gt3A = arith.constant 0 : i32
      %gt3A_260 = arith.cmpi sgt, %scan3A_206, %gt3A : i32
      %convert_element_type3A_261 = arith.extui %gt3A_260 : i1 to i32
      %cond3A_262 = arith.constant 0 : i32
      %cond3A_263 = arith.cmpi ne, %convert_element_type3A_261, %cond3A_262 : i32
      scf.if %cond3A_263 {
        %dma_wait3A_467 = arith.constant 0 : i32
        %dma_wait3A_468 = tpu.memref_slice %arg4[%dma_wait3A_467] : memref<32030720xf32, #tpu.memory_space<hbm>> -> memref<16384xf32, #tpu.memory_space<hbm>>
        %dma_wait3A_469 = arith.constant 0 : i32
        %dma_wait3A_470 = tpu.memref_slice %arg4[%dma_wait3A_469] : memref<32030720xf32, #tpu.memory_space<hbm>> -> memref<16384xf32, #tpu.memory_space<hbm>>
        tpu.wait_dma2 semaphore(%arg14 : memref<!tpu.dma_semaphore, #tpu.memory_space<semaphore_mem>>) src(%arg7 : memref<16384xf32, #tpu.memory_space<vmem>>) dst(%dma_wait3A_470 : memref<16384xf32, #tpu.memory_space<hbm>>)
      } else {
      }
      %scan3A_264 = arith.constant 0 : i32
      %scan3A_265 = arith.constant 0 : i32
      %scan3A_266 = arith.constant 16 : i32
      %scan3A_267 = arith.addi %scan3A_265, %scan3A_266 : i32
      %scan3A_268 = arith.constant 1 : i32
      %scan3A_269 = scf.for %scan3A_467 = %scan3A_265 to %scan3A_267 step %scan3A_268 iter_args(%scan3A_468 = %scan3A_264) -> (i32)  : i32 {
        %mul3A_469 = arith.constant 2 : i32
        %mul3A_470 = arith.muli %scan3A_467, %mul3A_469 : i32
        %mul3A_471 = arith.constant 16 : i32
        %mul3A_472 = arith.muli %mul3A_470, %mul3A_471 : i32
        %multiple_of3A_473 = tpu.assume_multiple %mul3A_472, 16 : i32
        %mul3A_474 = arith.constant 512 : i32
        %mul3A_475 = arith.muli %mul3A_470, %mul3A_474 : i32
        %get3A = arith.constant 0 : i32
        %get3A_476 = arith.index_cast %get3A : i32 to index
        %get3A_477 = arith.index_cast %multiple_of3A_473 : i32 to index
        %get3A_478 = tpu.vector_load %arg5[%get3A_476, %get3A_477] {strides = array<i32>} : memref<32x512xf32, #tpu.memory_space<vmem>>, vector<16xf32>,
        %get3A_479 = arith.constant 1 : i32
        %get3A_480 = arith.index_cast %get3A_479 : i32 to index
        %get3A_481 = arith.index_cast %multiple_of3A_473 : i32 to index
        %get3A_482 = tpu.vector_load %arg5[%get3A_480, %get3A_481] {strides = array<i32>} : memref<32x512xf32, #tpu.memory_space<vmem>>, vector<16xf32>,
        %get3A_483 = arith.constant 2 : i32
        %get3A_484 = arith.index_cast %get3A_483 : i32 to index
        %get3A_485 = arith.index_cast %multiple_of3A_473 : i32 to index
        %get3A_486 = tpu.vector_load %arg5[%get3A_484, %get3A_485] {strides = array<i32>} : memref<32x512xf32, #tpu.memory_space<vmem>>, vector<16xf32>,
        %get3A_487 = arith.constant 3 : i32
        %get3A_488 = arith.index_cast %get3A_487 : i32 to index
        %get3A_489 = arith.index_cast %multiple_of3A_473 : i32 to index
        %get3A_490 = tpu.vector_load %arg5[%get3A_488, %get3A_489] {strides = array<i32>} : memref<32x512xf32, #tpu.memory_space<vmem>>, vector<16xf32>,
        %get3A_491 = arith.constant 4 : i32
        %get3A_492 = arith.index_cast %get3A_491 : i32 to index
        %get3A_493 = arith.index_cast %multiple_of3A_473 : i32 to index
        %get3A_494 = tpu.vector_load %arg5[%get3A_492, %get3A_493] {strides = array<i32>} : memref<32x512xf32, #tpu.memory_space<vmem>>, vector<16xf32>,
        %get3A_495 = arith.constant 5 : i32
        %get3A_496 = arith.index_cast %get3A_495 : i32 to index
        %get3A_497 = arith.index_cast %multiple_of3A_473 : i32 to index
        %get3A_498 = tpu.vector_load %arg5[%get3A_496, %get3A_497] {strides = array<i32>} : memref<32x512xf32, #tpu.memory_space<vmem>>, vector<16xf32>,
        %get3A_499 = arith.constant 6 : i32
        %get3A_500 = arith.index_cast %get3A_499 : i32 to index
        %get3A_501 = arith.index_cast %multiple_of3A_473 : i32 to index
        %get3A_502 = tpu.vector_load %arg5[%get3A_500, %get3A_501] {strides = array<i32>} : memref<32x512xf32, #tpu.memory_space<vmem>>, vector<16xf32>,
        %get3A_503 = arith.constant 7 : i32
        %get3A_504 = arith.index_cast %get3A_503 : i32 to index
        %get3A_505 = arith.index_cast %multiple_of3A_473 : i32 to index
        %get3A_506 = tpu.vector_load %arg5[%get3A_504, %get3A_505] {strides = array<i32>} : memref<32x512xf32, #tpu.memory_space<vmem>>, vector<16xf32>,
        %get3A_507 = arith.constant 8 : i32
        %get3A_508 = arith.index_cast %get3A_507 : i32 to index
        %get3A_509 = arith.index_cast %multiple_of3A_473 : i32 to index
        %get3A_510 = tpu.vector_load %arg5[%get3A_508, %get3A_509] {strides = array<i32>} : memref<32x512xf32, #tpu.memory_space<vmem>>, vector<16xf32>,
        %get3A_511 = arith.constant 9 : i32
        %get3A_512 = arith.index_cast %get3A_511 : i32 to index
        %get3A_513 = arith.index_cast %multiple_of3A_473 : i32 to index
        %get3A_514 = tpu.vector_load %arg5[%get3A_512, %get3A_513] {strides = array<i32>} : memref<32x512xf32, #tpu.memory_space<vmem>>, vector<16xf32>,
        %get3A_515 = arith.constant 10 : i32
        %get3A_516 = arith.index_cast %get3A_515 : i32 to index
        %get3A_517 = arith.index_cast %multiple_of3A_473 : i32 to index
        %get3A_518 = tpu.vector_load %arg5[%get3A_516, %get3A_517] {strides = array<i32>} : memref<32x512xf32, #tpu.memory_space<vmem>>, vector<16xf32>,
        %get3A_519 = arith.constant 11 : i32
        %get3A_520 = arith.index_cast %get3A_519 : i32 to index
        %get3A_521 = arith.index_cast %multiple_of3A_473 : i32 to index
        %get3A_522 = tpu.vector_load %arg5[%get3A_520, %get3A_521] {strides = array<i32>} : memref<32x512xf32, #tpu.memory_space<vmem>>, vector<16xf32>,
        %get3A_523 = arith.constant 12 : i32
        %get3A_524 = arith.index_cast %get3A_523 : i32 to index
        %get3A_525 = arith.index_cast %multiple_of3A_473 : i32 to index
        %get3A_526 = tpu.vector_load %arg5[%get3A_524, %get3A_525] {strides = array<i32>} : memref<32x512xf32, #tpu.memory_space<vmem>>, vector<16xf32>,
        %get3A_527 = arith.constant 13 : i32
        %get3A_528 = arith.index_cast %get3A_527 : i32 to index
        %get3A_529 = arith.index_cast %multiple_of3A_473 : i32 to index
        %get3A_530 = tpu.vector_load %arg5[%get3A_528, %get3A_529] {strides = array<i32>} : memref<32x512xf32, #tpu.memory_space<vmem>>, vector<16xf32>,
        %get3A_531 = arith.constant 14 : i32
        %get3A_532 = arith.index_cast %get3A_531 : i32 to index
        %get3A_533 = arith.index_cast %multiple_of3A_473 : i32 to index
        %get3A_534 = tpu.vector_load %arg5[%get3A_532, %get3A_533] {strides = array<i32>} : memref<32x512xf32, #tpu.memory_space<vmem>>, vector<16xf32>,
        %get3A_535 = arith.constant 15 : i32
        %get3A_536 = arith.index_cast %get3A_535 : i32 to index
        %get3A_537 = arith.index_cast %multiple_of3A_473 : i32 to index
        %get3A_538 = tpu.vector_load %arg5[%get3A_536, %get3A_537] {strides = array<i32>} : memref<32x512xf32, #tpu.memory_space<vmem>>, vector<16xf32>,
        %get3A_539 = arith.constant 16 : i32
        %get3A_540 = arith.index_cast %get3A_539 : i32 to index
        %get3A_541 = arith.index_cast %multiple_of3A_473 : i32 to index
        %get3A_542 = tpu.vector_load %arg5[%get3A_540, %get3A_541] {strides = array<i32>} : memref<32x512xf32, #tpu.memory_space<vmem>>, vector<16xf32>,
        %get3A_543 = arith.constant 17 : i32
        %get3A_544 = arith.index_cast %get3A_543 : i32 to index
        %get3A_545 = arith.index_cast %multiple_of3A_473 : i32 to index
        %get3A_546 = tpu.vector_load %arg5[%get3A_544, %get3A_545] {strides = array<i32>} : memref<32x512xf32, #tpu.memory_space<vmem>>, vector<16xf32>,
        %get3A_547 = arith.constant 18 : i32
        %get3A_548 = arith.index_cast %get3A_547 : i32 to index
        %get3A_549 = arith.index_cast %multiple_of3A_473 : i32 to index
        %get3A_550 = tpu.vector_load %arg5[%get3A_548, %get3A_549] {strides = array<i32>} : memref<32x512xf32, #tpu.memory_space<vmem>>, vector<16xf32>,
        %get3A_551 = arith.constant 19 : i32
        %get3A_552 = arith.index_cast %get3A_551 : i32 to index
        %get3A_553 = arith.index_cast %multiple_of3A_473 : i32 to index
        %get3A_554 = tpu.vector_load %arg5[%get3A_552, %get3A_553] {strides = array<i32>} : memref<32x512xf32, #tpu.memory_space<vmem>>, vector<16xf32>,
        %get3A_555 = arith.constant 20 : i32
        %get3A_556 = arith.index_cast %get3A_555 : i32 to index
        %get3A_557 = arith.index_cast %multiple_of3A_473 : i32 to index
        %get3A_558 = tpu.vector_load %arg5[%get3A_556, %get3A_557] {strides = array<i32>} : memref<32x512xf32, #tpu.memory_space<vmem>>, vector<16xf32>,
        %get3A_559 = arith.constant 21 : i32
        %get3A_560 = arith.index_cast %get3A_559 : i32 to index
        %get3A_561 = arith.index_cast %multiple_of3A_473 : i32 to index
        %get3A_562 = tpu.vector_load %arg5[%get3A_560, %get3A_561] {strides = array<i32>} : memref<32x512xf32, #tpu.memory_space<vmem>>, vector<16xf32>,
        %get3A_563 = arith.constant 22 : i32
        %get3A_564 = arith.index_cast %get3A_563 : i32 to index
        %get3A_565 = arith.index_cast %multiple_of3A_473 : i32 to index
        %get3A_566 = tpu.vector_load %arg5[%get3A_564, %get3A_565] {strides = array<i32>} : memref<32x512xf32, #tpu.memory_space<vmem>>, vector<16xf32>,
        %get3A_567 = arith.constant 23 : i32
        %get3A_568 = arith.index_cast %get3A_567 : i32 to index
        %get3A_569 = arith.index_cast %multiple_of3A_473 : i32 to index
        %get3A_570 = tpu.vector_load %arg5[%get3A_568, %get3A_569] {strides = array<i32>} : memref<32x512xf32, #tpu.memory_space<vmem>>, vector<16xf32>,
        %get3A_571 = arith.constant 24 : i32
        %get3A_572 = arith.index_cast %get3A_571 : i32 to index
        %get3A_573 = arith.index_cast %multiple_of3A_473 : i32 to index
        %get3A_574 = tpu.vector_load %arg5[%get3A_572, %get3A_573] {strides = array<i32>} : memref<32x512xf32, #tpu.memory_space<vmem>>, vector<16xf32>,
        %get3A_575 = arith.constant 25 : i32
        %get3A_576 = arith.index_cast %get3A_575 : i32 to index
        %get3A_577 = arith.index_cast %multiple_of3A_473 : i32 to index
        %get3A_578 = tpu.vector_load %arg5[%get3A_576, %get3A_577] {strides = array<i32>} : memref<32x512xf32, #tpu.memory_space<vmem>>, vector<16xf32>,
        %get3A_579 = arith.constant 26 : i32
        %get3A_580 = arith.index_cast %get3A_579 : i32 to index
        %get3A_581 = arith.index_cast %multiple_of3A_473 : i32 to index
        %get3A_582 = tpu.vector_load %arg5[%get3A_580, %get3A_581] {strides = array<i32>} : memref<32x512xf32, #tpu.memory_space<vmem>>, vector<16xf32>,
        %get3A_583 = arith.constant 27 : i32
        %get3A_584 = arith.index_cast %get3A_583 : i32 to index
        %get3A_585 = arith.index_cast %multiple_of3A_473 : i32 to index
        %get3A_586 = tpu.vector_load %arg5[%get3A_584, %get3A_585] {strides = array<i32>} : memref<32x512xf32, #tpu.memory_space<vmem>>, vector<16xf32>,
        %get3A_587 = arith.constant 28 : i32
        %get3A_588 = arith.index_cast %get3A_587 : i32 to index
        %get3A_589 = arith.index_cast %multiple_of3A_473 : i32 to index
        %get3A_590 = tpu.vector_load %arg5[%get3A_588, %get3A_589] {strides = array<i32>} : memref<32x512xf32, #tpu.memory_space<vmem>>, vector<16xf32>,
        %get3A_591 = arith.constant 29 : i32
        %get3A_592 = arith.index_cast %get3A_591 : i32 to index
        %get3A_593 = arith.index_cast %multiple_of3A_473 : i32 to index
        %get3A_594 = tpu.vector_load %arg5[%get3A_592, %get3A_593] {strides = array<i32>} : memref<32x512xf32, #tpu.memory_space<vmem>>, vector<16xf32>,
        %get3A_595 = arith.constant 30 : i32
        %get3A_596 = arith.index_cast %get3A_595 : i32 to index
        %get3A_597 = arith.index_cast %multiple_of3A_473 : i32 to index
        %get3A_598 = tpu.vector_load %arg5[%get3A_596, %get3A_597] {strides = array<i32>} : memref<32x512xf32, #tpu.memory_space<vmem>>, vector<16xf32>,
        %get3A_599 = arith.constant 31 : i32
        %get3A_600 = arith.index_cast %get3A_599 : i32 to index
        %get3A_601 = arith.index_cast %multiple_of3A_473 : i32 to index
        %get3A_602 = tpu.vector_load %arg5[%get3A_600, %get3A_601] {strides = array<i32>} : memref<32x512xf32, #tpu.memory_space<vmem>>, vector<16xf32>,
        %add3A_603 = arith.constant 0 : i32
        %add3A_604 = vector.broadcast %add3A_603 : i32 to vector<16xi32>
        %add3A_605 = arith.addi %iota3A, %add3A_604 : vector<16xi32>
        tpu.vector_store_idx %arg9[%add3A_605], %get3A_478 : memref<544xf32, #tpu.memory_space<vmem>>[vector<16xi32>], vector<16xf32>,
        %add3A_606 = arith.constant 17 : i32
        %add3A_607 = vector.broadcast %add3A_606 : i32 to vector<16xi32>
        %add3A_608 = arith.addi %iota3A, %add3A_607 : vector<16xi32>
        tpu.vector_store_idx %arg9[%add3A_608], %get3A_482 : memref<544xf32, #tpu.memory_space<vmem>>[vector<16xi32>], vector<16xf32>,
        %add3A_609 = arith.constant 34 : i32
        %add3A_610 = vector.broadcast %add3A_609 : i32 to vector<16xi32>
        %add3A_611 = arith.addi %iota3A, %add3A_610 : vector<16xi32>
        tpu.vector_store_idx %arg9[%add3A_611], %get3A_486 : memref<544xf32, #tpu.memory_space<vmem>>[vector<16xi32>], vector<16xf32>,
        %add3A_612 = arith.constant 51 : i32
        %add3A_613 = vector.broadcast %add3A_612 : i32 to vector<16xi32>
        %add3A_614 = arith.addi %iota3A, %add3A_613 : vector<16xi32>
        tpu.vector_store_idx %arg9[%add3A_614], %get3A_490 : memref<544xf32, #tpu.memory_space<vmem>>[vector<16xi32>], vector<16xf32>,
        %add3A_615 = arith.constant 68 : i32
        %add3A_616 = vector.broadcast %add3A_615 : i32 to vector<16xi32>
        %add3A_617 = arith.addi %iota3A, %add3A_616 : vector<16xi32>
        tpu.vector_store_idx %arg9[%add3A_617], %get3A_494 : memref<544xf32, #tpu.memory_space<vmem>>[vector<16xi32>], vector<16xf32>,
        %add3A_618 = arith.constant 85 : i32
        %add3A_619 = vector.broadcast %add3A_618 : i32 to vector<16xi32>
        %add3A_620 = arith.addi %iota3A, %add3A_619 : vector<16xi32>
        tpu.vector_store_idx %arg9[%add3A_620], %get3A_498 : memref<544xf32, #tpu.memory_space<vmem>>[vector<16xi32>], vector<16xf32>,
        %add3A_621 = arith.constant 102 : i32
        %add3A_622 = vector.broadcast %add3A_621 : i32 to vector<16xi32>
        %add3A_623 = arith.addi %iota3A, %add3A_622 : vector<16xi32>
        tpu.vector_store_idx %arg9[%add3A_623], %get3A_502 : memref<544xf32, #tpu.memory_space<vmem>>[vector<16xi32>], vector<16xf32>,
        %add3A_624 = arith.constant 119 : i32
        %add3A_625 = vector.broadcast %add3A_624 : i32 to vector<16xi32>
        %add3A_626 = arith.addi %iota3A, %add3A_625 : vector<16xi32>
        tpu.vector_store_idx %arg9[%add3A_626], %get3A_506 : memref<544xf32, #tpu.memory_space<vmem>>[vector<16xi32>], vector<16xf32>,
        %add3A_627 = arith.constant 136 : i32
        %add3A_628 = vector.broadcast %add3A_627 : i32 to vector<16xi32>
        %add3A_629 = arith.addi %iota3A, %add3A_628 : vector<16xi32>
        tpu.vector_store_idx %arg9[%add3A_629], %get3A_510 : memref<544xf32, #tpu.memory_space<vmem>>[vector<16xi32>], vector<16xf32>,
        %add3A_630 = arith.constant 153 : i32
        %add3A_631 = vector.broadcast %add3A_630 : i32 to vector<16xi32>
        %add3A_632 = arith.addi %iota3A, %add3A_631 : vector<16xi32>
        tpu.vector_store_idx %arg9[%add3A_632], %get3A_514 : memref<544xf32, #tpu.memory_space<vmem>>[vector<16xi32>], vector<16xf32>,
        %add3A_633 = arith.constant 170 : i32
        %add3A_634 = vector.broadcast %add3A_633 : i32 to vector<16xi32>
        %add3A_635 = arith.addi %iota3A, %add3A_634 : vector<16xi32>
        tpu.vector_store_idx %arg9[%add3A_635], %get3A_518 : memref<544xf32, #tpu.memory_space<vmem>>[vector<16xi32>], vector<16xf32>,
        %add3A_636 = arith.constant 187 : i32
        %add3A_637 = vector.broadcast %add3A_636 : i32 to vector<16xi32>
        %add3A_638 = arith.addi %iota3A, %add3A_637 : vector<16xi32>
        tpu.vector_store_idx %arg9[%add3A_638], %get3A_522 : memref<544xf32, #tpu.memory_space<vmem>>[vector<16xi32>], vector<16xf32>,
        %add3A_639 = arith.constant 204 : i32
        %add3A_640 = vector.broadcast %add3A_639 : i32 to vector<16xi32>
        %add3A_641 = arith.addi %iota3A, %add3A_640 : vector<16xi32>
        tpu.vector_store_idx %arg9[%add3A_641], %get3A_526 : memref<544xf32, #tpu.memory_space<vmem>>[vector<16xi32>], vector<16xf32>,
        %add3A_642 = arith.constant 221 : i32
        %add3A_643 = vector.broadcast %add3A_642 : i32 to vector<16xi32>
        %add3A_644 = arith.addi %iota3A, %add3A_643 : vector<16xi32>
        tpu.vector_store_idx %arg9[%add3A_644], %get3A_530 : memref<544xf32, #tpu.memory_space<vmem>>[vector<16xi32>], vector<16xf32>,
        %add3A_645 = arith.constant 238 : i32
        %add3A_646 = vector.broadcast %add3A_645 : i32 to vector<16xi32>
        %add3A_647 = arith.addi %iota3A, %add3A_646 : vector<16xi32>
        tpu.vector_store_idx %arg9[%add3A_647], %get3A_534 : memref<544xf32, #tpu.memory_space<vmem>>[vector<16xi32>], vector<16xf32>,
        %add3A_648 = arith.constant 255 : i32
        %add3A_649 = vector.broadcast %add3A_648 : i32 to vector<16xi32>
        %add3A_650 = arith.addi %iota3A, %add3A_649 : vector<16xi32>
        tpu.vector_store_idx %arg9[%add3A_650], %get3A_538 : memref<544xf32, #tpu.memory_space<vmem>>[vector<16xi32>], vector<16xf32>,
        %add3A_651 = arith.constant 272 : i32
        %add3A_652 = vector.broadcast %add3A_651 : i32 to vector<16xi32>
        %add3A_653 = arith.addi %iota3A, %add3A_652 : vector<16xi32>
        tpu.vector_store_idx %arg9[%add3A_653], %get3A_542 : memref<544xf32, #tpu.memory_space<vmem>>[vector<16xi32>], vector<16xf32>,
        %add3A_654 = arith.constant 289 : i32
        %add3A_655 = vector.broadcast %add3A_654 : i32 to vector<16xi32>
        %add3A_656 = arith.addi %iota3A, %add3A_655 : vector<16xi32>
        tpu.vector_store_idx %arg9[%add3A_656], %get3A_546 : memref<544xf32, #tpu.memory_space<vmem>>[vector<16xi32>], vector<16xf32>,
        %add3A_657 = arith.constant 306 : i32
        %add3A_658 = vector.broadcast %add3A_657 : i32 to vector<16xi32>
        %add3A_659 = arith.addi %iota3A, %add3A_658 : vector<16xi32>
        tpu.vector_store_idx %arg9[%add3A_659], %get3A_550 : memref<544xf32, #tpu.memory_space<vmem>>[vector<16xi32>], vector<16xf32>,
        %add3A_660 = arith.constant 323 : i32
        %add3A_661 = vector.broadcast %add3A_660 : i32 to vector<16xi32>
        %add3A_662 = arith.addi %iota3A, %add3A_661 : vector<16xi32>
        tpu.vector_store_idx %arg9[%add3A_662], %get3A_554 : memref<544xf32, #tpu.memory_space<vmem>>[vector<16xi32>], vector<16xf32>,
        %add3A_663 = arith.constant 340 : i32
        %add3A_664 = vector.broadcast %add3A_663 : i32 to vector<16xi32>
        %add3A_665 = arith.addi %iota3A, %add3A_664 : vector<16xi32>
        tpu.vector_store_idx %arg9[%add3A_665], %get3A_558 : memref<544xf32, #tpu.memory_space<vmem>>[vector<16xi32>], vector<16xf32>,
        %add3A_666 = arith.constant 357 : i32
        %add3A_667 = vector.broadcast %add3A_666 : i32 to vector<16xi32>
        %add3A_668 = arith.addi %iota3A, %add3A_667 : vector<16xi32>
        tpu.vector_store_idx %arg9[%add3A_668], %get3A_562 : memref<544xf32, #tpu.memory_space<vmem>>[vector<16xi32>], vector<16xf32>,
        %add3A_669 = arith.constant 374 : i32
        %add3A_670 = vector.broadcast %add3A_669 : i32 to vector<16xi32>
        %add3A_671 = arith.addi %iota3A, %add3A_670 : vector<16xi32>
        tpu.vector_store_idx %arg9[%add3A_671], %get3A_566 : memref<544xf32, #tpu.memory_space<vmem>>[vector<16xi32>], vector<16xf32>,
        %add3A_672 = arith.constant 391 : i32
        %add3A_673 = vector.broadcast %add3A_672 : i32 to vector<16xi32>
        %add3A_674 = arith.addi %iota3A, %add3A_673 : vector<16xi32>
        tpu.vector_store_idx %arg9[%add3A_674], %get3A_570 : memref<544xf32, #tpu.memory_space<vmem>>[vector<16xi32>], vector<16xf32>,
        %add3A_675 = arith.constant 408 : i32
        %add3A_676 = vector.broadcast %add3A_675 : i32 to vector<16xi32>
        %add3A_677 = arith.addi %iota3A, %add3A_676 : vector<16xi32>
        tpu.vector_store_idx %arg9[%add3A_677], %get3A_574 : memref<544xf32, #tpu.memory_space<vmem>>[vector<16xi32>], vector<16xf32>,
        %add3A_678 = arith.constant 425 : i32
        %add3A_679 = vector.broadcast %add3A_678 : i32 to vector<16xi32>
        %add3A_680 = arith.addi %iota3A, %add3A_679 : vector<16xi32>
        tpu.vector_store_idx %arg9[%add3A_680], %get3A_578 : memref<544xf32, #tpu.memory_space<vmem>>[vector<16xi32>], vector<16xf32>,
        %add3A_681 = arith.constant 442 : i32
        %add3A_682 = vector.broadcast %add3A_681 : i32 to vector<16xi32>
        %add3A_683 = arith.addi %iota3A, %add3A_682 : vector<16xi32>
        tpu.vector_store_idx %arg9[%add3A_683], %get3A_582 : memref<544xf32, #tpu.memory_space<vmem>>[vector<16xi32>], vector<16xf32>,
        %add3A_684 = arith.constant 459 : i32
        %add3A_685 = vector.broadcast %add3A_684 : i32 to vector<16xi32>
        %add3A_686 = arith.addi %iota3A, %add3A_685 : vector<16xi32>
        tpu.vector_store_idx %arg9[%add3A_686], %get3A_586 : memref<544xf32, #tpu.memory_space<vmem>>[vector<16xi32>], vector<16xf32>,
        %add3A_687 = arith.constant 476 : i32
        %add3A_688 = vector.broadcast %add3A_687 : i32 to vector<16xi32>
        %add3A_689 = arith.addi %iota3A, %add3A_688 : vector<16xi32>
        tpu.vector_store_idx %arg9[%add3A_689], %get3A_590 : memref<544xf32, #tpu.memory_space<vmem>>[vector<16xi32>], vector<16xf32>,
        %add3A_690 = arith.constant 493 : i32
        %add3A_691 = vector.broadcast %add3A_690 : i32 to vector<16xi32>
        %add3A_692 = arith.addi %iota3A, %add3A_691 : vector<16xi32>
        tpu.vector_store_idx %arg9[%add3A_692], %get3A_594 : memref<544xf32, #tpu.memory_space<vmem>>[vector<16xi32>], vector<16xf32>,
        %add3A_693 = arith.constant 510 : i32
        %add3A_694 = vector.broadcast %add3A_693 : i32 to vector<16xi32>
        %add3A_695 = arith.addi %iota3A, %add3A_694 : vector<16xi32>
        tpu.vector_store_idx %arg9[%add3A_695], %get3A_598 : memref<544xf32, #tpu.memory_space<vmem>>[vector<16xi32>], vector<16xf32>,
        %add3A_696 = arith.constant 527 : i32
        %add3A_697 = vector.broadcast %add3A_696 : i32 to vector<16xi32>
        %add3A_698 = arith.addi %iota3A, %add3A_697 : vector<16xi32>
        tpu.vector_store_idx %arg9[%add3A_698], %get3A_602 : memref<544xf32, #tpu.memory_space<vmem>>[vector<16xi32>], vector<16xf32>,
        %add3A_699 = arith.constant 0 : i32
        %add3A_700 = vector.broadcast %add3A_699 : i32 to vector<16xi32>
        %add3A_701 = arith.addi %mul3A_3, %add3A_700 : vector<16xi32>
        %gather3A = tpu.vector_load_idx %arg9[%add3A_701] : memref<544xf32, #tpu.memory_space<vmem>>[vector<16xi32>], vector<16xf32>,
        %add3A_702 = arith.constant 272 : i32
        %add3A_703 = vector.broadcast %add3A_702 : i32 to vector<16xi32>
        %add3A_704 = arith.addi %mul3A_3, %add3A_703 : vector<16xi32>
        %gather3A_705 = tpu.vector_load_idx %arg9[%add3A_704] : memref<544xf32, #tpu.memory_space<vmem>>[vector<16xi32>], vector<16xf32>,
        %add3A_706 = arith.constant 1 : i32
        %add3A_707 = vector.broadcast %add3A_706 : i32 to vector<16xi32>
        %add3A_708 = arith.addi %mul3A_3, %add3A_707 : vector<16xi32>
        %gather3A_709 = tpu.vector_load_idx %arg9[%add3A_708] : memref<544xf32, #tpu.memory_space<vmem>>[vector<16xi32>], vector<16xf32>,
        %add3A_710 = arith.constant 273 : i32
        %add3A_711 = vector.broadcast %add3A_710 : i32 to vector<16xi32>
        %add3A_712 = arith.addi %mul3A_3, %add3A_711 : vector<16xi32>
        %gather3A_713 = tpu.vector_load_idx %arg9[%add3A_712] : memref<544xf32, #tpu.memory_space<vmem>>[vector<16xi32>], vector<16xf32>,
        %add3A_714 = arith.constant 2 : i32
        %add3A_715 = vector.broadcast %add3A_714 : i32 to vector<16xi32>
        %add3A_716 = arith.addi %mul3A_3, %add3A_715 : vector<16xi32>
        %gather3A_717 = tpu.vector_load_idx %arg9[%add3A_716] : memref<544xf32, #tpu.memory_space<vmem>>[vector<16xi32>], vector<16xf32>,
        %add3A_718 = arith.constant 274 : i32
        %add3A_719 = vector.broadcast %add3A_718 : i32 to vector<16xi32>
        %add3A_720 = arith.addi %mul3A_3, %add3A_719 : vector<16xi32>
        %gather3A_721 = tpu.vector_load_idx %arg9[%add3A_720] : memref<544xf32, #tpu.memory_space<vmem>>[vector<16xi32>], vector<16xf32>,
        %add3A_722 = arith.constant 3 : i32
        %add3A_723 = vector.broadcast %add3A_722 : i32 to vector<16xi32>
        %add3A_724 = arith.addi %mul3A_3, %add3A_723 : vector<16xi32>
        %gather3A_725 = tpu.vector_load_idx %arg9[%add3A_724] : memref<544xf32, #tpu.memory_space<vmem>>[vector<16xi32>], vector<16xf32>,
        %add3A_726 = arith.constant 275 : i32
        %add3A_727 = vector.broadcast %add3A_726 : i32 to vector<16xi32>
        %add3A_728 = arith.addi %mul3A_3, %add3A_727 : vector<16xi32>
        %gather3A_729 = tpu.vector_load_idx %arg9[%add3A_728] : memref<544xf32, #tpu.memory_space<vmem>>[vector<16xi32>], vector<16xf32>,
        %add3A_730 = arith.constant 4 : i32
        %add3A_731 = vector.broadcast %add3A_730 : i32 to vector<16xi32>
        %add3A_732 = arith.addi %mul3A_3, %add3A_731 : vector<16xi32>
        %gather3A_733 = tpu.vector_load_idx %arg9[%add3A_732] : memref<544xf32, #tpu.memory_space<vmem>>[vector<16xi32>], vector<16xf32>,
        %add3A_734 = arith.constant 276 : i32
        %add3A_735 = vector.broadcast %add3A_734 : i32 to vector<16xi32>
        %add3A_736 = arith.addi %mul3A_3, %add3A_735 : vector<16xi32>
        %gather3A_737 = tpu.vector_load_idx %arg9[%add3A_736] : memref<544xf32, #tpu.memory_space<vmem>>[vector<16xi32>], vector<16xf32>,
        %add3A_738 = arith.constant 5 : i32
        %add3A_739 = vector.broadcast %add3A_738 : i32 to vector<16xi32>
        %add3A_740 = arith.addi %mul3A_3, %add3A_739 : vector<16xi32>
        %gather3A_741 = tpu.vector_load_idx %arg9[%add3A_740] : memref<544xf32, #tpu.memory_space<vmem>>[vector<16xi32>], vector<16xf32>,
        %add3A_742 = arith.constant 277 : i32
        %add3A_743 = vector.broadcast %add3A_742 : i32 to vector<16xi32>
        %add3A_744 = arith.addi %mul3A_3, %add3A_743 : vector<16xi32>
        %gather3A_745 = tpu.vector_load_idx %arg9[%add3A_744] : memref<544xf32, #tpu.memory_space<vmem>>[vector<16xi32>], vector<16xf32>,
        %add3A_746 = arith.constant 6 : i32
        %add3A_747 = vector.broadcast %add3A_746 : i32 to vector<16xi32>
        %add3A_748 = arith.addi %mul3A_3, %add3A_747 : vector<16xi32>
        %gather3A_749 = tpu.vector_load_idx %arg9[%add3A_748] : memref<544xf32, #tpu.memory_space<vmem>>[vector<16xi32>], vector<16xf32>,
        %add3A_750 = arith.constant 278 : i32
        %add3A_751 = vector.broadcast %add3A_750 : i32 to vector<16xi32>
        %add3A_752 = arith.addi %mul3A_3, %add3A_751 : vector<16xi32>
        %gather3A_753 = tpu.vector_load_idx %arg9[%add3A_752] : memref<544xf32, #tpu.memory_space<vmem>>[vector<16xi32>], vector<16xf32>,
        %add3A_754 = arith.constant 7 : i32
        %add3A_755 = vector.broadcast %add3A_754 : i32 to vector<16xi32>
        %add3A_756 = arith.addi %mul3A_3, %add3A_755 : vector<16xi32>
        %gather3A_757 = tpu.vector_load_idx %arg9[%add3A_756] : memref<544xf32, #tpu.memory_space<vmem>>[vector<16xi32>], vector<16xf32>,
        %add3A_758 = arith.constant 279 : i32
        %add3A_759 = vector.broadcast %add3A_758 : i32 to vector<16xi32>
        %add3A_760 = arith.addi %mul3A_3, %add3A_759 : vector<16xi32>
        %gather3A_761 = tpu.vector_load_idx %arg9[%add3A_760] : memref<544xf32, #tpu.memory_space<vmem>>[vector<16xi32>], vector<16xf32>,
        %add3A_762 = arith.constant 8 : i32
        %add3A_763 = vector.broadcast %add3A_762 : i32 to vector<16xi32>
        %add3A_764 = arith.addi %mul3A_3, %add3A_763 : vector<16xi32>
        %gather3A_765 = tpu.vector_load_idx %arg9[%add3A_764] : memref<544xf32, #tpu.memory_space<vmem>>[vector<16xi32>], vector<16xf32>,
        %add3A_766 = arith.constant 280 : i32
        %add3A_767 = vector.broadcast %add3A_766 : i32 to vector<16xi32>
        %add3A_768 = arith.addi %mul3A_3, %add3A_767 : vector<16xi32>
        %gather3A_769 = tpu.vector_load_idx %arg9[%add3A_768] : memref<544xf32, #tpu.memory_space<vmem>>[vector<16xi32>], vector<16xf32>,
        %add3A_770 = arith.constant 9 : i32
        %add3A_771 = vector.broadcast %add3A_770 : i32 to vector<16xi32>
        %add3A_772 = arith.addi %mul3A_3, %add3A_771 : vector<16xi32>
        %gather3A_773 = tpu.vector_load_idx %arg9[%add3A_772] : memref<544xf32, #tpu.memory_space<vmem>>[vector<16xi32>], vector<16xf32>,
        %add3A_774 = arith.constant 281 : i32
        %add3A_775 = vector.broadcast %add3A_774 : i32 to vector<16xi32>
        %add3A_776 = arith.addi %mul3A_3, %add3A_775 : vector<16xi32>
        %gather3A_777 = tpu.vector_load_idx %arg9[%add3A_776] : memref<544xf32, #tpu.memory_space<vmem>>[vector<16xi32>], vector<16xf32>,
        %add3A_778 = arith.constant 10 : i32
        %add3A_779 = vector.broadcast %add3A_778 : i32 to vector<16xi32>
        %add3A_780 = arith.addi %mul3A_3, %add3A_779 : vector<16xi32>
        %gather3A_781 = tpu.vector_load_idx %arg9[%add3A_780] : memref<544xf32, #tpu.memory_space<vmem>>[vector<16xi32>], vector<16xf32>,
        %add3A_782 = arith.constant 282 : i32
        %add3A_783 = vector.broadcast %add3A_782 : i32 to vector<16xi32>
        %add3A_784 = arith.addi %mul3A_3, %add3A_783 : vector<16xi32>
        %gather3A_785 = tpu.vector_load_idx %arg9[%add3A_784] : memref<544xf32, #tpu.memory_space<vmem>>[vector<16xi32>], vector<16xf32>,
        %add3A_786 = arith.constant 11 : i32
        %add3A_787 = vector.broadcast %add3A_786 : i32 to vector<16xi32>
        %add3A_788 = arith.addi %mul3A_3, %add3A_787 : vector<16xi32>
        %gather3A_789 = tpu.vector_load_idx %arg9[%add3A_788] : memref<544xf32, #tpu.memory_space<vmem>>[vector<16xi32>], vector<16xf32>,
        %add3A_790 = arith.constant 283 : i32
        %add3A_791 = vector.broadcast %add3A_790 : i32 to vector<16xi32>
        %add3A_792 = arith.addi %mul3A_3, %add3A_791 : vector<16xi32>
        %gather3A_793 = tpu.vector_load_idx %arg9[%add3A_792] : memref<544xf32, #tpu.memory_space<vmem>>[vector<16xi32>], vector<16xf32>,
        %add3A_794 = arith.constant 12 : i32
        %add3A_795 = vector.broadcast %add3A_794 : i32 to vector<16xi32>
        %add3A_796 = arith.addi %mul3A_3, %add3A_795 : vector<16xi32>
        %gather3A_797 = tpu.vector_load_idx %arg9[%add3A_796] : memref<544xf32, #tpu.memory_space<vmem>>[vector<16xi32>], vector<16xf32>,
        %add3A_798 = arith.constant 284 : i32
        %add3A_799 = vector.broadcast %add3A_798 : i32 to vector<16xi32>
        %add3A_800 = arith.addi %mul3A_3, %add3A_799 : vector<16xi32>
        %gather3A_801 = tpu.vector_load_idx %arg9[%add3A_800] : memref<544xf32, #tpu.memory_space<vmem>>[vector<16xi32>], vector<16xf32>,
        %add3A_802 = arith.constant 13 : i32
        %add3A_803 = vector.broadcast %add3A_802 : i32 to vector<16xi32>
        %add3A_804 = arith.addi %mul3A_3, %add3A_803 : vector<16xi32>
        %gather3A_805 = tpu.vector_load_idx %arg9[%add3A_804] : memref<544xf32, #tpu.memory_space<vmem>>[vector<16xi32>], vector<16xf32>,
        %add3A_806 = arith.constant 285 : i32
        %add3A_807 = vector.broadcast %add3A_806 : i32 to vector<16xi32>
        %add3A_808 = arith.addi %mul3A_3, %add3A_807 : vector<16xi32>
        %gather3A_809 = tpu.vector_load_idx %arg9[%add3A_808] : memref<544xf32, #tpu.memory_space<vmem>>[vector<16xi32>], vector<16xf32>,
        %add3A_810 = arith.constant 14 : i32
        %add3A_811 = vector.broadcast %add3A_810 : i32 to vector<16xi32>
        %add3A_812 = arith.addi %mul3A_3, %add3A_811 : vector<16xi32>
        %gather3A_813 = tpu.vector_load_idx %arg9[%add3A_812] : memref<544xf32, #tpu.memory_space<vmem>>[vector<16xi32>], vector<16xf32>,
        %add3A_814 = arith.constant 286 : i32
        %add3A_815 = vector.broadcast %add3A_814 : i32 to vector<16xi32>
        %add3A_816 = arith.addi %mul3A_3, %add3A_815 : vector<16xi32>
        %gather3A_817 = tpu.vector_load_idx %arg9[%add3A_816] : memref<544xf32, #tpu.memory_space<vmem>>[vector<16xi32>], vector<16xf32>,
        %add3A_818 = arith.constant 15 : i32
        %add3A_819 = vector.broadcast %add3A_818 : i32 to vector<16xi32>
        %add3A_820 = arith.addi %mul3A_3, %add3A_819 : vector<16xi32>
        %gather3A_821 = tpu.vector_load_idx %arg9[%add3A_820] : memref<544xf32, #tpu.memory_space<vmem>>[vector<16xi32>], vector<16xf32>,
        %add3A_822 = arith.constant 287 : i32
        %add3A_823 = vector.broadcast %add3A_822 : i32 to vector<16xi32>
        %add3A_824 = arith.addi %mul3A_3, %add3A_823 : vector<16xi32>
        %gather3A_825 = tpu.vector_load_idx %arg9[%add3A_824] : memref<544xf32, #tpu.memory_space<vmem>>[vector<16xi32>], vector<16xf32>,
        %add3A_826 = arith.constant 0 : i32
        %add3A_827 = arith.addi %mul3A_475, %add3A_826 : i32
        %add3A_828 = arith.constant 0 : i32
        %add3A_829 = arith.addi %add3A_827, %add3A_828 : i32
        %multiple_of3A_830 = tpu.assume_multiple %add3A_829, 16 : i32
        %swap3A = arith.index_cast %multiple_of3A_830 : i32 to index
        %swap3A_831 = tpu.vector_load %arg7[%swap3A] {strides = array<i32>} : memref<16384xf32, #tpu.memory_space<vmem>>, vector<16xf32>,
        tpu.vector_store %arg7[%swap3A], %gather3A {strides = array<i32>} : memref<16384xf32, #tpu.memory_space<vmem>>, vector<16xf32>,
        %add3A_832 = arith.constant 0 : i32
        %add3A_833 = arith.addi %mul3A_475, %add3A_832 : i32
        %add3A_834 = arith.constant 16 : i32
        %add3A_835 = arith.addi %add3A_833, %add3A_834 : i32
        %multiple_of3A_836 = tpu.assume_multiple %add3A_835, 16 : i32
        %swap3A_837 = arith.index_cast %multiple_of3A_836 : i32 to index
        %swap3A_838 = tpu.vector_load %arg7[%swap3A_837] {strides = array<i32>} : memref<16384xf32, #tpu.memory_space<vmem>>, vector<16xf32>,
        tpu.vector_store %arg7[%swap3A_837], %gather3A_705 {strides = array<i32>} : memref<16384xf32, #tpu.memory_space<vmem>>, vector<16xf32>,
        %add3A_839 = arith.constant 32 : i32
        %add3A_840 = arith.addi %mul3A_475, %add3A_839 : i32
        %add3A_841 = arith.constant 0 : i32
        %add3A_842 = arith.addi %add3A_840, %add3A_841 : i32
        %multiple_of3A_843 = tpu.assume_multiple %add3A_842, 16 : i32
        %swap3A_844 = arith.index_cast %multiple_of3A_843 : i32 to index
        %swap3A_845 = tpu.vector_load %arg7[%swap3A_844] {strides = array<i32>} : memref<16384xf32, #tpu.memory_space<vmem>>, vector<16xf32>,
        tpu.vector_store %arg7[%swap3A_844], %gather3A_709 {strides = array<i32>} : memref<16384xf32, #tpu.memory_space<vmem>>, vector<16xf32>,
        %add3A_846 = arith.constant 32 : i32
        %add3A_847 = arith.addi %mul3A_475, %add3A_846 : i32
        %add3A_848 = arith.constant 16 : i32
        %add3A_849 = arith.addi %add3A_847, %add3A_848 : i32
        %multiple_of3A_850 = tpu.assume_multiple %add3A_849, 16 : i32
        %swap3A_851 = arith.index_cast %multiple_of3A_850 : i32 to index
        %swap3A_852 = tpu.vector_load %arg7[%swap3A_851] {strides = array<i32>} : memref<16384xf32, #tpu.memory_space<vmem>>, vector<16xf32>,
        tpu.vector_store %arg7[%swap3A_851], %gather3A_713 {strides = array<i32>} : memref<16384xf32, #tpu.memory_space<vmem>>, vector<16xf32>,
        %add3A_853 = arith.constant 64 : i32
        %add3A_854 = arith.addi %mul3A_475, %add3A_853 : i32
        %add3A_855 = arith.constant 0 : i32
        %add3A_856 = arith.addi %add3A_854, %add3A_855 : i32
        %multiple_of3A_857 = tpu.assume_multiple %add3A_856, 16 : i32
        %swap3A_858 = arith.index_cast %multiple_of3A_857 : i32 to index
        %swap3A_859 = tpu.vector_load %arg7[%swap3A_858] {strides = array<i32>} : memref<16384xf32, #tpu.memory_space<vmem>>, vector<16xf32>,
        tpu.vector_store %arg7[%swap3A_858], %gather3A_717 {strides = array<i32>} : memref<16384xf32, #tpu.memory_space<vmem>>, vector<16xf32>,
        %add3A_860 = arith.constant 64 : i32
        %add3A_861 = arith.addi %mul3A_475, %add3A_860 : i32
        %add3A_862 = arith.constant 16 : i32
        %add3A_863 = arith.addi %add3A_861, %add3A_862 : i32
        %multiple_of3A_864 = tpu.assume_multiple %add3A_863, 16 : i32
        %swap3A_865 = arith.index_cast %multiple_of3A_864 : i32 to index
        %swap3A_866 = tpu.vector_load %arg7[%swap3A_865] {strides = array<i32>} : memref<16384xf32, #tpu.memory_space<vmem>>, vector<16xf32>,
        tpu.vector_store %arg7[%swap3A_865], %gather3A_721 {strides = array<i32>} : memref<16384xf32, #tpu.memory_space<vmem>>, vector<16xf32>,
        %add3A_867 = arith.constant 96 : i32
        %add3A_868 = arith.addi %mul3A_475, %add3A_867 : i32
        %add3A_869 = arith.constant 0 : i32
        %add3A_870 = arith.addi %add3A_868, %add3A_869 : i32
        %multiple_of3A_871 = tpu.assume_multiple %add3A_870, 16 : i32
        %swap3A_872 = arith.index_cast %multiple_of3A_871 : i32 to index
        %swap3A_873 = tpu.vector_load %arg7[%swap3A_872] {strides = array<i32>} : memref<16384xf32, #tpu.memory_space<vmem>>, vector<16xf32>,
        tpu.vector_store %arg7[%swap3A_872], %gather3A_725 {strides = array<i32>} : memref<16384xf32, #tpu.memory_space<vmem>>, vector<16xf32>,
        %add3A_874 = arith.constant 96 : i32
        %add3A_875 = arith.addi %mul3A_475, %add3A_874 : i32
        %add3A_876 = arith.constant 16 : i32
        %add3A_877 = arith.addi %add3A_875, %add3A_876 : i32
        %multiple_of3A_878 = tpu.assume_multiple %add3A_877, 16 : i32
        %swap3A_879 = arith.index_cast %multiple_of3A_878 : i32 to index
        %swap3A_880 = tpu.vector_load %arg7[%swap3A_879] {strides = array<i32>} : memref<16384xf32, #tpu.memory_space<vmem>>, vector<16xf32>,
        tpu.vector_store %arg7[%swap3A_879], %gather3A_729 {strides = array<i32>} : memref<16384xf32, #tpu.memory_space<vmem>>, vector<16xf32>,
        %add3A_881 = arith.constant 128 : i32
        %add3A_882 = arith.addi %mul3A_475, %add3A_881 : i32
        %add3A_883 = arith.constant 0 : i32
        %add3A_884 = arith.addi %add3A_882, %add3A_883 : i32
        %multiple_of3A_885 = tpu.assume_multiple %add3A_884, 16 : i32
        %swap3A_886 = arith.index_cast %multiple_of3A_885 : i32 to index
        %swap3A_887 = tpu.vector_load %arg7[%swap3A_886] {strides = array<i32>} : memref<16384xf32, #tpu.memory_space<vmem>>, vector<16xf32>,
        tpu.vector_store %arg7[%swap3A_886], %gather3A_733 {strides = array<i32>} : memref<16384xf32, #tpu.memory_space<vmem>>, vector<16xf32>,
        %add3A_888 = arith.constant 128 : i32
        %add3A_889 = arith.addi %mul3A_475, %add3A_888 : i32
        %add3A_890 = arith.constant 16 : i32
        %add3A_891 = arith.addi %add3A_889, %add3A_890 : i32
        %multiple_of3A_892 = tpu.assume_multiple %add3A_891, 16 : i32
        %swap3A_893 = arith.index_cast %multiple_of3A_892 : i32 to index
        %swap3A_894 = tpu.vector_load %arg7[%swap3A_893] {strides = array<i32>} : memref<16384xf32, #tpu.memory_space<vmem>>, vector<16xf32>,
        tpu.vector_store %arg7[%swap3A_893], %gather3A_737 {strides = array<i32>} : memref<16384xf32, #tpu.memory_space<vmem>>, vector<16xf32>,
        %add3A_895 = arith.constant 160 : i32
        %add3A_896 = arith.addi %mul3A_475, %add3A_895 : i32
        %add3A_897 = arith.constant 0 : i32
        %add3A_898 = arith.addi %add3A_896, %add3A_897 : i32
        %multiple_of3A_899 = tpu.assume_multiple %add3A_898, 16 : i32
        %swap3A_900 = arith.index_cast %multiple_of3A_899 : i32 to index
        %swap3A_901 = tpu.vector_load %arg7[%swap3A_900] {strides = array<i32>} : memref<16384xf32, #tpu.memory_space<vmem>>, vector<16xf32>,
        tpu.vector_store %arg7[%swap3A_900], %gather3A_741 {strides = array<i32>} : memref<16384xf32, #tpu.memory_space<vmem>>, vector<16xf32>,
        %add3A_902 = arith.constant 160 : i32
        %add3A_903 = arith.addi %mul3A_475, %add3A_902 : i32
        %add3A_904 = arith.constant 16 : i32
        %add3A_905 = arith.addi %add3A_903, %add3A_904 : i32
        %multiple_of3A_906 = tpu.assume_multiple %add3A_905, 16 : i32
        %swap3A_907 = arith.index_cast %multiple_of3A_906 : i32 to index
        %swap3A_908 = tpu.vector_load %arg7[%swap3A_907] {strides = array<i32>} : memref<16384xf32, #tpu.memory_space<vmem>>, vector<16xf32>,
        tpu.vector_store %arg7[%swap3A_907], %gather3A_745 {strides = array<i32>} : memref<16384xf32, #tpu.memory_space<vmem>>, vector<16xf32>,
        %add3A_909 = arith.constant 192 : i32
        %add3A_910 = arith.addi %mul3A_475, %add3A_909 : i32
        %add3A_911 = arith.constant 0 : i32
        %add3A_912 = arith.addi %add3A_910, %add3A_911 : i32
        %multiple_of3A_913 = tpu.assume_multiple %add3A_912, 16 : i32
        %swap3A_914 = arith.index_cast %multiple_of3A_913 : i32 to index
        %swap3A_915 = tpu.vector_load %arg7[%swap3A_914] {strides = array<i32>} : memref<16384xf32, #tpu.memory_space<vmem>>, vector<16xf32>,
        tpu.vector_store %arg7[%swap3A_914], %gather3A_749 {strides = array<i32>} : memref<16384xf32, #tpu.memory_space<vmem>>, vector<16xf32>,
        %add3A_916 = arith.constant 192 : i32
        %add3A_917 = arith.addi %mul3A_475, %add3A_916 : i32
        %add3A_918 = arith.constant 16 : i32
        %add3A_919 = arith.addi %add3A_917, %add3A_918 : i32
        %multiple_of3A_920 = tpu.assume_multiple %add3A_919, 16 : i32
        %swap3A_921 = arith.index_cast %multiple_of3A_920 : i32 to index
        %swap3A_922 = tpu.vector_load %arg7[%swap3A_921] {strides = array<i32>} : memref<16384xf32, #tpu.memory_space<vmem>>, vector<16xf32>,
        tpu.vector_store %arg7[%swap3A_921], %gather3A_753 {strides = array<i32>} : memref<16384xf32, #tpu.memory_space<vmem>>, vector<16xf32>,
        %add3A_923 = arith.constant 224 : i32
        %add3A_924 = arith.addi %mul3A_475, %add3A_923 : i32
        %add3A_925 = arith.constant 0 : i32
        %add3A_926 = arith.addi %add3A_924, %add3A_925 : i32
        %multiple_of3A_927 = tpu.assume_multiple %add3A_926, 16 : i32
        %swap3A_928 = arith.index_cast %multiple_of3A_927 : i32 to index
        %swap3A_929 = tpu.vector_load %arg7[%swap3A_928] {strides = array<i32>} : memref<16384xf32, #tpu.memory_space<vmem>>, vector<16xf32>,
        tpu.vector_store %arg7[%swap3A_928], %gather3A_757 {strides = array<i32>} : memref<16384xf32, #tpu.memory_space<vmem>>, vector<16xf32>,
        %add3A_930 = arith.constant 224 : i32
        %add3A_931 = arith.addi %mul3A_475, %add3A_930 : i32
        %add3A_932 = arith.constant 16 : i32
        %add3A_933 = arith.addi %add3A_931, %add3A_932 : i32
        %multiple_of3A_934 = tpu.assume_multiple %add3A_933, 16 : i32
        %swap3A_935 = arith.index_cast %multiple_of3A_934 : i32 to index
        %swap3A_936 = tpu.vector_load %arg7[%swap3A_935] {strides = array<i32>} : memref<16384xf32, #tpu.memory_space<vmem>>, vector<16xf32>,
        tpu.vector_store %arg7[%swap3A_935], %gather3A_761 {strides = array<i32>} : memref<16384xf32, #tpu.memory_space<vmem>>, vector<16xf32>,
        %add3A_937 = arith.constant 256 : i32
        %add3A_938 = arith.addi %mul3A_475, %add3A_937 : i32
        %add3A_939 = arith.constant 0 : i32
        %add3A_940 = arith.addi %add3A_938, %add3A_939 : i32
        %multiple_of3A_941 = tpu.assume_multiple %add3A_940, 16 : i32
        %swap3A_942 = arith.index_cast %multiple_of3A_941 : i32 to index
        %swap3A_943 = tpu.vector_load %arg7[%swap3A_942] {strides = array<i32>} : memref<16384xf32, #tpu.memory_space<vmem>>, vector<16xf32>,
        tpu.vector_store %arg7[%swap3A_942], %gather3A_765 {strides = array<i32>} : memref<16384xf32, #tpu.memory_space<vmem>>, vector<16xf32>,
        %add3A_944 = arith.constant 256 : i32
        %add3A_945 = arith.addi %mul3A_475, %add3A_944 : i32
        %add3A_946 = arith.constant 16 : i32
        %add3A_947 = arith.addi %add3A_945, %add3A_946 : i32
        %multiple_of3A_948 = tpu.assume_multiple %add3A_947, 16 : i32
        %swap3A_949 = arith.index_cast %multiple_of3A_948 : i32 to index
        %swap3A_950 = tpu.vector_load %arg7[%swap3A_949] {strides = array<i32>} : memref<16384xf32, #tpu.memory_space<vmem>>, vector<16xf32>,
        tpu.vector_store %arg7[%swap3A_949], %gather3A_769 {strides = array<i32>} : memref<16384xf32, #tpu.memory_space<vmem>>, vector<16xf32>,
        %add3A_951 = arith.constant 288 : i32
        %add3A_952 = arith.addi %mul3A_475, %add3A_951 : i32
        %add3A_953 = arith.constant 0 : i32
        %add3A_954 = arith.addi %add3A_952, %add3A_953 : i32
        %multiple_of3A_955 = tpu.assume_multiple %add3A_954, 16 : i32
        %swap3A_956 = arith.index_cast %multiple_of3A_955 : i32 to index
        %swap3A_957 = tpu.vector_load %arg7[%swap3A_956] {strides = array<i32>} : memref<16384xf32, #tpu.memory_space<vmem>>, vector<16xf32>,
        tpu.vector_store %arg7[%swap3A_956], %gather3A_773 {strides = array<i32>} : memref<16384xf32, #tpu.memory_space<vmem>>, vector<16xf32>,
        %add3A_958 = arith.constant 288 : i32
        %add3A_959 = arith.addi %mul3A_475, %add3A_958 : i32
        %add3A_960 = arith.constant 16 : i32
        %add3A_961 = arith.addi %add3A_959, %add3A_960 : i32
        %multiple_of3A_962 = tpu.assume_multiple %add3A_961, 16 : i32
        %swap3A_963 = arith.index_cast %multiple_of3A_962 : i32 to index
        %swap3A_964 = tpu.vector_load %arg7[%swap3A_963] {strides = array<i32>} : memref<16384xf32, #tpu.memory_space<vmem>>, vector<16xf32>,
        tpu.vector_store %arg7[%swap3A_963], %gather3A_777 {strides = array<i32>} : memref<16384xf32, #tpu.memory_space<vmem>>, vector<16xf32>,
        %add3A_965 = arith.constant 320 : i32
        %add3A_966 = arith.addi %mul3A_475, %add3A_965 : i32
        %add3A_967 = arith.constant 0 : i32
        %add3A_968 = arith.addi %add3A_966, %add3A_967 : i32
        %multiple_of3A_969 = tpu.assume_multiple %add3A_968, 16 : i32
        %swap3A_970 = arith.index_cast %multiple_of3A_969 : i32 to index
        %swap3A_971 = tpu.vector_load %arg7[%swap3A_970] {strides = array<i32>} : memref<16384xf32, #tpu.memory_space<vmem>>, vector<16xf32>,
        tpu.vector_store %arg7[%swap3A_970], %gather3A_781 {strides = array<i32>} : memref<16384xf32, #tpu.memory_space<vmem>>, vector<16xf32>,
        %add3A_972 = arith.constant 320 : i32
        %add3A_973 = arith.addi %mul3A_475, %add3A_972 : i32
        %add3A_974 = arith.constant 16 : i32
        %add3A_975 = arith.addi %add3A_973, %add3A_974 : i32
        %multiple_of3A_976 = tpu.assume_multiple %add3A_975, 16 : i32
        %swap3A_977 = arith.index_cast %multiple_of3A_976 : i32 to index
        %swap3A_978 = tpu.vector_load %arg7[%swap3A_977] {strides = array<i32>} : memref<16384xf32, #tpu.memory_space<vmem>>, vector<16xf32>,
        tpu.vector_store %arg7[%swap3A_977], %gather3A_785 {strides = array<i32>} : memref<16384xf32, #tpu.memory_space<vmem>>, vector<16xf32>,
        %add3A_979 = arith.constant 352 : i32
        %add3A_980 = arith.addi %mul3A_475, %add3A_979 : i32
        %add3A_981 = arith.constant 0 : i32
        %add3A_982 = arith.addi %add3A_980, %add3A_981 : i32
        %multiple_of3A_983 = tpu.assume_multiple %add3A_982, 16 : i32
        %swap3A_984 = arith.index_cast %multiple_of3A_983 : i32 to index
        %swap3A_985 = tpu.vector_load %arg7[%swap3A_984] {strides = array<i32>} : memref<16384xf32, #tpu.memory_space<vmem>>, vector<16xf32>,
        tpu.vector_store %arg7[%swap3A_984], %gather3A_789 {strides = array<i32>} : memref<16384xf32, #tpu.memory_space<vmem>>, vector<16xf32>,
        %add3A_986 = arith.constant 352 : i32
        %add3A_987 = arith.addi %mul3A_475, %add3A_986 : i32
        %add3A_988 = arith.constant 16 : i32
        %add3A_989 = arith.addi %add3A_987, %add3A_988 : i32
        %multiple_of3A_990 = tpu.assume_multiple %add3A_989, 16 : i32
        %swap3A_991 = arith.index_cast %multiple_of3A_990 : i32 to index
        %swap3A_992 = tpu.vector_load %arg7[%swap3A_991] {strides = array<i32>} : memref<16384xf32, #tpu.memory_space<vmem>>, vector<16xf32>,
        tpu.vector_store %arg7[%swap3A_991], %gather3A_793 {strides = array<i32>} : memref<16384xf32, #tpu.memory_space<vmem>>, vector<16xf32>,
        %add3A_993 = arith.constant 384 : i32
        %add3A_994 = arith.addi %mul3A_475, %add3A_993 : i32
        %add3A_995 = arith.constant 0 : i32
        %add3A_996 = arith.addi %add3A_994, %add3A_995 : i32
        %multiple_of3A_997 = tpu.assume_multiple %add3A_996, 16 : i32
        %swap3A_998 = arith.index_cast %multiple_of3A_997 : i32 to index
        %swap3A_999 = tpu.vector_load %arg7[%swap3A_998] {strides = array<i32>} : memref<16384xf32, #tpu.memory_space<vmem>>, vector<16xf32>,
        tpu.vector_store %arg7[%swap3A_998], %gather3A_797 {strides = array<i32>} : memref<16384xf32, #tpu.memory_space<vmem>>, vector<16xf32>,
        %add3A_1000 = arith.constant 384 : i32
        %add3A_1001 = arith.addi %mul3A_475, %add3A_1000 : i32
        %add3A_1002 = arith.constant 16 : i32
        %add3A_1003 = arith.addi %add3A_1001, %add3A_1002 : i32
        %multiple_of3A_1004 = tpu.assume_multiple %add3A_1003, 16 : i32
        %swap3A_1005 = arith.index_cast %multiple_of3A_1004 : i32 to index
        %swap3A_1006 = tpu.vector_load %arg7[%swap3A_1005] {strides = array<i32>} : memref<16384xf32, #tpu.memory_space<vmem>>, vector<16xf32>,
        tpu.vector_store %arg7[%swap3A_1005], %gather3A_801 {strides = array<i32>} : memref<16384xf32, #tpu.memory_space<vmem>>, vector<16xf32>,
        %add3A_1007 = arith.constant 416 : i32
        %add3A_1008 = arith.addi %mul3A_475, %add3A_1007 : i32
        %add3A_1009 = arith.constant 0 : i32
        %add3A_1010 = arith.addi %add3A_1008, %add3A_1009 : i32
        %multiple_of3A_1011 = tpu.assume_multiple %add3A_1010, 16 : i32
        %swap3A_1012 = arith.index_cast %multiple_of3A_1011 : i32 to index
        %swap3A_1013 = tpu.vector_load %arg7[%swap3A_1012] {strides = array<i32>} : memref<16384xf32, #tpu.memory_space<vmem>>, vector<16xf32>,
        tpu.vector_store %arg7[%swap3A_1012], %gather3A_805 {strides = array<i32>} : memref<16384xf32, #tpu.memory_space<vmem>>, vector<16xf32>,
        %add3A_1014 = arith.constant 416 : i32
        %add3A_1015 = arith.addi %mul3A_475, %add3A_1014 : i32
        %add3A_1016 = arith.constant 16 : i32
        %add3A_1017 = arith.addi %add3A_1015, %add3A_1016 : i32
        %multiple_of3A_1018 = tpu.assume_multiple %add3A_1017, 16 : i32
        %swap3A_1019 = arith.index_cast %multiple_of3A_1018 : i32 to index
        %swap3A_1020 = tpu.vector_load %arg7[%swap3A_1019] {strides = array<i32>} : memref<16384xf32, #tpu.memory_space<vmem>>, vector<16xf32>,
        tpu.vector_store %arg7[%swap3A_1019], %gather3A_809 {strides = array<i32>} : memref<16384xf32, #tpu.memory_space<vmem>>, vector<16xf32>,
        %add3A_1021 = arith.constant 448 : i32
        %add3A_1022 = arith.addi %mul3A_475, %add3A_1021 : i32
        %add3A_1023 = arith.constant 0 : i32
        %add3A_1024 = arith.addi %add3A_1022, %add3A_1023 : i32
        %multiple_of3A_1025 = tpu.assume_multiple %add3A_1024, 16 : i32
        %swap3A_1026 = arith.index_cast %multiple_of3A_1025 : i32 to index
        %swap3A_1027 = tpu.vector_load %arg7[%swap3A_1026] {strides = array<i32>} : memref<16384xf32, #tpu.memory_space<vmem>>, vector<16xf32>,
        tpu.vector_store %arg7[%swap3A_1026], %gather3A_813 {strides = array<i32>} : memref<16384xf32, #tpu.memory_space<vmem>>, vector<16xf32>,
        %add3A_1028 = arith.constant 448 : i32
        %add3A_1029 = arith.addi %mul3A_475, %add3A_1028 : i32
        %add3A_1030 = arith.constant 16 : i32
        %add3A_1031 = arith.addi %add3A_1029, %add3A_1030 : i32
        %multiple_of3A_1032 = tpu.assume_multiple %add3A_1031, 16 : i32
        %swap3A_1033 = arith.index_cast %multiple_of3A_1032 : i32 to index
        %swap3A_1034 = tpu.vector_load %arg7[%swap3A_1033] {strides = array<i32>} : memref<16384xf32, #tpu.memory_space<vmem>>, vector<16xf32>,
        tpu.vector_store %arg7[%swap3A_1033], %gather3A_817 {strides = array<i32>} : memref<16384xf32, #tpu.memory_space<vmem>>, vector<16xf32>,
        %add3A_1035 = arith.constant 480 : i32
        %add3A_1036 = arith.addi %mul3A_475, %add3A_1035 : i32
        %add3A_1037 = arith.constant 0 : i32
        %add3A_1038 = arith.addi %add3A_1036, %add3A_1037 : i32
        %multiple_of3A_1039 = tpu.assume_multiple %add3A_1038, 16 : i32
        %swap3A_1040 = arith.index_cast %multiple_of3A_1039 : i32 to index
        %swap3A_1041 = tpu.vector_load %arg7[%swap3A_1040] {strides = array<i32>} : memref<16384xf32, #tpu.memory_space<vmem>>, vector<16xf32>,
        tpu.vector_store %arg7[%swap3A_1040], %gather3A_821 {strides = array<i32>} : memref<16384xf32, #tpu.memory_space<vmem>>, vector<16xf32>,
        %add3A_1042 = arith.constant 480 : i32
        %add3A_1043 = arith.addi %mul3A_475, %add3A_1042 : i32
        %add3A_1044 = arith.constant 16 : i32
        %add3A_1045 = arith.addi %add3A_1043, %add3A_1044 : i32
        %multiple_of3A_1046 = tpu.assume_multiple %add3A_1045, 16 : i32
        %swap3A_1047 = arith.index_cast %multiple_of3A_1046 : i32 to index
        %swap3A_1048 = tpu.vector_load %arg7[%swap3A_1047] {strides = array<i32>} : memref<16384xf32, #tpu.memory_space<vmem>>, vector<16xf32>,
        tpu.vector_store %arg7[%swap3A_1047], %gather3A_825 {strides = array<i32>} : memref<16384xf32, #tpu.memory_space<vmem>>, vector<16xf32>,
        %mul3A_1049 = arith.constant 2 : i32
        %mul3A_1050 = arith.muli %scan3A_467, %mul3A_1049 : i32
        %add3A_1051 = arith.constant 1 : i32
        %add3A_1052 = arith.addi %mul3A_1050, %add3A_1051 : i32
        %mul3A_1053 = arith.constant 16 : i32
        %mul3A_1054 = arith.muli %add3A_1052, %mul3A_1053 : i32
        %multiple_of3A_1055 = tpu.assume_multiple %mul3A_1054, 16 : i32
        %mul3A_1056 = arith.constant 512 : i32
        %mul3A_1057 = arith.muli %add3A_1052, %mul3A_1056 : i32
        %get3A_1058 = arith.constant 0 : i32
        %get3A_1059 = arith.index_cast %get3A_1058 : i32 to index
        %get3A_1060 = arith.index_cast %multiple_of3A_1055 : i32 to index
        %get3A_1061 = tpu.vector_load %arg5[%get3A_1059, %get3A_1060] {strides = array<i32>} : memref<32x512xf32, #tpu.memory_space<vmem>>, vector<16xf32>,
        %get3A_1062 = arith.constant 1 : i32
        %get3A_1063 = arith.index_cast %get3A_1062 : i32 to index
        %get3A_1064 = arith.index_cast %multiple_of3A_1055 : i32 to index
        %get3A_1065 = tpu.vector_load %arg5[%get3A_1063, %get3A_1064] {strides = array<i32>} : memref<32x512xf32, #tpu.memory_space<vmem>>, vector<16xf32>,
        %get3A_1066 = arith.constant 2 : i32
        %get3A_1067 = arith.index_cast %get3A_1066 : i32 to index
        %get3A_1068 = arith.index_cast %multiple_of3A_1055 : i32 to index
        %get3A_1069 = tpu.vector_load %arg5[%get3A_1067, %get3A_1068] {strides = array<i32>} : memref<32x512xf32, #tpu.memory_space<vmem>>, vector<16xf32>,
        %get3A_1070 = arith.constant 3 : i32
        %get3A_1071 = arith.index_cast %get3A_1070 : i32 to index
        %get3A_1072 = arith.index_cast %multiple_of3A_1055 : i32 to index
        %get3A_1073 = tpu.vector_load %arg5[%get3A_1071, %get3A_1072] {strides = array<i32>} : memref<32x512xf32, #tpu.memory_space<vmem>>, vector<16xf32>,
        %get3A_1074 = arith.constant 4 : i32
        %get3A_1075 = arith.index_cast %get3A_1074 : i32 to index
        %get3A_1076 = arith.index_cast %multiple_of3A_1055 : i32 to index
        %get3A_1077 = tpu.vector_load %arg5[%get3A_1075, %get3A_1076] {strides = array<i32>} : memref<32x512xf32, #tpu.memory_space<vmem>>, vector<16xf32>,
        %get3A_1078 = arith.constant 5 : i32
        %get3A_1079 = arith.index_cast %get3A_1078 : i32 to index
        %get3A_1080 = arith.index_cast %multiple_of3A_1055 : i32 to index
        %get3A_1081 = tpu.vector_load %arg5[%get3A_1079, %get3A_1080] {strides = array<i32>} : memref<32x512xf32, #tpu.memory_space<vmem>>, vector<16xf32>,
        %get3A_1082 = arith.constant 6 : i32
        %get3A_1083 = arith.index_cast %get3A_1082 : i32 to index
        %get3A_1084 = arith.index_cast %multiple_of3A_1055 : i32 to index
        %get3A_1085 = tpu.vector_load %arg5[%get3A_1083, %get3A_1084] {strides = array<i32>} : memref<32x512xf32, #tpu.memory_space<vmem>>, vector<16xf32>,
        %get3A_1086 = arith.constant 7 : i32
        %get3A_1087 = arith.index_cast %get3A_1086 : i32 to index
        %get3A_1088 = arith.index_cast %multiple_of3A_1055 : i32 to index
        %get3A_1089 = tpu.vector_load %arg5[%get3A_1087, %get3A_1088] {strides = array<i32>} : memref<32x512xf32, #tpu.memory_space<vmem>>, vector<16xf32>,
        %get3A_1090 = arith.constant 8 : i32
        %get3A_1091 = arith.index_cast %get3A_1090 : i32 to index
        %get3A_1092 = arith.index_cast %multiple_of3A_1055 : i32 to index
        %get3A_1093 = tpu.vector_load %arg5[%get3A_1091, %get3A_1092] {strides = array<i32>} : memref<32x512xf32, #tpu.memory_space<vmem>>, vector<16xf32>,
        %get3A_1094 = arith.constant 9 : i32
        %get3A_1095 = arith.index_cast %get3A_1094 : i32 to index
        %get3A_1096 = arith.index_cast %multiple_of3A_1055 : i32 to index
        %get3A_1097 = tpu.vector_load %arg5[%get3A_1095, %get3A_1096] {strides = array<i32>} : memref<32x512xf32, #tpu.memory_space<vmem>>, vector<16xf32>,
        %get3A_1098 = arith.constant 10 : i32
        %get3A_1099 = arith.index_cast %get3A_1098 : i32 to index
        %get3A_1100 = arith.index_cast %multiple_of3A_1055 : i32 to index
        %get3A_1101 = tpu.vector_load %arg5[%get3A_1099, %get3A_1100] {strides = array<i32>} : memref<32x512xf32, #tpu.memory_space<vmem>>, vector<16xf32>,
        %get3A_1102 = arith.constant 11 : i32
        %get3A_1103 = arith.index_cast %get3A_1102 : i32 to index
        %get3A_1104 = arith.index_cast %multiple_of3A_1055 : i32 to index
        %get3A_1105 = tpu.vector_load %arg5[%get3A_1103, %get3A_1104] {strides = array<i32>} : memref<32x512xf32, #tpu.memory_space<vmem>>, vector<16xf32>,
        %get3A_1106 = arith.constant 12 : i32
        %get3A_1107 = arith.index_cast %get3A_1106 : i32 to index
        %get3A_1108 = arith.index_cast %multiple_of3A_1055 : i32 to index
        %get3A_1109 = tpu.vector_load %arg5[%get3A_1107, %get3A_1108] {strides = array<i32>} : memref<32x512xf32, #tpu.memory_space<vmem>>, vector<16xf32>,
        %get3A_1110 = arith.constant 13 : i32
        %get3A_1111 = arith.index_cast %get3A_1110 : i32 to index
        %get3A_1112 = arith.index_cast %multiple_of3A_1055 : i32 to index
        %get3A_1113 = tpu.vector_load %arg5[%get3A_1111, %get3A_1112] {strides = array<i32>} : memref<32x512xf32, #tpu.memory_space<vmem>>, vector<16xf32>,
        %get3A_1114 = arith.constant 14 : i32
        %get3A_1115 = arith.index_cast %get3A_1114 : i32 to index
        %get3A_1116 = arith.index_cast %multiple_of3A_1055 : i32 to index
        %get3A_1117 = tpu.vector_load %arg5[%get3A_1115, %get3A_1116] {strides = array<i32>} : memref<32x512xf32, #tpu.memory_space<vmem>>, vector<16xf32>,
        %get3A_1118 = arith.constant 15 : i32
        %get3A_1119 = arith.index_cast %get3A_1118 : i32 to index
        %get3A_1120 = arith.index_cast %multiple_of3A_1055 : i32 to index
        %get3A_1121 = tpu.vector_load %arg5[%get3A_1119, %get3A_1120] {strides = array<i32>} : memref<32x512xf32, #tpu.memory_space<vmem>>, vector<16xf32>,
        %get3A_1122 = arith.constant 16 : i32
        %get3A_1123 = arith.index_cast %get3A_1122 : i32 to index
        %get3A_1124 = arith.index_cast %multiple_of3A_1055 : i32 to index
        %get3A_1125 = tpu.vector_load %arg5[%get3A_1123, %get3A_1124] {strides = array<i32>} : memref<32x512xf32, #tpu.memory_space<vmem>>, vector<16xf32>,
        %get3A_1126 = arith.constant 17 : i32
        %get3A_1127 = arith.index_cast %get3A_1126 : i32 to index
        %get3A_1128 = arith.index_cast %multiple_of3A_1055 : i32 to index
        %get3A_1129 = tpu.vector_load %arg5[%get3A_1127, %get3A_1128] {strides = array<i32>} : memref<32x512xf32, #tpu.memory_space<vmem>>, vector<16xf32>,
        %get3A_1130 = arith.constant 18 : i32
        %get3A_1131 = arith.index_cast %get3A_1130 : i32 to index
        %get3A_1132 = arith.index_cast %multiple_of3A_1055 : i32 to index
        %get3A_1133 = tpu.vector_load %arg5[%get3A_1131, %get3A_1132] {strides = array<i32>} : memref<32x512xf32, #tpu.memory_space<vmem>>, vector<16xf32>,
        %get3A_1134 = arith.constant 19 : i32
        %get3A_1135 = arith.index_cast %get3A_1134 : i32 to index
        %get3A_1136 = arith.index_cast %multiple_of3A_1055 : i32 to index
        %get3A_1137 = tpu.vector_load %arg5[%get3A_1135, %get3A_1136] {strides = array<i32>} : memref<32x512xf32, #tpu.memory_space<vmem>>, vector<16xf32>,
        %get3A_1138 = arith.constant 20 : i32
        %get3A_1139 = arith.index_cast %get3A_1138 : i32 to index
        %get3A_1140 = arith.index_cast %multiple_of3A_1055 : i32 to index
        %get3A_1141 = tpu.vector_load %arg5[%get3A_1139, %get3A_1140] {strides = array<i32>} : memref<32x512xf32, #tpu.memory_space<vmem>>, vector<16xf32>,
        %get3A_1142 = arith.constant 21 : i32
        %get3A_1143 = arith.index_cast %get3A_1142 : i32 to index
        %get3A_1144 = arith.index_cast %multiple_of3A_1055 : i32 to index
        %get3A_1145 = tpu.vector_load %arg5[%get3A_1143, %get3A_1144] {strides = array<i32>} : memref<32x512xf32, #tpu.memory_space<vmem>>, vector<16xf32>,
        %get3A_1146 = arith.constant 22 : i32
        %get3A_1147 = arith.index_cast %get3A_1146 : i32 to index
        %get3A_1148 = arith.index_cast %multiple_of3A_1055 : i32 to index
        %get3A_1149 = tpu.vector_load %arg5[%get3A_1147, %get3A_1148] {strides = array<i32>} : memref<32x512xf32, #tpu.memory_space<vmem>>, vector<16xf32>,
        %get3A_1150 = arith.constant 23 : i32
        %get3A_1151 = arith.index_cast %get3A_1150 : i32 to index
        %get3A_1152 = arith.index_cast %multiple_of3A_1055 : i32 to index
        %get3A_1153 = tpu.vector_load %arg5[%get3A_1151, %get3A_1152] {strides = array<i32>} : memref<32x512xf32, #tpu.memory_space<vmem>>, vector<16xf32>,
        %get3A_1154 = arith.constant 24 : i32
        %get3A_1155 = arith.index_cast %get3A_1154 : i32 to index
        %get3A_1156 = arith.index_cast %multiple_of3A_1055 : i32 to index
        %get3A_1157 = tpu.vector_load %arg5[%get3A_1155, %get3A_1156] {strides = array<i32>} : memref<32x512xf32, #tpu.memory_space<vmem>>, vector<16xf32>,
        %get3A_1158 = arith.constant 25 : i32
        %get3A_1159 = arith.index_cast %get3A_1158 : i32 to index
        %get3A_1160 = arith.index_cast %multiple_of3A_1055 : i32 to index
        %get3A_1161 = tpu.vector_load %arg5[%get3A_1159, %get3A_1160] {strides = array<i32>} : memref<32x512xf32, #tpu.memory_space<vmem>>, vector<16xf32>,
        %get3A_1162 = arith.constant 26 : i32
        %get3A_1163 = arith.index_cast %get3A_1162 : i32 to index
        %get3A_1164 = arith.index_cast %multiple_of3A_1055 : i32 to index
        %get3A_1165 = tpu.vector_load %arg5[%get3A_1163, %get3A_1164] {strides = array<i32>} : memref<32x512xf32, #tpu.memory_space<vmem>>, vector<16xf32>,
        %get3A_1166 = arith.constant 27 : i32
        %get3A_1167 = arith.index_cast %get3A_1166 : i32 to index
        %get3A_1168 = arith.index_cast %multiple_of3A_1055 : i32 to index
        %get3A_1169 = tpu.vector_load %arg5[%get3A_1167, %get3A_1168] {strides = array<i32>} : memref<32x512xf32, #tpu.memory_space<vmem>>, vector<16xf32>,
        %get3A_1170 = arith.constant 28 : i32
        %get3A_1171 = arith.index_cast %get3A_1170 : i32 to index
        %get3A_1172 = arith.index_cast %multiple_of3A_1055 : i32 to index
        %get3A_1173 = tpu.vector_load %arg5[%get3A_1171, %get3A_1172] {strides = array<i32>} : memref<32x512xf32, #tpu.memory_space<vmem>>, vector<16xf32>,
        %get3A_1174 = arith.constant 29 : i32
        %get3A_1175 = arith.index_cast %get3A_1174 : i32 to index
        %get3A_1176 = arith.index_cast %multiple_of3A_1055 : i32 to index
        %get3A_1177 = tpu.vector_load %arg5[%get3A_1175, %get3A_1176] {strides = array<i32>} : memref<32x512xf32, #tpu.memory_space<vmem>>, vector<16xf32>,
        %get3A_1178 = arith.constant 30 : i32
        %get3A_1179 = arith.index_cast %get3A_1178 : i32 to index
        %get3A_1180 = arith.index_cast %multiple_of3A_1055 : i32 to index
        %get3A_1181 = tpu.vector_load %arg5[%get3A_1179, %get3A_1180] {strides = array<i32>} : memref<32x512xf32, #tpu.memory_space<vmem>>, vector<16xf32>,
        %get3A_1182 = arith.constant 31 : i32
        %get3A_1183 = arith.index_cast %get3A_1182 : i32 to index
        %get3A_1184 = arith.index_cast %multiple_of3A_1055 : i32 to index
        %get3A_1185 = tpu.vector_load %arg5[%get3A_1183, %get3A_1184] {strides = array<i32>} : memref<32x512xf32, #tpu.memory_space<vmem>>, vector<16xf32>,
        %add3A_1186 = arith.constant 0 : i32
        %add3A_1187 = vector.broadcast %add3A_1186 : i32 to vector<16xi32>
        %add3A_1188 = arith.addi %iota3A, %add3A_1187 : vector<16xi32>
        tpu.vector_store_idx %arg10[%add3A_1188], %get3A_1061 : memref<544xf32, #tpu.memory_space<vmem>>[vector<16xi32>], vector<16xf32>,
        %add3A_1189 = arith.constant 17 : i32
        %add3A_1190 = vector.broadcast %add3A_1189 : i32 to vector<16xi32>
        %add3A_1191 = arith.addi %iota3A, %add3A_1190 : vector<16xi32>
        tpu.vector_store_idx %arg10[%add3A_1191], %get3A_1065 : memref<544xf32, #tpu.memory_space<vmem>>[vector<16xi32>], vector<16xf32>,
        %add3A_1192 = arith.constant 34 : i32
        %add3A_1193 = vector.broadcast %add3A_1192 : i32 to vector<16xi32>
        %add3A_1194 = arith.addi %iota3A, %add3A_1193 : vector<16xi32>
        tpu.vector_store_idx %arg10[%add3A_1194], %get3A_1069 : memref<544xf32, #tpu.memory_space<vmem>>[vector<16xi32>], vector<16xf32>,
        %add3A_1195 = arith.constant 51 : i32
        %add3A_1196 = vector.broadcast %add3A_1195 : i32 to vector<16xi32>
        %add3A_1197 = arith.addi %iota3A, %add3A_1196 : vector<16xi32>
        tpu.vector_store_idx %arg10[%add3A_1197], %get3A_1073 : memref<544xf32, #tpu.memory_space<vmem>>[vector<16xi32>], vector<16xf32>,
        %add3A_1198 = arith.constant 68 : i32
        %add3A_1199 = vector.broadcast %add3A_1198 : i32 to vector<16xi32>
        %add3A_1200 = arith.addi %iota3A, %add3A_1199 : vector<16xi32>
        tpu.vector_store_idx %arg10[%add3A_1200], %get3A_1077 : memref<544xf32, #tpu.memory_space<vmem>>[vector<16xi32>], vector<16xf32>,
        %add3A_1201 = arith.constant 85 : i32
        %add3A_1202 = vector.broadcast %add3A_1201 : i32 to vector<16xi32>
        %add3A_1203 = arith.addi %iota3A, %add3A_1202 : vector<16xi32>
        tpu.vector_store_idx %arg10[%add3A_1203], %get3A_1081 : memref<544xf32, #tpu.memory_space<vmem>>[vector<16xi32>], vector<16xf32>,
        %add3A_1204 = arith.constant 102 : i32
        %add3A_1205 = vector.broadcast %add3A_1204 : i32 to vector<16xi32>
        %add3A_1206 = arith.addi %iota3A, %add3A_1205 : vector<16xi32>
        tpu.vector_store_idx %arg10[%add3A_1206], %get3A_1085 : memref<544xf32, #tpu.memory_space<vmem>>[vector<16xi32>], vector<16xf32>,
        %add3A_1207 = arith.constant 119 : i32
        %add3A_1208 = vector.broadcast %add3A_1207 : i32 to vector<16xi32>
        %add3A_1209 = arith.addi %iota3A, %add3A_1208 : vector<16xi32>
        tpu.vector_store_idx %arg10[%add3A_1209], %get3A_1089 : memref<544xf32, #tpu.memory_space<vmem>>[vector<16xi32>], vector<16xf32>,
        %add3A_1210 = arith.constant 136 : i32
        %add3A_1211 = vector.broadcast %add3A_1210 : i32 to vector<16xi32>
        %add3A_1212 = arith.addi %iota3A, %add3A_1211 : vector<16xi32>
        tpu.vector_store_idx %arg10[%add3A_1212], %get3A_1093 : memref<544xf32, #tpu.memory_space<vmem>>[vector<16xi32>], vector<16xf32>,
        %add3A_1213 = arith.constant 153 : i32
        %add3A_1214 = vector.broadcast %add3A_1213 : i32 to vector<16xi32>
        %add3A_1215 = arith.addi %iota3A, %add3A_1214 : vector<16xi32>
        tpu.vector_store_idx %arg10[%add3A_1215], %get3A_1097 : memref<544xf32, #tpu.memory_space<vmem>>[vector<16xi32>], vector<16xf32>,
        %add3A_1216 = arith.constant 170 : i32
        %add3A_1217 = vector.broadcast %add3A_1216 : i32 to vector<16xi32>
        %add3A_1218 = arith.addi %iota3A, %add3A_1217 : vector<16xi32>
        tpu.vector_store_idx %arg10[%add3A_1218], %get3A_1101 : memref<544xf32, #tpu.memory_space<vmem>>[vector<16xi32>], vector<16xf32>,
        %add3A_1219 = arith.constant 187 : i32
        %add3A_1220 = vector.broadcast %add3A_1219 : i32 to vector<16xi32>
        %add3A_1221 = arith.addi %iota3A, %add3A_1220 : vector<16xi32>
        tpu.vector_store_idx %arg10[%add3A_1221], %get3A_1105 : memref<544xf32, #tpu.memory_space<vmem>>[vector<16xi32>], vector<16xf32>,
        %add3A_1222 = arith.constant 204 : i32
        %add3A_1223 = vector.broadcast %add3A_1222 : i32 to vector<16xi32>
        %add3A_1224 = arith.addi %iota3A, %add3A_1223 : vector<16xi32>
        tpu.vector_store_idx %arg10[%add3A_1224], %get3A_1109 : memref<544xf32, #tpu.memory_space<vmem>>[vector<16xi32>], vector<16xf32>,
        %add3A_1225 = arith.constant 221 : i32
        %add3A_1226 = vector.broadcast %add3A_1225 : i32 to vector<16xi32>
        %add3A_1227 = arith.addi %iota3A, %add3A_1226 : vector<16xi32>
        tpu.vector_store_idx %arg10[%add3A_1227], %get3A_1113 : memref<544xf32, #tpu.memory_space<vmem>>[vector<16xi32>], vector<16xf32>,
        %add3A_1228 = arith.constant 238 : i32
        %add3A_1229 = vector.broadcast %add3A_1228 : i32 to vector<16xi32>
        %add3A_1230 = arith.addi %iota3A, %add3A_1229 : vector<16xi32>
        tpu.vector_store_idx %arg10[%add3A_1230], %get3A_1117 : memref<544xf32, #tpu.memory_space<vmem>>[vector<16xi32>], vector<16xf32>,
        %add3A_1231 = arith.constant 255 : i32
        %add3A_1232 = vector.broadcast %add3A_1231 : i32 to vector<16xi32>
        %add3A_1233 = arith.addi %iota3A, %add3A_1232 : vector<16xi32>
        tpu.vector_store_idx %arg10[%add3A_1233], %get3A_1121 : memref<544xf32, #tpu.memory_space<vmem>>[vector<16xi32>], vector<16xf32>,
        %add3A_1234 = arith.constant 272 : i32
        %add3A_1235 = vector.broadcast %add3A_1234 : i32 to vector<16xi32>
        %add3A_1236 = arith.addi %iota3A, %add3A_1235 : vector<16xi32>
        tpu.vector_store_idx %arg10[%add3A_1236], %get3A_1125 : memref<544xf32, #tpu.memory_space<vmem>>[vector<16xi32>], vector<16xf32>,
        %add3A_1237 = arith.constant 289 : i32
        %add3A_1238 = vector.broadcast %add3A_1237 : i32 to vector<16xi32>
        %add3A_1239 = arith.addi %iota3A, %add3A_1238 : vector<16xi32>
        tpu.vector_store_idx %arg10[%add3A_1239], %get3A_1129 : memref<544xf32, #tpu.memory_space<vmem>>[vector<16xi32>], vector<16xf32>,
        %add3A_1240 = arith.constant 306 : i32
        %add3A_1241 = vector.broadcast %add3A_1240 : i32 to vector<16xi32>
        %add3A_1242 = arith.addi %iota3A, %add3A_1241 : vector<16xi32>
        tpu.vector_store_idx %arg10[%add3A_1242], %get3A_1133 : memref<544xf32, #tpu.memory_space<vmem>>[vector<16xi32>], vector<16xf32>,
        %add3A_1243 = arith.constant 323 : i32
        %add3A_1244 = vector.broadcast %add3A_1243 : i32 to vector<16xi32>
        %add3A_1245 = arith.addi %iota3A, %add3A_1244 : vector<16xi32>
        tpu.vector_store_idx %arg10[%add3A_1245], %get3A_1137 : memref<544xf32, #tpu.memory_space<vmem>>[vector<16xi32>], vector<16xf32>,
        %add3A_1246 = arith.constant 340 : i32
        %add3A_1247 = vector.broadcast %add3A_1246 : i32 to vector<16xi32>
        %add3A_1248 = arith.addi %iota3A, %add3A_1247 : vector<16xi32>
        tpu.vector_store_idx %arg10[%add3A_1248], %get3A_1141 : memref<544xf32, #tpu.memory_space<vmem>>[vector<16xi32>], vector<16xf32>,
        %add3A_1249 = arith.constant 357 : i32
        %add3A_1250 = vector.broadcast %add3A_1249 : i32 to vector<16xi32>
        %add3A_1251 = arith.addi %iota3A, %add3A_1250 : vector<16xi32>
        tpu.vector_store_idx %arg10[%add3A_1251], %get3A_1145 : memref<544xf32, #tpu.memory_space<vmem>>[vector<16xi32>], vector<16xf32>,
        %add3A_1252 = arith.constant 374 : i32
        %add3A_1253 = vector.broadcast %add3A_1252 : i32 to vector<16xi32>
        %add3A_1254 = arith.addi %iota3A, %add3A_1253 : vector<16xi32>
        tpu.vector_store_idx %arg10[%add3A_1254], %get3A_1149 : memref<544xf32, #tpu.memory_space<vmem>>[vector<16xi32>], vector<16xf32>,
        %add3A_1255 = arith.constant 391 : i32
        %add3A_1256 = vector.broadcast %add3A_1255 : i32 to vector<16xi32>
        %add3A_1257 = arith.addi %iota3A, %add3A_1256 : vector<16xi32>
        tpu.vector_store_idx %arg10[%add3A_1257], %get3A_1153 : memref<544xf32, #tpu.memory_space<vmem>>[vector<16xi32>], vector<16xf32>,
        %add3A_1258 = arith.constant 408 : i32
        %add3A_1259 = vector.broadcast %add3A_1258 : i32 to vector<16xi32>
        %add3A_1260 = arith.addi %iota3A, %add3A_1259 : vector<16xi32>
        tpu.vector_store_idx %arg10[%add3A_1260], %get3A_1157 : memref<544xf32, #tpu.memory_space<vmem>>[vector<16xi32>], vector<16xf32>,
        %add3A_1261 = arith.constant 425 : i32
        %add3A_1262 = vector.broadcast %add3A_1261 : i32 to vector<16xi32>
        %add3A_1263 = arith.addi %iota3A, %add3A_1262 : vector<16xi32>
        tpu.vector_store_idx %arg10[%add3A_1263], %get3A_1161 : memref<544xf32, #tpu.memory_space<vmem>>[vector<16xi32>], vector<16xf32>,
        %add3A_1264 = arith.constant 442 : i32
        %add3A_1265 = vector.broadcast %add3A_1264 : i32 to vector<16xi32>
        %add3A_1266 = arith.addi %iota3A, %add3A_1265 : vector<16xi32>
        tpu.vector_store_idx %arg10[%add3A_1266], %get3A_1165 : memref<544xf32, #tpu.memory_space<vmem>>[vector<16xi32>], vector<16xf32>,
        %add3A_1267 = arith.constant 459 : i32
        %add3A_1268 = vector.broadcast %add3A_1267 : i32 to vector<16xi32>
        %add3A_1269 = arith.addi %iota3A, %add3A_1268 : vector<16xi32>
        tpu.vector_store_idx %arg10[%add3A_1269], %get3A_1169 : memref<544xf32, #tpu.memory_space<vmem>>[vector<16xi32>], vector<16xf32>,
        %add3A_1270 = arith.constant 476 : i32
        %add3A_1271 = vector.broadcast %add3A_1270 : i32 to vector<16xi32>
        %add3A_1272 = arith.addi %iota3A, %add3A_1271 : vector<16xi32>
        tpu.vector_store_idx %arg10[%add3A_1272], %get3A_1173 : memref<544xf32, #tpu.memory_space<vmem>>[vector<16xi32>], vector<16xf32>,
        %add3A_1273 = arith.constant 493 : i32
        %add3A_1274 = vector.broadcast %add3A_1273 : i32 to vector<16xi32>
        %add3A_1275 = arith.addi %iota3A, %add3A_1274 : vector<16xi32>
        tpu.vector_store_idx %arg10[%add3A_1275], %get3A_1177 : memref<544xf32, #tpu.memory_space<vmem>>[vector<16xi32>], vector<16xf32>,
        %add3A_1276 = arith.constant 510 : i32
        %add3A_1277 = vector.broadcast %add3A_1276 : i32 to vector<16xi32>
        %add3A_1278 = arith.addi %iota3A, %add3A_1277 : vector<16xi32>
        tpu.vector_store_idx %arg10[%add3A_1278], %get3A_1181 : memref<544xf32, #tpu.memory_space<vmem>>[vector<16xi32>], vector<16xf32>,
        %add3A_1279 = arith.constant 527 : i32
        %add3A_1280 = vector.broadcast %add3A_1279 : i32 to vector<16xi32>
        %add3A_1281 = arith.addi %iota3A, %add3A_1280 : vector<16xi32>
        tpu.vector_store_idx %arg10[%add3A_1281], %get3A_1185 : memref<544xf32, #tpu.memory_space<vmem>>[vector<16xi32>], vector<16xf32>,
        %add3A_1282 = arith.constant 0 : i32
        %add3A_1283 = vector.broadcast %add3A_1282 : i32 to vector<16xi32>
        %add3A_1284 = arith.addi %mul3A_3, %add3A_1283 : vector<16xi32>
        %gather3A_1285 = tpu.vector_load_idx %arg10[%add3A_1284] : memref<544xf32, #tpu.memory_space<vmem>>[vector<16xi32>], vector<16xf32>,
        %add3A_1286 = arith.constant 272 : i32
        %add3A_1287 = vector.broadcast %add3A_1286 : i32 to vector<16xi32>
        %add3A_1288 = arith.addi %mul3A_3, %add3A_1287 : vector<16xi32>
        %gather3A_1289 = tpu.vector_load_idx %arg10[%add3A_1288] : memref<544xf32, #tpu.memory_space<vmem>>[vector<16xi32>], vector<16xf32>,
        %add3A_1290 = arith.constant 1 : i32
        %add3A_1291 = vector.broadcast %add3A_1290 : i32 to vector<16xi32>
        %add3A_1292 = arith.addi %mul3A_3, %add3A_1291 : vector<16xi32>
        %gather3A_1293 = tpu.vector_load_idx %arg10[%add3A_1292] : memref<544xf32, #tpu.memory_space<vmem>>[vector<16xi32>], vector<16xf32>,
        %add3A_1294 = arith.constant 273 : i32
        %add3A_1295 = vector.broadcast %add3A_1294 : i32 to vector<16xi32>
        %add3A_1296 = arith.addi %mul3A_3, %add3A_1295 : vector<16xi32>
        %gather3A_1297 = tpu.vector_load_idx %arg10[%add3A_1296] : memref<544xf32, #tpu.memory_space<vmem>>[vector<16xi32>], vector<16xf32>,
        %add3A_1298 = arith.constant 2 : i32
        %add3A_1299 = vector.broadcast %add3A_1298 : i32 to vector<16xi32>
        %add3A_1300 = arith.addi %mul3A_3, %add3A_1299 : vector<16xi32>
        %gather3A_1301 = tpu.vector_load_idx %arg10[%add3A_1300] : memref<544xf32, #tpu.memory_space<vmem>>[vector<16xi32>], vector<16xf32>,
        %add3A_1302 = arith.constant 274 : i32
        %add3A_1303 = vector.broadcast %add3A_1302 : i32 to vector<16xi32>
        %add3A_1304 = arith.addi %mul3A_3, %add3A_1303 : vector<16xi32>
        %gather3A_1305 = tpu.vector_load_idx %arg10[%add3A_1304] : memref<544xf32, #tpu.memory_space<vmem>>[vector<16xi32>], vector<16xf32>,
        %add3A_1306 = arith.constant 3 : i32
        %add3A_1307 = vector.broadcast %add3A_1306 : i32 to vector<16xi32>
        %add3A_1308 = arith.addi %mul3A_3, %add3A_1307 : vector<16xi32>
        %gather3A_1309 = tpu.vector_load_idx %arg10[%add3A_1308] : memref<544xf32, #tpu.memory_space<vmem>>[vector<16xi32>], vector<16xf32>,
        %add3A_1310 = arith.constant 275 : i32
        %add3A_1311 = vector.broadcast %add3A_1310 : i32 to vector<16xi32>
        %add3A_1312 = arith.addi %mul3A_3, %add3A_1311 : vector<16xi32>
        %gather3A_1313 = tpu.vector_load_idx %arg10[%add3A_1312] : memref<544xf32, #tpu.memory_space<vmem>>[vector<16xi32>], vector<16xf32>,
        %add3A_1314 = arith.constant 4 : i32
        %add3A_1315 = vector.broadcast %add3A_1314 : i32 to vector<16xi32>
        %add3A_1316 = arith.addi %mul3A_3, %add3A_1315 : vector<16xi32>
        %gather3A_1317 = tpu.vector_load_idx %arg10[%add3A_1316] : memref<544xf32, #tpu.memory_space<vmem>>[vector<16xi32>], vector<16xf32>,
        %add3A_1318 = arith.constant 276 : i32
        %add3A_1319 = vector.broadcast %add3A_1318 : i32 to vector<16xi32>
        %add3A_1320 = arith.addi %mul3A_3, %add3A_1319 : vector<16xi32>
        %gather3A_1321 = tpu.vector_load_idx %arg10[%add3A_1320] : memref<544xf32, #tpu.memory_space<vmem>>[vector<16xi32>], vector<16xf32>,
        %add3A_1322 = arith.constant 5 : i32
        %add3A_1323 = vector.broadcast %add3A_1322 : i32 to vector<16xi32>
        %add3A_1324 = arith.addi %mul3A_3, %add3A_1323 : vector<16xi32>
        %gather3A_1325 = tpu.vector_load_idx %arg10[%add3A_1324] : memref<544xf32, #tpu.memory_space<vmem>>[vector<16xi32>], vector<16xf32>,
        %add3A_1326 = arith.constant 277 : i32
        %add3A_1327 = vector.broadcast %add3A_1326 : i32 to vector<16xi32>
        %add3A_1328 = arith.addi %mul3A_3, %add3A_1327 : vector<16xi32>
        %gather3A_1329 = tpu.vector_load_idx %arg10[%add3A_1328] : memref<544xf32, #tpu.memory_space<vmem>>[vector<16xi32>], vector<16xf32>,
        %add3A_1330 = arith.constant 6 : i32
        %add3A_1331 = vector.broadcast %add3A_1330 : i32 to vector<16xi32>
        %add3A_1332 = arith.addi %mul3A_3, %add3A_1331 : vector<16xi32>
        %gather3A_1333 = tpu.vector_load_idx %arg10[%add3A_1332] : memref<544xf32, #tpu.memory_space<vmem>>[vector<16xi32>], vector<16xf32>,
        %add3A_1334 = arith.constant 278 : i32
        %add3A_1335 = vector.broadcast %add3A_1334 : i32 to vector<16xi32>
        %add3A_1336 = arith.addi %mul3A_3, %add3A_1335 : vector<16xi32>
        %gather3A_1337 = tpu.vector_load_idx %arg10[%add3A_1336] : memref<544xf32, #tpu.memory_space<vmem>>[vector<16xi32>], vector<16xf32>,
        %add3A_1338 = arith.constant 7 : i32
        %add3A_1339 = vector.broadcast %add3A_1338 : i32 to vector<16xi32>
        %add3A_1340 = arith.addi %mul3A_3, %add3A_1339 : vector<16xi32>
        %gather3A_1341 = tpu.vector_load_idx %arg10[%add3A_1340] : memref<544xf32, #tpu.memory_space<vmem>>[vector<16xi32>], vector<16xf32>,
        %add3A_1342 = arith.constant 279 : i32
        %add3A_1343 = vector.broadcast %add3A_1342 : i32 to vector<16xi32>
        %add3A_1344 = arith.addi %mul3A_3, %add3A_1343 : vector<16xi32>
        %gather3A_1345 = tpu.vector_load_idx %arg10[%add3A_1344] : memref<544xf32, #tpu.memory_space<vmem>>[vector<16xi32>], vector<16xf32>,
        %add3A_1346 = arith.constant 8 : i32
        %add3A_1347 = vector.broadcast %add3A_1346 : i32 to vector<16xi32>
        %add3A_1348 = arith.addi %mul3A_3, %add3A_1347 : vector<16xi32>
        %gather3A_1349 = tpu.vector_load_idx %arg10[%add3A_1348] : memref<544xf32, #tpu.memory_space<vmem>>[vector<16xi32>], vector<16xf32>,
        %add3A_1350 = arith.constant 280 : i32
        %add3A_1351 = vector.broadcast %add3A_1350 : i32 to vector<16xi32>
        %add3A_1352 = arith.addi %mul3A_3, %add3A_1351 : vector<16xi32>
        %gather3A_1353 = tpu.vector_load_idx %arg10[%add3A_1352] : memref<544xf32, #tpu.memory_space<vmem>>[vector<16xi32>], vector<16xf32>,
        %add3A_1354 = arith.constant 9 : i32
        %add3A_1355 = vector.broadcast %add3A_1354 : i32 to vector<16xi32>
        %add3A_1356 = arith.addi %mul3A_3, %add3A_1355 : vector<16xi32>
        %gather3A_1357 = tpu.vector_load_idx %arg10[%add3A_1356] : memref<544xf32, #tpu.memory_space<vmem>>[vector<16xi32>], vector<16xf32>,
        %add3A_1358 = arith.constant 281 : i32
        %add3A_1359 = vector.broadcast %add3A_1358 : i32 to vector<16xi32>
        %add3A_1360 = arith.addi %mul3A_3, %add3A_1359 : vector<16xi32>
        %gather3A_1361 = tpu.vector_load_idx %arg10[%add3A_1360] : memref<544xf32, #tpu.memory_space<vmem>>[vector<16xi32>], vector<16xf32>,
        %add3A_1362 = arith.constant 10 : i32
        %add3A_1363 = vector.broadcast %add3A_1362 : i32 to vector<16xi32>
        %add3A_1364 = arith.addi %mul3A_3, %add3A_1363 : vector<16xi32>
        %gather3A_1365 = tpu.vector_load_idx %arg10[%add3A_1364] : memref<544xf32, #tpu.memory_space<vmem>>[vector<16xi32>], vector<16xf32>,
        %add3A_1366 = arith.constant 282 : i32
        %add3A_1367 = vector.broadcast %add3A_1366 : i32 to vector<16xi32>
        %add3A_1368 = arith.addi %mul3A_3, %add3A_1367 : vector<16xi32>
        %gather3A_1369 = tpu.vector_load_idx %arg10[%add3A_1368] : memref<544xf32, #tpu.memory_space<vmem>>[vector<16xi32>], vector<16xf32>,
        %add3A_1370 = arith.constant 11 : i32
        %add3A_1371 = vector.broadcast %add3A_1370 : i32 to vector<16xi32>
        %add3A_1372 = arith.addi %mul3A_3, %add3A_1371 : vector<16xi32>
        %gather3A_1373 = tpu.vector_load_idx %arg10[%add3A_1372] : memref<544xf32, #tpu.memory_space<vmem>>[vector<16xi32>], vector<16xf32>,
        %add3A_1374 = arith.constant 283 : i32
        %add3A_1375 = vector.broadcast %add3A_1374 : i32 to vector<16xi32>
        %add3A_1376 = arith.addi %mul3A_3, %add3A_1375 : vector<16xi32>
        %gather3A_1377 = tpu.vector_load_idx %arg10[%add3A_1376] : memref<544xf32, #tpu.memory_space<vmem>>[vector<16xi32>], vector<16xf32>,
        %add3A_1378 = arith.constant 12 : i32
        %add3A_1379 = vector.broadcast %add3A_1378 : i32 to vector<16xi32>
        %add3A_1380 = arith.addi %mul3A_3, %add3A_1379 : vector<16xi32>
        %gather3A_1381 = tpu.vector_load_idx %arg10[%add3A_1380] : memref<544xf32, #tpu.memory_space<vmem>>[vector<16xi32>], vector<16xf32>,
        %add3A_1382 = arith.constant 284 : i32
        %add3A_1383 = vector.broadcast %add3A_1382 : i32 to vector<16xi32>
        %add3A_1384 = arith.addi %mul3A_3, %add3A_1383 : vector<16xi32>
        %gather3A_1385 = tpu.vector_load_idx %arg10[%add3A_1384] : memref<544xf32, #tpu.memory_space<vmem>>[vector<16xi32>], vector<16xf32>,
        %add3A_1386 = arith.constant 13 : i32
        %add3A_1387 = vector.broadcast %add3A_1386 : i32 to vector<16xi32>
        %add3A_1388 = arith.addi %mul3A_3, %add3A_1387 : vector<16xi32>
        %gather3A_1389 = tpu.vector_load_idx %arg10[%add3A_1388] : memref<544xf32, #tpu.memory_space<vmem>>[vector<16xi32>], vector<16xf32>,
        %add3A_1390 = arith.constant 285 : i32
        %add3A_1391 = vector.broadcast %add3A_1390 : i32 to vector<16xi32>
        %add3A_1392 = arith.addi %mul3A_3, %add3A_1391 : vector<16xi32>
        %gather3A_1393 = tpu.vector_load_idx %arg10[%add3A_1392] : memref<544xf32, #tpu.memory_space<vmem>>[vector<16xi32>], vector<16xf32>,
        %add3A_1394 = arith.constant 14 : i32
        %add3A_1395 = vector.broadcast %add3A_1394 : i32 to vector<16xi32>
        %add3A_1396 = arith.addi %mul3A_3, %add3A_1395 : vector<16xi32>
        %gather3A_1397 = tpu.vector_load_idx %arg10[%add3A_1396] : memref<544xf32, #tpu.memory_space<vmem>>[vector<16xi32>], vector<16xf32>,
        %add3A_1398 = arith.constant 286 : i32
        %add3A_1399 = vector.broadcast %add3A_1398 : i32 to vector<16xi32>
        %add3A_1400 = arith.addi %mul3A_3, %add3A_1399 : vector<16xi32>
        %gather3A_1401 = tpu.vector_load_idx %arg10[%add3A_1400] : memref<544xf32, #tpu.memory_space<vmem>>[vector<16xi32>], vector<16xf32>,
        %add3A_1402 = arith.constant 15 : i32
        %add3A_1403 = vector.broadcast %add3A_1402 : i32 to vector<16xi32>
        %add3A_1404 = arith.addi %mul3A_3, %add3A_1403 : vector<16xi32>
        %gather3A_1405 = tpu.vector_load_idx %arg10[%add3A_1404] : memref<544xf32, #tpu.memory_space<vmem>>[vector<16xi32>], vector<16xf32>,
        %add3A_1406 = arith.constant 287 : i32
        %add3A_1407 = vector.broadcast %add3A_1406 : i32 to vector<16xi32>
        %add3A_1408 = arith.addi %mul3A_3, %add3A_1407 : vector<16xi32>
        %gather3A_1409 = tpu.vector_load_idx %arg10[%add3A_1408] : memref<544xf32, #tpu.memory_space<vmem>>[vector<16xi32>], vector<16xf32>,
        %add3A_1410 = arith.constant 0 : i32
        %add3A_1411 = arith.addi %mul3A_1057, %add3A_1410 : i32
        %add3A_1412 = arith.constant 0 : i32
        %add3A_1413 = arith.addi %add3A_1411, %add3A_1412 : i32
        %multiple_of3A_1414 = tpu.assume_multiple %add3A_1413, 16 : i32
        %swap3A_1415 = arith.index_cast %multiple_of3A_1414 : i32 to index
        %swap3A_1416 = tpu.vector_load %arg7[%swap3A_1415] {strides = array<i32>} : memref<16384xf32, #tpu.memory_space<vmem>>, vector<16xf32>,
        tpu.vector_store %arg7[%swap3A_1415], %gather3A_1285 {strides = array<i32>} : memref<16384xf32, #tpu.memory_space<vmem>>, vector<16xf32>,
        %add3A_1417 = arith.constant 0 : i32
        %add3A_1418 = arith.addi %mul3A_1057, %add3A_1417 : i32
        %add3A_1419 = arith.constant 16 : i32
        %add3A_1420 = arith.addi %add3A_1418, %add3A_1419 : i32
        %multiple_of3A_1421 = tpu.assume_multiple %add3A_1420, 16 : i32
        %swap3A_1422 = arith.index_cast %multiple_of3A_1421 : i32 to index
        %swap3A_1423 = tpu.vector_load %arg7[%swap3A_1422] {strides = array<i32>} : memref<16384xf32, #tpu.memory_space<vmem>>, vector<16xf32>,
        tpu.vector_store %arg7[%swap3A_1422], %gather3A_1289 {strides = array<i32>} : memref<16384xf32, #tpu.memory_space<vmem>>, vector<16xf32>,
        %add3A_1424 = arith.constant 32 : i32
        %add3A_1425 = arith.addi %mul3A_1057, %add3A_1424 : i32
        %add3A_1426 = arith.constant 0 : i32
        %add3A_1427 = arith.addi %add3A_1425, %add3A_1426 : i32
        %multiple_of3A_1428 = tpu.assume_multiple %add3A_1427, 16 : i32
        %swap3A_1429 = arith.index_cast %multiple_of3A_1428 : i32 to index
        %swap3A_1430 = tpu.vector_load %arg7[%swap3A_1429] {strides = array<i32>} : memref<16384xf32, #tpu.memory_space<vmem>>, vector<16xf32>,
        tpu.vector_store %arg7[%swap3A_1429], %gather3A_1293 {strides = array<i32>} : memref<16384xf32, #tpu.memory_space<vmem>>, vector<16xf32>,
        %add3A_1431 = arith.constant 32 : i32
        %add3A_1432 = arith.addi %mul3A_1057, %add3A_1431 : i32
        %add3A_1433 = arith.constant 16 : i32
        %add3A_1434 = arith.addi %add3A_1432, %add3A_1433 : i32
        %multiple_of3A_1435 = tpu.assume_multiple %add3A_1434, 16 : i32
        %swap3A_1436 = arith.index_cast %multiple_of3A_1435 : i32 to index
        %swap3A_1437 = tpu.vector_load %arg7[%swap3A_1436] {strides = array<i32>} : memref<16384xf32, #tpu.memory_space<vmem>>, vector<16xf32>,
        tpu.vector_store %arg7[%swap3A_1436], %gather3A_1297 {strides = array<i32>} : memref<16384xf32, #tpu.memory_space<vmem>>, vector<16xf32>,
        %add3A_1438 = arith.constant 64 : i32
        %add3A_1439 = arith.addi %mul3A_1057, %add3A_1438 : i32
        %add3A_1440 = arith.constant 0 : i32
        %add3A_1441 = arith.addi %add3A_1439, %add3A_1440 : i32
        %multiple_of3A_1442 = tpu.assume_multiple %add3A_1441, 16 : i32
        %swap3A_1443 = arith.index_cast %multiple_of3A_1442 : i32 to index
        %swap3A_1444 = tpu.vector_load %arg7[%swap3A_1443] {strides = array<i32>} : memref<16384xf32, #tpu.memory_space<vmem>>, vector<16xf32>,
        tpu.vector_store %arg7[%swap3A_1443], %gather3A_1301 {strides = array<i32>} : memref<16384xf32, #tpu.memory_space<vmem>>, vector<16xf32>,
        %add3A_1445 = arith.constant 64 : i32
        %add3A_1446 = arith.addi %mul3A_1057, %add3A_1445 : i32
        %add3A_1447 = arith.constant 16 : i32
        %add3A_1448 = arith.addi %add3A_1446, %add3A_1447 : i32
        %multiple_of3A_1449 = tpu.assume_multiple %add3A_1448, 16 : i32
        %swap3A_1450 = arith.index_cast %multiple_of3A_1449 : i32 to index
        %swap3A_1451 = tpu.vector_load %arg7[%swap3A_1450] {strides = array<i32>} : memref<16384xf32, #tpu.memory_space<vmem>>, vector<16xf32>,
        tpu.vector_store %arg7[%swap3A_1450], %gather3A_1305 {strides = array<i32>} : memref<16384xf32, #tpu.memory_space<vmem>>, vector<16xf32>,
        %add3A_1452 = arith.constant 96 : i32
        %add3A_1453 = arith.addi %mul3A_1057, %add3A_1452 : i32
        %add3A_1454 = arith.constant 0 : i32
        %add3A_1455 = arith.addi %add3A_1453, %add3A_1454 : i32
        %multiple_of3A_1456 = tpu.assume_multiple %add3A_1455, 16 : i32
        %swap3A_1457 = arith.index_cast %multiple_of3A_1456 : i32 to index
        %swap3A_1458 = tpu.vector_load %arg7[%swap3A_1457] {strides = array<i32>} : memref<16384xf32, #tpu.memory_space<vmem>>, vector<16xf32>,
        tpu.vector_store %arg7[%swap3A_1457], %gather3A_1309 {strides = array<i32>} : memref<16384xf32, #tpu.memory_space<vmem>>, vector<16xf32>,
        %add3A_1459 = arith.constant 96 : i32
        %add3A_1460 = arith.addi %mul3A_1057, %add3A_1459 : i32
        %add3A_1461 = arith.constant 16 : i32
        %add3A_1462 = arith.addi %add3A_1460, %add3A_1461 : i32
        %multiple_of3A_1463 = tpu.assume_multiple %add3A_1462, 16 : i32
        %swap3A_1464 = arith.index_cast %multiple_of3A_1463 : i32 to index
        %swap3A_1465 = tpu.vector_load %arg7[%swap3A_1464] {strides = array<i32>} : memref<16384xf32, #tpu.memory_space<vmem>>, vector<16xf32>,
        tpu.vector_store %arg7[%swap3A_1464], %gather3A_1313 {strides = array<i32>} : memref<16384xf32, #tpu.memory_space<vmem>>, vector<16xf32>,
        %add3A_1466 = arith.constant 128 : i32
        %add3A_1467 = arith.addi %mul3A_1057, %add3A_1466 : i32
        %add3A_1468 = arith.constant 0 : i32
        %add3A_1469 = arith.addi %add3A_1467, %add3A_1468 : i32
        %multiple_of3A_1470 = tpu.assume_multiple %add3A_1469, 16 : i32
        %swap3A_1471 = arith.index_cast %multiple_of3A_1470 : i32 to index
        %swap3A_1472 = tpu.vector_load %arg7[%swap3A_1471] {strides = array<i32>} : memref<16384xf32, #tpu.memory_space<vmem>>, vector<16xf32>,
        tpu.vector_store %arg7[%swap3A_1471], %gather3A_1317 {strides = array<i32>} : memref<16384xf32, #tpu.memory_space<vmem>>, vector<16xf32>,
        %add3A_1473 = arith.constant 128 : i32
        %add3A_1474 = arith.addi %mul3A_1057, %add3A_1473 : i32
        %add3A_1475 = arith.constant 16 : i32
        %add3A_1476 = arith.addi %add3A_1474, %add3A_1475 : i32
        %multiple_of3A_1477 = tpu.assume_multiple %add3A_1476, 16 : i32
        %swap3A_1478 = arith.index_cast %multiple_of3A_1477 : i32 to index
        %swap3A_1479 = tpu.vector_load %arg7[%swap3A_1478] {strides = array<i32>} : memref<16384xf32, #tpu.memory_space<vmem>>, vector<16xf32>,
        tpu.vector_store %arg7[%swap3A_1478], %gather3A_1321 {strides = array<i32>} : memref<16384xf32, #tpu.memory_space<vmem>>, vector<16xf32>,
        %add3A_1480 = arith.constant 160 : i32
        %add3A_1481 = arith.addi %mul3A_1057, %add3A_1480 : i32
        %add3A_1482 = arith.constant 0 : i32
        %add3A_1483 = arith.addi %add3A_1481, %add3A_1482 : i32
        %multiple_of3A_1484 = tpu.assume_multiple %add3A_1483, 16 : i32
        %swap3A_1485 = arith.index_cast %multiple_of3A_1484 : i32 to index
        %swap3A_1486 = tpu.vector_load %arg7[%swap3A_1485] {strides = array<i32>} : memref<16384xf32, #tpu.memory_space<vmem>>, vector<16xf32>,
        tpu.vector_store %arg7[%swap3A_1485], %gather3A_1325 {strides = array<i32>} : memref<16384xf32, #tpu.memory_space<vmem>>, vector<16xf32>,
        %add3A_1487 = arith.constant 160 : i32
        %add3A_1488 = arith.addi %mul3A_1057, %add3A_1487 : i32
        %add3A_1489 = arith.constant 16 : i32
        %add3A_1490 = arith.addi %add3A_1488, %add3A_1489 : i32
        %multiple_of3A_1491 = tpu.assume_multiple %add3A_1490, 16 : i32
        %swap3A_1492 = arith.index_cast %multiple_of3A_1491 : i32 to index
        %swap3A_1493 = tpu.vector_load %arg7[%swap3A_1492] {strides = array<i32>} : memref<16384xf32, #tpu.memory_space<vmem>>, vector<16xf32>,
        tpu.vector_store %arg7[%swap3A_1492], %gather3A_1329 {strides = array<i32>} : memref<16384xf32, #tpu.memory_space<vmem>>, vector<16xf32>,
        %add3A_1494 = arith.constant 192 : i32
        %add3A_1495 = arith.addi %mul3A_1057, %add3A_1494 : i32
        %add3A_1496 = arith.constant 0 : i32
        %add3A_1497 = arith.addi %add3A_1495, %add3A_1496 : i32
        %multiple_of3A_1498 = tpu.assume_multiple %add3A_1497, 16 : i32
        %swap3A_1499 = arith.index_cast %multiple_of3A_1498 : i32 to index
        %swap3A_1500 = tpu.vector_load %arg7[%swap3A_1499] {strides = array<i32>} : memref<16384xf32, #tpu.memory_space<vmem>>, vector<16xf32>,
        tpu.vector_store %arg7[%swap3A_1499], %gather3A_1333 {strides = array<i32>} : memref<16384xf32, #tpu.memory_space<vmem>>, vector<16xf32>,
        %add3A_1501 = arith.constant 192 : i32
        %add3A_1502 = arith.addi %mul3A_1057, %add3A_1501 : i32
        %add3A_1503 = arith.constant 16 : i32
        %add3A_1504 = arith.addi %add3A_1502, %add3A_1503 : i32
        %multiple_of3A_1505 = tpu.assume_multiple %add3A_1504, 16 : i32
        %swap3A_1506 = arith.index_cast %multiple_of3A_1505 : i32 to index
        %swap3A_1507 = tpu.vector_load %arg7[%swap3A_1506] {strides = array<i32>} : memref<16384xf32, #tpu.memory_space<vmem>>, vector<16xf32>,
        tpu.vector_store %arg7[%swap3A_1506], %gather3A_1337 {strides = array<i32>} : memref<16384xf32, #tpu.memory_space<vmem>>, vector<16xf32>,
        %add3A_1508 = arith.constant 224 : i32
        %add3A_1509 = arith.addi %mul3A_1057, %add3A_1508 : i32
        %add3A_1510 = arith.constant 0 : i32
        %add3A_1511 = arith.addi %add3A_1509, %add3A_1510 : i32
        %multiple_of3A_1512 = tpu.assume_multiple %add3A_1511, 16 : i32
        %swap3A_1513 = arith.index_cast %multiple_of3A_1512 : i32 to index
        %swap3A_1514 = tpu.vector_load %arg7[%swap3A_1513] {strides = array<i32>} : memref<16384xf32, #tpu.memory_space<vmem>>, vector<16xf32>,
        tpu.vector_store %arg7[%swap3A_1513], %gather3A_1341 {strides = array<i32>} : memref<16384xf32, #tpu.memory_space<vmem>>, vector<16xf32>,
        %add3A_1515 = arith.constant 224 : i32
        %add3A_1516 = arith.addi %mul3A_1057, %add3A_1515 : i32
        %add3A_1517 = arith.constant 16 : i32
        %add3A_1518 = arith.addi %add3A_1516, %add3A_1517 : i32
        %multiple_of3A_1519 = tpu.assume_multiple %add3A_1518, 16 : i32
        %swap3A_1520 = arith.index_cast %multiple_of3A_1519 : i32 to index
        %swap3A_1521 = tpu.vector_load %arg7[%swap3A_1520] {strides = array<i32>} : memref<16384xf32, #tpu.memory_space<vmem>>, vector<16xf32>,
        tpu.vector_store %arg7[%swap3A_1520], %gather3A_1345 {strides = array<i32>} : memref<16384xf32, #tpu.memory_space<vmem>>, vector<16xf32>,
        %add3A_1522 = arith.constant 256 : i32
        %add3A_1523 = arith.addi %mul3A_1057, %add3A_1522 : i32
        %add3A_1524 = arith.constant 0 : i32
        %add3A_1525 = arith.addi %add3A_1523, %add3A_1524 : i32
        %multiple_of3A_1526 = tpu.assume_multiple %add3A_1525, 16 : i32
        %swap3A_1527 = arith.index_cast %multiple_of3A_1526 : i32 to index
        %swap3A_1528 = tpu.vector_load %arg7[%swap3A_1527] {strides = array<i32>} : memref<16384xf32, #tpu.memory_space<vmem>>, vector<16xf32>,
        tpu.vector_store %arg7[%swap3A_1527], %gather3A_1349 {strides = array<i32>} : memref<16384xf32, #tpu.memory_space<vmem>>, vector<16xf32>,
        %add3A_1529 = arith.constant 256 : i32
        %add3A_1530 = arith.addi %mul3A_1057, %add3A_1529 : i32
        %add3A_1531 = arith.constant 16 : i32
        %add3A_1532 = arith.addi %add3A_1530, %add3A_1531 : i32
        %multiple_of3A_1533 = tpu.assume_multiple %add3A_1532, 16 : i32
        %swap3A_1534 = arith.index_cast %multiple_of3A_1533 : i32 to index
        %swap3A_1535 = tpu.vector_load %arg7[%swap3A_1534] {strides = array<i32>} : memref<16384xf32, #tpu.memory_space<vmem>>, vector<16xf32>,
        tpu.vector_store %arg7[%swap3A_1534], %gather3A_1353 {strides = array<i32>} : memref<16384xf32, #tpu.memory_space<vmem>>, vector<16xf32>,
        %add3A_1536 = arith.constant 288 : i32
        %add3A_1537 = arith.addi %mul3A_1057, %add3A_1536 : i32
        %add3A_1538 = arith.constant 0 : i32
        %add3A_1539 = arith.addi %add3A_1537, %add3A_1538 : i32
        %multiple_of3A_1540 = tpu.assume_multiple %add3A_1539, 16 : i32
        %swap3A_1541 = arith.index_cast %multiple_of3A_1540 : i32 to index
        %swap3A_1542 = tpu.vector_load %arg7[%swap3A_1541] {strides = array<i32>} : memref<16384xf32, #tpu.memory_space<vmem>>, vector<16xf32>,
        tpu.vector_store %arg7[%swap3A_1541], %gather3A_1357 {strides = array<i32>} : memref<16384xf32, #tpu.memory_space<vmem>>, vector<16xf32>,
        %add3A_1543 = arith.constant 288 : i32
        %add3A_1544 = arith.addi %mul3A_1057, %add3A_1543 : i32
        %add3A_1545 = arith.constant 16 : i32
        %add3A_1546 = arith.addi %add3A_1544, %add3A_1545 : i32
        %multiple_of3A_1547 = tpu.assume_multiple %add3A_1546, 16 : i32
        %swap3A_1548 = arith.index_cast %multiple_of3A_1547 : i32 to index
        %swap3A_1549 = tpu.vector_load %arg7[%swap3A_1548] {strides = array<i32>} : memref<16384xf32, #tpu.memory_space<vmem>>, vector<16xf32>,
        tpu.vector_store %arg7[%swap3A_1548], %gather3A_1361 {strides = array<i32>} : memref<16384xf32, #tpu.memory_space<vmem>>, vector<16xf32>,
        %add3A_1550 = arith.constant 320 : i32
        %add3A_1551 = arith.addi %mul3A_1057, %add3A_1550 : i32
        %add3A_1552 = arith.constant 0 : i32
        %add3A_1553 = arith.addi %add3A_1551, %add3A_1552 : i32
        %multiple_of3A_1554 = tpu.assume_multiple %add3A_1553, 16 : i32
        %swap3A_1555 = arith.index_cast %multiple_of3A_1554 : i32 to index
        %swap3A_1556 = tpu.vector_load %arg7[%swap3A_1555] {strides = array<i32>} : memref<16384xf32, #tpu.memory_space<vmem>>, vector<16xf32>,
        tpu.vector_store %arg7[%swap3A_1555], %gather3A_1365 {strides = array<i32>} : memref<16384xf32, #tpu.memory_space<vmem>>, vector<16xf32>,
        %add3A_1557 = arith.constant 320 : i32
        %add3A_1558 = arith.addi %mul3A_1057, %add3A_1557 : i32
        %add3A_1559 = arith.constant 16 : i32
        %add3A_1560 = arith.addi %add3A_1558, %add3A_1559 : i32
        %multiple_of3A_1561 = tpu.assume_multiple %add3A_1560, 16 : i32
        %swap3A_1562 = arith.index_cast %multiple_of3A_1561 : i32 to index
        %swap3A_1563 = tpu.vector_load %arg7[%swap3A_1562] {strides = array<i32>} : memref<16384xf32, #tpu.memory_space<vmem>>, vector<16xf32>,
        tpu.vector_store %arg7[%swap3A_1562], %gather3A_1369 {strides = array<i32>} : memref<16384xf32, #tpu.memory_space<vmem>>, vector<16xf32>,
        %add3A_1564 = arith.constant 352 : i32
        %add3A_1565 = arith.addi %mul3A_1057, %add3A_1564 : i32
        %add3A_1566 = arith.constant 0 : i32
        %add3A_1567 = arith.addi %add3A_1565, %add3A_1566 : i32
        %multiple_of3A_1568 = tpu.assume_multiple %add3A_1567, 16 : i32
        %swap3A_1569 = arith.index_cast %multiple_of3A_1568 : i32 to index
        %swap3A_1570 = tpu.vector_load %arg7[%swap3A_1569] {strides = array<i32>} : memref<16384xf32, #tpu.memory_space<vmem>>, vector<16xf32>,
        tpu.vector_store %arg7[%swap3A_1569], %gather3A_1373 {strides = array<i32>} : memref<16384xf32, #tpu.memory_space<vmem>>, vector<16xf32>,
        %add3A_1571 = arith.constant 352 : i32
        %add3A_1572 = arith.addi %mul3A_1057, %add3A_1571 : i32
        %add3A_1573 = arith.constant 16 : i32
        %add3A_1574 = arith.addi %add3A_1572, %add3A_1573 : i32
        %multiple_of3A_1575 = tpu.assume_multiple %add3A_1574, 16 : i32
        %swap3A_1576 = arith.index_cast %multiple_of3A_1575 : i32 to index
        %swap3A_1577 = tpu.vector_load %arg7[%swap3A_1576] {strides = array<i32>} : memref<16384xf32, #tpu.memory_space<vmem>>, vector<16xf32>,
        tpu.vector_store %arg7[%swap3A_1576], %gather3A_1377 {strides = array<i32>} : memref<16384xf32, #tpu.memory_space<vmem>>, vector<16xf32>,
        %add3A_1578 = arith.constant 384 : i32
        %add3A_1579 = arith.addi %mul3A_1057, %add3A_1578 : i32
        %add3A_1580 = arith.constant 0 : i32
        %add3A_1581 = arith.addi %add3A_1579, %add3A_1580 : i32
        %multiple_of3A_1582 = tpu.assume_multiple %add3A_1581, 16 : i32
        %swap3A_1583 = arith.index_cast %multiple_of3A_1582 : i32 to index
        %swap3A_1584 = tpu.vector_load %arg7[%swap3A_1583] {strides = array<i32>} : memref<16384xf32, #tpu.memory_space<vmem>>, vector<16xf32>,
        tpu.vector_store %arg7[%swap3A_1583], %gather3A_1381 {strides = array<i32>} : memref<16384xf32, #tpu.memory_space<vmem>>, vector<16xf32>,
        %add3A_1585 = arith.constant 384 : i32
        %add3A_1586 = arith.addi %mul3A_1057, %add3A_1585 : i32
        %add3A_1587 = arith.constant 16 : i32
        %add3A_1588 = arith.addi %add3A_1586, %add3A_1587 : i32
        %multiple_of3A_1589 = tpu.assume_multiple %add3A_1588, 16 : i32
        %swap3A_1590 = arith.index_cast %multiple_of3A_1589 : i32 to index
        %swap3A_1591 = tpu.vector_load %arg7[%swap3A_1590] {strides = array<i32>} : memref<16384xf32, #tpu.memory_space<vmem>>, vector<16xf32>,
        tpu.vector_store %arg7[%swap3A_1590], %gather3A_1385 {strides = array<i32>} : memref<16384xf32, #tpu.memory_space<vmem>>, vector<16xf32>,
        %add3A_1592 = arith.constant 416 : i32
        %add3A_1593 = arith.addi %mul3A_1057, %add3A_1592 : i32
        %add3A_1594 = arith.constant 0 : i32
        %add3A_1595 = arith.addi %add3A_1593, %add3A_1594 : i32
        %multiple_of3A_1596 = tpu.assume_multiple %add3A_1595, 16 : i32
        %swap3A_1597 = arith.index_cast %multiple_of3A_1596 : i32 to index
        %swap3A_1598 = tpu.vector_load %arg7[%swap3A_1597] {strides = array<i32>} : memref<16384xf32, #tpu.memory_space<vmem>>, vector<16xf32>,
        tpu.vector_store %arg7[%swap3A_1597], %gather3A_1389 {strides = array<i32>} : memref<16384xf32, #tpu.memory_space<vmem>>, vector<16xf32>,
        %add3A_1599 = arith.constant 416 : i32
        %add3A_1600 = arith.addi %mul3A_1057, %add3A_1599 : i32
        %add3A_1601 = arith.constant 16 : i32
        %add3A_1602 = arith.addi %add3A_1600, %add3A_1601 : i32
        %multiple_of3A_1603 = tpu.assume_multiple %add3A_1602, 16 : i32
        %swap3A_1604 = arith.index_cast %multiple_of3A_1603 : i32 to index
        %swap3A_1605 = tpu.vector_load %arg7[%swap3A_1604] {strides = array<i32>} : memref<16384xf32, #tpu.memory_space<vmem>>, vector<16xf32>,
        tpu.vector_store %arg7[%swap3A_1604], %gather3A_1393 {strides = array<i32>} : memref<16384xf32, #tpu.memory_space<vmem>>, vector<16xf32>,
        %add3A_1606 = arith.constant 448 : i32
        %add3A_1607 = arith.addi %mul3A_1057, %add3A_1606 : i32
        %add3A_1608 = arith.constant 0 : i32
        %add3A_1609 = arith.addi %add3A_1607, %add3A_1608 : i32
        %multiple_of3A_1610 = tpu.assume_multiple %add3A_1609, 16 : i32
        %swap3A_1611 = arith.index_cast %multiple_of3A_1610 : i32 to index
        %swap3A_1612 = tpu.vector_load %arg7[%swap3A_1611] {strides = array<i32>} : memref<16384xf32, #tpu.memory_space<vmem>>, vector<16xf32>,
        tpu.vector_store %arg7[%swap3A_1611], %gather3A_1397 {strides = array<i32>} : memref<16384xf32, #tpu.memory_space<vmem>>, vector<16xf32>,
        %add3A_1613 = arith.constant 448 : i32
        %add3A_1614 = arith.addi %mul3A_1057, %add3A_1613 : i32
        %add3A_1615 = arith.constant 16 : i32
        %add3A_1616 = arith.addi %add3A_1614, %add3A_1615 : i32
        %multiple_of3A_1617 = tpu.assume_multiple %add3A_1616, 16 : i32
        %swap3A_1618 = arith.index_cast %multiple_of3A_1617 : i32 to index
        %swap3A_1619 = tpu.vector_load %arg7[%swap3A_1618] {strides = array<i32>} : memref<16384xf32, #tpu.memory_space<vmem>>, vector<16xf32>,
        tpu.vector_store %arg7[%swap3A_1618], %gather3A_1401 {strides = array<i32>} : memref<16384xf32, #tpu.memory_space<vmem>>, vector<16xf32>,
        %add3A_1620 = arith.constant 480 : i32
        %add3A_1621 = arith.addi %mul3A_1057, %add3A_1620 : i32
        %add3A_1622 = arith.constant 0 : i32
        %add3A_1623 = arith.addi %add3A_1621, %add3A_1622 : i32
        %multiple_of3A_1624 = tpu.assume_multiple %add3A_1623, 16 : i32
        %swap3A_1625 = arith.index_cast %multiple_of3A_1624 : i32 to index
        %swap3A_1626 = tpu.vector_load %arg7[%swap3A_1625] {strides = array<i32>} : memref<16384xf32, #tpu.memory_space<vmem>>, vector<16xf32>,
        tpu.vector_store %arg7[%swap3A_1625], %gather3A_1405 {strides = array<i32>} : memref<16384xf32, #tpu.memory_space<vmem>>, vector<16xf32>,
        %add3A_1627 = arith.constant 480 : i32
        %add3A_1628 = arith.addi %mul3A_1057, %add3A_1627 : i32
        %add3A_1629 = arith.constant 16 : i32
        %add3A_1630 = arith.addi %add3A_1628, %add3A_1629 : i32
        %multiple_of3A_1631 = tpu.assume_multiple %add3A_1630, 16 : i32
        %swap3A_1632 = arith.index_cast %multiple_of3A_1631 : i32 to index
        %swap3A_1633 = tpu.vector_load %arg7[%swap3A_1632] {strides = array<i32>} : memref<16384xf32, #tpu.memory_space<vmem>>, vector<16xf32>,
        tpu.vector_store %arg7[%swap3A_1632], %gather3A_1409 {strides = array<i32>} : memref<16384xf32, #tpu.memory_space<vmem>>, vector<16xf32>,
        %scan3A_1634 = arith.constant 0 : i32
        scf.yield %scan3A_1634 : i32
      }
      %scan3A_270 = arith.constant 16 : i32
      %mul3A_271 = arith.constant 32 : i32
      %mul3A_272 = arith.muli %add3A_211, %mul3A_271 : i32
      %add3A_273 = arith.addi %mul3A_272, %add3A : i32
      %min3A_274 = arith.constant 1952 : i32
      %min3A_275 = arith.minsi %add3A_273, %min3A_274 : i32
      %mul3A_276 = arith.constant 512 : i32
      %mul3A_277 = arith.muli %min3A_275, %mul3A_276 : i32
      %multiple_of3A_278 = tpu.assume_multiple %mul3A_277, 512 : i32
      %lt3A = arith.constant 1953 : i32
      %lt3A_279 = arith.cmpi slt, %add3A_273, %lt3A : i32
      %mul3A_280 = arith.constant 32 : i32
      %mul3A_281 = arith.muli %multiple_of3A_278, %mul3A_280 : i32
      %jit3A = arith.constant 32014336 : i32
      %select_n3A = arith.select %lt3A_279, %mul3A_281, %jit3A : i32
      %multiple_of3A_282 = tpu.assume_multiple %select_n3A, 16384 : i32
      %dma_start3A_283 = tpu.memref_slice %arg4[%multiple_of3A_282] : memref<32030720xf32, #tpu.memory_space<hbm>> -> memref<16384xf32, #tpu.memory_space<hbm>>
      %dma_start3A_284 = tpu.memref_slice %arg4[%multiple_of3A_282] : memref<32030720xf32, #tpu.memory_space<hbm>> -> memref<16384xf32, #tpu.memory_space<hbm>>
      tpu.enqueue_dma source(%arg7 : memref<16384xf32, #tpu.memory_space<vmem>>) target(%dma_start3A_284 : memref<16384xf32, #tpu.memory_space<hbm>>) target_semaphore(%arg14 : memref<!tpu.dma_semaphore, #tpu.memory_space<semaphore_mem>>)
      %add3A_285 = arith.constant 2 : i32
      %add3A_286 = arith.addi %add3A_211, %add3A_285 : i32
      %mul3A_287 = arith.constant 32 : i32
      %mul3A_288 = arith.muli %add3A_286, %mul3A_287 : i32
      %add3A_289 = arith.addi %mul3A_288, %add3A : i32
      %min3A_290 = arith.constant 1952 : i32
      %min3A_291 = arith.minsi %add3A_289, %min3A_290 : i32
      %mul3A_292 = arith.constant 512 : i32
      %mul3A_293 = arith.muli %min3A_291, %mul3A_292 : i32
      %multiple_of3A_294 = tpu.assume_multiple %mul3A_293, 512 : i32
      %dma_start3A_295 = arith.constant 0 : i32
      %dma_start3A_296 = arith.constant 0 : i32
      %dma_start3A_297 = tpu.memref_slice %arg5[%dma_start3A_295, %dma_start3A_296] : memref<32x512xf32, #tpu.memory_space<vmem>> -> memref<8x512xf32, #tpu.memory_space<vmem>>
      %dma_start3A_298 = arith.constant 0 : i32
      %dma_start3A_299 = tpu.memref_slice %arg2[%dma_start3A_298, %multiple_of3A_294] : memref<32x1000001xf32, #tpu.memory_space<hbm>> -> memref<8x512xf32, #tpu.memory_space<hbm>>
      %dma_start3A_300 = arith.constant 0 : i32
      %dma_start3A_301 = arith.constant 0 : i32
      %dma_start3A_302 = tpu.memref_slice %arg5[%dma_start3A_300, %dma_start3A_301] : memref<32x512xf32, #tpu.memory_space<vmem>> -> memref<8x512xf32, #tpu.memory_space<vmem>>
      %dma_start3A_303 = arith.constant 0 : i32
      %dma_start3A_304 = tpu.memref_slice %arg2[%dma_start3A_303, %multiple_of3A_294] : memref<32x1000001xf32, #tpu.memory_space<hbm>> -> memref<8x512xf32, #tpu.memory_space<hbm>>
      tpu.enqueue_dma source(%dma_start3A_304 : memref<8x512xf32, #tpu.memory_space<hbm>>) target(%dma_start3A_302 : memref<8x512xf32, #tpu.memory_space<vmem>>) target_semaphore(%arg12 : memref<!tpu.dma_semaphore, #tpu.memory_space<semaphore_mem>>)
      %dma_start3A_305 = arith.constant 8 : i32
      %dma_start3A_306 = arith.constant 0 : i32
      %dma_start3A_307 = tpu.memref_slice %arg5[%dma_start3A_305, %dma_start3A_306] : memref<32x512xf32, #tpu.memory_space<vmem>> -> memref<8x512xf32, #tpu.memory_space<vmem>>
      %dma_start3A_308 = arith.constant 8 : i32
      %dma_start3A_309 = tpu.memref_slice %arg2[%dma_start3A_308, %multiple_of3A_294] : memref<32x1000001xf32, #tpu.memory_space<hbm>> -> memref<8x512xf32, #tpu.memory_space<hbm>>
      %dma_start3A_310 = arith.constant 8 : i32
      %dma_start3A_311 = arith.constant 0 : i32
      %dma_start3A_312 = tpu.memref_slice %arg5[%dma_start3A_310, %dma_start3A_311] : memref<32x512xf32, #tpu.memory_space<vmem>> -> memref<8x512xf32, #tpu.memory_space<vmem>>
      %dma_start3A_313 = arith.constant 8 : i32
      %dma_start3A_314 = tpu.memref_slice %arg2[%dma_start3A_313, %multiple_of3A_294] : memref<32x1000001xf32, #tpu.memory_space<hbm>> -> memref<8x512xf32, #tpu.memory_space<hbm>>
      tpu.enqueue_dma source(%dma_start3A_314 : memref<8x512xf32, #tpu.memory_space<hbm>>) target(%dma_start3A_312 : memref<8x512xf32, #tpu.memory_space<vmem>>) target_semaphore(%arg12 : memref<!tpu.dma_semaphore, #tpu.memory_space<semaphore_mem>>)
      %dma_start3A_315 = arith.constant 16 : i32
      %dma_start3A_316 = arith.constant 0 : i32
      %dma_start3A_317 = tpu.memref_slice %arg5[%dma_start3A_315, %dma_start3A_316] : memref<32x512xf32, #tpu.memory_space<vmem>> -> memref<8x512xf32, #tpu.memory_space<vmem>>
      %dma_start3A_318 = arith.constant 16 : i32
      %dma_start3A_319 = tpu.memref_slice %arg2[%dma_start3A_318, %multiple_of3A_294] : memref<32x1000001xf32, #tpu.memory_space<hbm>> -> memref<8x512xf32, #tpu.memory_space<hbm>>
      %dma_start3A_320 = arith.constant 16 : i32
      %dma_start3A_321 = arith.constant 0 : i32
      %dma_start3A_322 = tpu.memref_slice %arg5[%dma_start3A_320, %dma_start3A_321] : memref<32x512xf32, #tpu.memory_space<vmem>> -> memref<8x512xf32, #tpu.memory_space<vmem>>
      %dma_start3A_323 = arith.constant 16 : i32
      %dma_start3A_324 = tpu.memref_slice %arg2[%dma_start3A_323, %multiple_of3A_294] : memref<32x1000001xf32, #tpu.memory_space<hbm>> -> memref<8x512xf32, #tpu.memory_space<hbm>>
      tpu.enqueue_dma source(%dma_start3A_324 : memref<8x512xf32, #tpu.memory_space<hbm>>) target(%dma_start3A_322 : memref<8x512xf32, #tpu.memory_space<vmem>>) target_semaphore(%arg12 : memref<!tpu.dma_semaphore, #tpu.memory_space<semaphore_mem>>)
      %dma_start3A_325 = arith.constant 24 : i32
      %dma_start3A_326 = arith.constant 0 : i32
      %dma_start3A_327 = tpu.memref_slice %arg5[%dma_start3A_325, %dma_start3A_326] : memref<32x512xf32, #tpu.memory_space<vmem>> -> memref<8x512xf32, #tpu.memory_space<vmem>>
      %dma_start3A_328 = arith.constant 24 : i32
      %dma_start3A_329 = tpu.memref_slice %arg2[%dma_start3A_328, %multiple_of3A_294] : memref<32x1000001xf32, #tpu.memory_space<hbm>> -> memref<8x512xf32, #tpu.memory_space<hbm>>
      %dma_start3A_330 = arith.constant 24 : i32
      %dma_start3A_331 = arith.constant 0 : i32
      %dma_start3A_332 = tpu.memref_slice %arg5[%dma_start3A_330, %dma_start3A_331] : memref<32x512xf32, #tpu.memory_space<vmem>> -> memref<8x512xf32, #tpu.memory_space<vmem>>
      %dma_start3A_333 = arith.constant 24 : i32
      %dma_start3A_334 = tpu.memref_slice %arg2[%dma_start3A_333, %multiple_of3A_294] : memref<32x1000001xf32, #tpu.memory_space<hbm>> -> memref<8x512xf32, #tpu.memory_space<hbm>>
      tpu.enqueue_dma source(%dma_start3A_334 : memref<8x512xf32, #tpu.memory_space<hbm>>) target(%dma_start3A_332 : memref<8x512xf32, #tpu.memory_space<vmem>>) target_semaphore(%arg12 : memref<!tpu.dma_semaphore, #tpu.memory_space<semaphore_mem>>)
      %mul3A_335 = arith.constant 2 : i32
      %mul3A_336 = arith.muli %scan3A_206, %mul3A_335 : i32
      %add3A_337 = arith.constant 1 : i32
      %add3A_338 = arith.addi %mul3A_336, %add3A_337 : i32
      %dma_wait3A_339 = arith.constant 0 : i32
      %dma_wait3A_340 = arith.constant 0 : i32
      %dma_wait3A_341 = tpu.memref_slice %arg6[%dma_wait3A_339, %dma_wait3A_340] : memref<32x512xf32, #tpu.memory_space<vmem>> -> memref<8x512xf32, #tpu.memory_space<vmem>>
      %dma_wait3A_342 = arith.constant 0 : i32
      %dma_wait3A_343 = arith.constant 0 : i32
      %dma_wait3A_344 = tpu.memref_slice %arg2[%dma_wait3A_342, %dma_wait3A_343] : memref<32x1000001xf32, #tpu.memory_space<hbm>> -> memref<8x512xf32, #tpu.memory_space<hbm>>
      %dma_wait3A_345 = arith.constant 0 : i32
      %dma_wait3A_346 = arith.constant 0 : i32
      %dma_wait3A_347 = tpu.memref_slice %arg6[%dma_wait3A_345, %dma_wait3A_346] : memref<32x512xf32, #tpu.memory_space<vmem>> -> memref<8x512xf32, #tpu.memory_space<vmem>>
      %dma_wait3A_348 = arith.constant 0 : i32
      %dma_wait3A_349 = arith.constant 0 : i32
      %dma_wait3A_350 = tpu.memref_slice %arg2[%dma_wait3A_348, %dma_wait3A_349] : memref<32x1000001xf32, #tpu.memory_space<hbm>> -> memref<8x512xf32, #tpu.memory_space<hbm>>
      tpu.wait_dma2 semaphore(%arg13 : memref<!tpu.dma_semaphore, #tpu.memory_space<semaphore_mem>>) src(%dma_wait3A_350 : memref<8x512xf32, #tpu.memory_space<hbm>>) dst(%dma_wait3A_347 : memref<8x512xf32, #tpu.memory_space<vmem>>)
      %dma_wait3A_351 = arith.constant 8 : i32
      %dma_wait3A_352 = arith.constant 0 : i32
      %dma_wait3A_353 = tpu.memref_slice %arg6[%dma_wait3A_351, %dma_wait3A_352] : memref<32x512xf32, #tpu.memory_space<vmem>> -> memref<8x512xf32, #tpu.memory_space<vmem>>
      %dma_wait3A_354 = arith.constant 0 : i32
      %dma_wait3A_355 = arith.constant 0 : i32
      %dma_wait3A_356 = tpu.memref_slice %arg2[%dma_wait3A_354, %dma_wait3A_355] : memref<32x1000001xf32, #tpu.memory_space<hbm>> -> memref<8x512xf32, #tpu.memory_space<hbm>>
      %dma_wait3A_357 = arith.constant 8 : i32
      %dma_wait3A_358 = arith.constant 0 : i32
      %dma_wait3A_359 = tpu.memref_slice %arg6[%dma_wait3A_357, %dma_wait3A_358] : memref<32x512xf32, #tpu.memory_space<vmem>> -> memref<8x512xf32, #tpu.memory_space<vmem>>
      %dma_wait3A_360 = arith.constant 0 : i32
      %dma_wait3A_361 = arith.constant 0 : i32
      %dma_wait3A_362 = tpu.memref_slice %arg2[%dma_wait3A_360, %dma_wait3A_361] : memref<32x1000001xf32, #tpu.memory_space<hbm>> -> memref<8x512xf32, #tpu.memory_space<hbm>>
      tpu.wait_dma2 semaphore(%arg13 : memref<!tpu.dma_semaphore, #tpu.memory_space<semaphore_mem>>) src(%dma_wait3A_362 : memref<8x512xf32, #tpu.memory_space<hbm>>) dst(%dma_wait3A_359 : memref<8x512xf32, #tpu.memory_space<vmem>>)
      %dma_wait3A_363 = arith.constant 16 : i32
      %dma_wait3A_364 = arith.constant 0 : i32
      %dma_wait3A_365 = tpu.memref_slice %arg6[%dma_wait3A_363, %dma_wait3A_364] : memref<32x512xf32, #tpu.memory_space<vmem>> -> memref<8x512xf32, #tpu.memory_space<vmem>>
      %dma_wait3A_366 = arith.constant 0 : i32
      %dma_wait3A_367 = arith.constant 0 : i32
      %dma_wait3A_368 = tpu.memref_slice %arg2[%dma_wait3A_366, %dma_wait3A_367] : memref<32x1000001xf32, #tpu.memory_space<hbm>> -> memref<8x512xf32, #tpu.memory_space<hbm>>
      %dma_wait3A_369 = arith.constant 16 : i32
      %dma_wait3A_370 = arith.constant 0 : i32
      %dma_wait3A_371 = tpu.memref_slice %arg6[%dma_wait3A_369, %dma_wait3A_370] : memref<32x512xf32, #tpu.memory_space<vmem>> -> memref<8x512xf32, #tpu.memory_space<vmem>>
      %dma_wait3A_372 = arith.constant 0 : i32
      %dma_wait3A_373 = arith.constant 0 : i32
      %dma_wait3A_374 = tpu.memref_slice %arg2[%dma_wait3A_372, %dma_wait3A_373] : memref<32x1000001xf32, #tpu.memory_space<hbm>> -> memref<8x512xf32, #tpu.memory_space<hbm>>
      tpu.wait_dma2 semaphore(%arg13 : memref<!tpu.dma_semaphore, #tpu.memory_space<semaphore_mem>>) src(%dma_wait3A_374 : memref<8x512xf32, #tpu.memory_space<hbm>>) dst(%dma_wait3A_371 : memref<8x512xf32, #tpu.memory_space<vmem>>)
      %dma_wait3A_375 = arith.constant 24 : i32
      %dma_wait3A_376 = arith.constant 0 : i32
      %dma_wait3A_377 = tpu.memref_slice %arg6[%dma_wait3A_375, %dma_wait3A_376] : memref<32x512xf32, #tpu.memory_space<vmem>> -> memref<8x512xf32, #tpu.memory_space<vmem>>
      %dma_wait3A_378 = arith.constant 0 : i32
      %dma_wait3A_379 = arith.constant 0 : i32
      %dma_wait3A_380 = tpu.memref_slice %arg2[%dma_wait3A_378, %dma_wait3A_379] : memref<32x1000001xf32, #tpu.memory_space<hbm>> -> memref<8x512xf32, #tpu.memory_space<hbm>>
      %dma_wait3A_381 = arith.constant 24 : i32
      %dma_wait3A_382 = arith.constant 0 : i32
      %dma_wait3A_383 = tpu.memref_slice %arg6[%dma_wait3A_381, %dma_wait3A_382] : memref<32x512xf32, #tpu.memory_space<vmem>> -> memref<8x512xf32, #tpu.memory_space<vmem>>
      %dma_wait3A_384 = arith.constant 0 : i32
      %dma_wait3A_385 = arith.constant 0 : i32
      %dma_wait3A_386 = tpu.memref_slice %arg2[%dma_wait3A_384, %dma_wait3A_385] : memref<32x1000001xf32, #tpu.memory_space<hbm>> -> memref<8x512xf32, #tpu.memory_space<hbm>>
      tpu.wait_dma2 semaphore(%arg13 : memref<!tpu.dma_semaphore, #tpu.memory_space<semaphore_mem>>) src(%dma_wait3A_386 : memref<8x512xf32, #tpu.memory_space<hbm>>) dst(%dma_wait3A_383 : memref<8x512xf32, #tpu.memory_space<vmem>>)
      %gt3A_387 = arith.constant 0 : i32
      %gt3A_388 = arith.cmpi sgt, %scan3A_206, %gt3A_387 : i32
      %convert_element_type3A_389 = arith.extui %gt3A_388 : i1 to i32
      %cond3A_390 = arith.constant 0 : i32
      %cond3A_391 = arith.cmpi ne, %convert_element_type3A_389, %cond3A_390 : i32
      scf.if %cond3A_391 {
        %dma_wait3A_467 = arith.constant 0 : i32
        %dma_wait3A_468 = tpu.memref_slice %arg4[%dma_wait3A_467] : memref<32030720xf32, #tpu.memory_space<hbm>> -> memref<16384xf32, #tpu.memory_space<hbm>>
        %dma_wait3A_469 = arith.constant 0 : i32
        %dma_wait3A_470 = tpu.memref_slice %arg4[%dma_wait3A_469] : memref<32030720xf32, #tpu.memory_space<hbm>> -> memref<16384xf32, #tpu.memory_space<hbm>>
        tpu.wait_dma2 semaphore(%arg15 : memref<!tpu.dma_semaphore, #tpu.memory_space<semaphore_mem>>) src(%arg8 : memref<16384xf32, #tpu.memory_space<vmem>>) dst(%dma_wait3A_470 : memref<16384xf32, #tpu.memory_space<hbm>>)
      } else {
      }
      %scan3A_392 = arith.constant 0 : i32
      %scan3A_393 = arith.constant 0 : i32
      %scan3A_394 = arith.constant 16 : i32
      %scan3A_395 = arith.addi %scan3A_393, %scan3A_394 : i32
      %scan3A_396 = arith.constant 1 : i32
      %scan3A_397 = scf.for %scan3A_467 = %scan3A_393 to %scan3A_395 step %scan3A_396 iter_args(%scan3A_468 = %scan3A_392) -> (i32)  : i32 {
        %mul3A_469 = arith.constant 2 : i32
        %mul3A_470 = arith.muli %scan3A_467, %mul3A_469 : i32
        %mul3A_471 = arith.constant 16 : i32
        %mul3A_472 = arith.muli %mul3A_470, %mul3A_471 : i32
        %multiple_of3A_473 = tpu.assume_multiple %mul3A_472, 16 : i32
        %mul3A_474 = arith.constant 512 : i32
        %mul3A_475 = arith.muli %mul3A_470, %mul3A_474 : i32
        %get3A = arith.constant 0 : i32
        %get3A_476 = arith.index_cast %get3A : i32 to index
        %get3A_477 = arith.index_cast %multiple_of3A_473 : i32 to index
        %get3A_478 = tpu.vector_load %arg6[%get3A_476, %get3A_477] {strides = array<i32>} : memref<32x512xf32, #tpu.memory_space<vmem>>, vector<16xf32>,
        %get3A_479 = arith.constant 1 : i32
        %get3A_480 = arith.index_cast %get3A_479 : i32 to index
        %get3A_481 = arith.index_cast %multiple_of3A_473 : i32 to index
        %get3A_482 = tpu.vector_load %arg6[%get3A_480, %get3A_481] {strides = array<i32>} : memref<32x512xf32, #tpu.memory_space<vmem>>, vector<16xf32>,
        %get3A_483 = arith.constant 2 : i32
        %get3A_484 = arith.index_cast %get3A_483 : i32 to index
        %get3A_485 = arith.index_cast %multiple_of3A_473 : i32 to index
        %get3A_486 = tpu.vector_load %arg6[%get3A_484, %get3A_485] {strides = array<i32>} : memref<32x512xf32, #tpu.memory_space<vmem>>, vector<16xf32>,
        %get3A_487 = arith.constant 3 : i32
        %get3A_488 = arith.index_cast %get3A_487 : i32 to index
        %get3A_489 = arith.index_cast %multiple_of3A_473 : i32 to index
        %get3A_490 = tpu.vector_load %arg6[%get3A_488, %get3A_489] {strides = array<i32>} : memref<32x512xf32, #tpu.memory_space<vmem>>, vector<16xf32>,
        %get3A_491 = arith.constant 4 : i32
        %get3A_492 = arith.index_cast %get3A_491 : i32 to index
        %get3A_493 = arith.index_cast %multiple_of3A_473 : i32 to index
        %get3A_494 = tpu.vector_load %arg6[%get3A_492, %get3A_493] {strides = array<i32>} : memref<32x512xf32, #tpu.memory_space<vmem>>, vector<16xf32>,
        %get3A_495 = arith.constant 5 : i32
        %get3A_496 = arith.index_cast %get3A_495 : i32 to index
        %get3A_497 = arith.index_cast %multiple_of3A_473 : i32 to index
        %get3A_498 = tpu.vector_load %arg6[%get3A_496, %get3A_497] {strides = array<i32>} : memref<32x512xf32, #tpu.memory_space<vmem>>, vector<16xf32>,
        %get3A_499 = arith.constant 6 : i32
        %get3A_500 = arith.index_cast %get3A_499 : i32 to index
        %get3A_501 = arith.index_cast %multiple_of3A_473 : i32 to index
        %get3A_502 = tpu.vector_load %arg6[%get3A_500, %get3A_501] {strides = array<i32>} : memref<32x512xf32, #tpu.memory_space<vmem>>, vector<16xf32>,
        %get3A_503 = arith.constant 7 : i32
        %get3A_504 = arith.index_cast %get3A_503 : i32 to index
        %get3A_505 = arith.index_cast %multiple_of3A_473 : i32 to index
        %get3A_506 = tpu.vector_load %arg6[%get3A_504, %get3A_505] {strides = array<i32>} : memref<32x512xf32, #tpu.memory_space<vmem>>, vector<16xf32>,
        %get3A_507 = arith.constant 8 : i32
        %get3A_508 = arith.index_cast %get3A_507 : i32 to index
        %get3A_509 = arith.index_cast %multiple_of3A_473 : i32 to index
        %get3A_510 = tpu.vector_load %arg6[%get3A_508, %get3A_509] {strides = array<i32>} : memref<32x512xf32, #tpu.memory_space<vmem>>, vector<16xf32>,
        %get3A_511 = arith.constant 9 : i32
        %get3A_512 = arith.index_cast %get3A_511 : i32 to index
        %get3A_513 = arith.index_cast %multiple_of3A_473 : i32 to index
        %get3A_514 = tpu.vector_load %arg6[%get3A_512, %get3A_513] {strides = array<i32>} : memref<32x512xf32, #tpu.memory_space<vmem>>, vector<16xf32>,
        %get3A_515 = arith.constant 10 : i32
        %get3A_516 = arith.index_cast %get3A_515 : i32 to index
        %get3A_517 = arith.index_cast %multiple_of3A_473 : i32 to index
        %get3A_518 = tpu.vector_load %arg6[%get3A_516, %get3A_517] {strides = array<i32>} : memref<32x512xf32, #tpu.memory_space<vmem>>, vector<16xf32>,
        %get3A_519 = arith.constant 11 : i32
        %get3A_520 = arith.index_cast %get3A_519 : i32 to index
        %get3A_521 = arith.index_cast %multiple_of3A_473 : i32 to index
        %get3A_522 = tpu.vector_load %arg6[%get3A_520, %get3A_521] {strides = array<i32>} : memref<32x512xf32, #tpu.memory_space<vmem>>, vector<16xf32>,
        %get3A_523 = arith.constant 12 : i32
        %get3A_524 = arith.index_cast %get3A_523 : i32 to index
        %get3A_525 = arith.index_cast %multiple_of3A_473 : i32 to index
        %get3A_526 = tpu.vector_load %arg6[%get3A_524, %get3A_525] {strides = array<i32>} : memref<32x512xf32, #tpu.memory_space<vmem>>, vector<16xf32>,
        %get3A_527 = arith.constant 13 : i32
        %get3A_528 = arith.index_cast %get3A_527 : i32 to index
        %get3A_529 = arith.index_cast %multiple_of3A_473 : i32 to index
        %get3A_530 = tpu.vector_load %arg6[%get3A_528, %get3A_529] {strides = array<i32>} : memref<32x512xf32, #tpu.memory_space<vmem>>, vector<16xf32>,
        %get3A_531 = arith.constant 14 : i32
        %get3A_532 = arith.index_cast %get3A_531 : i32 to index
        %get3A_533 = arith.index_cast %multiple_of3A_473 : i32 to index
        %get3A_534 = tpu.vector_load %arg6[%get3A_532, %get3A_533] {strides = array<i32>} : memref<32x512xf32, #tpu.memory_space<vmem>>, vector<16xf32>,
        %get3A_535 = arith.constant 15 : i32
        %get3A_536 = arith.index_cast %get3A_535 : i32 to index
        %get3A_537 = arith.index_cast %multiple_of3A_473 : i32 to index
        %get3A_538 = tpu.vector_load %arg6[%get3A_536, %get3A_537] {strides = array<i32>} : memref<32x512xf32, #tpu.memory_space<vmem>>, vector<16xf32>,
        %get3A_539 = arith.constant 16 : i32
        %get3A_540 = arith.index_cast %get3A_539 : i32 to index
        %get3A_541 = arith.index_cast %multiple_of3A_473 : i32 to index
        %get3A_542 = tpu.vector_load %arg6[%get3A_540, %get3A_541] {strides = array<i32>} : memref<32x512xf32, #tpu.memory_space<vmem>>, vector<16xf32>,
        %get3A_543 = arith.constant 17 : i32
        %get3A_544 = arith.index_cast %get3A_543 : i32 to index
        %get3A_545 = arith.index_cast %multiple_of3A_473 : i32 to index
        %get3A_546 = tpu.vector_load %arg6[%get3A_544, %get3A_545] {strides = array<i32>} : memref<32x512xf32, #tpu.memory_space<vmem>>, vector<16xf32>,
        %get3A_547 = arith.constant 18 : i32
        %get3A_548 = arith.index_cast %get3A_547 : i32 to index
        %get3A_549 = arith.index_cast %multiple_of3A_473 : i32 to index
        %get3A_550 = tpu.vector_load %arg6[%get3A_548, %get3A_549] {strides = array<i32>} : memref<32x512xf32, #tpu.memory_space<vmem>>, vector<16xf32>,
        %get3A_551 = arith.constant 19 : i32
        %get3A_552 = arith.index_cast %get3A_551 : i32 to index
        %get3A_553 = arith.index_cast %multiple_of3A_473 : i32 to index
        %get3A_554 = tpu.vector_load %arg6[%get3A_552, %get3A_553] {strides = array<i32>} : memref<32x512xf32, #tpu.memory_space<vmem>>, vector<16xf32>,
        %get3A_555 = arith.constant 20 : i32
        %get3A_556 = arith.index_cast %get3A_555 : i32 to index
        %get3A_557 = arith.index_cast %multiple_of3A_473 : i32 to index
        %get3A_558 = tpu.vector_load %arg6[%get3A_556, %get3A_557] {strides = array<i32>} : memref<32x512xf32, #tpu.memory_space<vmem>>, vector<16xf32>,
        %get3A_559 = arith.constant 21 : i32
        %get3A_560 = arith.index_cast %get3A_559 : i32 to index
        %get3A_561 = arith.index_cast %multiple_of3A_473 : i32 to index
        %get3A_562 = tpu.vector_load %arg6[%get3A_560, %get3A_561] {strides = array<i32>} : memref<32x512xf32, #tpu.memory_space<vmem>>, vector<16xf32>,
        %get3A_563 = arith.constant 22 : i32
        %get3A_564 = arith.index_cast %get3A_563 : i32 to index
        %get3A_565 = arith.index_cast %multiple_of3A_473 : i32 to index
        %get3A_566 = tpu.vector_load %arg6[%get3A_564, %get3A_565] {strides = array<i32>} : memref<32x512xf32, #tpu.memory_space<vmem>>, vector<16xf32>,
        %get3A_567 = arith.constant 23 : i32
        %get3A_568 = arith.index_cast %get3A_567 : i32 to index
        %get3A_569 = arith.index_cast %multiple_of3A_473 : i32 to index
        %get3A_570 = tpu.vector_load %arg6[%get3A_568, %get3A_569] {strides = array<i32>} : memref<32x512xf32, #tpu.memory_space<vmem>>, vector<16xf32>,
        %get3A_571 = arith.constant 24 : i32
        %get3A_572 = arith.index_cast %get3A_571 : i32 to index
        %get3A_573 = arith.index_cast %multiple_of3A_473 : i32 to index
        %get3A_574 = tpu.vector_load %arg6[%get3A_572, %get3A_573] {strides = array<i32>} : memref<32x512xf32, #tpu.memory_space<vmem>>, vector<16xf32>,
        %get3A_575 = arith.constant 25 : i32
        %get3A_576 = arith.index_cast %get3A_575 : i32 to index
        %get3A_577 = arith.index_cast %multiple_of3A_473 : i32 to index
        %get3A_578 = tpu.vector_load %arg6[%get3A_576, %get3A_577] {strides = array<i32>} : memref<32x512xf32, #tpu.memory_space<vmem>>, vector<16xf32>,
        %get3A_579 = arith.constant 26 : i32
        %get3A_580 = arith.index_cast %get3A_579 : i32 to index
        %get3A_581 = arith.index_cast %multiple_of3A_473 : i32 to index
        %get3A_582 = tpu.vector_load %arg6[%get3A_580, %get3A_581] {strides = array<i32>} : memref<32x512xf32, #tpu.memory_space<vmem>>, vector<16xf32>,
        %get3A_583 = arith.constant 27 : i32
        %get3A_584 = arith.index_cast %get3A_583 : i32 to index
        %get3A_585 = arith.index_cast %multiple_of3A_473 : i32 to index
        %get3A_586 = tpu.vector_load %arg6[%get3A_584, %get3A_585] {strides = array<i32>} : memref<32x512xf32, #tpu.memory_space<vmem>>, vector<16xf32>,
        %get3A_587 = arith.constant 28 : i32
        %get3A_588 = arith.index_cast %get3A_587 : i32 to index
        %get3A_589 = arith.index_cast %multiple_of3A_473 : i32 to index
        %get3A_590 = tpu.vector_load %arg6[%get3A_588, %get3A_589] {strides = array<i32>} : memref<32x512xf32, #tpu.memory_space<vmem>>, vector<16xf32>,
        %get3A_591 = arith.constant 29 : i32
        %get3A_592 = arith.index_cast %get3A_591 : i32 to index
        %get3A_593 = arith.index_cast %multiple_of3A_473 : i32 to index
        %get3A_594 = tpu.vector_load %arg6[%get3A_592, %get3A_593] {strides = array<i32>} : memref<32x512xf32, #tpu.memory_space<vmem>>, vector<16xf32>,
        %get3A_595 = arith.constant 30 : i32
        %get3A_596 = arith.index_cast %get3A_595 : i32 to index
        %get3A_597 = arith.index_cast %multiple_of3A_473 : i32 to index
        %get3A_598 = tpu.vector_load %arg6[%get3A_596, %get3A_597] {strides = array<i32>} : memref<32x512xf32, #tpu.memory_space<vmem>>, vector<16xf32>,
        %get3A_599 = arith.constant 31 : i32
        %get3A_600 = arith.index_cast %get3A_599 : i32 to index
        %get3A_601 = arith.index_cast %multiple_of3A_473 : i32 to index
        %get3A_602 = tpu.vector_load %arg6[%get3A_600, %get3A_601] {strides = array<i32>} : memref<32x512xf32, #tpu.memory_space<vmem>>, vector<16xf32>,
        %add3A_603 = arith.constant 0 : i32
        %add3A_604 = vector.broadcast %add3A_603 : i32 to vector<16xi32>
        %add3A_605 = arith.addi %iota3A, %add3A_604 : vector<16xi32>
        tpu.vector_store_idx %arg9[%add3A_605], %get3A_478 : memref<544xf32, #tpu.memory_space<vmem>>[vector<16xi32>], vector<16xf32>,
        %add3A_606 = arith.constant 17 : i32
        %add3A_607 = vector.broadcast %add3A_606 : i32 to vector<16xi32>
        %add3A_608 = arith.addi %iota3A, %add3A_607 : vector<16xi32>
        tpu.vector_store_idx %arg9[%add3A_608], %get3A_482 : memref<544xf32, #tpu.memory_space<vmem>>[vector<16xi32>], vector<16xf32>,
        %add3A_609 = arith.constant 34 : i32
        %add3A_610 = vector.broadcast %add3A_609 : i32 to vector<16xi32>
        %add3A_611 = arith.addi %iota3A, %add3A_610 : vector<16xi32>
        tpu.vector_store_idx %arg9[%add3A_611], %get3A_486 : memref<544xf32, #tpu.memory_space<vmem>>[vector<16xi32>], vector<16xf32>,
        %add3A_612 = arith.constant 51 : i32
        %add3A_613 = vector.broadcast %add3A_612 : i32 to vector<16xi32>
        %add3A_614 = arith.addi %iota3A, %add3A_613 : vector<16xi32>
        tpu.vector_store_idx %arg9[%add3A_614], %get3A_490 : memref<544xf32, #tpu.memory_space<vmem>>[vector<16xi32>], vector<16xf32>,
        %add3A_615 = arith.constant 68 : i32
        %add3A_616 = vector.broadcast %add3A_615 : i32 to vector<16xi32>
        %add3A_617 = arith.addi %iota3A, %add3A_616 : vector<16xi32>
        tpu.vector_store_idx %arg9[%add3A_617], %get3A_494 : memref<544xf32, #tpu.memory_space<vmem>>[vector<16xi32>], vector<16xf32>,
        %add3A_618 = arith.constant 85 : i32
        %add3A_619 = vector.broadcast %add3A_618 : i32 to vector<16xi32>
        %add3A_620 = arith.addi %iota3A, %add3A_619 : vector<16xi32>
        tpu.vector_store_idx %arg9[%add3A_620], %get3A_498 : memref<544xf32, #tpu.memory_space<vmem>>[vector<16xi32>], vector<16xf32>,
        %add3A_621 = arith.constant 102 : i32
        %add3A_622 = vector.broadcast %add3A_621 : i32 to vector<16xi32>
        %add3A_623 = arith.addi %iota3A, %add3A_622 : vector<16xi32>
        tpu.vector_store_idx %arg9[%add3A_623], %get3A_502 : memref<544xf32, #tpu.memory_space<vmem>>[vector<16xi32>], vector<16xf32>,
        %add3A_624 = arith.constant 119 : i32
        %add3A_625 = vector.broadcast %add3A_624 : i32 to vector<16xi32>
        %add3A_626 = arith.addi %iota3A, %add3A_625 : vector<16xi32>
        tpu.vector_store_idx %arg9[%add3A_626], %get3A_506 : memref<544xf32, #tpu.memory_space<vmem>>[vector<16xi32>], vector<16xf32>,
        %add3A_627 = arith.constant 136 : i32
        %add3A_628 = vector.broadcast %add3A_627 : i32 to vector<16xi32>
        %add3A_629 = arith.addi %iota3A, %add3A_628 : vector<16xi32>
        tpu.vector_store_idx %arg9[%add3A_629], %get3A_510 : memref<544xf32, #tpu.memory_space<vmem>>[vector<16xi32>], vector<16xf32>,
        %add3A_630 = arith.constant 153 : i32
        %add3A_631 = vector.broadcast %add3A_630 : i32 to vector<16xi32>
        %add3A_632 = arith.addi %iota3A, %add3A_631 : vector<16xi32>
        tpu.vector_store_idx %arg9[%add3A_632], %get3A_514 : memref<544xf32, #tpu.memory_space<vmem>>[vector<16xi32>], vector<16xf32>,
        %add3A_633 = arith.constant 170 : i32
        %add3A_634 = vector.broadcast %add3A_633 : i32 to vector<16xi32>
        %add3A_635 = arith.addi %iota3A, %add3A_634 : vector<16xi32>
        tpu.vector_store_idx %arg9[%add3A_635], %get3A_518 : memref<544xf32, #tpu.memory_space<vmem>>[vector<16xi32>], vector<16xf32>,
        %add3A_636 = arith.constant 187 : i32
        %add3A_637 = vector.broadcast %add3A_636 : i32 to vector<16xi32>
        %add3A_638 = arith.addi %iota3A, %add3A_637 : vector<16xi32>
        tpu.vector_store_idx %arg9[%add3A_638], %get3A_522 : memref<544xf32, #tpu.memory_space<vmem>>[vector<16xi32>], vector<16xf32>,
        %add3A_639 = arith.constant 204 : i32
        %add3A_640 = vector.broadcast %add3A_639 : i32 to vector<16xi32>
        %add3A_641 = arith.addi %iota3A, %add3A_640 : vector<16xi32>
        tpu.vector_store_idx %arg9[%add3A_641], %get3A_526 : memref<544xf32, #tpu.memory_space<vmem>>[vector<16xi32>], vector<16xf32>,
        %add3A_642 = arith.constant 221 : i32
        %add3A_643 = vector.broadcast %add3A_642 : i32 to vector<16xi32>
        %add3A_644 = arith.addi %iota3A, %add3A_643 : vector<16xi32>
        tpu.vector_store_idx %arg9[%add3A_644], %get3A_530 : memref<544xf32, #tpu.memory_space<vmem>>[vector<16xi32>], vector<16xf32>,
        %add3A_645 = arith.constant 238 : i32
        %add3A_646 = vector.broadcast %add3A_645 : i32 to vector<16xi32>
        %add3A_647 = arith.addi %iota3A, %add3A_646 : vector<16xi32>
        tpu.vector_store_idx %arg9[%add3A_647], %get3A_534 : memref<544xf32, #tpu.memory_space<vmem>>[vector<16xi32>], vector<16xf32>,
        %add3A_648 = arith.constant 255 : i32
        %add3A_649 = vector.broadcast %add3A_648 : i32 to vector<16xi32>
        %add3A_650 = arith.addi %iota3A, %add3A_649 : vector<16xi32>
        tpu.vector_store_idx %arg9[%add3A_650], %get3A_538 : memref<544xf32, #tpu.memory_space<vmem>>[vector<16xi32>], vector<16xf32>,
        %add3A_651 = arith.constant 272 : i32
        %add3A_652 = vector.broadcast %add3A_651 : i32 to vector<16xi32>
        %add3A_653 = arith.addi %iota3A, %add3A_652 : vector<16xi32>
        tpu.vector_store_idx %arg9[%add3A_653], %get3A_542 : memref<544xf32, #tpu.memory_space<vmem>>[vector<16xi32>], vector<16xf32>,
        %add3A_654 = arith.constant 289 : i32
        %add3A_655 = vector.broadcast %add3A_654 : i32 to vector<16xi32>
        %add3A_656 = arith.addi %iota3A, %add3A_655 : vector<16xi32>
        tpu.vector_store_idx %arg9[%add3A_656], %get3A_546 : memref<544xf32, #tpu.memory_space<vmem>>[vector<16xi32>], vector<16xf32>,
        %add3A_657 = arith.constant 306 : i32
        %add3A_658 = vector.broadcast %add3A_657 : i32 to vector<16xi32>
        %add3A_659 = arith.addi %iota3A, %add3A_658 : vector<16xi32>
        tpu.vector_store_idx %arg9[%add3A_659], %get3A_550 : memref<544xf32, #tpu.memory_space<vmem>>[vector<16xi32>], vector<16xf32>,
        %add3A_660 = arith.constant 323 : i32
        %add3A_661 = vector.broadcast %add3A_660 : i32 to vector<16xi32>
        %add3A_662 = arith.addi %iota3A, %add3A_661 : vector<16xi32>
        tpu.vector_store_idx %arg9[%add3A_662], %get3A_554 : memref<544xf32, #tpu.memory_space<vmem>>[vector<16xi32>], vector<16xf32>,
        %add3A_663 = arith.constant 340 : i32
        %add3A_664 = vector.broadcast %add3A_663 : i32 to vector<16xi32>
        %add3A_665 = arith.addi %iota3A, %add3A_664 : vector<16xi32>
        tpu.vector_store_idx %arg9[%add3A_665], %get3A_558 : memref<544xf32, #tpu.memory_space<vmem>>[vector<16xi32>], vector<16xf32>,
        %add3A_666 = arith.constant 357 : i32
        %add3A_667 = vector.broadcast %add3A_666 : i32 to vector<16xi32>
        %add3A_668 = arith.addi %iota3A, %add3A_667 : vector<16xi32>
        tpu.vector_store_idx %arg9[%add3A_668], %get3A_562 : memref<544xf32, #tpu.memory_space<vmem>>[vector<16xi32>], vector<16xf32>,
        %add3A_669 = arith.constant 374 : i32
        %add3A_670 = vector.broadcast %add3A_669 : i32 to vector<16xi32>
        %add3A_671 = arith.addi %iota3A, %add3A_670 : vector<16xi32>
        tpu.vector_store_idx %arg9[%add3A_671], %get3A_566 : memref<544xf32, #tpu.memory_space<vmem>>[vector<16xi32>], vector<16xf32>,
        %add3A_672 = arith.constant 391 : i32
        %add3A_673 = vector.broadcast %add3A_672 : i32 to vector<16xi32>
        %add3A_674 = arith.addi %iota3A, %add3A_673 : vector<16xi32>
        tpu.vector_store_idx %arg9[%add3A_674], %get3A_570 : memref<544xf32, #tpu.memory_space<vmem>>[vector<16xi32>], vector<16xf32>,
        %add3A_675 = arith.constant 408 : i32
        %add3A_676 = vector.broadcast %add3A_675 : i32 to vector<16xi32>
        %add3A_677 = arith.addi %iota3A, %add3A_676 : vector<16xi32>
        tpu.vector_store_idx %arg9[%add3A_677], %get3A_574 : memref<544xf32, #tpu.memory_space<vmem>>[vector<16xi32>], vector<16xf32>,
        %add3A_678 = arith.constant 425 : i32
        %add3A_679 = vector.broadcast %add3A_678 : i32 to vector<16xi32>
        %add3A_680 = arith.addi %iota3A, %add3A_679 : vector<16xi32>
        tpu.vector_store_idx %arg9[%add3A_680], %get3A_578 : memref<544xf32, #tpu.memory_space<vmem>>[vector<16xi32>], vector<16xf32>,
        %add3A_681 = arith.constant 442 : i32
        %add3A_682 = vector.broadcast %add3A_681 : i32 to vector<16xi32>
        %add3A_683 = arith.addi %iota3A, %add3A_682 : vector<16xi32>
        tpu.vector_store_idx %arg9[%add3A_683], %get3A_582 : memref<544xf32, #tpu.memory_space<vmem>>[vector<16xi32>], vector<16xf32>,
        %add3A_684 = arith.constant 459 : i32
        %add3A_685 = vector.broadcast %add3A_684 : i32 to vector<16xi32>
        %add3A_686 = arith.addi %iota3A, %add3A_685 : vector<16xi32>
        tpu.vector_store_idx %arg9[%add3A_686], %get3A_586 : memref<544xf32, #tpu.memory_space<vmem>>[vector<16xi32>], vector<16xf32>,
        %add3A_687 = arith.constant 476 : i32
        %add3A_688 = vector.broadcast %add3A_687 : i32 to vector<16xi32>
        %add3A_689 = arith.addi %iota3A, %add3A_688 : vector<16xi32>
        tpu.vector_store_idx %arg9[%add3A_689], %get3A_590 : memref<544xf32, #tpu.memory_space<vmem>>[vector<16xi32>], vector<16xf32>,
        %add3A_690 = arith.constant 493 : i32
        %add3A_691 = vector.broadcast %add3A_690 : i32 to vector<16xi32>
        %add3A_692 = arith.addi %iota3A, %add3A_691 : vector<16xi32>
        tpu.vector_store_idx %arg9[%add3A_692], %get3A_594 : memref<544xf32, #tpu.memory_space<vmem>>[vector<16xi32>], vector<16xf32>,
        %add3A_693 = arith.constant 510 : i32
        %add3A_694 = vector.broadcast %add3A_693 : i32 to vector<16xi32>
        %add3A_695 = arith.addi %iota3A, %add3A_694 : vector<16xi32>
        tpu.vector_store_idx %arg9[%add3A_695], %get3A_598 : memref<544xf32, #tpu.memory_space<vmem>>[vector<16xi32>], vector<16xf32>,
        %add3A_696 = arith.constant 527 : i32
        %add3A_697 = vector.broadcast %add3A_696 : i32 to vector<16xi32>
        %add3A_698 = arith.addi %iota3A, %add3A_697 : vector<16xi32>
        tpu.vector_store_idx %arg9[%add3A_698], %get3A_602 : memref<544xf32, #tpu.memory_space<vmem>>[vector<16xi32>], vector<16xf32>,
        %add3A_699 = arith.constant 0 : i32
        %add3A_700 = vector.broadcast %add3A_699 : i32 to vector<16xi32>
        %add3A_701 = arith.addi %mul3A_3, %add3A_700 : vector<16xi32>
        %gather3A = tpu.vector_load_idx %arg9[%add3A_701] : memref<544xf32, #tpu.memory_space<vmem>>[vector<16xi32>], vector<16xf32>,
        %add3A_702 = arith.constant 272 : i32
        %add3A_703 = vector.broadcast %add3A_702 : i32 to vector<16xi32>
        %add3A_704 = arith.addi %mul3A_3, %add3A_703 : vector<16xi32>
        %gather3A_705 = tpu.vector_load_idx %arg9[%add3A_704] : memref<544xf32, #tpu.memory_space<vmem>>[vector<16xi32>], vector<16xf32>,
        %add3A_706 = arith.constant 1 : i32
        %add3A_707 = vector.broadcast %add3A_706 : i32 to vector<16xi32>
        %add3A_708 = arith.addi %mul3A_3, %add3A_707 : vector<16xi32>
        %gather3A_709 = tpu.vector_load_idx %arg9[%add3A_708] : memref<544xf32, #tpu.memory_space<vmem>>[vector<16xi32>], vector<16xf32>,
        %add3A_710 = arith.constant 273 : i32
        %add3A_711 = vector.broadcast %add3A_710 : i32 to vector<16xi32>
        %add3A_712 = arith.addi %mul3A_3, %add3A_711 : vector<16xi32>
        %gather3A_713 = tpu.vector_load_idx %arg9[%add3A_712] : memref<544xf32, #tpu.memory_space<vmem>>[vector<16xi32>], vector<16xf32>,
        %add3A_714 = arith.constant 2 : i32
        %add3A_715 = vector.broadcast %add3A_714 : i32 to vector<16xi32>
        %add3A_716 = arith.addi %mul3A_3, %add3A_715 : vector<16xi32>
        %gather3A_717 = tpu.vector_load_idx %arg9[%add3A_716] : memref<544xf32, #tpu.memory_space<vmem>>[vector<16xi32>], vector<16xf32>,
        %add3A_718 = arith.constant 274 : i32
        %add3A_719 = vector.broadcast %add3A_718 : i32 to vector<16xi32>
        %add3A_720 = arith.addi %mul3A_3, %add3A_719 : vector<16xi32>
        %gather3A_721 = tpu.vector_load_idx %arg9[%add3A_720] : memref<544xf32, #tpu.memory_space<vmem>>[vector<16xi32>], vector<16xf32>,
        %add3A_722 = arith.constant 3 : i32
        %add3A_723 = vector.broadcast %add3A_722 : i32 to vector<16xi32>
        %add3A_724 = arith.addi %mul3A_3, %add3A_723 : vector<16xi32>
        %gather3A_725 = tpu.vector_load_idx %arg9[%add3A_724] : memref<544xf32, #tpu.memory_space<vmem>>[vector<16xi32>], vector<16xf32>,
        %add3A_726 = arith.constant 275 : i32
        %add3A_727 = vector.broadcast %add3A_726 : i32 to vector<16xi32>
        %add3A_728 = arith.addi %mul3A_3, %add3A_727 : vector<16xi32>
        %gather3A_729 = tpu.vector_load_idx %arg9[%add3A_728] : memref<544xf32, #tpu.memory_space<vmem>>[vector<16xi32>], vector<16xf32>,
        %add3A_730 = arith.constant 4 : i32
        %add3A_731 = vector.broadcast %add3A_730 : i32 to vector<16xi32>
        %add3A_732 = arith.addi %mul3A_3, %add3A_731 : vector<16xi32>
        %gather3A_733 = tpu.vector_load_idx %arg9[%add3A_732] : memref<544xf32, #tpu.memory_space<vmem>>[vector<16xi32>], vector<16xf32>,
        %add3A_734 = arith.constant 276 : i32
        %add3A_735 = vector.broadcast %add3A_734 : i32 to vector<16xi32>
        %add3A_736 = arith.addi %mul3A_3, %add3A_735 : vector<16xi32>
        %gather3A_737 = tpu.vector_load_idx %arg9[%add3A_736] : memref<544xf32, #tpu.memory_space<vmem>>[vector<16xi32>], vector<16xf32>,
        %add3A_738 = arith.constant 5 : i32
        %add3A_739 = vector.broadcast %add3A_738 : i32 to vector<16xi32>
        %add3A_740 = arith.addi %mul3A_3, %add3A_739 : vector<16xi32>
        %gather3A_741 = tpu.vector_load_idx %arg9[%add3A_740] : memref<544xf32, #tpu.memory_space<vmem>>[vector<16xi32>], vector<16xf32>,
        %add3A_742 = arith.constant 277 : i32
        %add3A_743 = vector.broadcast %add3A_742 : i32 to vector<16xi32>
        %add3A_744 = arith.addi %mul3A_3, %add3A_743 : vector<16xi32>
        %gather3A_745 = tpu.vector_load_idx %arg9[%add3A_744] : memref<544xf32, #tpu.memory_space<vmem>>[vector<16xi32>], vector<16xf32>,
        %add3A_746 = arith.constant 6 : i32
        %add3A_747 = vector.broadcast %add3A_746 : i32 to vector<16xi32>
        %add3A_748 = arith.addi %mul3A_3, %add3A_747 : vector<16xi32>
        %gather3A_749 = tpu.vector_load_idx %arg9[%add3A_748] : memref<544xf32, #tpu.memory_space<vmem>>[vector<16xi32>], vector<16xf32>,
        %add3A_750 = arith.constant 278 : i32
        %add3A_751 = vector.broadcast %add3A_750 : i32 to vector<16xi32>
        %add3A_752 = arith.addi %mul3A_3, %add3A_751 : vector<16xi32>
        %gather3A_753 = tpu.vector_load_idx %arg9[%add3A_752] : memref<544xf32, #tpu.memory_space<vmem>>[vector<16xi32>], vector<16xf32>,
        %add3A_754 = arith.constant 7 : i32
        %add3A_755 = vector.broadcast %add3A_754 : i32 to vector<16xi32>
        %add3A_756 = arith.addi %mul3A_3, %add3A_755 : vector<16xi32>
        %gather3A_757 = tpu.vector_load_idx %arg9[%add3A_756] : memref<544xf32, #tpu.memory_space<vmem>>[vector<16xi32>], vector<16xf32>,
        %add3A_758 = arith.constant 279 : i32
        %add3A_759 = vector.broadcast %add3A_758 : i32 to vector<16xi32>
        %add3A_760 = arith.addi %mul3A_3, %add3A_759 : vector<16xi32>
        %gather3A_761 = tpu.vector_load_idx %arg9[%add3A_760] : memref<544xf32, #tpu.memory_space<vmem>>[vector<16xi32>], vector<16xf32>,
        %add3A_762 = arith.constant 8 : i32
        %add3A_763 = vector.broadcast %add3A_762 : i32 to vector<16xi32>
        %add3A_764 = arith.addi %mul3A_3, %add3A_763 : vector<16xi32>
        %gather3A_765 = tpu.vector_load_idx %arg9[%add3A_764] : memref<544xf32, #tpu.memory_space<vmem>>[vector<16xi32>], vector<16xf32>,
        %add3A_766 = arith.constant 280 : i32
        %add3A_767 = vector.broadcast %add3A_766 : i32 to vector<16xi32>
        %add3A_768 = arith.addi %mul3A_3, %add3A_767 : vector<16xi32>
        %gather3A_769 = tpu.vector_load_idx %arg9[%add3A_768] : memref<544xf32, #tpu.memory_space<vmem>>[vector<16xi32>], vector<16xf32>,
        %add3A_770 = arith.constant 9 : i32
        %add3A_771 = vector.broadcast %add3A_770 : i32 to vector<16xi32>
        %add3A_772 = arith.addi %mul3A_3, %add3A_771 : vector<16xi32>
        %gather3A_773 = tpu.vector_load_idx %arg9[%add3A_772] : memref<544xf32, #tpu.memory_space<vmem>>[vector<16xi32>], vector<16xf32>,
        %add3A_774 = arith.constant 281 : i32
        %add3A_775 = vector.broadcast %add3A_774 : i32 to vector<16xi32>
        %add3A_776 = arith.addi %mul3A_3, %add3A_775 : vector<16xi32>
        %gather3A_777 = tpu.vector_load_idx %arg9[%add3A_776] : memref<544xf32, #tpu.memory_space<vmem>>[vector<16xi32>], vector<16xf32>,
        %add3A_778 = arith.constant 10 : i32
        %add3A_779 = vector.broadcast %add3A_778 : i32 to vector<16xi32>
        %add3A_780 = arith.addi %mul3A_3, %add3A_779 : vector<16xi32>
        %gather3A_781 = tpu.vector_load_idx %arg9[%add3A_780] : memref<544xf32, #tpu.memory_space<vmem>>[vector<16xi32>], vector<16xf32>,
        %add3A_782 = arith.constant 282 : i32
        %add3A_783 = vector.broadcast %add3A_782 : i32 to vector<16xi32>
        %add3A_784 = arith.addi %mul3A_3, %add3A_783 : vector<16xi32>
        %gather3A_785 = tpu.vector_load_idx %arg9[%add3A_784] : memref<544xf32, #tpu.memory_space<vmem>>[vector<16xi32>], vector<16xf32>,
        %add3A_786 = arith.constant 11 : i32
        %add3A_787 = vector.broadcast %add3A_786 : i32 to vector<16xi32>
        %add3A_788 = arith.addi %mul3A_3, %add3A_787 : vector<16xi32>
        %gather3A_789 = tpu.vector_load_idx %arg9[%add3A_788] : memref<544xf32, #tpu.memory_space<vmem>>[vector<16xi32>], vector<16xf32>,
        %add3A_790 = arith.constant 283 : i32
        %add3A_791 = vector.broadcast %add3A_790 : i32 to vector<16xi32>
        %add3A_792 = arith.addi %mul3A_3, %add3A_791 : vector<16xi32>
        %gather3A_793 = tpu.vector_load_idx %arg9[%add3A_792] : memref<544xf32, #tpu.memory_space<vmem>>[vector<16xi32>], vector<16xf32>,
        %add3A_794 = arith.constant 12 : i32
        %add3A_795 = vector.broadcast %add3A_794 : i32 to vector<16xi32>
        %add3A_796 = arith.addi %mul3A_3, %add3A_795 : vector<16xi32>
        %gather3A_797 = tpu.vector_load_idx %arg9[%add3A_796] : memref<544xf32, #tpu.memory_space<vmem>>[vector<16xi32>], vector<16xf32>,
        %add3A_798 = arith.constant 284 : i32
        %add3A_799 = vector.broadcast %add3A_798 : i32 to vector<16xi32>
        %add3A_800 = arith.addi %mul3A_3, %add3A_799 : vector<16xi32>
        %gather3A_801 = tpu.vector_load_idx %arg9[%add3A_800] : memref<544xf32, #tpu.memory_space<vmem>>[vector<16xi32>], vector<16xf32>,
        %add3A_802 = arith.constant 13 : i32
        %add3A_803 = vector.broadcast %add3A_802 : i32 to vector<16xi32>
        %add3A_804 = arith.addi %mul3A_3, %add3A_803 : vector<16xi32>
        %gather3A_805 = tpu.vector_load_idx %arg9[%add3A_804] : memref<544xf32, #tpu.memory_space<vmem>>[vector<16xi32>], vector<16xf32>,
        %add3A_806 = arith.constant 285 : i32
        %add3A_807 = vector.broadcast %add3A_806 : i32 to vector<16xi32>
        %add3A_808 = arith.addi %mul3A_3, %add3A_807 : vector<16xi32>
        %gather3A_809 = tpu.vector_load_idx %arg9[%add3A_808] : memref<544xf32, #tpu.memory_space<vmem>>[vector<16xi32>], vector<16xf32>,
        %add3A_810 = arith.constant 14 : i32
        %add3A_811 = vector.broadcast %add3A_810 : i32 to vector<16xi32>
        %add3A_812 = arith.addi %mul3A_3, %add3A_811 : vector<16xi32>
        %gather3A_813 = tpu.vector_load_idx %arg9[%add3A_812] : memref<544xf32, #tpu.memory_space<vmem>>[vector<16xi32>], vector<16xf32>,
        %add3A_814 = arith.constant 286 : i32
        %add3A_815 = vector.broadcast %add3A_814 : i32 to vector<16xi32>
        %add3A_816 = arith.addi %mul3A_3, %add3A_815 : vector<16xi32>
        %gather3A_817 = tpu.vector_load_idx %arg9[%add3A_816] : memref<544xf32, #tpu.memory_space<vmem>>[vector<16xi32>], vector<16xf32>,
        %add3A_818 = arith.constant 15 : i32
        %add3A_819 = vector.broadcast %add3A_818 : i32 to vector<16xi32>
        %add3A_820 = arith.addi %mul3A_3, %add3A_819 : vector<16xi32>
        %gather3A_821 = tpu.vector_load_idx %arg9[%add3A_820] : memref<544xf32, #tpu.memory_space<vmem>>[vector<16xi32>], vector<16xf32>,
        %add3A_822 = arith.constant 287 : i32
        %add3A_823 = vector.broadcast %add3A_822 : i32 to vector<16xi32>
        %add3A_824 = arith.addi %mul3A_3, %add3A_823 : vector<16xi32>
        %gather3A_825 = tpu.vector_load_idx %arg9[%add3A_824] : memref<544xf32, #tpu.memory_space<vmem>>[vector<16xi32>], vector<16xf32>,
        %add3A_826 = arith.constant 0 : i32
        %add3A_827 = arith.addi %mul3A_475, %add3A_826 : i32
        %add3A_828 = arith.constant 0 : i32
        %add3A_829 = arith.addi %add3A_827, %add3A_828 : i32
        %multiple_of3A_830 = tpu.assume_multiple %add3A_829, 16 : i32
        %swap3A = arith.index_cast %multiple_of3A_830 : i32 to index
        %swap3A_831 = tpu.vector_load %arg8[%swap3A] {strides = array<i32>} : memref<16384xf32, #tpu.memory_space<vmem>>, vector<16xf32>,
        tpu.vector_store %arg8[%swap3A], %gather3A {strides = array<i32>} : memref<16384xf32, #tpu.memory_space<vmem>>, vector<16xf32>,
        %add3A_832 = arith.constant 0 : i32
        %add3A_833 = arith.addi %mul3A_475, %add3A_832 : i32
        %add3A_834 = arith.constant 16 : i32
        %add3A_835 = arith.addi %add3A_833, %add3A_834 : i32
        %multiple_of3A_836 = tpu.assume_multiple %add3A_835, 16 : i32
        %swap3A_837 = arith.index_cast %multiple_of3A_836 : i32 to index
        %swap3A_838 = tpu.vector_load %arg8[%swap3A_837] {strides = array<i32>} : memref<16384xf32, #tpu.memory_space<vmem>>, vector<16xf32>,
        tpu.vector_store %arg8[%swap3A_837], %gather3A_705 {strides = array<i32>} : memref<16384xf32, #tpu.memory_space<vmem>>, vector<16xf32>,
        %add3A_839 = arith.constant 32 : i32
        %add3A_840 = arith.addi %mul3A_475, %add3A_839 : i32
        %add3A_841 = arith.constant 0 : i32
        %add3A_842 = arith.addi %add3A_840, %add3A_841 : i32
        %multiple_of3A_843 = tpu.assume_multiple %add3A_842, 16 : i32
        %swap3A_844 = arith.index_cast %multiple_of3A_843 : i32 to index
        %swap3A_845 = tpu.vector_load %arg8[%swap3A_844] {strides = array<i32>} : memref<16384xf32, #tpu.memory_space<vmem>>, vector<16xf32>,
        tpu.vector_store %arg8[%swap3A_844], %gather3A_709 {strides = array<i32>} : memref<16384xf32, #tpu.memory_space<vmem>>, vector<16xf32>,
        %add3A_846 = arith.constant 32 : i32
        %add3A_847 = arith.addi %mul3A_475, %add3A_846 : i32
        %add3A_848 = arith.constant 16 : i32
        %add3A_849 = arith.addi %add3A_847, %add3A_848 : i32
        %multiple_of3A_850 = tpu.assume_multiple %add3A_849, 16 : i32
        %swap3A_851 = arith.index_cast %multiple_of3A_850 : i32 to index
        %swap3A_852 = tpu.vector_load %arg8[%swap3A_851] {strides = array<i32>} : memref<16384xf32, #tpu.memory_space<vmem>>, vector<16xf32>,
        tpu.vector_store %arg8[%swap3A_851], %gather3A_713 {strides = array<i32>} : memref<16384xf32, #tpu.memory_space<vmem>>, vector<16xf32>,
        %add3A_853 = arith.constant 64 : i32
        %add3A_854 = arith.addi %mul3A_475, %add3A_853 : i32
        %add3A_855 = arith.constant 0 : i32
        %add3A_856 = arith.addi %add3A_854, %add3A_855 : i32
        %multiple_of3A_857 = tpu.assume_multiple %add3A_856, 16 : i32
        %swap3A_858 = arith.index_cast %multiple_of3A_857 : i32 to index
        %swap3A_859 = tpu.vector_load %arg8[%swap3A_858] {strides = array<i32>} : memref<16384xf32, #tpu.memory_space<vmem>>, vector<16xf32>,
        tpu.vector_store %arg8[%swap3A_858], %gather3A_717 {strides = array<i32>} : memref<16384xf32, #tpu.memory_space<vmem>>, vector<16xf32>,
        %add3A_860 = arith.constant 64 : i32
        %add3A_861 = arith.addi %mul3A_475, %add3A_860 : i32
        %add3A_862 = arith.constant 16 : i32
        %add3A_863 = arith.addi %add3A_861, %add3A_862 : i32
        %multiple_of3A_864 = tpu.assume_multiple %add3A_863, 16 : i32
        %swap3A_865 = arith.index_cast %multiple_of3A_864 : i32 to index
        %swap3A_866 = tpu.vector_load %arg8[%swap3A_865] {strides = array<i32>} : memref<16384xf32, #tpu.memory_space<vmem>>, vector<16xf32>,
        tpu.vector_store %arg8[%swap3A_865], %gather3A_721 {strides = array<i32>} : memref<16384xf32, #tpu.memory_space<vmem>>, vector<16xf32>,
        %add3A_867 = arith.constant 96 : i32
        %add3A_868 = arith.addi %mul3A_475, %add3A_867 : i32
        %add3A_869 = arith.constant 0 : i32
        %add3A_870 = arith.addi %add3A_868, %add3A_869 : i32
        %multiple_of3A_871 = tpu.assume_multiple %add3A_870, 16 : i32
        %swap3A_872 = arith.index_cast %multiple_of3A_871 : i32 to index
        %swap3A_873 = tpu.vector_load %arg8[%swap3A_872] {strides = array<i32>} : memref<16384xf32, #tpu.memory_space<vmem>>, vector<16xf32>,
        tpu.vector_store %arg8[%swap3A_872], %gather3A_725 {strides = array<i32>} : memref<16384xf32, #tpu.memory_space<vmem>>, vector<16xf32>,
        %add3A_874 = arith.constant 96 : i32
        %add3A_875 = arith.addi %mul3A_475, %add3A_874 : i32
        %add3A_876 = arith.constant 16 : i32
        %add3A_877 = arith.addi %add3A_875, %add3A_876 : i32
        %multiple_of3A_878 = tpu.assume_multiple %add3A_877, 16 : i32
        %swap3A_879 = arith.index_cast %multiple_of3A_878 : i32 to index
        %swap3A_880 = tpu.vector_load %arg8[%swap3A_879] {strides = array<i32>} : memref<16384xf32, #tpu.memory_space<vmem>>, vector<16xf32>,
        tpu.vector_store %arg8[%swap3A_879], %gather3A_729 {strides = array<i32>} : memref<16384xf32, #tpu.memory_space<vmem>>, vector<16xf32>,
        %add3A_881 = arith.constant 128 : i32
        %add3A_882 = arith.addi %mul3A_475, %add3A_881 : i32
        %add3A_883 = arith.constant 0 : i32
        %add3A_884 = arith.addi %add3A_882, %add3A_883 : i32
        %multiple_of3A_885 = tpu.assume_multiple %add3A_884, 16 : i32
        %swap3A_886 = arith.index_cast %multiple_of3A_885 : i32 to index
        %swap3A_887 = tpu.vector_load %arg8[%swap3A_886] {strides = array<i32>} : memref<16384xf32, #tpu.memory_space<vmem>>, vector<16xf32>,
        tpu.vector_store %arg8[%swap3A_886], %gather3A_733 {strides = array<i32>} : memref<16384xf32, #tpu.memory_space<vmem>>, vector<16xf32>,
        %add3A_888 = arith.constant 128 : i32
        %add3A_889 = arith.addi %mul3A_475, %add3A_888 : i32
        %add3A_890 = arith.constant 16 : i32
        %add3A_891 = arith.addi %add3A_889, %add3A_890 : i32
        %multiple_of3A_892 = tpu.assume_multiple %add3A_891, 16 : i32
        %swap3A_893 = arith.index_cast %multiple_of3A_892 : i32 to index
        %swap3A_894 = tpu.vector_load %arg8[%swap3A_893] {strides = array<i32>} : memref<16384xf32, #tpu.memory_space<vmem>>, vector<16xf32>,
        tpu.vector_store %arg8[%swap3A_893], %gather3A_737 {strides = array<i32>} : memref<16384xf32, #tpu.memory_space<vmem>>, vector<16xf32>,
        %add3A_895 = arith.constant 160 : i32
        %add3A_896 = arith.addi %mul3A_475, %add3A_895 : i32
        %add3A_897 = arith.constant 0 : i32
        %add3A_898 = arith.addi %add3A_896, %add3A_897 : i32
        %multiple_of3A_899 = tpu.assume_multiple %add3A_898, 16 : i32
        %swap3A_900 = arith.index_cast %multiple_of3A_899 : i32 to index
        %swap3A_901 = tpu.vector_load %arg8[%swap3A_900] {strides = array<i32>} : memref<16384xf32, #tpu.memory_space<vmem>>, vector<16xf32>,
        tpu.vector_store %arg8[%swap3A_900], %gather3A_741 {strides = array<i32>} : memref<16384xf32, #tpu.memory_space<vmem>>, vector<16xf32>,
        %add3A_902 = arith.constant 160 : i32
        %add3A_903 = arith.addi %mul3A_475, %add3A_902 : i32
        %add3A_904 = arith.constant 16 : i32
        %add3A_905 = arith.addi %add3A_903, %add3A_904 : i32
        %multiple_of3A_906 = tpu.assume_multiple %add3A_905, 16 : i32
        %swap3A_907 = arith.index_cast %multiple_of3A_906 : i32 to index
        %swap3A_908 = tpu.vector_load %arg8[%swap3A_907] {strides = array<i32>} : memref<16384xf32, #tpu.memory_space<vmem>>, vector<16xf32>,
        tpu.vector_store %arg8[%swap3A_907], %gather3A_745 {strides = array<i32>} : memref<16384xf32, #tpu.memory_space<vmem>>, vector<16xf32>,
        %add3A_909 = arith.constant 192 : i32
        %add3A_910 = arith.addi %mul3A_475, %add3A_909 : i32
        %add3A_911 = arith.constant 0 : i32
        %add3A_912 = arith.addi %add3A_910, %add3A_911 : i32
        %multiple_of3A_913 = tpu.assume_multiple %add3A_912, 16 : i32
        %swap3A_914 = arith.index_cast %multiple_of3A_913 : i32 to index
        %swap3A_915 = tpu.vector_load %arg8[%swap3A_914] {strides = array<i32>} : memref<16384xf32, #tpu.memory_space<vmem>>, vector<16xf32>,
        tpu.vector_store %arg8[%swap3A_914], %gather3A_749 {strides = array<i32>} : memref<16384xf32, #tpu.memory_space<vmem>>, vector<16xf32>,
        %add3A_916 = arith.constant 192 : i32
        %add3A_917 = arith.addi %mul3A_475, %add3A_916 : i32
        %add3A_918 = arith.constant 16 : i32
        %add3A_919 = arith.addi %add3A_917, %add3A_918 : i32
        %multiple_of3A_920 = tpu.assume_multiple %add3A_919, 16 : i32
        %swap3A_921 = arith.index_cast %multiple_of3A_920 : i32 to index
        %swap3A_922 = tpu.vector_load %arg8[%swap3A_921] {strides = array<i32>} : memref<16384xf32, #tpu.memory_space<vmem>>, vector<16xf32>,
        tpu.vector_store %arg8[%swap3A_921], %gather3A_753 {strides = array<i32>} : memref<16384xf32, #tpu.memory_space<vmem>>, vector<16xf32>,
        %add3A_923 = arith.constant 224 : i32
        %add3A_924 = arith.addi %mul3A_475, %add3A_923 : i32
        %add3A_925 = arith.constant 0 : i32
        %add3A_926 = arith.addi %add3A_924, %add3A_925 : i32
        %multiple_of3A_927 = tpu.assume_multiple %add3A_926, 16 : i32
        %swap3A_928 = arith.index_cast %multiple_of3A_927 : i32 to index
        %swap3A_929 = tpu.vector_load %arg8[%swap3A_928] {strides = array<i32>} : memref<16384xf32, #tpu.memory_space<vmem>>, vector<16xf32>,
        tpu.vector_store %arg8[%swap3A_928], %gather3A_757 {strides = array<i32>} : memref<16384xf32, #tpu.memory_space<vmem>>, vector<16xf32>,
        %add3A_930 = arith.constant 224 : i32
        %add3A_931 = arith.addi %mul3A_475, %add3A_930 : i32
        %add3A_932 = arith.constant 16 : i32
        %add3A_933 = arith.addi %add3A_931, %add3A_932 : i32
        %multiple_of3A_934 = tpu.assume_multiple %add3A_933, 16 : i32
        %swap3A_935 = arith.index_cast %multiple_of3A_934 : i32 to index
        %swap3A_936 = tpu.vector_load %arg8[%swap3A_935] {strides = array<i32>} : memref<16384xf32, #tpu.memory_space<vmem>>, vector<16xf32>,
        tpu.vector_store %arg8[%swap3A_935], %gather3A_761 {strides = array<i32>} : memref<16384xf32, #tpu.memory_space<vmem>>, vector<16xf32>,
        %add3A_937 = arith.constant 256 : i32
        %add3A_938 = arith.addi %mul3A_475, %add3A_937 : i32
        %add3A_939 = arith.constant 0 : i32
        %add3A_940 = arith.addi %add3A_938, %add3A_939 : i32
        %multiple_of3A_941 = tpu.assume_multiple %add3A_940, 16 : i32
        %swap3A_942 = arith.index_cast %multiple_of3A_941 : i32 to index
        %swap3A_943 = tpu.vector_load %arg8[%swap3A_942] {strides = array<i32>} : memref<16384xf32, #tpu.memory_space<vmem>>, vector<16xf32>,
        tpu.vector_store %arg8[%swap3A_942], %gather3A_765 {strides = array<i32>} : memref<16384xf32, #tpu.memory_space<vmem>>, vector<16xf32>,
        %add3A_944 = arith.constant 256 : i32
        %add3A_945 = arith.addi %mul3A_475, %add3A_944 : i32
        %add3A_946 = arith.constant 16 : i32
        %add3A_947 = arith.addi %add3A_945, %add3A_946 : i32
        %multiple_of3A_948 = tpu.assume_multiple %add3A_947, 16 : i32
        %swap3A_949 = arith.index_cast %multiple_of3A_948 : i32 to index
        %swap3A_950 = tpu.vector_load %arg8[%swap3A_949] {strides = array<i32>} : memref<16384xf32, #tpu.memory_space<vmem>>, vector<16xf32>,
        tpu.vector_store %arg8[%swap3A_949], %gather3A_769 {strides = array<i32>} : memref<16384xf32, #tpu.memory_space<vmem>>, vector<16xf32>,
        %add3A_951 = arith.constant 288 : i32
        %add3A_952 = arith.addi %mul3A_475, %add3A_951 : i32
        %add3A_953 = arith.constant 0 : i32
        %add3A_954 = arith.addi %add3A_952, %add3A_953 : i32
        %multiple_of3A_955 = tpu.assume_multiple %add3A_954, 16 : i32
        %swap3A_956 = arith.index_cast %multiple_of3A_955 : i32 to index
        %swap3A_957 = tpu.vector_load %arg8[%swap3A_956] {strides = array<i32>} : memref<16384xf32, #tpu.memory_space<vmem>>, vector<16xf32>,
        tpu.vector_store %arg8[%swap3A_956], %gather3A_773 {strides = array<i32>} : memref<16384xf32, #tpu.memory_space<vmem>>, vector<16xf32>,
        %add3A_958 = arith.constant 288 : i32
        %add3A_959 = arith.addi %mul3A_475, %add3A_958 : i32
        %add3A_960 = arith.constant 16 : i32
        %add3A_961 = arith.addi %add3A_959, %add3A_960 : i32
        %multiple_of3A_962 = tpu.assume_multiple %add3A_961, 16 : i32
        %swap3A_963 = arith.index_cast %multiple_of3A_962 : i32 to index
        %swap3A_964 = tpu.vector_load %arg8[%swap3A_963] {strides = array<i32>} : memref<16384xf32, #tpu.memory_space<vmem>>, vector<16xf32>,
        tpu.vector_store %arg8[%swap3A_963], %gather3A_777 {strides = array<i32>} : memref<16384xf32, #tpu.memory_space<vmem>>, vector<16xf32>,
        %add3A_965 = arith.constant 320 : i32
        %add3A_966 = arith.addi %mul3A_475, %add3A_965 : i32
        %add3A_967 = arith.constant 0 : i32
        %add3A_968 = arith.addi %add3A_966, %add3A_967 : i32
        %multiple_of3A_969 = tpu.assume_multiple %add3A_968, 16 : i32
        %swap3A_970 = arith.index_cast %multiple_of3A_969 : i32 to index
        %swap3A_971 = tpu.vector_load %arg8[%swap3A_970] {strides = array<i32>} : memref<16384xf32, #tpu.memory_space<vmem>>, vector<16xf32>,
        tpu.vector_store %arg8[%swap3A_970], %gather3A_781 {strides = array<i32>} : memref<16384xf32, #tpu.memory_space<vmem>>, vector<16xf32>,
        %add3A_972 = arith.constant 320 : i32
        %add3A_973 = arith.addi %mul3A_475, %add3A_972 : i32
        %add3A_974 = arith.constant 16 : i32
        %add3A_975 = arith.addi %add3A_973, %add3A_974 : i32
        %multiple_of3A_976 = tpu.assume_multiple %add3A_975, 16 : i32
        %swap3A_977 = arith.index_cast %multiple_of3A_976 : i32 to index
        %swap3A_978 = tpu.vector_load %arg8[%swap3A_977] {strides = array<i32>} : memref<16384xf32, #tpu.memory_space<vmem>>, vector<16xf32>,
        tpu.vector_store %arg8[%swap3A_977], %gather3A_785 {strides = array<i32>} : memref<16384xf32, #tpu.memory_space<vmem>>, vector<16xf32>,
        %add3A_979 = arith.constant 352 : i32
        %add3A_980 = arith.addi %mul3A_475, %add3A_979 : i32
        %add3A_981 = arith.constant 0 : i32
        %add3A_982 = arith.addi %add3A_980, %add3A_981 : i32
        %multiple_of3A_983 = tpu.assume_multiple %add3A_982, 16 : i32
        %swap3A_984 = arith.index_cast %multiple_of3A_983 : i32 to index
        %swap3A_985 = tpu.vector_load %arg8[%swap3A_984] {strides = array<i32>} : memref<16384xf32, #tpu.memory_space<vmem>>, vector<16xf32>,
        tpu.vector_store %arg8[%swap3A_984], %gather3A_789 {strides = array<i32>} : memref<16384xf32, #tpu.memory_space<vmem>>, vector<16xf32>,
        %add3A_986 = arith.constant 352 : i32
        %add3A_987 = arith.addi %mul3A_475, %add3A_986 : i32
        %add3A_988 = arith.constant 16 : i32
        %add3A_989 = arith.addi %add3A_987, %add3A_988 : i32
        %multiple_of3A_990 = tpu.assume_multiple %add3A_989, 16 : i32
        %swap3A_991 = arith.index_cast %multiple_of3A_990 : i32 to index
        %swap3A_992 = tpu.vector_load %arg8[%swap3A_991] {strides = array<i32>} : memref<16384xf32, #tpu.memory_space<vmem>>, vector<16xf32>,
        tpu.vector_store %arg8[%swap3A_991], %gather3A_793 {strides = array<i32>} : memref<16384xf32, #tpu.memory_space<vmem>>, vector<16xf32>,
        %add3A_993 = arith.constant 384 : i32
        %add3A_994 = arith.addi %mul3A_475, %add3A_993 : i32
        %add3A_995 = arith.constant 0 : i32
        %add3A_996 = arith.addi %add3A_994, %add3A_995 : i32
        %multiple_of3A_997 = tpu.assume_multiple %add3A_996, 16 : i32
        %swap3A_998 = arith.index_cast %multiple_of3A_997 : i32 to index
        %swap3A_999 = tpu.vector_load %arg8[%swap3A_998] {strides = array<i32>} : memref<16384xf32, #tpu.memory_space<vmem>>, vector<16xf32>,
        tpu.vector_store %arg8[%swap3A_998], %gather3A_797 {strides = array<i32>} : memref<16384xf32, #tpu.memory_space<vmem>>, vector<16xf32>,
        %add3A_1000 = arith.constant 384 : i32
        %add3A_1001 = arith.addi %mul3A_475, %add3A_1000 : i32
        %add3A_1002 = arith.constant 16 : i32
        %add3A_1003 = arith.addi %add3A_1001, %add3A_1002 : i32
        %multiple_of3A_1004 = tpu.assume_multiple %add3A_1003, 16 : i32
        %swap3A_1005 = arith.index_cast %multiple_of3A_1004 : i32 to index
        %swap3A_1006 = tpu.vector_load %arg8[%swap3A_1005] {strides = array<i32>} : memref<16384xf32, #tpu.memory_space<vmem>>, vector<16xf32>,
        tpu.vector_store %arg8[%swap3A_1005], %gather3A_801 {strides = array<i32>} : memref<16384xf32, #tpu.memory_space<vmem>>, vector<16xf32>,
        %add3A_1007 = arith.constant 416 : i32
        %add3A_1008 = arith.addi %mul3A_475, %add3A_1007 : i32
        %add3A_1009 = arith.constant 0 : i32
        %add3A_1010 = arith.addi %add3A_1008, %add3A_1009 : i32
        %multiple_of3A_1011 = tpu.assume_multiple %add3A_1010, 16 : i32
        %swap3A_1012 = arith.index_cast %multiple_of3A_1011 : i32 to index
        %swap3A_1013 = tpu.vector_load %arg8[%swap3A_1012] {strides = array<i32>} : memref<16384xf32, #tpu.memory_space<vmem>>, vector<16xf32>,
        tpu.vector_store %arg8[%swap3A_1012], %gather3A_805 {strides = array<i32>} : memref<16384xf32, #tpu.memory_space<vmem>>, vector<16xf32>,
        %add3A_1014 = arith.constant 416 : i32
        %add3A_1015 = arith.addi %mul3A_475, %add3A_1014 : i32
        %add3A_1016 = arith.constant 16 : i32
        %add3A_1017 = arith.addi %add3A_1015, %add3A_1016 : i32
        %multiple_of3A_1018 = tpu.assume_multiple %add3A_1017, 16 : i32
        %swap3A_1019 = arith.index_cast %multiple_of3A_1018 : i32 to index
        %swap3A_1020 = tpu.vector_load %arg8[%swap3A_1019] {strides = array<i32>} : memref<16384xf32, #tpu.memory_space<vmem>>, vector<16xf32>,
        tpu.vector_store %arg8[%swap3A_1019], %gather3A_809 {strides = array<i32>} : memref<16384xf32, #tpu.memory_space<vmem>>, vector<16xf32>,
        %add3A_1021 = arith.constant 448 : i32
        %add3A_1022 = arith.addi %mul3A_475, %add3A_1021 : i32
        %add3A_1023 = arith.constant 0 : i32
        %add3A_1024 = arith.addi %add3A_1022, %add3A_1023 : i32
        %multiple_of3A_1025 = tpu.assume_multiple %add3A_1024, 16 : i32
        %swap3A_1026 = arith.index_cast %multiple_of3A_1025 : i32 to index
        %swap3A_1027 = tpu.vector_load %arg8[%swap3A_1026] {strides = array<i32>} : memref<16384xf32, #tpu.memory_space<vmem>>, vector<16xf32>,
        tpu.vector_store %arg8[%swap3A_1026], %gather3A_813 {strides = array<i32>} : memref<16384xf32, #tpu.memory_space<vmem>>, vector<16xf32>,
        %add3A_1028 = arith.constant 448 : i32
        %add3A_1029 = arith.addi %mul3A_475, %add3A_1028 : i32
        %add3A_1030 = arith.constant 16 : i32
        %add3A_1031 = arith.addi %add3A_1029, %add3A_1030 : i32
        %multiple_of3A_1032 = tpu.assume_multiple %add3A_1031, 16 : i32
        %swap3A_1033 = arith.index_cast %multiple_of3A_1032 : i32 to index
        %swap3A_1034 = tpu.vector_load %arg8[%swap3A_1033] {strides = array<i32>} : memref<16384xf32, #tpu.memory_space<vmem>>, vector<16xf32>,
        tpu.vector_store %arg8[%swap3A_1033], %gather3A_817 {strides = array<i32>} : memref<16384xf32, #tpu.memory_space<vmem>>, vector<16xf32>,
        %add3A_1035 = arith.constant 480 : i32
        %add3A_1036 = arith.addi %mul3A_475, %add3A_1035 : i32
        %add3A_1037 = arith.constant 0 : i32
        %add3A_1038 = arith.addi %add3A_1036, %add3A_1037 : i32
        %multiple_of3A_1039 = tpu.assume_multiple %add3A_1038, 16 : i32
        %swap3A_1040 = arith.index_cast %multiple_of3A_1039 : i32 to index
        %swap3A_1041 = tpu.vector_load %arg8[%swap3A_1040] {strides = array<i32>} : memref<16384xf32, #tpu.memory_space<vmem>>, vector<16xf32>,
        tpu.vector_store %arg8[%swap3A_1040], %gather3A_821 {strides = array<i32>} : memref<16384xf32, #tpu.memory_space<vmem>>, vector<16xf32>,
        %add3A_1042 = arith.constant 480 : i32
        %add3A_1043 = arith.addi %mul3A_475, %add3A_1042 : i32
        %add3A_1044 = arith.constant 16 : i32
        %add3A_1045 = arith.addi %add3A_1043, %add3A_1044 : i32
        %multiple_of3A_1046 = tpu.assume_multiple %add3A_1045, 16 : i32
        %swap3A_1047 = arith.index_cast %multiple_of3A_1046 : i32 to index
        %swap3A_1048 = tpu.vector_load %arg8[%swap3A_1047] {strides = array<i32>} : memref<16384xf32, #tpu.memory_space<vmem>>, vector<16xf32>,
        tpu.vector_store %arg8[%swap3A_1047], %gather3A_825 {strides = array<i32>} : memref<16384xf32, #tpu.memory_space<vmem>>, vector<16xf32>,
        %mul3A_1049 = arith.constant 2 : i32
        %mul3A_1050 = arith.muli %scan3A_467, %mul3A_1049 : i32
        %add3A_1051 = arith.constant 1 : i32
        %add3A_1052 = arith.addi %mul3A_1050, %add3A_1051 : i32
        %mul3A_1053 = arith.constant 16 : i32
        %mul3A_1054 = arith.muli %add3A_1052, %mul3A_1053 : i32
        %multiple_of3A_1055 = tpu.assume_multiple %mul3A_1054, 16 : i32
        %mul3A_1056 = arith.constant 512 : i32
        %mul3A_1057 = arith.muli %add3A_1052, %mul3A_1056 : i32
        %get3A_1058 = arith.constant 0 : i32
        %get3A_1059 = arith.index_cast %get3A_1058 : i32 to index
        %get3A_1060 = arith.index_cast %multiple_of3A_1055 : i32 to index
        %get3A_1061 = tpu.vector_load %arg6[%get3A_1059, %get3A_1060] {strides = array<i32>} : memref<32x512xf32, #tpu.memory_space<vmem>>, vector<16xf32>,
        %get3A_1062 = arith.constant 1 : i32
        %get3A_1063 = arith.index_cast %get3A_1062 : i32 to index
        %get3A_1064 = arith.index_cast %multiple_of3A_1055 : i32 to index
        %get3A_1065 = tpu.vector_load %arg6[%get3A_1063, %get3A_1064] {strides = array<i32>} : memref<32x512xf32, #tpu.memory_space<vmem>>, vector<16xf32>,
        %get3A_1066 = arith.constant 2 : i32
        %get3A_1067 = arith.index_cast %get3A_1066 : i32 to index
        %get3A_1068 = arith.index_cast %multiple_of3A_1055 : i32 to index
        %get3A_1069 = tpu.vector_load %arg6[%get3A_1067, %get3A_1068] {strides = array<i32>} : memref<32x512xf32, #tpu.memory_space<vmem>>, vector<16xf32>,
        %get3A_1070 = arith.constant 3 : i32
        %get3A_1071 = arith.index_cast %get3A_1070 : i32 to index
        %get3A_1072 = arith.index_cast %multiple_of3A_1055 : i32 to index
        %get3A_1073 = tpu.vector_load %arg6[%get3A_1071, %get3A_1072] {strides = array<i32>} : memref<32x512xf32, #tpu.memory_space<vmem>>, vector<16xf32>,
        %get3A_1074 = arith.constant 4 : i32
        %get3A_1075 = arith.index_cast %get3A_1074 : i32 to index
        %get3A_1076 = arith.index_cast %multiple_of3A_1055 : i32 to index
        %get3A_1077 = tpu.vector_load %arg6[%get3A_1075, %get3A_1076] {strides = array<i32>} : memref<32x512xf32, #tpu.memory_space<vmem>>, vector<16xf32>,
        %get3A_1078 = arith.constant 5 : i32
        %get3A_1079 = arith.index_cast %get3A_1078 : i32 to index
        %get3A_1080 = arith.index_cast %multiple_of3A_1055 : i32 to index
        %get3A_1081 = tpu.vector_load %arg6[%get3A_1079, %get3A_1080] {strides = array<i32>} : memref<32x512xf32, #tpu.memory_space<vmem>>, vector<16xf32>,
        %get3A_1082 = arith.constant 6 : i32
        %get3A_1083 = arith.index_cast %get3A_1082 : i32 to index
        %get3A_1084 = arith.index_cast %multiple_of3A_1055 : i32 to index
        %get3A_1085 = tpu.vector_load %arg6[%get3A_1083, %get3A_1084] {strides = array<i32>} : memref<32x512xf32, #tpu.memory_space<vmem>>, vector<16xf32>,
        %get3A_1086 = arith.constant 7 : i32
        %get3A_1087 = arith.index_cast %get3A_1086 : i32 to index
        %get3A_1088 = arith.index_cast %multiple_of3A_1055 : i32 to index
        %get3A_1089 = tpu.vector_load %arg6[%get3A_1087, %get3A_1088] {strides = array<i32>} : memref<32x512xf32, #tpu.memory_space<vmem>>, vector<16xf32>,
        %get3A_1090 = arith.constant 8 : i32
        %get3A_1091 = arith.index_cast %get3A_1090 : i32 to index
        %get3A_1092 = arith.index_cast %multiple_of3A_1055 : i32 to index
        %get3A_1093 = tpu.vector_load %arg6[%get3A_1091, %get3A_1092] {strides = array<i32>} : memref<32x512xf32, #tpu.memory_space<vmem>>, vector<16xf32>,
        %get3A_1094 = arith.constant 9 : i32
        %get3A_1095 = arith.index_cast %get3A_1094 : i32 to index
        %get3A_1096 = arith.index_cast %multiple_of3A_1055 : i32 to index
        %get3A_1097 = tpu.vector_load %arg6[%get3A_1095, %get3A_1096] {strides = array<i32>} : memref<32x512xf32, #tpu.memory_space<vmem>>, vector<16xf32>,
        %get3A_1098 = arith.constant 10 : i32
        %get3A_1099 = arith.index_cast %get3A_1098 : i32 to index
        %get3A_1100 = arith.index_cast %multiple_of3A_1055 : i32 to index
        %get3A_1101 = tpu.vector_load %arg6[%get3A_1099, %get3A_1100] {strides = array<i32>} : memref<32x512xf32, #tpu.memory_space<vmem>>, vector<16xf32>,
        %get3A_1102 = arith.constant 11 : i32
        %get3A_1103 = arith.index_cast %get3A_1102 : i32 to index
        %get3A_1104 = arith.index_cast %multiple_of3A_1055 : i32 to index
        %get3A_1105 = tpu.vector_load %arg6[%get3A_1103, %get3A_1104] {strides = array<i32>} : memref<32x512xf32, #tpu.memory_space<vmem>>, vector<16xf32>,
        %get3A_1106 = arith.constant 12 : i32
        %get3A_1107 = arith.index_cast %get3A_1106 : i32 to index
        %get3A_1108 = arith.index_cast %multiple_of3A_1055 : i32 to index
        %get3A_1109 = tpu.vector_load %arg6[%get3A_1107, %get3A_1108] {strides = array<i32>} : memref<32x512xf32, #tpu.memory_space<vmem>>, vector<16xf32>,
        %get3A_1110 = arith.constant 13 : i32
        %get3A_1111 = arith.index_cast %get3A_1110 : i32 to index
        %get3A_1112 = arith.index_cast %multiple_of3A_1055 : i32 to index
        %get3A_1113 = tpu.vector_load %arg6[%get3A_1111, %get3A_1112] {strides = array<i32>} : memref<32x512xf32, #tpu.memory_space<vmem>>, vector<16xf32>,
        %get3A_1114 = arith.constant 14 : i32
        %get3A_1115 = arith.index_cast %get3A_1114 : i32 to index
        %get3A_1116 = arith.index_cast %multiple_of3A_1055 : i32 to index
        %get3A_1117 = tpu.vector_load %arg6[%get3A_1115, %get3A_1116] {strides = array<i32>} : memref<32x512xf32, #tpu.memory_space<vmem>>, vector<16xf32>,
        %get3A_1118 = arith.constant 15 : i32
        %get3A_1119 = arith.index_cast %get3A_1118 : i32 to index
        %get3A_1120 = arith.index_cast %multiple_of3A_1055 : i32 to index
        %get3A_1121 = tpu.vector_load %arg6[%get3A_1119, %get3A_1120] {strides = array<i32>} : memref<32x512xf32, #tpu.memory_space<vmem>>, vector<16xf32>,
        %get3A_1122 = arith.constant 16 : i32
        %get3A_1123 = arith.index_cast %get3A_1122 : i32 to index
        %get3A_1124 = arith.index_cast %multiple_of3A_1055 : i32 to index
        %get3A_1125 = tpu.vector_load %arg6[%get3A_1123, %get3A_1124] {strides = array<i32>} : memref<32x512xf32, #tpu.memory_space<vmem>>, vector<16xf32>,
        %get3A_1126 = arith.constant 17 : i32
        %get3A_1127 = arith.index_cast %get3A_1126 : i32 to index
        %get3A_1128 = arith.index_cast %multiple_of3A_1055 : i32 to index
        %get3A_1129 = tpu.vector_load %arg6[%get3A_1127, %get3A_1128] {strides = array<i32>} : memref<32x512xf32, #tpu.memory_space<vmem>>, vector<16xf32>,
        %get3A_1130 = arith.constant 18 : i32
        %get3A_1131 = arith.index_cast %get3A_1130 : i32 to index
        %get3A_1132 = arith.index_cast %multiple_of3A_1055 : i32 to index
        %get3A_1133 = tpu.vector_load %arg6[%get3A_1131, %get3A_1132] {strides = array<i32>} : memref<32x512xf32, #tpu.memory_space<vmem>>, vector<16xf32>,
        %get3A_1134 = arith.constant 19 : i32
        %get3A_1135 = arith.index_cast %get3A_1134 : i32 to index
        %get3A_1136 = arith.index_cast %multiple_of3A_1055 : i32 to index
        %get3A_1137 = tpu.vector_load %arg6[%get3A_1135, %get3A_1136] {strides = array<i32>} : memref<32x512xf32, #tpu.memory_space<vmem>>, vector<16xf32>,
        %get3A_1138 = arith.constant 20 : i32
        %get3A_1139 = arith.index_cast %get3A_1138 : i32 to index
        %get3A_1140 = arith.index_cast %multiple_of3A_1055 : i32 to index
        %get3A_1141 = tpu.vector_load %arg6[%get3A_1139, %get3A_1140] {strides = array<i32>} : memref<32x512xf32, #tpu.memory_space<vmem>>, vector<16xf32>,
        %get3A_1142 = arith.constant 21 : i32
        %get3A_1143 = arith.index_cast %get3A_1142 : i32 to index
        %get3A_1144 = arith.index_cast %multiple_of3A_1055 : i32 to index
        %get3A_1145 = tpu.vector_load %arg6[%get3A_1143, %get3A_1144] {strides = array<i32>} : memref<32x512xf32, #tpu.memory_space<vmem>>, vector<16xf32>,
        %get3A_1146 = arith.constant 22 : i32
        %get3A_1147 = arith.index_cast %get3A_1146 : i32 to index
        %get3A_1148 = arith.index_cast %multiple_of3A_1055 : i32 to index
        %get3A_1149 = tpu.vector_load %arg6[%get3A_1147, %get3A_1148] {strides = array<i32>} : memref<32x512xf32, #tpu.memory_space<vmem>>, vector<16xf32>,
        %get3A_1150 = arith.constant 23 : i32
        %get3A_1151 = arith.index_cast %get3A_1150 : i32 to index
        %get3A_1152 = arith.index_cast %multiple_of3A_1055 : i32 to index
        %get3A_1153 = tpu.vector_load %arg6[%get3A_1151, %get3A_1152] {strides = array<i32>} : memref<32x512xf32, #tpu.memory_space<vmem>>, vector<16xf32>,
        %get3A_1154 = arith.constant 24 : i32
        %get3A_1155 = arith.index_cast %get3A_1154 : i32 to index
        %get3A_1156 = arith.index_cast %multiple_of3A_1055 : i32 to index
        %get3A_1157 = tpu.vector_load %arg6[%get3A_1155, %get3A_1156] {strides = array<i32>} : memref<32x512xf32, #tpu.memory_space<vmem>>, vector<16xf32>,
        %get3A_1158 = arith.constant 25 : i32
        %get3A_1159 = arith.index_cast %get3A_1158 : i32 to index
        %get3A_1160 = arith.index_cast %multiple_of3A_1055 : i32 to index
        %get3A_1161 = tpu.vector_load %arg6[%get3A_1159, %get3A_1160] {strides = array<i32>} : memref<32x512xf32, #tpu.memory_space<vmem>>, vector<16xf32>,
        %get3A_1162 = arith.constant 26 : i32
        %get3A_1163 = arith.index_cast %get3A_1162 : i32 to index
        %get3A_1164 = arith.index_cast %multiple_of3A_1055 : i32 to index
        %get3A_1165 = tpu.vector_load %arg6[%get3A_1163, %get3A_1164] {strides = array<i32>} : memref<32x512xf32, #tpu.memory_space<vmem>>, vector<16xf32>,
        %get3A_1166 = arith.constant 27 : i32
        %get3A_1167 = arith.index_cast %get3A_1166 : i32 to index
        %get3A_1168 = arith.index_cast %multiple_of3A_1055 : i32 to index
        %get3A_1169 = tpu.vector_load %arg6[%get3A_1167, %get3A_1168] {strides = array<i32>} : memref<32x512xf32, #tpu.memory_space<vmem>>, vector<16xf32>,
        %get3A_1170 = arith.constant 28 : i32
        %get3A_1171 = arith.index_cast %get3A_1170 : i32 to index
        %get3A_1172 = arith.index_cast %multiple_of3A_1055 : i32 to index
        %get3A_1173 = tpu.vector_load %arg6[%get3A_1171, %get3A_1172] {strides = array<i32>} : memref<32x512xf32, #tpu.memory_space<vmem>>, vector<16xf32>,
        %get3A_1174 = arith.constant 29 : i32
        %get3A_1175 = arith.index_cast %get3A_1174 : i32 to index
        %get3A_1176 = arith.index_cast %multiple_of3A_1055 : i32 to index
        %get3A_1177 = tpu.vector_load %arg6[%get3A_1175, %get3A_1176] {strides = array<i32>} : memref<32x512xf32, #tpu.memory_space<vmem>>, vector<16xf32>,
        %get3A_1178 = arith.constant 30 : i32
        %get3A_1179 = arith.index_cast %get3A_1178 : i32 to index
        %get3A_1180 = arith.index_cast %multiple_of3A_1055 : i32 to index
        %get3A_1181 = tpu.vector_load %arg6[%get3A_1179, %get3A_1180] {strides = array<i32>} : memref<32x512xf32, #tpu.memory_space<vmem>>, vector<16xf32>,
        %get3A_1182 = arith.constant 31 : i32
        %get3A_1183 = arith.index_cast %get3A_1182 : i32 to index
        %get3A_1184 = arith.index_cast %multiple_of3A_1055 : i32 to index
        %get3A_1185 = tpu.vector_load %arg6[%get3A_1183, %get3A_1184] {strides = array<i32>} : memref<32x512xf32, #tpu.memory_space<vmem>>, vector<16xf32>,
        %add3A_1186 = arith.constant 0 : i32
        %add3A_1187 = vector.broadcast %add3A_1186 : i32 to vector<16xi32>
        %add3A_1188 = arith.addi %iota3A, %add3A_1187 : vector<16xi32>
        tpu.vector_store_idx %arg10[%add3A_1188], %get3A_1061 : memref<544xf32, #tpu.memory_space<vmem>>[vector<16xi32>], vector<16xf32>,
        %add3A_1189 = arith.constant 17 : i32
        %add3A_1190 = vector.broadcast %add3A_1189 : i32 to vector<16xi32>
        %add3A_1191 = arith.addi %iota3A, %add3A_1190 : vector<16xi32>
        tpu.vector_store_idx %arg10[%add3A_1191], %get3A_1065 : memref<544xf32, #tpu.memory_space<vmem>>[vector<16xi32>], vector<16xf32>,
        %add3A_1192 = arith.constant 34 : i32
        %add3A_1193 = vector.broadcast %add3A_1192 : i32 to vector<16xi32>
        %add3A_1194 = arith.addi %iota3A, %add3A_1193 : vector<16xi32>
        tpu.vector_store_idx %arg10[%add3A_1194], %get3A_1069 : memref<544xf32, #tpu.memory_space<vmem>>[vector<16xi32>], vector<16xf32>,
        %add3A_1195 = arith.constant 51 : i32
        %add3A_1196 = vector.broadcast %add3A_1195 : i32 to vector<16xi32>
        %add3A_1197 = arith.addi %iota3A, %add3A_1196 : vector<16xi32>
        tpu.vector_store_idx %arg10[%add3A_1197], %get3A_1073 : memref<544xf32, #tpu.memory_space<vmem>>[vector<16xi32>], vector<16xf32>,
        %add3A_1198 = arith.constant 68 : i32
        %add3A_1199 = vector.broadcast %add3A_1198 : i32 to vector<16xi32>
        %add3A_1200 = arith.addi %iota3A, %add3A_1199 : vector<16xi32>
        tpu.vector_store_idx %arg10[%add3A_1200], %get3A_1077 : memref<544xf32, #tpu.memory_space<vmem>>[vector<16xi32>], vector<16xf32>,
        %add3A_1201 = arith.constant 85 : i32
        %add3A_1202 = vector.broadcast %add3A_1201 : i32 to vector<16xi32>
        %add3A_1203 = arith.addi %iota3A, %add3A_1202 : vector<16xi32>
        tpu.vector_store_idx %arg10[%add3A_1203], %get3A_1081 : memref<544xf32, #tpu.memory_space<vmem>>[vector<16xi32>], vector<16xf32>,
        %add3A_1204 = arith.constant 102 : i32
        %add3A_1205 = vector.broadcast %add3A_1204 : i32 to vector<16xi32>
        %add3A_1206 = arith.addi %iota3A, %add3A_1205 : vector<16xi32>
        tpu.vector_store_idx %arg10[%add3A_1206], %get3A_1085 : memref<544xf32, #tpu.memory_space<vmem>>[vector<16xi32>], vector<16xf32>,
        %add3A_1207 = arith.constant 119 : i32
        %add3A_1208 = vector.broadcast %add3A_1207 : i32 to vector<16xi32>
        %add3A_1209 = arith.addi %iota3A, %add3A_1208 : vector<16xi32>
        tpu.vector_store_idx %arg10[%add3A_1209], %get3A_1089 : memref<544xf32, #tpu.memory_space<vmem>>[vector<16xi32>], vector<16xf32>,
        %add3A_1210 = arith.constant 136 : i32
        %add3A_1211 = vector.broadcast %add3A_1210 : i32 to vector<16xi32>
        %add3A_1212 = arith.addi %iota3A, %add3A_1211 : vector<16xi32>
        tpu.vector_store_idx %arg10[%add3A_1212], %get3A_1093 : memref<544xf32, #tpu.memory_space<vmem>>[vector<16xi32>], vector<16xf32>,
        %add3A_1213 = arith.constant 153 : i32
        %add3A_1214 = vector.broadcast %add3A_1213 : i32 to vector<16xi32>
        %add3A_1215 = arith.addi %iota3A, %add3A_1214 : vector<16xi32>
        tpu.vector_store_idx %arg10[%add3A_1215], %get3A_1097 : memref<544xf32, #tpu.memory_space<vmem>>[vector<16xi32>], vector<16xf32>,
        %add3A_1216 = arith.constant 170 : i32
        %add3A_1217 = vector.broadcast %add3A_1216 : i32 to vector<16xi32>
        %add3A_1218 = arith.addi %iota3A, %add3A_1217 : vector<16xi32>
        tpu.vector_store_idx %arg10[%add3A_1218], %get3A_1101 : memref<544xf32, #tpu.memory_space<vmem>>[vector<16xi32>], vector<16xf32>,
        %add3A_1219 = arith.constant 187 : i32
        %add3A_1220 = vector.broadcast %add3A_1219 : i32 to vector<16xi32>
        %add3A_1221 = arith.addi %iota3A, %add3A_1220 : vector<16xi32>
        tpu.vector_store_idx %arg10[%add3A_1221], %get3A_1105 : memref<544xf32, #tpu.memory_space<vmem>>[vector<16xi32>], vector<16xf32>,
        %add3A_1222 = arith.constant 204 : i32
        %add3A_1223 = vector.broadcast %add3A_1222 : i32 to vector<16xi32>
        %add3A_1224 = arith.addi %iota3A, %add3A_1223 : vector<16xi32>
        tpu.vector_store_idx %arg10[%add3A_1224], %get3A_1109 : memref<544xf32, #tpu.memory_space<vmem>>[vector<16xi32>], vector<16xf32>,
        %add3A_1225 = arith.constant 221 : i32
        %add3A_1226 = vector.broadcast %add3A_1225 : i32 to vector<16xi32>
        %add3A_1227 = arith.addi %iota3A, %add3A_1226 : vector<16xi32>
        tpu.vector_store_idx %arg10[%add3A_1227], %get3A_1113 : memref<544xf32, #tpu.memory_space<vmem>>[vector<16xi32>], vector<16xf32>,
        %add3A_1228 = arith.constant 238 : i32
        %add3A_1229 = vector.broadcast %add3A_1228 : i32 to vector<16xi32>
        %add3A_1230 = arith.addi %iota3A, %add3A_1229 : vector<16xi32>
        tpu.vector_store_idx %arg10[%add3A_1230], %get3A_1117 : memref<544xf32, #tpu.memory_space<vmem>>[vector<16xi32>], vector<16xf32>,
        %add3A_1231 = arith.constant 255 : i32
        %add3A_1232 = vector.broadcast %add3A_1231 : i32 to vector<16xi32>
        %add3A_1233 = arith.addi %iota3A, %add3A_1232 : vector<16xi32>
        tpu.vector_store_idx %arg10[%add3A_1233], %get3A_1121 : memref<544xf32, #tpu.memory_space<vmem>>[vector<16xi32>], vector<16xf32>,
        %add3A_1234 = arith.constant 272 : i32
        %add3A_1235 = vector.broadcast %add3A_1234 : i32 to vector<16xi32>
        %add3A_1236 = arith.addi %iota3A, %add3A_1235 : vector<16xi32>
        tpu.vector_store_idx %arg10[%add3A_1236], %get3A_1125 : memref<544xf32, #tpu.memory_space<vmem>>[vector<16xi32>], vector<16xf32>,
        %add3A_1237 = arith.constant 289 : i32
        %add3A_1238 = vector.broadcast %add3A_1237 : i32 to vector<16xi32>
        %add3A_1239 = arith.addi %iota3A, %add3A_1238 : vector<16xi32>
        tpu.vector_store_idx %arg10[%add3A_1239], %get3A_1129 : memref<544xf32, #tpu.memory_space<vmem>>[vector<16xi32>], vector<16xf32>,
        %add3A_1240 = arith.constant 306 : i32
        %add3A_1241 = vector.broadcast %add3A_1240 : i32 to vector<16xi32>
        %add3A_1242 = arith.addi %iota3A, %add3A_1241 : vector<16xi32>
        tpu.vector_store_idx %arg10[%add3A_1242], %get3A_1133 : memref<544xf32, #tpu.memory_space<vmem>>[vector<16xi32>], vector<16xf32>,
        %add3A_1243 = arith.constant 323 : i32
        %add3A_1244 = vector.broadcast %add3A_1243 : i32 to vector<16xi32>
        %add3A_1245 = arith.addi %iota3A, %add3A_1244 : vector<16xi32>
        tpu.vector_store_idx %arg10[%add3A_1245], %get3A_1137 : memref<544xf32, #tpu.memory_space<vmem>>[vector<16xi32>], vector<16xf32>,
        %add3A_1246 = arith.constant 340 : i32
        %add3A_1247 = vector.broadcast %add3A_1246 : i32 to vector<16xi32>
        %add3A_1248 = arith.addi %iota3A, %add3A_1247 : vector<16xi32>
        tpu.vector_store_idx %arg10[%add3A_1248], %get3A_1141 : memref<544xf32, #tpu.memory_space<vmem>>[vector<16xi32>], vector<16xf32>,
        %add3A_1249 = arith.constant 357 : i32
        %add3A_1250 = vector.broadcast %add3A_1249 : i32 to vector<16xi32>
        %add3A_1251 = arith.addi %iota3A, %add3A_1250 : vector<16xi32>
        tpu.vector_store_idx %arg10[%add3A_1251], %get3A_1145 : memref<544xf32, #tpu.memory_space<vmem>>[vector<16xi32>], vector<16xf32>,
        %add3A_1252 = arith.constant 374 : i32
        %add3A_1253 = vector.broadcast %add3A_1252 : i32 to vector<16xi32>
        %add3A_1254 = arith.addi %iota3A, %add3A_1253 : vector<16xi32>
        tpu.vector_store_idx %arg10[%add3A_1254], %get3A_1149 : memref<544xf32, #tpu.memory_space<vmem>>[vector<16xi32>], vector<16xf32>,
        %add3A_1255 = arith.constant 391 : i32
        %add3A_1256 = vector.broadcast %add3A_1255 : i32 to vector<16xi32>
        %add3A_1257 = arith.addi %iota3A, %add3A_1256 : vector<16xi32>
        tpu.vector_store_idx %arg10[%add3A_1257], %get3A_1153 : memref<544xf32, #tpu.memory_space<vmem>>[vector<16xi32>], vector<16xf32>,
        %add3A_1258 = arith.constant 408 : i32
        %add3A_1259 = vector.broadcast %add3A_1258 : i32 to vector<16xi32>
        %add3A_1260 = arith.addi %iota3A, %add3A_1259 : vector<16xi32>
        tpu.vector_store_idx %arg10[%add3A_1260], %get3A_1157 : memref<544xf32, #tpu.memory_space<vmem>>[vector<16xi32>], vector<16xf32>,
        %add3A_1261 = arith.constant 425 : i32
        %add3A_1262 = vector.broadcast %add3A_1261 : i32 to vector<16xi32>
        %add3A_1263 = arith.addi %iota3A, %add3A_1262 : vector<16xi32>
        tpu.vector_store_idx %arg10[%add3A_1263], %get3A_1161 : memref<544xf32, #tpu.memory_space<vmem>>[vector<16xi32>], vector<16xf32>,
        %add3A_1264 = arith.constant 442 : i32
        %add3A_1265 = vector.broadcast %add3A_1264 : i32 to vector<16xi32>
        %add3A_1266 = arith.addi %iota3A, %add3A_1265 : vector<16xi32>
        tpu.vector_store_idx %arg10[%add3A_1266], %get3A_1165 : memref<544xf32, #tpu.memory_space<vmem>>[vector<16xi32>], vector<16xf32>,
        %add3A_1267 = arith.constant 459 : i32
        %add3A_1268 = vector.broadcast %add3A_1267 : i32 to vector<16xi32>
        %add3A_1269 = arith.addi %iota3A, %add3A_1268 : vector<16xi32>
        tpu.vector_store_idx %arg10[%add3A_1269], %get3A_1169 : memref<544xf32, #tpu.memory_space<vmem>>[vector<16xi32>], vector<16xf32>,
        %add3A_1270 = arith.constant 476 : i32
        %add3A_1271 = vector.broadcast %add3A_1270 : i32 to vector<16xi32>
        %add3A_1272 = arith.addi %iota3A, %add3A_1271 : vector<16xi32>
        tpu.vector_store_idx %arg10[%add3A_1272], %get3A_1173 : memref<544xf32, #tpu.memory_space<vmem>>[vector<16xi32>], vector<16xf32>,
        %add3A_1273 = arith.constant 493 : i32
        %add3A_1274 = vector.broadcast %add3A_1273 : i32 to vector<16xi32>
        %add3A_1275 = arith.addi %iota3A, %add3A_1274 : vector<16xi32>
        tpu.vector_store_idx %arg10[%add3A_1275], %get3A_1177 : memref<544xf32, #tpu.memory_space<vmem>>[vector<16xi32>], vector<16xf32>,
        %add3A_1276 = arith.constant 510 : i32
        %add3A_1277 = vector.broadcast %add3A_1276 : i32 to vector<16xi32>
        %add3A_1278 = arith.addi %iota3A, %add3A_1277 : vector<16xi32>
        tpu.vector_store_idx %arg10[%add3A_1278], %get3A_1181 : memref<544xf32, #tpu.memory_space<vmem>>[vector<16xi32>], vector<16xf32>,
        %add3A_1279 = arith.constant 527 : i32
        %add3A_1280 = vector.broadcast %add3A_1279 : i32 to vector<16xi32>
        %add3A_1281 = arith.addi %iota3A, %add3A_1280 : vector<16xi32>
        tpu.vector_store_idx %arg10[%add3A_1281], %get3A_1185 : memref<544xf32, #tpu.memory_space<vmem>>[vector<16xi32>], vector<16xf32>,
        %add3A_1282 = arith.constant 0 : i32
        %add3A_1283 = vector.broadcast %add3A_1282 : i32 to vector<16xi32>
        %add3A_1284 = arith.addi %mul3A_3, %add3A_1283 : vector<16xi32>
        %gather3A_1285 = tpu.vector_load_idx %arg10[%add3A_1284] : memref<544xf32, #tpu.memory_space<vmem>>[vector<16xi32>], vector<16xf32>,
        %add3A_1286 = arith.constant 272 : i32
        %add3A_1287 = vector.broadcast %add3A_1286 : i32 to vector<16xi32>
        %add3A_1288 = arith.addi %mul3A_3, %add3A_1287 : vector<16xi32>
        %gather3A_1289 = tpu.vector_load_idx %arg10[%add3A_1288] : memref<544xf32, #tpu.memory_space<vmem>>[vector<16xi32>], vector<16xf32>,
        %add3A_1290 = arith.constant 1 : i32
        %add3A_1291 = vector.broadcast %add3A_1290 : i32 to vector<16xi32>
        %add3A_1292 = arith.addi %mul3A_3, %add3A_1291 : vector<16xi32>
        %gather3A_1293 = tpu.vector_load_idx %arg10[%add3A_1292] : memref<544xf32, #tpu.memory_space<vmem>>[vector<16xi32>], vector<16xf32>,
        %add3A_1294 = arith.constant 273 : i32
        %add3A_1295 = vector.broadcast %add3A_1294 : i32 to vector<16xi32>
        %add3A_1296 = arith.addi %mul3A_3, %add3A_1295 : vector<16xi32>
        %gather3A_1297 = tpu.vector_load_idx %arg10[%add3A_1296] : memref<544xf32, #tpu.memory_space<vmem>>[vector<16xi32>], vector<16xf32>,
        %add3A_1298 = arith.constant 2 : i32
        %add3A_1299 = vector.broadcast %add3A_1298 : i32 to vector<16xi32>
        %add3A_1300 = arith.addi %mul3A_3, %add3A_1299 : vector<16xi32>
        %gather3A_1301 = tpu.vector_load_idx %arg10[%add3A_1300] : memref<544xf32, #tpu.memory_space<vmem>>[vector<16xi32>], vector<16xf32>,
        %add3A_1302 = arith.constant 274 : i32
        %add3A_1303 = vector.broadcast %add3A_1302 : i32 to vector<16xi32>
        %add3A_1304 = arith.addi %mul3A_3, %add3A_1303 : vector<16xi32>
        %gather3A_1305 = tpu.vector_load_idx %arg10[%add3A_1304] : memref<544xf32, #tpu.memory_space<vmem>>[vector<16xi32>], vector<16xf32>,
        %add3A_1306 = arith.constant 3 : i32
        %add3A_1307 = vector.broadcast %add3A_1306 : i32 to vector<16xi32>
        %add3A_1308 = arith.addi %mul3A_3, %add3A_1307 : vector<16xi32>
        %gather3A_1309 = tpu.vector_load_idx %arg10[%add3A_1308] : memref<544xf32, #tpu.memory_space<vmem>>[vector<16xi32>], vector<16xf32>,
        %add3A_1310 = arith.constant 275 : i32
        %add3A_1311 = vector.broadcast %add3A_1310 : i32 to vector<16xi32>
        %add3A_1312 = arith.addi %mul3A_3, %add3A_1311 : vector<16xi32>
        %gather3A_1313 = tpu.vector_load_idx %arg10[%add3A_1312] : memref<544xf32, #tpu.memory_space<vmem>>[vector<16xi32>], vector<16xf32>,
        %add3A_1314 = arith.constant 4 : i32
        %add3A_1315 = vector.broadcast %add3A_1314 : i32 to vector<16xi32>
        %add3A_1316 = arith.addi %mul3A_3, %add3A_1315 : vector<16xi32>
        %gather3A_1317 = tpu.vector_load_idx %arg10[%add3A_1316] : memref<544xf32, #tpu.memory_space<vmem>>[vector<16xi32>], vector<16xf32>,
        %add3A_1318 = arith.constant 276 : i32
        %add3A_1319 = vector.broadcast %add3A_1318 : i32 to vector<16xi32>
        %add3A_1320 = arith.addi %mul3A_3, %add3A_1319 : vector<16xi32>
        %gather3A_1321 = tpu.vector_load_idx %arg10[%add3A_1320] : memref<544xf32, #tpu.memory_space<vmem>>[vector<16xi32>], vector<16xf32>,
        %add3A_1322 = arith.constant 5 : i32
        %add3A_1323 = vector.broadcast %add3A_1322 : i32 to vector<16xi32>
        %add3A_1324 = arith.addi %mul3A_3, %add3A_1323 : vector<16xi32>
        %gather3A_1325 = tpu.vector_load_idx %arg10[%add3A_1324] : memref<544xf32, #tpu.memory_space<vmem>>[vector<16xi32>], vector<16xf32>,
        %add3A_1326 = arith.constant 277 : i32
        %add3A_1327 = vector.broadcast %add3A_1326 : i32 to vector<16xi32>
        %add3A_1328 = arith.addi %mul3A_3, %add3A_1327 : vector<16xi32>
        %gather3A_1329 = tpu.vector_load_idx %arg10[%add3A_1328] : memref<544xf32, #tpu.memory_space<vmem>>[vector<16xi32>], vector<16xf32>,
        %add3A_1330 = arith.constant 6 : i32
        %add3A_1331 = vector.broadcast %add3A_1330 : i32 to vector<16xi32>
        %add3A_1332 = arith.addi %mul3A_3, %add3A_1331 : vector<16xi32>
        %gather3A_1333 = tpu.vector_load_idx %arg10[%add3A_1332] : memref<544xf32, #tpu.memory_space<vmem>>[vector<16xi32>], vector<16xf32>,
        %add3A_1334 = arith.constant 278 : i32
        %add3A_1335 = vector.broadcast %add3A_1334 : i32 to vector<16xi32>
        %add3A_1336 = arith.addi %mul3A_3, %add3A_1335 : vector<16xi32>
        %gather3A_1337 = tpu.vector_load_idx %arg10[%add3A_1336] : memref<544xf32, #tpu.memory_space<vmem>>[vector<16xi32>], vector<16xf32>,
        %add3A_1338 = arith.constant 7 : i32
        %add3A_1339 = vector.broadcast %add3A_1338 : i32 to vector<16xi32>
        %add3A_1340 = arith.addi %mul3A_3, %add3A_1339 : vector<16xi32>
        %gather3A_1341 = tpu.vector_load_idx %arg10[%add3A_1340] : memref<544xf32, #tpu.memory_space<vmem>>[vector<16xi32>], vector<16xf32>,
        %add3A_1342 = arith.constant 279 : i32
        %add3A_1343 = vector.broadcast %add3A_1342 : i32 to vector<16xi32>
        %add3A_1344 = arith.addi %mul3A_3, %add3A_1343 : vector<16xi32>
        %gather3A_1345 = tpu.vector_load_idx %arg10[%add3A_1344] : memref<544xf32, #tpu.memory_space<vmem>>[vector<16xi32>], vector<16xf32>,
        %add3A_1346 = arith.constant 8 : i32
        %add3A_1347 = vector.broadcast %add3A_1346 : i32 to vector<16xi32>
        %add3A_1348 = arith.addi %mul3A_3, %add3A_1347 : vector<16xi32>
        %gather3A_1349 = tpu.vector_load_idx %arg10[%add3A_1348] : memref<544xf32, #tpu.memory_space<vmem>>[vector<16xi32>], vector<16xf32>,
        %add3A_1350 = arith.constant 280 : i32
        %add3A_1351 = vector.broadcast %add3A_1350 : i32 to vector<16xi32>
        %add3A_1352 = arith.addi %mul3A_3, %add3A_1351 : vector<16xi32>
        %gather3A_1353 = tpu.vector_load_idx %arg10[%add3A_1352] : memref<544xf32, #tpu.memory_space<vmem>>[vector<16xi32>], vector<16xf32>,
        %add3A_1354 = arith.constant 9 : i32
        %add3A_1355 = vector.broadcast %add3A_1354 : i32 to vector<16xi32>
        %add3A_1356 = arith.addi %mul3A_3, %add3A_1355 : vector<16xi32>
        %gather3A_1357 = tpu.vector_load_idx %arg10[%add3A_1356] : memref<544xf32, #tpu.memory_space<vmem>>[vector<16xi32>], vector<16xf32>,
        %add3A_1358 = arith.constant 281 : i32
        %add3A_1359 = vector.broadcast %add3A_1358 : i32 to vector<16xi32>
        %add3A_1360 = arith.addi %mul3A_3, %add3A_1359 : vector<16xi32>
        %gather3A_1361 = tpu.vector_load_idx %arg10[%add3A_1360] : memref<544xf32, #tpu.memory_space<vmem>>[vector<16xi32>], vector<16xf32>,
        %add3A_1362 = arith.constant 10 : i32
        %add3A_1363 = vector.broadcast %add3A_1362 : i32 to vector<16xi32>
        %add3A_1364 = arith.addi %mul3A_3, %add3A_1363 : vector<16xi32>
        %gather3A_1365 = tpu.vector_load_idx %arg10[%add3A_1364] : memref<544xf32, #tpu.memory_space<vmem>>[vector<16xi32>], vector<16xf32>,
        %add3A_1366 = arith.constant 282 : i32
        %add3A_1367 = vector.broadcast %add3A_1366 : i32 to vector<16xi32>
        %add3A_1368 = arith.addi %mul3A_3, %add3A_1367 : vector<16xi32>
        %gather3A_1369 = tpu.vector_load_idx %arg10[%add3A_1368] : memref<544xf32, #tpu.memory_space<vmem>>[vector<16xi32>], vector<16xf32>,
        %add3A_1370 = arith.constant 11 : i32
        %add3A_1371 = vector.broadcast %add3A_1370 : i32 to vector<16xi32>
        %add3A_1372 = arith.addi %mul3A_3, %add3A_1371 : vector<16xi32>
        %gather3A_1373 = tpu.vector_load_idx %arg10[%add3A_1372] : memref<544xf32, #tpu.memory_space<vmem>>[vector<16xi32>], vector<16xf32>,
        %add3A_1374 = arith.constant 283 : i32
        %add3A_1375 = vector.broadcast %add3A_1374 : i32 to vector<16xi32>
        %add3A_1376 = arith.addi %mul3A_3, %add3A_1375 : vector<16xi32>
        %gather3A_1377 = tpu.vector_load_idx %arg10[%add3A_1376] : memref<544xf32, #tpu.memory_space<vmem>>[vector<16xi32>], vector<16xf32>,
        %add3A_1378 = arith.constant 12 : i32
        %add3A_1379 = vector.broadcast %add3A_1378 : i32 to vector<16xi32>
        %add3A_1380 = arith.addi %mul3A_3, %add3A_1379 : vector<16xi32>
        %gather3A_1381 = tpu.vector_load_idx %arg10[%add3A_1380] : memref<544xf32, #tpu.memory_space<vmem>>[vector<16xi32>], vector<16xf32>,
        %add3A_1382 = arith.constant 284 : i32
        %add3A_1383 = vector.broadcast %add3A_1382 : i32 to vector<16xi32>
        %add3A_1384 = arith.addi %mul3A_3, %add3A_1383 : vector<16xi32>
        %gather3A_1385 = tpu.vector_load_idx %arg10[%add3A_1384] : memref<544xf32, #tpu.memory_space<vmem>>[vector<16xi32>], vector<16xf32>,
        %add3A_1386 = arith.constant 13 : i32
        %add3A_1387 = vector.broadcast %add3A_1386 : i32 to vector<16xi32>
        %add3A_1388 = arith.addi %mul3A_3, %add3A_1387 : vector<16xi32>
        %gather3A_1389 = tpu.vector_load_idx %arg10[%add3A_1388] : memref<544xf32, #tpu.memory_space<vmem>>[vector<16xi32>], vector<16xf32>,
        %add3A_1390 = arith.constant 285 : i32
        %add3A_1391 = vector.broadcast %add3A_1390 : i32 to vector<16xi32>
        %add3A_1392 = arith.addi %mul3A_3, %add3A_1391 : vector<16xi32>
        %gather3A_1393 = tpu.vector_load_idx %arg10[%add3A_1392] : memref<544xf32, #tpu.memory_space<vmem>>[vector<16xi32>], vector<16xf32>,
        %add3A_1394 = arith.constant 14 : i32
        %add3A_1395 = vector.broadcast %add3A_1394 : i32 to vector<16xi32>
        %add3A_1396 = arith.addi %mul3A_3, %add3A_1395 : vector<16xi32>
        %gather3A_1397 = tpu.vector_load_idx %arg10[%add3A_1396] : memref<544xf32, #tpu.memory_space<vmem>>[vector<16xi32>], vector<16xf32>,
        %add3A_1398 = arith.constant 286 : i32
        %add3A_1399 = vector.broadcast %add3A_1398 : i32 to vector<16xi32>
        %add3A_1400 = arith.addi %mul3A_3, %add3A_1399 : vector<16xi32>
        %gather3A_1401 = tpu.vector_load_idx %arg10[%add3A_1400] : memref<544xf32, #tpu.memory_space<vmem>>[vector<16xi32>], vector<16xf32>,
        %add3A_1402 = arith.constant 15 : i32
        %add3A_1403 = vector.broadcast %add3A_1402 : i32 to vector<16xi32>
        %add3A_1404 = arith.addi %mul3A_3, %add3A_1403 : vector<16xi32>
        %gather3A_1405 = tpu.vector_load_idx %arg10[%add3A_1404] : memref<544xf32, #tpu.memory_space<vmem>>[vector<16xi32>], vector<16xf32>,
        %add3A_1406 = arith.constant 287 : i32
        %add3A_1407 = vector.broadcast %add3A_1406 : i32 to vector<16xi32>
        %add3A_1408 = arith.addi %mul3A_3, %add3A_1407 : vector<16xi32>
        %gather3A_1409 = tpu.vector_load_idx %arg10[%add3A_1408] : memref<544xf32, #tpu.memory_space<vmem>>[vector<16xi32>], vector<16xf32>,
        %add3A_1410 = arith.constant 0 : i32
        %add3A_1411 = arith.addi %mul3A_1057, %add3A_1410 : i32
        %add3A_1412 = arith.constant 0 : i32
        %add3A_1413 = arith.addi %add3A_1411, %add3A_1412 : i32
        %multiple_of3A_1414 = tpu.assume_multiple %add3A_1413, 16 : i32
        %swap3A_1415 = arith.index_cast %multiple_of3A_1414 : i32 to index
        %swap3A_1416 = tpu.vector_load %arg8[%swap3A_1415] {strides = array<i32>} : memref<16384xf32, #tpu.memory_space<vmem>>, vector<16xf32>,
        tpu.vector_store %arg8[%swap3A_1415], %gather3A_1285 {strides = array<i32>} : memref<16384xf32, #tpu.memory_space<vmem>>, vector<16xf32>,
        %add3A_1417 = arith.constant 0 : i32
        %add3A_1418 = arith.addi %mul3A_1057, %add3A_1417 : i32
        %add3A_1419 = arith.constant 16 : i32
        %add3A_1420 = arith.addi %add3A_1418, %add3A_1419 : i32
        %multiple_of3A_1421 = tpu.assume_multiple %add3A_1420, 16 : i32
        %swap3A_1422 = arith.index_cast %multiple_of3A_1421 : i32 to index
        %swap3A_1423 = tpu.vector_load %arg8[%swap3A_1422] {strides = array<i32>} : memref<16384xf32, #tpu.memory_space<vmem>>, vector<16xf32>,
        tpu.vector_store %arg8[%swap3A_1422], %gather3A_1289 {strides = array<i32>} : memref<16384xf32, #tpu.memory_space<vmem>>, vector<16xf32>,
        %add3A_1424 = arith.constant 32 : i32
        %add3A_1425 = arith.addi %mul3A_1057, %add3A_1424 : i32
        %add3A_1426 = arith.constant 0 : i32
        %add3A_1427 = arith.addi %add3A_1425, %add3A_1426 : i32
        %multiple_of3A_1428 = tpu.assume_multiple %add3A_1427, 16 : i32
        %swap3A_1429 = arith.index_cast %multiple_of3A_1428 : i32 to index
        %swap3A_1430 = tpu.vector_load %arg8[%swap3A_1429] {strides = array<i32>} : memref<16384xf32, #tpu.memory_space<vmem>>, vector<16xf32>,
        tpu.vector_store %arg8[%swap3A_1429], %gather3A_1293 {strides = array<i32>} : memref<16384xf32, #tpu.memory_space<vmem>>, vector<16xf32>,
        %add3A_1431 = arith.constant 32 : i32
        %add3A_1432 = arith.addi %mul3A_1057, %add3A_1431 : i32
        %add3A_1433 = arith.constant 16 : i32
        %add3A_1434 = arith.addi %add3A_1432, %add3A_1433 : i32
        %multiple_of3A_1435 = tpu.assume_multiple %add3A_1434, 16 : i32
        %swap3A_1436 = arith.index_cast %multiple_of3A_1435 : i32 to index
        %swap3A_1437 = tpu.vector_load %arg8[%swap3A_1436] {strides = array<i32>} : memref<16384xf32, #tpu.memory_space<vmem>>, vector<16xf32>,
        tpu.vector_store %arg8[%swap3A_1436], %gather3A_1297 {strides = array<i32>} : memref<16384xf32, #tpu.memory_space<vmem>>, vector<16xf32>,
        %add3A_1438 = arith.constant 64 : i32
        %add3A_1439 = arith.addi %mul3A_1057, %add3A_1438 : i32
        %add3A_1440 = arith.constant 0 : i32
        %add3A_1441 = arith.addi %add3A_1439, %add3A_1440 : i32
        %multiple_of3A_1442 = tpu.assume_multiple %add3A_1441, 16 : i32
        %swap3A_1443 = arith.index_cast %multiple_of3A_1442 : i32 to index
        %swap3A_1444 = tpu.vector_load %arg8[%swap3A_1443] {strides = array<i32>} : memref<16384xf32, #tpu.memory_space<vmem>>, vector<16xf32>,
        tpu.vector_store %arg8[%swap3A_1443], %gather3A_1301 {strides = array<i32>} : memref<16384xf32, #tpu.memory_space<vmem>>, vector<16xf32>,
        %add3A_1445 = arith.constant 64 : i32
        %add3A_1446 = arith.addi %mul3A_1057, %add3A_1445 : i32
        %add3A_1447 = arith.constant 16 : i32
        %add3A_1448 = arith.addi %add3A_1446, %add3A_1447 : i32
        %multiple_of3A_1449 = tpu.assume_multiple %add3A_1448, 16 : i32
        %swap3A_1450 = arith.index_cast %multiple_of3A_1449 : i32 to index
        %swap3A_1451 = tpu.vector_load %arg8[%swap3A_1450] {strides = array<i32>} : memref<16384xf32, #tpu.memory_space<vmem>>, vector<16xf32>,
        tpu.vector_store %arg8[%swap3A_1450], %gather3A_1305 {strides = array<i32>} : memref<16384xf32, #tpu.memory_space<vmem>>, vector<16xf32>,
        %add3A_1452 = arith.constant 96 : i32
        %add3A_1453 = arith.addi %mul3A_1057, %add3A_1452 : i32
        %add3A_1454 = arith.constant 0 : i32
        %add3A_1455 = arith.addi %add3A_1453, %add3A_1454 : i32
        %multiple_of3A_1456 = tpu.assume_multiple %add3A_1455, 16 : i32
        %swap3A_1457 = arith.index_cast %multiple_of3A_1456 : i32 to index
        %swap3A_1458 = tpu.vector_load %arg8[%swap3A_1457] {strides = array<i32>} : memref<16384xf32, #tpu.memory_space<vmem>>, vector<16xf32>,
        tpu.vector_store %arg8[%swap3A_1457], %gather3A_1309 {strides = array<i32>} : memref<16384xf32, #tpu.memory_space<vmem>>, vector<16xf32>,
        %add3A_1459 = arith.constant 96 : i32
        %add3A_1460 = arith.addi %mul3A_1057, %add3A_1459 : i32
        %add3A_1461 = arith.constant 16 : i32
        %add3A_1462 = arith.addi %add3A_1460, %add3A_1461 : i32
        %multiple_of3A_1463 = tpu.assume_multiple %add3A_1462, 16 : i32
        %swap3A_1464 = arith.index_cast %multiple_of3A_1463 : i32 to index
        %swap3A_1465 = tpu.vector_load %arg8[%swap3A_1464] {strides = array<i32>} : memref<16384xf32, #tpu.memory_space<vmem>>, vector<16xf32>,
        tpu.vector_store %arg8[%swap3A_1464], %gather3A_1313 {strides = array<i32>} : memref<16384xf32, #tpu.memory_space<vmem>>, vector<16xf32>,
        %add3A_1466 = arith.constant 128 : i32
        %add3A_1467 = arith.addi %mul3A_1057, %add3A_1466 : i32
        %add3A_1468 = arith.constant 0 : i32
        %add3A_1469 = arith.addi %add3A_1467, %add3A_1468 : i32
        %multiple_of3A_1470 = tpu.assume_multiple %add3A_1469, 16 : i32
        %swap3A_1471 = arith.index_cast %multiple_of3A_1470 : i32 to index
        %swap3A_1472 = tpu.vector_load %arg8[%swap3A_1471] {strides = array<i32>} : memref<16384xf32, #tpu.memory_space<vmem>>, vector<16xf32>,
        tpu.vector_store %arg8[%swap3A_1471], %gather3A_1317 {strides = array<i32>} : memref<16384xf32, #tpu.memory_space<vmem>>, vector<16xf32>,
        %add3A_1473 = arith.constant 128 : i32
        %add3A_1474 = arith.addi %mul3A_1057, %add3A_1473 : i32
        %add3A_1475 = arith.constant 16 : i32
        %add3A_1476 = arith.addi %add3A_1474, %add3A_1475 : i32
        %multiple_of3A_1477 = tpu.assume_multiple %add3A_1476, 16 : i32
        %swap3A_1478 = arith.index_cast %multiple_of3A_1477 : i32 to index
        %swap3A_1479 = tpu.vector_load %arg8[%swap3A_1478] {strides = array<i32>} : memref<16384xf32, #tpu.memory_space<vmem>>, vector<16xf32>,
        tpu.vector_store %arg8[%swap3A_1478], %gather3A_1321 {strides = array<i32>} : memref<16384xf32, #tpu.memory_space<vmem>>, vector<16xf32>,
        %add3A_1480 = arith.constant 160 : i32
        %add3A_1481 = arith.addi %mul3A_1057, %add3A_1480 : i32
        %add3A_1482 = arith.constant 0 : i32
        %add3A_1483 = arith.addi %add3A_1481, %add3A_1482 : i32
        %multiple_of3A_1484 = tpu.assume_multiple %add3A_1483, 16 : i32
        %swap3A_1485 = arith.index_cast %multiple_of3A_1484 : i32 to index
        %swap3A_1486 = tpu.vector_load %arg8[%swap3A_1485] {strides = array<i32>} : memref<16384xf32, #tpu.memory_space<vmem>>, vector<16xf32>,
        tpu.vector_store %arg8[%swap3A_1485], %gather3A_1325 {strides = array<i32>} : memref<16384xf32, #tpu.memory_space<vmem>>, vector<16xf32>,
        %add3A_1487 = arith.constant 160 : i32
        %add3A_1488 = arith.addi %mul3A_1057, %add3A_1487 : i32
        %add3A_1489 = arith.constant 16 : i32
        %add3A_1490 = arith.addi %add3A_1488, %add3A_1489 : i32
        %multiple_of3A_1491 = tpu.assume_multiple %add3A_1490, 16 : i32
        %swap3A_1492 = arith.index_cast %multiple_of3A_1491 : i32 to index
        %swap3A_1493 = tpu.vector_load %arg8[%swap3A_1492] {strides = array<i32>} : memref<16384xf32, #tpu.memory_space<vmem>>, vector<16xf32>,
        tpu.vector_store %arg8[%swap3A_1492], %gather3A_1329 {strides = array<i32>} : memref<16384xf32, #tpu.memory_space<vmem>>, vector<16xf32>,
        %add3A_1494 = arith.constant 192 : i32
        %add3A_1495 = arith.addi %mul3A_1057, %add3A_1494 : i32
        %add3A_1496 = arith.constant 0 : i32
        %add3A_1497 = arith.addi %add3A_1495, %add3A_1496 : i32
        %multiple_of3A_1498 = tpu.assume_multiple %add3A_1497, 16 : i32
        %swap3A_1499 = arith.index_cast %multiple_of3A_1498 : i32 to index
        %swap3A_1500 = tpu.vector_load %arg8[%swap3A_1499] {strides = array<i32>} : memref<16384xf32, #tpu.memory_space<vmem>>, vector<16xf32>,
        tpu.vector_store %arg8[%swap3A_1499], %gather3A_1333 {strides = array<i32>} : memref<16384xf32, #tpu.memory_space<vmem>>, vector<16xf32>,
        %add3A_1501 = arith.constant 192 : i32
        %add3A_1502 = arith.addi %mul3A_1057, %add3A_1501 : i32
        %add3A_1503 = arith.constant 16 : i32
        %add3A_1504 = arith.addi %add3A_1502, %add3A_1503 : i32
        %multiple_of3A_1505 = tpu.assume_multiple %add3A_1504, 16 : i32
        %swap3A_1506 = arith.index_cast %multiple_of3A_1505 : i32 to index
        %swap3A_1507 = tpu.vector_load %arg8[%swap3A_1506] {strides = array<i32>} : memref<16384xf32, #tpu.memory_space<vmem>>, vector<16xf32>,
        tpu.vector_store %arg8[%swap3A_1506], %gather3A_1337 {strides = array<i32>} : memref<16384xf32, #tpu.memory_space<vmem>>, vector<16xf32>,
        %add3A_1508 = arith.constant 224 : i32
        %add3A_1509 = arith.addi %mul3A_1057, %add3A_1508 : i32
        %add3A_1510 = arith.constant 0 : i32
        %add3A_1511 = arith.addi %add3A_1509, %add3A_1510 : i32
        %multiple_of3A_1512 = tpu.assume_multiple %add3A_1511, 16 : i32
        %swap3A_1513 = arith.index_cast %multiple_of3A_1512 : i32 to index
        %swap3A_1514 = tpu.vector_load %arg8[%swap3A_1513] {strides = array<i32>} : memref<16384xf32, #tpu.memory_space<vmem>>, vector<16xf32>,
        tpu.vector_store %arg8[%swap3A_1513], %gather3A_1341 {strides = array<i32>} : memref<16384xf32, #tpu.memory_space<vmem>>, vector<16xf32>,
        %add3A_1515 = arith.constant 224 : i32
        %add3A_1516 = arith.addi %mul3A_1057, %add3A_1515 : i32
        %add3A_1517 = arith.constant 16 : i32
        %add3A_1518 = arith.addi %add3A_1516, %add3A_1517 : i32
        %multiple_of3A_1519 = tpu.assume_multiple %add3A_1518, 16 : i32
        %swap3A_1520 = arith.index_cast %multiple_of3A_1519 : i32 to index
        %swap3A_1521 = tpu.vector_load %arg8[%swap3A_1520] {strides = array<i32>} : memref<16384xf32, #tpu.memory_space<vmem>>, vector<16xf32>,
        tpu.vector_store %arg8[%swap3A_1520], %gather3A_1345 {strides = array<i32>} : memref<16384xf32, #tpu.memory_space<vmem>>, vector<16xf32>,
        %add3A_1522 = arith.constant 256 : i32
        %add3A_1523 = arith.addi %mul3A_1057, %add3A_1522 : i32
        %add3A_1524 = arith.constant 0 : i32
        %add3A_1525 = arith.addi %add3A_1523, %add3A_1524 : i32
        %multiple_of3A_1526 = tpu.assume_multiple %add3A_1525, 16 : i32
        %swap3A_1527 = arith.index_cast %multiple_of3A_1526 : i32 to index
        %swap3A_1528 = tpu.vector_load %arg8[%swap3A_1527] {strides = array<i32>} : memref<16384xf32, #tpu.memory_space<vmem>>, vector<16xf32>,
        tpu.vector_store %arg8[%swap3A_1527], %gather3A_1349 {strides = array<i32>} : memref<16384xf32, #tpu.memory_space<vmem>>, vector<16xf32>,
        %add3A_1529 = arith.constant 256 : i32
        %add3A_1530 = arith.addi %mul3A_1057, %add3A_1529 : i32
        %add3A_1531 = arith.constant 16 : i32
        %add3A_1532 = arith.addi %add3A_1530, %add3A_1531 : i32
        %multiple_of3A_1533 = tpu.assume_multiple %add3A_1532, 16 : i32
        %swap3A_1534 = arith.index_cast %multiple_of3A_1533 : i32 to index
        %swap3A_1535 = tpu.vector_load %arg8[%swap3A_1534] {strides = array<i32>} : memref<16384xf32, #tpu.memory_space<vmem>>, vector<16xf32>,
        tpu.vector_store %arg8[%swap3A_1534], %gather3A_1353 {strides = array<i32>} : memref<16384xf32, #tpu.memory_space<vmem>>, vector<16xf32>,
        %add3A_1536 = arith.constant 288 : i32
        %add3A_1537 = arith.addi %mul3A_1057, %add3A_1536 : i32
        %add3A_1538 = arith.constant 0 : i32
        %add3A_1539 = arith.addi %add3A_1537, %add3A_1538 : i32
        %multiple_of3A_1540 = tpu.assume_multiple %add3A_1539, 16 : i32
        %swap3A_1541 = arith.index_cast %multiple_of3A_1540 : i32 to index
        %swap3A_1542 = tpu.vector_load %arg8[%swap3A_1541] {strides = array<i32>} : memref<16384xf32, #tpu.memory_space<vmem>>, vector<16xf32>,
        tpu.vector_store %arg8[%swap3A_1541], %gather3A_1357 {strides = array<i32>} : memref<16384xf32, #tpu.memory_space<vmem>>, vector<16xf32>,
        %add3A_1543 = arith.constant 288 : i32
        %add3A_1544 = arith.addi %mul3A_1057, %add3A_1543 : i32
        %add3A_1545 = arith.constant 16 : i32
        %add3A_1546 = arith.addi %add3A_1544, %add3A_1545 : i32
        %multiple_of3A_1547 = tpu.assume_multiple %add3A_1546, 16 : i32
        %swap3A_1548 = arith.index_cast %multiple_of3A_1547 : i32 to index
        %swap3A_1549 = tpu.vector_load %arg8[%swap3A_1548] {strides = array<i32>} : memref<16384xf32, #tpu.memory_space<vmem>>, vector<16xf32>,
        tpu.vector_store %arg8[%swap3A_1548], %gather3A_1361 {strides = array<i32>} : memref<16384xf32, #tpu.memory_space<vmem>>, vector<16xf32>,
        %add3A_1550 = arith.constant 320 : i32
        %add3A_1551 = arith.addi %mul3A_1057, %add3A_1550 : i32
        %add3A_1552 = arith.constant 0 : i32
        %add3A_1553 = arith.addi %add3A_1551, %add3A_1552 : i32
        %multiple_of3A_1554 = tpu.assume_multiple %add3A_1553, 16 : i32
        %swap3A_1555 = arith.index_cast %multiple_of3A_1554 : i32 to index
        %swap3A_1556 = tpu.vector_load %arg8[%swap3A_1555] {strides = array<i32>} : memref<16384xf32, #tpu.memory_space<vmem>>, vector<16xf32>,
        tpu.vector_store %arg8[%swap3A_1555], %gather3A_1365 {strides = array<i32>} : memref<16384xf32, #tpu.memory_space<vmem>>, vector<16xf32>,
        %add3A_1557 = arith.constant 320 : i32
        %add3A_1558 = arith.addi %mul3A_1057, %add3A_1557 : i32
        %add3A_1559 = arith.constant 16 : i32
        %add3A_1560 = arith.addi %add3A_1558, %add3A_1559 : i32
        %multiple_of3A_1561 = tpu.assume_multiple %add3A_1560, 16 : i32
        %swap3A_1562 = arith.index_cast %multiple_of3A_1561 : i32 to index
        %swap3A_1563 = tpu.vector_load %arg8[%swap3A_1562] {strides = array<i32>} : memref<16384xf32, #tpu.memory_space<vmem>>, vector<16xf32>,
        tpu.vector_store %arg8[%swap3A_1562], %gather3A_1369 {strides = array<i32>} : memref<16384xf32, #tpu.memory_space<vmem>>, vector<16xf32>,
        %add3A_1564 = arith.constant 352 : i32
        %add3A_1565 = arith.addi %mul3A_1057, %add3A_1564 : i32
        %add3A_1566 = arith.constant 0 : i32
        %add3A_1567 = arith.addi %add3A_1565, %add3A_1566 : i32
        %multiple_of3A_1568 = tpu.assume_multiple %add3A_1567, 16 : i32
        %swap3A_1569 = arith.index_cast %multiple_of3A_1568 : i32 to index
        %swap3A_1570 = tpu.vector_load %arg8[%swap3A_1569] {strides = array<i32>} : memref<16384xf32, #tpu.memory_space<vmem>>, vector<16xf32>,
        tpu.vector_store %arg8[%swap3A_1569], %gather3A_1373 {strides = array<i32>} : memref<16384xf32, #tpu.memory_space<vmem>>, vector<16xf32>,
        %add3A_1571 = arith.constant 352 : i32
        %add3A_1572 = arith.addi %mul3A_1057, %add3A_1571 : i32
        %add3A_1573 = arith.constant 16 : i32
        %add3A_1574 = arith.addi %add3A_1572, %add3A_1573 : i32
        %multiple_of3A_1575 = tpu.assume_multiple %add3A_1574, 16 : i32
        %swap3A_1576 = arith.index_cast %multiple_of3A_1575 : i32 to index
        %swap3A_1577 = tpu.vector_load %arg8[%swap3A_1576] {strides = array<i32>} : memref<16384xf32, #tpu.memory_space<vmem>>, vector<16xf32>,
        tpu.vector_store %arg8[%swap3A_1576], %gather3A_1377 {strides = array<i32>} : memref<16384xf32, #tpu.memory_space<vmem>>, vector<16xf32>,
        %add3A_1578 = arith.constant 384 : i32
        %add3A_1579 = arith.addi %mul3A_1057, %add3A_1578 : i32
        %add3A_1580 = arith.constant 0 : i32
        %add3A_1581 = arith.addi %add3A_1579, %add3A_1580 : i32
        %multiple_of3A_1582 = tpu.assume_multiple %add3A_1581, 16 : i32
        %swap3A_1583 = arith.index_cast %multiple_of3A_1582 : i32 to index
        %swap3A_1584 = tpu.vector_load %arg8[%swap3A_1583] {strides = array<i32>} : memref<16384xf32, #tpu.memory_space<vmem>>, vector<16xf32>,
        tpu.vector_store %arg8[%swap3A_1583], %gather3A_1381 {strides = array<i32>} : memref<16384xf32, #tpu.memory_space<vmem>>, vector<16xf32>,
        %add3A_1585 = arith.constant 384 : i32
        %add3A_1586 = arith.addi %mul3A_1057, %add3A_1585 : i32
        %add3A_1587 = arith.constant 16 : i32
        %add3A_1588 = arith.addi %add3A_1586, %add3A_1587 : i32
        %multiple_of3A_1589 = tpu.assume_multiple %add3A_1588, 16 : i32
        %swap3A_1590 = arith.index_cast %multiple_of3A_1589 : i32 to index
        %swap3A_1591 = tpu.vector_load %arg8[%swap3A_1590] {strides = array<i32>} : memref<16384xf32, #tpu.memory_space<vmem>>, vector<16xf32>,
        tpu.vector_store %arg8[%swap3A_1590], %gather3A_1385 {strides = array<i32>} : memref<16384xf32, #tpu.memory_space<vmem>>, vector<16xf32>,
        %add3A_1592 = arith.constant 416 : i32
        %add3A_1593 = arith.addi %mul3A_1057, %add3A_1592 : i32
        %add3A_1594 = arith.constant 0 : i32
        %add3A_1595 = arith.addi %add3A_1593, %add3A_1594 : i32
        %multiple_of3A_1596 = tpu.assume_multiple %add3A_1595, 16 : i32
        %swap3A_1597 = arith.index_cast %multiple_of3A_1596 : i32 to index
        %swap3A_1598 = tpu.vector_load %arg8[%swap3A_1597] {strides = array<i32>} : memref<16384xf32, #tpu.memory_space<vmem>>, vector<16xf32>,
        tpu.vector_store %arg8[%swap3A_1597], %gather3A_1389 {strides = array<i32>} : memref<16384xf32, #tpu.memory_space<vmem>>, vector<16xf32>,
        %add3A_1599 = arith.constant 416 : i32
        %add3A_1600 = arith.addi %mul3A_1057, %add3A_1599 : i32
        %add3A_1601 = arith.constant 16 : i32
        %add3A_1602 = arith.addi %add3A_1600, %add3A_1601 : i32
        %multiple_of3A_1603 = tpu.assume_multiple %add3A_1602, 16 : i32
        %swap3A_1604 = arith.index_cast %multiple_of3A_1603 : i32 to index
        %swap3A_1605 = tpu.vector_load %arg8[%swap3A_1604] {strides = array<i32>} : memref<16384xf32, #tpu.memory_space<vmem>>, vector<16xf32>,
        tpu.vector_store %arg8[%swap3A_1604], %gather3A_1393 {strides = array<i32>} : memref<16384xf32, #tpu.memory_space<vmem>>, vector<16xf32>,
        %add3A_1606 = arith.constant 448 : i32
        %add3A_1607 = arith.addi %mul3A_1057, %add3A_1606 : i32
        %add3A_1608 = arith.constant 0 : i32
        %add3A_1609 = arith.addi %add3A_1607, %add3A_1608 : i32
        %multiple_of3A_1610 = tpu.assume_multiple %add3A_1609, 16 : i32
        %swap3A_1611 = arith.index_cast %multiple_of3A_1610 : i32 to index
        %swap3A_1612 = tpu.vector_load %arg8[%swap3A_1611] {strides = array<i32>} : memref<16384xf32, #tpu.memory_space<vmem>>, vector<16xf32>,
        tpu.vector_store %arg8[%swap3A_1611], %gather3A_1397 {strides = array<i32>} : memref<16384xf32, #tpu.memory_space<vmem>>, vector<16xf32>,
        %add3A_1613 = arith.constant 448 : i32
        %add3A_1614 = arith.addi %mul3A_1057, %add3A_1613 : i32
        %add3A_1615 = arith.constant 16 : i32
        %add3A_1616 = arith.addi %add3A_1614, %add3A_1615 : i32
        %multiple_of3A_1617 = tpu.assume_multiple %add3A_1616, 16 : i32
        %swap3A_1618 = arith.index_cast %multiple_of3A_1617 : i32 to index
        %swap3A_1619 = tpu.vector_load %arg8[%swap3A_1618] {strides = array<i32>} : memref<16384xf32, #tpu.memory_space<vmem>>, vector<16xf32>,
        tpu.vector_store %arg8[%swap3A_1618], %gather3A_1401 {strides = array<i32>} : memref<16384xf32, #tpu.memory_space<vmem>>, vector<16xf32>,
        %add3A_1620 = arith.constant 480 : i32
        %add3A_1621 = arith.addi %mul3A_1057, %add3A_1620 : i32
        %add3A_1622 = arith.constant 0 : i32
        %add3A_1623 = arith.addi %add3A_1621, %add3A_1622 : i32
        %multiple_of3A_1624 = tpu.assume_multiple %add3A_1623, 16 : i32
        %swap3A_1625 = arith.index_cast %multiple_of3A_1624 : i32 to index
        %swap3A_1626 = tpu.vector_load %arg8[%swap3A_1625] {strides = array<i32>} : memref<16384xf32, #tpu.memory_space<vmem>>, vector<16xf32>,
        tpu.vector_store %arg8[%swap3A_1625], %gather3A_1405 {strides = array<i32>} : memref<16384xf32, #tpu.memory_space<vmem>>, vector<16xf32>,
        %add3A_1627 = arith.constant 480 : i32
        %add3A_1628 = arith.addi %mul3A_1057, %add3A_1627 : i32
        %add3A_1629 = arith.constant 16 : i32
        %add3A_1630 = arith.addi %add3A_1628, %add3A_1629 : i32
        %multiple_of3A_1631 = tpu.assume_multiple %add3A_1630, 16 : i32
        %swap3A_1632 = arith.index_cast %multiple_of3A_1631 : i32 to index
        %swap3A_1633 = tpu.vector_load %arg8[%swap3A_1632] {strides = array<i32>} : memref<16384xf32, #tpu.memory_space<vmem>>, vector<16xf32>,
        tpu.vector_store %arg8[%swap3A_1632], %gather3A_1409 {strides = array<i32>} : memref<16384xf32, #tpu.memory_space<vmem>>, vector<16xf32>,
        %scan3A_1634 = arith.constant 0 : i32
        scf.yield %scan3A_1634 : i32
      }
      %scan3A_398 = arith.constant 16 : i32
      %mul3A_399 = arith.constant 32 : i32
      %mul3A_400 = arith.muli %add3A_338, %mul3A_399 : i32
      %add3A_401 = arith.addi %mul3A_400, %add3A : i32
      %min3A_402 = arith.constant 1952 : i32
      %min3A_403 = arith.minsi %add3A_401, %min3A_402 : i32
      %mul3A_404 = arith.constant 512 : i32
      %mul3A_405 = arith.muli %min3A_403, %mul3A_404 : i32
      %multiple_of3A_406 = tpu.assume_multiple %mul3A_405, 512 : i32
      %lt3A_407 = arith.constant 1953 : i32
      %lt3A_408 = arith.cmpi slt, %add3A_401, %lt3A_407 : i32
      %mul3A_409 = arith.constant 32 : i32
      %mul3A_410 = arith.muli %multiple_of3A_406, %mul3A_409 : i32
      %jit3A_411 = arith.constant 32014336 : i32
      %select_n3A_412 = arith.select %lt3A_408, %mul3A_410, %jit3A_411 : i32
      %multiple_of3A_413 = tpu.assume_multiple %select_n3A_412, 16384 : i32
      %dma_start3A_414 = tpu.memref_slice %arg4[%multiple_of3A_413] : memref<32030720xf32, #tpu.memory_space<hbm>> -> memref<16384xf32, #tpu.memory_space<hbm>>
      %dma_start3A_415 = tpu.memref_slice %arg4[%multiple_of3A_413] : memref<32030720xf32, #tpu.memory_space<hbm>> -> memref<16384xf32, #tpu.memory_space<hbm>>
      tpu.enqueue_dma source(%arg8 : memref<16384xf32, #tpu.memory_space<vmem>>) target(%dma_start3A_415 : memref<16384xf32, #tpu.memory_space<hbm>>) target_semaphore(%arg15 : memref<!tpu.dma_semaphore, #tpu.memory_space<semaphore_mem>>)
      %add3A_416 = arith.constant 2 : i32
      %add3A_417 = arith.addi %add3A_338, %add3A_416 : i32
      %mul3A_418 = arith.constant 32 : i32
      %mul3A_419 = arith.muli %add3A_417, %mul3A_418 : i32
      %add3A_420 = arith.addi %mul3A_419, %add3A : i32
      %min3A_421 = arith.constant 1952 : i32
      %min3A_422 = arith.minsi %add3A_420, %min3A_421 : i32
      %mul3A_423 = arith.constant 512 : i32
      %mul3A_424 = arith.muli %min3A_422, %mul3A_423 : i32
      %multiple_of3A_425 = tpu.assume_multiple %mul3A_424, 512 : i32
      %dma_start3A_426 = arith.constant 0 : i32
      %dma_start3A_427 = arith.constant 0 : i32
      %dma_start3A_428 = tpu.memref_slice %arg6[%dma_start3A_426, %dma_start3A_427] : memref<32x512xf32, #tpu.memory_space<vmem>> -> memref<8x512xf32, #tpu.memory_space<vmem>>
      %dma_start3A_429 = arith.constant 0 : i32
      %dma_start3A_430 = tpu.memref_slice %arg2[%dma_start3A_429, %multiple_of3A_425] : memref<32x1000001xf32, #tpu.memory_space<hbm>> -> memref<8x512xf32, #tpu.memory_space<hbm>>
      %dma_start3A_431 = arith.constant 0 : i32
      %dma_start3A_432 = arith.constant 0 : i32
      %dma_start3A_433 = tpu.memref_slice %arg6[%dma_start3A_431, %dma_start3A_432] : memref<32x512xf32, #tpu.memory_space<vmem>> -> memref<8x512xf32, #tpu.memory_space<vmem>>
      %dma_start3A_434 = arith.constant 0 : i32
      %dma_start3A_435 = tpu.memref_slice %arg2[%dma_start3A_434, %multiple_of3A_425] : memref<32x1000001xf32, #tpu.memory_space<hbm>> -> memref<8x512xf32, #tpu.memory_space<hbm>>
      tpu.enqueue_dma source(%dma_start3A_435 : memref<8x512xf32, #tpu.memory_space<hbm>>) target(%dma_start3A_433 : memref<8x512xf32, #tpu.memory_space<vmem>>) target_semaphore(%arg13 : memref<!tpu.dma_semaphore, #tpu.memory_space<semaphore_mem>>)
      %dma_start3A_436 = arith.constant 8 : i32
      %dma_start3A_437 = arith.constant 0 : i32
      %dma_start3A_438 = tpu.memref_slice %arg6[%dma_start3A_436, %dma_start3A_437] : memref<32x512xf32, #tpu.memory_space<vmem>> -> memref<8x512xf32, #tpu.memory_space<vmem>>
      %dma_start3A_439 = arith.constant 8 : i32
      %dma_start3A_440 = tpu.memref_slice %arg2[%dma_start3A_439, %multiple_of3A_425] : memref<32x1000001xf32, #tpu.memory_space<hbm>> -> memref<8x512xf32, #tpu.memory_space<hbm>>
      %dma_start3A_441 = arith.constant 8 : i32
      %dma_start3A_442 = arith.constant 0 : i32
      %dma_start3A_443 = tpu.memref_slice %arg6[%dma_start3A_441, %dma_start3A_442] : memref<32x512xf32, #tpu.memory_space<vmem>> -> memref<8x512xf32, #tpu.memory_space<vmem>>
      %dma_start3A_444 = arith.constant 8 : i32
      %dma_start3A_445 = tpu.memref_slice %arg2[%dma_start3A_444, %multiple_of3A_425] : memref<32x1000001xf32, #tpu.memory_space<hbm>> -> memref<8x512xf32, #tpu.memory_space<hbm>>
      tpu.enqueue_dma source(%dma_start3A_445 : memref<8x512xf32, #tpu.memory_space<hbm>>) target(%dma_start3A_443 : memref<8x512xf32, #tpu.memory_space<vmem>>) target_semaphore(%arg13 : memref<!tpu.dma_semaphore, #tpu.memory_space<semaphore_mem>>)
      %dma_start3A_446 = arith.constant 16 : i32
      %dma_start3A_447 = arith.constant 0 : i32
      %dma_start3A_448 = tpu.memref_slice %arg6[%dma_start3A_446, %dma_start3A_447] : memref<32x512xf32, #tpu.memory_space<vmem>> -> memref<8x512xf32, #tpu.memory_space<vmem>>
      %dma_start3A_449 = arith.constant 16 : i32
      %dma_start3A_450 = tpu.memref_slice %arg2[%dma_start3A_449, %multiple_of3A_425] : memref<32x1000001xf32, #tpu.memory_space<hbm>> -> memref<8x512xf32, #tpu.memory_space<hbm>>
      %dma_start3A_451 = arith.constant 16 : i32
      %dma_start3A_452 = arith.constant 0 : i32
      %dma_start3A_453 = tpu.memref_slice %arg6[%dma_start3A_451, %dma_start3A_452] : memref<32x512xf32, #tpu.memory_space<vmem>> -> memref<8x512xf32, #tpu.memory_space<vmem>>
      %dma_start3A_454 = arith.constant 16 : i32
      %dma_start3A_455 = tpu.memref_slice %arg2[%dma_start3A_454, %multiple_of3A_425] : memref<32x1000001xf32, #tpu.memory_space<hbm>> -> memref<8x512xf32, #tpu.memory_space<hbm>>
      tpu.enqueue_dma source(%dma_start3A_455 : memref<8x512xf32, #tpu.memory_space<hbm>>) target(%dma_start3A_453 : memref<8x512xf32, #tpu.memory_space<vmem>>) target_semaphore(%arg13 : memref<!tpu.dma_semaphore, #tpu.memory_space<semaphore_mem>>)
      %dma_start3A_456 = arith.constant 24 : i32
      %dma_start3A_457 = arith.constant 0 : i32
      %dma_start3A_458 = tpu.memref_slice %arg6[%dma_start3A_456, %dma_start3A_457] : memref<32x512xf32, #tpu.memory_space<vmem>> -> memref<8x512xf32, #tpu.memory_space<vmem>>
      %dma_start3A_459 = arith.constant 24 : i32
      %dma_start3A_460 = tpu.memref_slice %arg2[%dma_start3A_459, %multiple_of3A_425] : memref<32x1000001xf32, #tpu.memory_space<hbm>> -> memref<8x512xf32, #tpu.memory_space<hbm>>
      %dma_start3A_461 = arith.constant 24 : i32
      %dma_start3A_462 = arith.constant 0 : i32
      %dma_start3A_463 = tpu.memref_slice %arg6[%dma_start3A_461, %dma_start3A_462] : memref<32x512xf32, #tpu.memory_space<vmem>> -> memref<8x512xf32, #tpu.memory_space<vmem>>
      %dma_start3A_464 = arith.constant 24 : i32
      %dma_start3A_465 = tpu.memref_slice %arg2[%dma_start3A_464, %multiple_of3A_425] : memref<32x1000001xf32, #tpu.memory_space<hbm>> -> memref<8x512xf32, #tpu.memory_space<hbm>>
      tpu.enqueue_dma source(%dma_start3A_465 : memref<8x512xf32, #tpu.memory_space<hbm>>) target(%dma_start3A_463 : memref<8x512xf32, #tpu.memory_space<vmem>>) target_semaphore(%arg13 : memref<!tpu.dma_semaphore, #tpu.memory_space<semaphore_mem>>)
      %scan3A_466 = arith.constant 0 : i32
      scf.yield %scan3A_466 : i32
    }
    %scan3A_100 = arith.constant 31 : i32
    %dma_wait3A = arith.constant 0 : i32
    %dma_wait3A_101 = tpu.memref_slice %arg4[%dma_wait3A] : memref<32030720xf32, #tpu.memory_space<hbm>> -> memref<16384xf32, #tpu.memory_space<hbm>>
    %dma_wait3A_102 = arith.constant 0 : i32
    %dma_wait3A_103 = tpu.memref_slice %arg4[%dma_wait3A_102] : memref<32030720xf32, #tpu.memory_space<hbm>> -> memref<16384xf32, #tpu.memory_space<hbm>>
    tpu.wait_dma2 semaphore(%arg14 : memref<!tpu.dma_semaphore, #tpu.memory_space<semaphore_mem>>) src(%arg7 : memref<16384xf32, #tpu.memory_space<vmem>>) dst(%dma_wait3A_103 : memref<16384xf32, #tpu.memory_space<hbm>>)
    %dma_wait3A_104 = arith.constant 0 : i32
    %dma_wait3A_105 = tpu.memref_slice %arg4[%dma_wait3A_104] : memref<32030720xf32, #tpu.memory_space<hbm>> -> memref<16384xf32, #tpu.memory_space<hbm>>
    %dma_wait3A_106 = arith.constant 0 : i32
    %dma_wait3A_107 = tpu.memref_slice %arg4[%dma_wait3A_106] : memref<32030720xf32, #tpu.memory_space<hbm>> -> memref<16384xf32, #tpu.memory_space<hbm>>
    tpu.wait_dma2 semaphore(%arg15 : memref<!tpu.dma_semaphore, #tpu.memory_space<semaphore_mem>>) src(%arg8 : memref<16384xf32, #tpu.memory_space<vmem>>) dst(%dma_wait3A_107 : memref<16384xf32, #tpu.memory_space<hbm>>)
    %dma_wait3A_108 = arith.constant 0 : i32
    %dma_wait3A_109 = arith.constant 0 : i32
    %dma_wait3A_110 = tpu.memref_slice %arg5[%dma_wait3A_108, %dma_wait3A_109] : memref<32x512xf32, #tpu.memory_space<vmem>> -> memref<8x512xf32, #tpu.memory_space<vmem>>
    %dma_wait3A_111 = arith.constant 0 : i32
    %dma_wait3A_112 = arith.constant 0 : i32
    %dma_wait3A_113 = tpu.memref_slice %arg2[%dma_wait3A_111, %dma_wait3A_112] : memref<32x1000001xf32, #tpu.memory_space<hbm>> -> memref<8x512xf32, #tpu.memory_space<hbm>>
    %dma_wait3A_114 = arith.constant 0 : i32
    %dma_wait3A_115 = arith.constant 0 : i32
    %dma_wait3A_116 = tpu.memref_slice %arg5[%dma_wait3A_114, %dma_wait3A_115] : memref<32x512xf32, #tpu.memory_space<vmem>> -> memref<8x512xf32, #tpu.memory_space<vmem>>
    %dma_wait3A_117 = arith.constant 0 : i32
    %dma_wait3A_118 = arith.constant 0 : i32
    %dma_wait3A_119 = tpu.memref_slice %arg2[%dma_wait3A_117, %dma_wait3A_118] : memref<32x1000001xf32, #tpu.memory_space<hbm>> -> memref<8x512xf32, #tpu.memory_space<hbm>>
    tpu.wait_dma2 semaphore(%arg12 : memref<!tpu.dma_semaphore, #tpu.memory_space<semaphore_mem>>) src(%dma_wait3A_119 : memref<8x512xf32, #tpu.memory_space<hbm>>) dst(%dma_wait3A_116 : memref<8x512xf32, #tpu.memory_space<vmem>>)
    %dma_wait3A_120 = arith.constant 8 : i32
    %dma_wait3A_121 = arith.constant 0 : i32
    %dma_wait3A_122 = tpu.memref_slice %arg5[%dma_wait3A_120, %dma_wait3A_121] : memref<32x512xf32, #tpu.memory_space<vmem>> -> memref<8x512xf32, #tpu.memory_space<vmem>>
    %dma_wait3A_123 = arith.constant 0 : i32
    %dma_wait3A_124 = arith.constant 0 : i32
    %dma_wait3A_125 = tpu.memref_slice %arg2[%dma_wait3A_123, %dma_wait3A_124] : memref<32x1000001xf32, #tpu.memory_space<hbm>> -> memref<8x512xf32, #tpu.memory_space<hbm>>
    %dma_wait3A_126 = arith.constant 8 : i32
    %dma_wait3A_127 = arith.constant 0 : i32
    %dma_wait3A_128 = tpu.memref_slice %arg5[%dma_wait3A_126, %dma_wait3A_127] : memref<32x512xf32, #tpu.memory_space<vmem>> -> memref<8x512xf32, #tpu.memory_space<vmem>>
    %dma_wait3A_129 = arith.constant 0 : i32
    %dma_wait3A_130 = arith.constant 0 : i32
    %dma_wait3A_131 = tpu.memref_slice %arg2[%dma_wait3A_129, %dma_wait3A_130] : memref<32x1000001xf32, #tpu.memory_space<hbm>> -> memref<8x512xf32, #tpu.memory_space<hbm>>
    tpu.wait_dma2 semaphore(%arg12 : memref<!tpu.dma_semaphore, #tpu.memory_space<semaphore_mem>>) src(%dma_wait3A_131 : memref<8x512xf32, #tpu.memory_space<hbm>>) dst(%dma_wait3A_128 : memref<8x512xf32, #tpu.memory_space<vmem>>)
    %dma_wait3A_132 = arith.constant 16 : i32
    %dma_wait3A_133 = arith.constant 0 : i32
    %dma_wait3A_134 = tpu.memref_slice %arg5[%dma_wait3A_132, %dma_wait3A_133] : memref<32x512xf32, #tpu.memory_space<vmem>> -> memref<8x512xf32, #tpu.memory_space<vmem>>
    %dma_wait3A_135 = arith.constant 0 : i32
    %dma_wait3A_136 = arith.constant 0 : i32
    %dma_wait3A_137 = tpu.memref_slice %arg2[%dma_wait3A_135, %dma_wait3A_136] : memref<32x1000001xf32, #tpu.memory_space<hbm>> -> memref<8x512xf32, #tpu.memory_space<hbm>>
    %dma_wait3A_138 = arith.constant 16 : i32
    %dma_wait3A_139 = arith.constant 0 : i32
    %dma_wait3A_140 = tpu.memref_slice %arg5[%dma_wait3A_138, %dma_wait3A_139] : memref<32x512xf32, #tpu.memory_space<vmem>> -> memref<8x512xf32, #tpu.memory_space<vmem>>
    %dma_wait3A_141 = arith.constant 0 : i32
    %dma_wait3A_142 = arith.constant 0 : i32
    %dma_wait3A_143 = tpu.memref_slice %arg2[%dma_wait3A_141, %dma_wait3A_142] : memref<32x1000001xf32, #tpu.memory_space<hbm>> -> memref<8x512xf32, #tpu.memory_space<hbm>>
    tpu.wait_dma2 semaphore(%arg12 : memref<!tpu.dma_semaphore, #tpu.memory_space<semaphore_mem>>) src(%dma_wait3A_143 : memref<8x512xf32, #tpu.memory_space<hbm>>) dst(%dma_wait3A_140 : memref<8x512xf32, #tpu.memory_space<vmem>>)
    %dma_wait3A_144 = arith.constant 24 : i32
    %dma_wait3A_145 = arith.constant 0 : i32
    %dma_wait3A_146 = tpu.memref_slice %arg5[%dma_wait3A_144, %dma_wait3A_145] : memref<32x512xf32, #tpu.memory_space<vmem>> -> memref<8x512xf32, #tpu.memory_space<vmem>>
    %dma_wait3A_147 = arith.constant 0 : i32
    %dma_wait3A_148 = arith.constant 0 : i32
    %dma_wait3A_149 = tpu.memref_slice %arg2[%dma_wait3A_147, %dma_wait3A_148] : memref<32x1000001xf32, #tpu.memory_space<hbm>> -> memref<8x512xf32, #tpu.memory_space<hbm>>
    %dma_wait3A_150 = arith.constant 24 : i32
    %dma_wait3A_151 = arith.constant 0 : i32
    %dma_wait3A_152 = tpu.memref_slice %arg5[%dma_wait3A_150, %dma_wait3A_151] : memref<32x512xf32, #tpu.memory_space<vmem>> -> memref<8x512xf32, #tpu.memory_space<vmem>>
    %dma_wait3A_153 = arith.constant 0 : i32
    %dma_wait3A_154 = arith.constant 0 : i32
    %dma_wait3A_155 = tpu.memref_slice %arg2[%dma_wait3A_153, %dma_wait3A_154] : memref<32x1000001xf32, #tpu.memory_space<hbm>> -> memref<8x512xf32, #tpu.memory_space<hbm>>
    tpu.wait_dma2 semaphore(%arg12 : memref<!tpu.dma_semaphore, #tpu.memory_space<semaphore_mem>>) src(%dma_wait3A_155 : memref<8x512xf32, #tpu.memory_space<hbm>>) dst(%dma_wait3A_152 : memref<8x512xf32, #tpu.memory_space<vmem>>)
    %dma_wait3A_156 = arith.constant 0 : i32
    %dma_wait3A_157 = arith.constant 0 : i32
    %dma_wait3A_158 = tpu.memref_slice %arg6[%dma_wait3A_156, %dma_wait3A_157] : memref<32x512xf32, #tpu.memory_space<vmem>> -> memref<8x512xf32, #tpu.memory_space<vmem>>
    %dma_wait3A_159 = arith.constant 0 : i32
    %dma_wait3A_160 = arith.constant 0 : i32
    %dma_wait3A_161 = tpu.memref_slice %arg2[%dma_wait3A_159, %dma_wait3A_160] : memref<32x1000001xf32, #tpu.memory_space<hbm>> -> memref<8x512xf32, #tpu.memory_space<hbm>>
    %dma_wait3A_162 = arith.constant 0 : i32
    %dma_wait3A_163 = arith.constant 0 : i32
    %dma_wait3A_164 = tpu.memref_slice %arg6[%dma_wait3A_162, %dma_wait3A_163] : memref<32x512xf32, #tpu.memory_space<vmem>> -> memref<8x512xf32, #tpu.memory_space<vmem>>
    %dma_wait3A_165 = arith.constant 0 : i32
    %dma_wait3A_166 = arith.constant 0 : i32
    %dma_wait3A_167 = tpu.memref_slice %arg2[%dma_wait3A_165, %dma_wait3A_166] : memref<32x1000001xf32, #tpu.memory_space<hbm>> -> memref<8x512xf32, #tpu.memory_space<hbm>>
    tpu.wait_dma2 semaphore(%arg13 : memref<!tpu.dma_semaphore, #tpu.memory_space<semaphore_mem>>) src(%dma_wait3A_167 : memref<8x512xf32, #tpu.memory_space<hbm>>) dst(%dma_wait3A_164 : memref<8x512xf32, #tpu.memory_space<vmem>>)
    %dma_wait3A_168 = arith.constant 8 : i32
    %dma_wait3A_169 = arith.constant 0 : i32
    %dma_wait3A_170 = tpu.memref_slice %arg6[%dma_wait3A_168, %dma_wait3A_169] : memref<32x512xf32, #tpu.memory_space<vmem>> -> memref<8x512xf32, #tpu.memory_space<vmem>>
    %dma_wait3A_171 = arith.constant 0 : i32
    %dma_wait3A_172 = arith.constant 0 : i32
    %dma_wait3A_173 = tpu.memref_slice %arg2[%dma_wait3A_171, %dma_wait3A_172] : memref<32x1000001xf32, #tpu.memory_space<hbm>> -> memref<8x512xf32, #tpu.memory_space<hbm>>
    %dma_wait3A_174 = arith.constant 8 : i32
    %dma_wait3A_175 = arith.constant 0 : i32
    %dma_wait3A_176 = tpu.memref_slice %arg6[%dma_wait3A_174, %dma_wait3A_175] : memref<32x512xf32, #tpu.memory_space<vmem>> -> memref<8x512xf32, #tpu.memory_space<vmem>>
    %dma_wait3A_177 = arith.constant 0 : i32
    %dma_wait3A_178 = arith.constant 0 : i32
    %dma_wait3A_179 = tpu.memref_slice %arg2[%dma_wait3A_177, %dma_wait3A_178] : memref<32x1000001xf32, #tpu.memory_space<hbm>> -> memref<8x512xf32, #tpu.memory_space<hbm>>
    tpu.wait_dma2 semaphore(%arg13 : memref<!tpu.dma_semaphore, #tpu.memory_space<semaphore_mem>>) src(%dma_wait3A_179 : memref<8x512xf32, #tpu.memory_space<hbm>>) dst(%dma_wait3A_176 : memref<8x512xf32, #tpu.memory_space<vmem>>)
    %dma_wait3A_180 = arith.constant 16 : i32
    %dma_wait3A_181 = arith.constant 0 : i32
    %dma_wait3A_182 = tpu.memref_slice %arg6[%dma_wait3A_180, %dma_wait3A_181] : memref<32x512xf32, #tpu.memory_space<vmem>> -> memref<8x512xf32, #tpu.memory_space<vmem>>
    %dma_wait3A_183 = arith.constant 0 : i32
    %dma_wait3A_184 = arith.constant 0 : i32
    %dma_wait3A_185 = tpu.memref_slice %arg2[%dma_wait3A_183, %dma_wait3A_184] : memref<32x1000001xf32, #tpu.memory_space<hbm>> -> memref<8x512xf32, #tpu.memory_space<hbm>>
    %dma_wait3A_186 = arith.constant 16 : i32
    %dma_wait3A_187 = arith.constant 0 : i32
    %dma_wait3A_188 = tpu.memref_slice %arg6[%dma_wait3A_186, %dma_wait3A_187] : memref<32x512xf32, #tpu.memory_space<vmem>> -> memref<8x512xf32, #tpu.memory_space<vmem>>
    %dma_wait3A_189 = arith.constant 0 : i32
    %dma_wait3A_190 = arith.constant 0 : i32
    %dma_wait3A_191 = tpu.memref_slice %arg2[%dma_wait3A_189, %dma_wait3A_190] : memref<32x1000001xf32, #tpu.memory_space<hbm>> -> memref<8x512xf32, #tpu.memory_space<hbm>>
    tpu.wait_dma2 semaphore(%arg13 : memref<!tpu.dma_semaphore, #tpu.memory_space<semaphore_mem>>) src(%dma_wait3A_191 : memref<8x512xf32, #tpu.memory_space<hbm>>) dst(%dma_wait3A_188 : memref<8x512xf32, #tpu.memory_space<vmem>>)
    %dma_wait3A_192 = arith.constant 24 : i32
    %dma_wait3A_193 = arith.constant 0 : i32
    %dma_wait3A_194 = tpu.memref_slice %arg6[%dma_wait3A_192, %dma_wait3A_193] : memref<32x512xf32, #tpu.memory_space<vmem>> -> memref<8x512xf32, #tpu.memory_space<vmem>>
    %dma_wait3A_195 = arith.constant 0 : i32
    %dma_wait3A_196 = arith.constant 0 : i32
    %dma_wait3A_197 = tpu.memref_slice %arg2[%dma_wait3A_195, %dma_wait3A_196] : memref<32x1000001xf32, #tpu.memory_space<hbm>> -> memref<8x512xf32, #tpu.memory_space<hbm>>
    %dma_wait3A_198 = arith.constant 24 : i32
    %dma_wait3A_199 = arith.constant 0 : i32
    %dma_wait3A_200 = tpu.memref_slice %arg6[%dma_wait3A_198, %dma_wait3A_199] : memref<32x512xf32, #tpu.memory_space<vmem>> -> memref<8x512xf32, #tpu.memory_space<vmem>>
    %dma_wait3A_201 = arith.constant 0 : i32
    %dma_wait3A_202 = arith.constant 0 : i32
    %dma_wait3A_203 = tpu.memref_slice %arg2[%dma_wait3A_201, %dma_wait3A_202] : memref<32x1000001xf32, #tpu.memory_space<hbm>> -> memref<8x512xf32, #tpu.memory_space<hbm>>
    tpu.wait_dma2 semaphore(%arg13 : memref<!tpu.dma_semaphore, #tpu.memory_space<semaphore_mem>>) src(%dma_wait3A_203 : memref<8x512xf32, #tpu.memory_space<hbm>>) dst(%dma_wait3A_200 : memref<8x512xf32, #tpu.memory_space<vmem>>)
    %eq3A = arith.constant 0 : i32
    %eq3A_204 = arith.cmpi eq, %add3A, %eq3A : i32
    %convert_element_type3A = arith.extui %eq3A_204 : i1 to i32
    %cond3A = arith.constant 0 : i32
    %cond3A_205 = arith.cmpi ne, %convert_element_type3A, %cond3A : i32
    scf.if %cond3A_205 {
      "tpu.region"() ({
        %run_scoped3A = tpu.sem_alloc : memref<!tpu.dma_semaphore, #tpu.memory_space<semaphore_mem>>
        tpu.enqueue_dma source(%arg3 : memref<2080xf32, #tpu.memory_space<hbm>>) target(%arg11 : memref<2080xf32, #tpu.memory_space<vmem>>) target_semaphore(%run_scoped3A : memref<!tpu.dma_semaphore, #tpu.memory_space<semaphore_mem>>)
        tpu.wait_dma2 semaphore(%run_scoped3A : memref<!tpu.dma_semaphore, #tpu.memory_space<semaphore_mem>>) src(%arg3 : memref<2080xf32, #tpu.memory_space<hbm>>) dst(%arg11 : memref<2080xf32, #tpu.memory_space<vmem>>)
        tpu.yield
      }) : () -> ()
      "tpu.region"() ({
        %run_scoped3A = tpu.sem_alloc : memref<!tpu.dma_semaphore, #tpu.memory_space<semaphore_mem>>
        %dma_start3A_206 = arith.constant 31997952 : i32
        %dma_start3A_207 = tpu.memref_slice %arg4[%dma_start3A_206] : memref<32030720xf32, #tpu.memory_space<hbm>> -> memref<2080xf32, #tpu.memory_space<hbm>>
        %dma_start3A_208 = arith.constant 31997952 : i32
        %dma_start3A_209 = tpu.memref_slice %arg4[%dma_start3A_208] : memref<32030720xf32, #tpu.memory_space<hbm>> -> memref<2080xf32, #tpu.memory_space<hbm>>
        tpu.enqueue_dma source(%arg11 : memref<2080xf32, #tpu.memory_space<vmem>>) target(%dma_start3A_209 : memref<2080xf32, #tpu.memory_space<hbm>>) target_semaphore(%run_scoped3A : memref<!tpu.dma_semaphore, #tpu.memory_space<semaphore_mem>>)
        %dma_wait3A_210 = arith.constant 31997952 : i32
        %dma_wait3A_211 = tpu.memref_slice %arg4[%dma_wait3A_210] : memref<32030720xf32, #tpu.memory_space<hbm>> -> memref<2080xf32, #tpu.memory_space<hbm>>
        %dma_wait3A_212 = arith.constant 31997952 : i32
        %dma_wait3A_213 = tpu.memref_slice %arg4[%dma_wait3A_212] : memref<32030720xf32, #tpu.memory_space<hbm>> -> memref<2080xf32, #tpu.memory_space<hbm>>
        tpu.wait_dma2 semaphore(%run_scoped3A : memref<!tpu.dma_semaphore, #tpu.memory_space<semaphore_mem>>) src(%arg11 : memref<2080xf32, #tpu.memory_space<vmem>>) dst(%dma_wait3A_213 : memref<2080xf32, #tpu.memory_space<hbm>>)
        tpu.yield
      }) : () -> ()
    } else {
    }
    return
  }
}

</mosaic_0001>

<sc_bundles>
// kernel: _run.4.cloned.1.call-start
scs
__scs_entry_jumppad:
0x0: {  	(pc) =	sbr.rel $0x88, $3  }
0x1: {  	(tag) =	ssettag $0x0;
	lr =	simm.s32 $0x1  }
0x2: {  	[smem:$0x3F99] =	sst lr;
	_ =	strace $0xD0000000  }
0x3: {  	_ = 	snop  }
0x4: {  	_ = 	snop  }
0x5: {  	_ = 	snop  }
0x6: {  	_ = 	snop  }
0x7: {  	_ = 	snop  }
__scs_overlays_trampoline_lowered:
0x8: {  	[smem:$0x3FA8] =	sst s0  }
0x9: {  	[smem:$0x3FA9] =	sst s1  }
0xa: {  	[smem:$0x3FAA] =	sst s2  }
0xb: {  	[smem:$0x3FAB] =	sst s3  }
0xc: {  	[smem:$0x3FAC] =	sst s4  }
0xd: {  	[smem:$0x3FAD] =	sst s5  }
0xe: {  	[smem:$0x3FAE] =	sst s6  }
0xf: {  	[smem:$0x3FAF] =	sst s7  }
0x10: {  	[smem:$0x3FB0] =	sst s8  }
0x11: {  	[smem:$0x3FB1] =	sst s9;
	s0 =	simm.s32 @!p0 $0x0  }
0x12: {  	s1 =	sld [smem:$0x3F97];
	s0 =	simm.s32 @p0 $0x1  }
0x13: {  	[smem:$0x3FB2] =	sst s0;
	s0 =	simm.s32 @!p1 $0x0  }
0x14: {  	s2 =	sld [smem:$0x3F96];
	s0 =	simm.s32 @p1 $0x1  }
0x15: {  	[smem:$0x3FB3] =	sst s0;
	s0 =	simm.s32 @!p2 $0x0  }
0x16: {  	s3 =	sld [smem:$0x3FDB];
	s0 =	simm.s32 @p2 $0x1  }
0x17: {  	s4 =	simm.s32 $0x1BF5;
	[smem:$0x3FB5] =	sst s0  }
0x18: {  	s0 =	sld [smem:$0x3F98];
	_ =	swait.ge [sflag:s4], $0x0  }
0x19: {  	s7 =	sld [smem:$0x3F99]  }
0x1a: {  	s8 =	sadd.s32 $0xFFFFE003, lr  }
0x1b: {  	s9 =	sadd.s32 $0xFFFFFEF7, lr;
	s5 =	simm.s32 $0xFFFFFFFF;
	p2 =	slt.u32 s8, $0xFFFFF086  }
0x1c: {  	p1 =	slt.u32 s9, $0xF7A;
	s5 =	simm.s32 @!p2 $0x0  }
0x1d: {  	s5 =	simm.s32 @p1 $0x1;
	p0 =	seq.s32 s7, s2  }
0x1e: {  	s7 =	smul.u32 @!p0 $0xF7A, s2;
	p2 =	seq.s32 @!p0 s5, $0x0  }
0x1f: {  	s9 =	smul.u32 $0xF7A, s1;
	s8 =	simm.s32 @!p0 $0x1BF5;
	p2 =	por !p2, p0  }
0x20: {  	[sflag:s8] =	ssyncset.s32 @!p0 $0xFFFFF086;
	s6 =	sadd.s32 @!p0 s3, s7;
	s7 =	simm.s32 @!p0 $0x108  }
0x21: {  	s3 =	sadd.s32 s3, s9;
	s6 =	sadd.s32 @!p0 $0x88, s6;
	s7 =	simm.s32 @p2 $0x1082  }
0x22: {  	[simem:s7], [sflag:s8] =	dma.local @!p0 [hbm:s6], $0xF7A  }
0x23: {  	s9 =	sor.u32 $0xD0000000, s2;
	s6 =	simm.s32 $0x108;
	_ =	swait.ge @!p0 [sflag:s8], $0x0  }
0x24: {  	s3 =	sadd.s32 $0x88, s3;
	s6 =	simm.s32 @!p1 $0x1082;
	[sflag:s4] =	ssyncset.s32 $0xFFFFF086  }
0x25: {  	[simem:s6], [sflag:s4] =	dma.local [hbm:s3], $0xF7A  }
0x26: {  	[smem:$0x3F99] =	sst s1;
	(tag) =	ssettag s2;
	_ =	strace s9  }
0x27: {  	s1 =	sld [smem:$0x3FA9]  }
0x28: {  	s2 =	sld [smem:$0x3FAA]  }
0x29: {  	s4 =	sld [smem:$0x3FAC]  }
0x2a: {  	p0 =	seq.s32 s5, $0x0;
	s5 =	sld [smem:$0x3FAD]  }
0x2b: {  	s6 =	sld [smem:$0x3FAE]  }
0x2c: {  	s7 =	sld [smem:$0x3FAF]  }
0x2d: {  	s3 =	simm.s32 $0x108;
	s8 =	sld [smem:$0x3FB0]  }
0x2e: {  	s3 =	simm.s32 @!p0 $0x1082;
	s9 =	sld [smem:$0x3FB1]  }
0x2f: {  	lr =	sadd.s32 s0, s3;
	s0 =	sld [smem:$0x3FA8]  }
0x30: {  	s3 =	sld [smem:$0x3FAB]  }
0x31: {  	[smem:$0x3FB4] =	sst s10  }
0x32: {  	s10 =	sld [smem:$0x3FB2];
	_ =	sdelay $0x3  }
0x33: {  	p0 =	seq.s32 s10, $0x1;
	s10 =	sld [smem:$0x3FB4];
	_ =	sdelay $0x3  }
0x34: {  	[smem:$0x3FB4] =	sst s10  }
0x35: {  	s10 =	sld [smem:$0x3FB3];
	_ =	sdelay $0x3  }
0x36: {  	p1 =	seq.s32 s10, $0x1;
	s10 =	sld [smem:$0x3FB4];
	_ =	sdelay $0x3  }
0x37: {  	[smem:$0x3FB4] =	sst s10  }
0x38: {  	s10 =	sld [smem:$0x3FB5]  }
0x39: {  	_ = 	snop;
	(pc) =	sbr.ind lr, $3  }
0x3a: {  	_ = 	snop  }
0x3b: {  	_ = 	snop  }
0x3c: {  	p2 =	seq.s32 s10, $0x1;
	s10 =	sld [smem:$0x3FB4]  }
0x3d: {  	_ =	shalt  }
0x3e: {  	_ =	shalt  }
0x3f: {  	_ =	shalt  }
0x40: {  	_ =	shalt  }
0x41: {  	_ =	shalt  }
0x42: {  	_ =	shalt  }
0x43: {  	_ =	shalt  }
0x44: {  	_ =	shalt  }
0x45: {  	_ =	shalt  }
0x46: {  	_ =	shalt  }
0x47: {  	_ =	shalt  }
0x48: {  	_ =	shalt  }
0x49: {  	_ =	shalt  }
0x4a: {  	_ =	shalt  }
0x4b: {  	_ =	shalt  }
0x4c: {  	_ =	shalt  }
0x4d: {  	_ =	shalt  }
0x4e: {  	_ =	shalt  }
0x4f: {  	_ =	shalt  }
0x50: {  	_ =	shalt  }
0x51: {  	_ =	shalt  }
0x52: {  	_ =	shalt  }
0x53: {  	_ =	shalt  }
0x54: {  	_ =	shalt  }
0x55: {  	_ =	shalt  }
0x56: {  	_ =	shalt  }
0x57: {  	_ =	shalt  }
0x58: {  	_ =	shalt  }
0x59: {  	_ =	shalt  }
0x5a: {  	_ =	shalt  }
0x5b: {  	_ =	shalt  }
0x5c: {  	_ =	shalt  }
0x5d: {  	_ =	shalt  }
0x5e: {  	_ =	shalt  }
0x5f: {  	_ =	shalt  }
0x60: {  	_ =	shalt  }
0x61: {  	_ =	shalt  }
0x62: {  	_ =	shalt  }
0x63: {  	_ =	shalt  }
0x64: {  	_ =	shalt  }
0x65: {  	_ =	shalt  }
0x66: {  	_ =	shalt  }
0x67: {  	_ =	shalt  }
0x68: {  	_ =	shalt  }
0x69: {  	_ =	shalt  }
0x6a: {  	_ =	shalt  }
0x6b: {  	_ =	shalt  }
0x6c: {  	_ =	shalt  }
0x6d: {  	_ =	shalt  }
0x6e: {  	_ =	shalt  }
0x6f: {  	_ =	shalt  }
0x70: {  	_ =	shalt  }
0x71: {  	_ =	shalt  }
0x72: {  	_ =	shalt  }
0x73: {  	_ =	shalt  }
0x74: {  	_ =	shalt  }
0x75: {  	_ =	shalt  }
0x76: {  	_ =	shalt  }
0x77: {  	_ =	shalt  }
0x78: {  	_ =	shalt  }
0x79: {  	_ =	shalt  }
0x7a: {  	_ =	shalt  }
0x7b: {  	_ =	shalt  }
0x7c: {  	_ =	shalt  }
0x7d: {  	_ =	shalt  }
0x7e: {  	_ =	shalt  }
0x7f: {  	_ =	shalt  }
0x80: {  	_ =	shalt  }
0x81: {  	_ =	shalt  }
0x82: {  	_ =	shalt  }
0x83: {  	_ =	shalt  }
0x84: {  	_ =	shalt  }
0x85: {  	_ =	shalt  }
0x86: {  	_ =	shalt  }
0x87: {  	_ =	shalt  }
.Lfunc_end0:
.L_simem_size_0:
called_computation_lowered:
.L_overlay_start_0:
0x88: {  	s2 =	sld [smem:$0x3FD9]  }
0x89: {  	s3 =	sld [smem:$0x3FFE];
	_ =	sdelay $0x1  }
0x8a: {  	s1 =	srdreg.scid  }
0x8b: {  	s0 =	sand.u32 $0x1, s1  }
0x8c: {  	s14 =	sshll.u32 s0, $0xA;
	s2 =	sadd.s32 s3, s2  }
0x8d: {  	s2 =	sadd.s32 s2, s14  }
0x8e: {  	[smem:$0x3FC0] =	sst s2  }
0x8f: {  	_ = 	snop  }
0x90: {  	s2 =	sld [smem:$0x3FD0];
	_ =	sdelay $0x2  }
0x91: {  	s4 =	simm.s32 $0xA;
	s5 =	simm.s32 $0x10;
	s15 =	sld [smem:$0x3FC9]  }
0x92: {  	[smem:s5], [sflag:s4] =	dma.local [hbm:s2], $0x1  }
0x93: {  	_ =	swait.eq [sflag:s4], $0x1  }
0x94: {  	[sflag:s4] =	ssyncset.done $0x0  }
0x95: {  	[sflag:s4] =	ssyncadd.s32 $0xFFFFFFFF  }
0x96: {  	s16 =	sld [smem:$0x12];
	(tm) =	ssettm $0x1  }
0x97: {  	s17 =	sld [smem:$0x3FFB];
	_ =	sdelay $0x3  }
0x98: {  	_ =	strace s17  }
0x99: {  	s4 =	sld [smem:$0x3FFC];
	_ =	sdelay $0x3  }
0x9a: {  	_ =	strace s4  }
0x9b: {  	s4 =	sld [smem:$0x3FFD];
	_ =	sdelay $0x3  }
0x9c: {  	_ =	strace s4  }
0x9d: {  	_ =	strace $0x8FFFFFFF  }
0x9e: {  	s18 =	sld [smem:$0x3FDB];
	_ =	sdelay $0x1  }
0x9f: {  	s19 =	simm.s32 $_scs_section_size  }
0xa0: {  	s6 =	simm.s32 $_size__tile_overlayer_lowered;
	s7 =	simm.s32 $_tile_overlayer_lowered  }
0xa1: {  	s22 =	simm.s32 $0x1BFF;
	s21 =	sshll.u32 s7, $0x1;
	s4 =	sadd.s32 s19, s18  }
0xa2: {  	s8 =	simm.s32 $0x0;
	s20 =	sshll.u32 s6, $0x1;
	s6 =	sadd.s32 s21, s4  }
0xa3: {  	[timem:s8], [sflag:s22] =	dma.local [hbm:s6], s20  }
0xa4: {  	_ =	swait.ge [sflag:s22], s20  }
0xa5: {  	s5 =	ssub.s32 $0x0, s20;
	[sflag:s22] =	ssyncset.done $0x0  }
0xa6: {  	[sflag:s22] =	ssyncadd.s32 s5;
	_ =	sdelay $0x1  }
0xa7: {  	s23 =	simm.s32 $0x1B8B  }
0xa8: {  	_ =	swait.ge [sflag:s23], $0x1  }
0xa9: {  	[sflag:s23] =	ssyncset.done $0x0  }
0xaa: {  	s25 =	simm.s32 $0x1B8E;
	s24 =	sld [smem:$0x3FFE];
	[sflag:s23] =	ssyncadd.s32 $0xFFFFFFFF  }
0xab: {  	s26 =	simm.s32 $execute0_lowered;
	[smem:$0x3FD2] =	sst s25  }
0xac: {  	s6 =	sshll.u32 s26, $0x1;
	_ =	strace $0x80000046;
	[dreg:$0x1] =	wrdreg $0xFFFFFFFF  }
0xad: {  	s28 =	simm.s32 $_size_execute0_lowered;
	s4 =	sadd.s32 s4, s6;
	[dreg:$0x0] =	wrdreg $0x0  }
0xae: {  	s6 =	sshll.u32 s28, $0x1;
	[dreg:$0x2] =	wrdreg s4  }
0xaf: {  	[dreg:$0x3] =	wrdreg s6  }
0xb0: {  	[dreg:$0x4] =	wrdreg $0xC0  }
0xb1: {  	_ =	task [dreg:s8], $0x5FFFF  }
0xb2: {  	[dreg:$0x1] =	wrdreg $0xFFFFFFFF  }
0xb3: {  	[dreg:$0x0] =	wrdreg $0x60  }
0xb4: {  	[dreg:$0x2] =	wrdreg s15  }
0xb5: {  	[dreg:$0x3] =	wrdreg s16  }
0xb6: {  	[dreg:$0x4] =	wrdreg s24  }
0xb7: {  	[dreg:$0x5] =	wrdreg $0x9  }
0xb8: {  	_ =	task.clear_ibuf [dreg:s8], $0x6FFFF;
	_ =	strace $0x90000046  }
0xb9: {  	s29 =	simm.s32 $0x9;
	_ =	strace $0x80000048  }
0xba: {  	_ =	swait.ge [sflag:s29], $0x1  }
0xbb: {  	[sflag:s29] =	ssyncadd.s32 $0xFFFFFFFF  }
0xbc: {  	_ =	strace $0x90000048  }
0xbd: {  	_ =	sfence  }
0xbe: {  	s30 =	sld [smem:$0x0];
	_ =	sdelay $0x2  }
0xbf: {  	s31 =	sshll.u32 s1, $0xD;
	s1 =	sshrl.u32 s1, $0x2  }
0xc0: {  	s3 =	sand.u32 $0x4000, s31;
	s1 =	sadd.s32 s1, s30  }
0xc1: {  	s0 =	sor.u32 s3, s0;
	s1 =	sshll.u32 s1, $0x11  }
0xc2: {  	s0 =	sor.u32 s1, s0  }
0xc3: {  	s0 =	sadd.s32 $0x8F2B, s0  }
0xc4: {  	[sflag:s0] =	ssyncadd.remote.s32 $0x1  }
0xc5: {  	_ =	sfence.sel $0xFFFF  }
0xc6: {  	[dreg:$0x0] =	wrdreg $0xFFFFFFFF;
	(pc) =	sbr.abs _section_cstart, $3  }
0xc7: {  	[dreg:$0x1] =	wrdreg $0xFFFFFFFF  }
0xc8: {  	_ =	task.clear_ibuf [dreg:s8], $0x2FFFF;
	_ =	strace $0x9FFFFFFF  }
0xc9: {  	(tm) =	ssettm $0x7FFFFFFF  }
tec
execute0_lowered:
.L_overlay_start_1:
0x0: {  	(tag) =	ssettag $0x1  }
0x1: {  	v0 =	vlaneseq.u32  }
0x2: {  	v1 =	vadd.s32 $0x11, v0  }
0x3: {  	v4 =	vadd.s32 $0x22, v0;
	[tilespmem:$0x1FC10] =	vst v1  }
0x4: {  	v5 =	vadd.s32 $0x33, v0;
	[tilespmem:$0x1FC20] =	vst v4  }
0x5: {  	v6 =	vadd.s32 $0x44, v0;
	[tilespmem:$0x1FC30] =	vst v5  }
0x6: {  	v7 =	vadd.s32 $0x55, v0;
	[tilespmem:$0x1FC40] =	vst v6  }
0x7: {  	v8 =	vadd.s32 $0x66, v0;
	[tilespmem:$0x1FC50] =	vst v7  }
0x8: {  	v9 =	vadd.s32 $0x77, v0;
	[tilespmem:$0x1FC60] =	vst v8  }
0x9: {  	v10 =	vadd.s32 $0x88, v0;
	[tilespmem:$0x1FC70] =	vst v9  }
0xa: {  	v11 =	vadd.s32 $0x99, v0;
	[tilespmem:$0x1FC80] =	vst v10  }
0xb: {  	v12 =	vadd.s32 $0xAA, v0;
	[tilespmem:$0x1FC90] =	vst v11  }
0xc: {  	v13 =	vadd.s32 $0xBB, v0;
	[tilespmem:$0x1FCA0] =	vst v12  }
0xd: {  	v14 =	vadd.s32 $0xCC, v0;
	[tilespmem:$0x1FCB0] =	vst v13  }
0xe: {  	v15 =	vadd.s32 $0xDD, v0;
	[tilespmem:$0x1FCC0] =	vst v14  }
0xf: {  	v16 =	vadd.s32 $0xEE, v0;
	[tilespmem:$0x1FCD0] =	vst v15  }
0x10: {  	v17 =	vadd.s32 $0xFF, v0;
	[tilespmem:$0x1FCE0] =	vst v16  }
0x11: {  	v18 =	vor.u32 $0x110, v0;
	[tilespmem:$0x1FCF0] =	vst v17  }
0x12: {  	v19 =	vadd.s32 $0x121, v0;
	[tilespmem:$0x1FD00] =	vst v18  }
0x13: {  	v20 =	vadd.s32 $0x132, v0;
	[tilespmem:$0x1FD10] =	vst v19  }
0x14: {  	v21 =	vadd.s32 $0x143, v0;
	[tilespmem:$0x1FD20] =	vst v20  }
0x15: {  	v22 =	vadd.s32 $0x154, v0;
	[tilespmem:$0x1FD30] =	vst v21  }
0x16: {  	v23 =	vadd.s32 $0x165, v0;
	[tilespmem:$0x1FD40] =	vst v22  }
0x17: {  	v24 =	vadd.s32 $0x176, v0;
	[tilespmem:$0x1FD50] =	vst v23  }
0x18: {  	v25 =	vadd.s32 $0x187, v0;
	[tilespmem:$0x1FD60] =	vst v24  }
0x19: {  	v26 =	vadd.s32 $0x198, v0;
	[tilespmem:$0x1FD70] =	vst v25  }
0x1a: {  	v27 =	vadd.s32 $0x1A9, v0;
	[tilespmem:$0x1FD80] =	vst v26  }
0x1b: {  	s3 =	rddreg [dreg:$0x0];
	s4 =	simm.s32 $0x0;
	v28 =	vadd.s32 $0x1BA, v0;
	[tilespmem:$0x1FD90] =	vst v27  }
0x1c: {  	[smem:$0x7FF] =	sst s4;
	v2 =	vadd.s32 $0x1CB, v0;
	[tilespmem:$0x1FDA0] =	vst v28  }
0x1d: {  	s0 =	rddreg [dreg:$0x2];
	v30 =	vadd.s32 $0x1DC, v0;
	_ =	strace $0x80000047;
	[tilespmem:$0x1FDB0] =	vst v2  }
0x1e: {  	v31 =	vadd.s32 $0x1ED, v0;
	[tilespmem:$0x1FDC0] =	vst v30  }
0x1f: {  	v32 =	vadd.s32 $0x1FE, v0;
	[tilespmem:$0x1FDD0] =	vst v31  }
0x20: {  	v29 =	vmul.u32 $0x11, v0;
	v0 =	vadd.s32 $0x20F, v0;
	[tilespmem:$0x1FDE0] =	vst v32  }
0x21: {  	[tilespmem:$0x1FDF0] =	vst v0  }
0x22: {  	v33 =	vadd.s32 $0x110, v29;
	[tilespmem:$0x1FFE0] =	vst v29  }
0x23: {  	v34 =	vadd.s32 $0x1, v29;
	[tilespmem:$0x1FE00] =	vst v33  }
0x24: {  	v35 =	vadd.s32 $0x111, v29;
	[tilespmem:$0x1FE10] =	vst v34  }
0x25: {  	v36 =	vadd.s32 $0x2, v29;
	[tilespmem:$0x1FE20] =	vst v35  }
0x26: {  	v37 =	vadd.s32 $0x112, v29;
	[tilespmem:$0x1FE30] =	vst v36  }
0x27: {  	v38 =	vadd.s32 $0x3, v29;
	[tilespmem:$0x1FE40] =	vst v37  }
0x28: {  	v39 =	vadd.s32 $0x113, v29;
	[tilespmem:$0x1FE50] =	vst v38  }
0x29: {  	v40 =	vadd.s32 $0x4, v29;
	[tilespmem:$0x1FE60] =	vst v39  }
0x2a: {  	v41 =	vadd.s32 $0x114, v29;
	[tilespmem:$0x1FE70] =	vst v40  }
0x2b: {  	v42 =	vadd.s32 $0x5, v29;
	[tilespmem:$0x1FE80] =	vst v41  }
0x2c: {  	v43 =	vadd.s32 $0x115, v29;
	[tilespmem:$0x1FE90] =	vst v42  }
0x2d: {  	v44 =	vadd.s32 $0x6, v29;
	[tilespmem:$0x1FEA0] =	vst v43  }
0x2e: {  	v45 =	vadd.s32 $0x116, v29;
	[tilespmem:$0x1FEB0] =	vst v44  }
0x2f: {  	v46 =	vadd.s32 $0x7, v29;
	[tilespmem:$0x1FEC0] =	vst v45  }
0x30: {  	v47 =	vadd.s32 $0x117, v29;
	[tilespmem:$0x1FED0] =	vst v46  }
0x31: {  	v48 =	vadd.s32 $0x8, v29;
	[tilespmem:$0x1FEE0] =	vst v47  }
0x32: {  	s1 =	srdreg.scid;
	v49 =	vadd.s32 $0x118, v29;
	[tilespmem:$0x1FEF0] =	vst v48  }
0x33: {  	s2 =	stileid.u32;
	s1 =	sand.u32 $0x1, s1;
	s5 =	sadd.s32 $0x1200, s0;
	v50 =	vadd.s32 $0x9, v29;
	[tilespmem:$0x1FF00] =	vst v49  }
0x34: {  	s2 =	sshll.u32 s2, $0x1;
	s0 =	sadd.s32 $0x3D1A00, s0;
	[dreg:$0x5] =	wrdreg s5;
	v51 =	vadd.s32 $0x119, v29;
	[tilespmem:$0x1FF10] =	vst v50  }
0x35: {  	s17 =	sor.u32 s1, s2;
	[dreg:$0x10] =	wrdreg s0;
	v52 =	vadd.s32 $0xA, v29;
	[tilespmem:$0x1FF20] =	vst v51  }
0x36: {  	s26 =	sor.u32 $0x40, s17;
	v53 =	vadd.s32 $0x11A, v29;
	[dreg:$0x4] =	wrdreg s17;
	[tilespmem:$0x1FF30] =	vst v52  }
0x37: {  	s2 =	sshll.u32 s17, $0x9;
	s30 =	sor.u32 $0x60, s17;
	v54 =	vadd.s32 $0xB, v29;
	[dreg:$0xe] =	wrdreg s26;
	[tilespmem:$0x1FF40] =	vst v53  }
0x38: {  	v55 =	vadd.s32 $0x11B, v29;
	s3 =	sadd.s32 s3, s2;
	[dreg:$0xf] =	wrdreg s30;
	[tilespmem:$0x1FF50] =	vst v54  }
0x39: {  	v56 =	vadd.s32 $0xC, v29;
	[tilespmem:$0x1FF60] =	vst v55;
	s19 =	sadd.s32 $0xF4280, s3;
	[dreg:$0x6] =	wrdreg s3  }
0x3a: {  	v57 =	vadd.s32 $0x11C, v29;
	[tilespmem:$0x1FF70] =	vst v56;
	s20 =	sadd.s32 $0x1E8500, s3;
	[dreg:$0x7] =	wrdreg s19  }
0x3b: {  	v58 =	vadd.s32 $0xD, v29;
	[tilespmem:$0x1FF80] =	vst v57;
	s21 =	sadd.s32 $0x2DC780, s3;
	[dreg:$0x8] =	wrdreg s20  }
0x3c: {  	s28 =	simm.s32 $0x10000;
	v59 =	vadd.s32 $0x11D, v29;
	[tilespmem:$0x1FF90] =	vst v58;
	s22 =	sadd.s32 $0x4000, s3;
	[dreg:$0x9] =	wrdreg s21  }
0x3d: {  	s1 =	ssub.s32 $0x2, s1;
	v60 =	vadd.s32 $0xE, v29;
	[tilespmem:$0x1FFA0] =	vst v59;
	s23 =	sadd.s32 $0xF8280, s3;
	[dreg:$0xa] =	wrdreg s22  }
0x3e: {  	s18 =	sshrl.u32 s1, $0x1;
	v61 =	vadd.s32 $0x11E, v29;
	[tilespmem:$0x1FFB0] =	vst v60;
	s24 =	sadd.s32 $0x1EC500, s3;
	[dreg:$0xb] =	wrdreg s23  }
0x3f: {  	v62 =	vadd.s32 $0xF, v29;
	s1 =	ssub.s32 s1, s18;
	[tilespmem:$0x1FFC0] =	vst v61;
	s25 =	sadd.s32 $0x2E0780, s3;
	[dreg:$0xc] =	wrdreg s24  }
0x40: {  	s29 =	simm.s32 $0x10280;
	v63 =	vadd.s32 $0x11F, v29;
	[tilespmem:$0x1FFD0] =	vst v62;
	s31 =	smax.u32 s1, $0x1;
	[dreg:$0xd] =	wrdreg s25  }
0x41: {  	p0 =	sne.s32 s17, $0x0;
	[tilespmem:$0x1FFF0] =	vst v63;
	s1 =	simm.s32 $0x0;
	[dreg:$0x11] =	wrdreg s31  }
.LBB2_1:
0x42: {  	[dreg:$0x12] =	wrdreg s1  }
0x43: {  	s0 =	simm.s32 $0x0;
	s15 =	rddreg [dreg:$0x6]  }
0x44: {  	[tilespmem:s0], [sflag:$0x1] =	stream.linear.gather [hbm4b:s15+s0], $0x1000, $0x38;
	[tilespmem:$0x10D80] =	vst v63  }
0x45: {  	s16 =	rddreg [dreg:$0x7];
	s2 =	simm.s32 $0x1000  }
0x46: {  	[tilespmem:s2], [sflag:$0x1] =	stream.linear.gather [hbm4b:s16+s0], $0x1000, $0x38;
	[tilespmem:$0x10D80] =	vst v63  }
0x47: {  	s17 =	rddreg [dreg:$0x8];
	s18 =	simm.s32 $0x2000  }
0x48: {  	[tilespmem:s18], [sflag:$0x1] =	stream.linear.gather [hbm4b:s17+s0], $0x1000, $0x38;
	[tilespmem:$0x10D80] =	vst v63  }
0x49: {  	s19 =	rddreg [dreg:$0x9];
	s20 =	simm.s32 $0x3000  }
0x4a: {  	[tilespmem:s20], [sflag:$0x1] =	stream.linear.gather [hbm4b:s19+s0], $0x1000, $0x38;
	[tilespmem:$0x10D80] =	vst v63  }
0x4b: {  	s21 =	rddreg [dreg:$0xa];
	s22 =	simm.s32 $0x4000  }
0x4c: {  	[tilespmem:s22], [sflag:$0x2] =	stream.linear.gather [hbm4b:s21+s0], $0x1000, $0x38;
	[tilespmem:$0x10D80] =	vst v63  }
0x4d: {  	s23 =	rddreg [dreg:$0xb];
	s24 =	simm.s32 $0x5000  }
0x4e: {  	[tilespmem:s24], [sflag:$0x2] =	stream.linear.gather [hbm4b:s23+s0], $0x1000, $0x38;
	[tilespmem:$0x10D80] =	vst v63  }
0x4f: {  	s25 =	rddreg [dreg:$0xc];
	s26 =	simm.s32 $0x6000  }
0x50: {  	[tilespmem:s26], [sflag:$0x2] =	stream.linear.gather [hbm4b:s25+s0], $0x1000, $0x38;
	[tilespmem:$0x10D80] =	vst v63  }
0x51: {  	s30 =	rddreg [dreg:$0xd];
	s31 =	simm.s32 $0x7000;
	s1 =	simm.s32 $0x0  }
0x52: {  	[tilespmem:s31], [sflag:$0x2] =	stream.linear.gather [hbm4b:s30+s0], $0x1000, $0x38;
	[tilespmem:$0x10D80] =	vst v63  }
.LBB2_2:
0x53: {  	s0 =	simm.s32 $0x1  }
0x54: {  	_ =	swait.ge [sflag:s0], $0x1000  }
0x55: {  	[sflag:s0] =	ssyncset.done $0x0  }
0x56: {  	[sflag:s0] =	ssyncadd.s32 $0xFFFFF000  }
0x57: {  	_ =	swait.ge [sflag:s0], $0x1000  }
0x58: {  	[sflag:s0] =	ssyncset.done $0x0  }
0x59: {  	[sflag:s0] =	ssyncadd.s32 $0xFFFFF000  }
0x5a: {  	_ =	swait.ge [sflag:s0], $0x1000  }
0x5b: {  	[sflag:s0] =	ssyncset.done $0x0  }
0x5c: {  	[sflag:s0] =	ssyncadd.s32 $0xFFFFF000  }
0x5d: {  	p1 =	seq.s32 s1, $0x0;
	_ =	swait.ge [sflag:s0], $0x1000  }
0x5e: {  	s31 =	sshll.u32 s1, $0x6;
	s11 =	simm.s32 $0x10;
	[sflag:s0] =	ssyncset.done $0x0  }
0x5f: {  	s12 =	simm.s32 $0x0;
	[sflag:s0] =	ssyncadd.s32 $0xFFFFF000;
	s0 =	simm.s32 @!p1 $0x3  }
0x60: {  	s13 =	simm.s32 $0x8200;
	s14 =	simm.s32 $0x0;
	_ =	swait.ge @!p1 [sflag:s0], $0x4000  }
0x61: {  	s17 =	simm.s32 $0x0;
	[dreg:$0x13] =	wrdreg s1;
	[sflag:s0] =	ssyncset.done @!p1 $0x0  }
0x62: {  	s7 =	simm.s32 $0x10;
	[dreg:$0x14] =	wrdreg s31;
	[sflag:s0] =	ssyncadd.s32 @!p1 $0xFFFFC000  }
.LBB2_3:
0x63: {  	v61 =	vld [tilespmem:$0x1FC10]  }
0x64: {  	v33 =	vld [tilespmem:$0x1FC20]  }
0x65: {  	s1 =	sadd.s32 $0xFFFFFFF0, s7;
	v62 =	vld [tilespmem:$0x1FC30]  }
0x66: {  	s18 =	sand.u32 $0xC00, s14;
	v35 =	vld [tilespmem:$0x1FC40];
	s0 =	sand.u32 $0x60, s1  }
0x67: {  	v37 =	vld [tilespmem:$0x1FC60];
	s2 =	sor.u32 s0, s18  }
0x68: {  	v0 =	vld [tilespmem:s2+$0x0]  }
0x69: {  	v1 =	vld [tilespmem:s2+$0x80]  }
0x6a: {  	v2 =	vld [tilespmem:s2+$0x100]  }
0x6b: {  	v3 =	vld [tilespmem:s2+$0x180]  }
0x6c: {  	s1 =	sor.u32 s14, s1;
	v4 =	vld [tilespmem:s2+$0x200]  }
0x6d: {  	s24 =	sor.u32 $0x1000, s18;
	s1 =	sor.u32 $0x380, s1;
	v5 =	vld [tilespmem:s2+$0x280]  }
0x6e: {  	s26 =	sor.u32 $0x1080, s18;
	s25 =	sor.u32 s0, s24;
	v7 =	vld [tilespmem:s1+$0x0]  }
0x6f: {  	s19 =	sor.u32 $0x1280, s18;
	s30 =	sor.u32 s0, s26;
	v8 =	vld [tilespmem:s25+$0x0]  }
0x70: {  	s20 =	sor.u32 $0x1300, s18;
	s6 =	sor.u32 s0, s19;
	v9 =	vld [tilespmem:s30+$0x0]  }
0x71: {  	s3 =	sand.u32 $0x3, s12;
	s21 =	sor.u32 $0x1380, s18;
	s8 =	sor.u32 s0, s20;
	v13 =	vld [tilespmem:s6+$0x0]  }
0x72: {  	s3 =	sshll.u32 s3, $0x5;
	s22 =	sor.u32 $0x2000, s18;
	s9 =	sor.u32 s0, s21;
	v14 =	vld [tilespmem:s8+$0x0]  }
0x73: {  	s3 =	sadd.s32 s3, s14;
	s10 =	sor.u32 s0, s22;
	v15 =	vld [tilespmem:s9+$0x0]  }
0x74: {  	s31 =	sor.u32 $0x1100, s18;
	s23 =	sor.u32 $0x300, s3;
	v16 =	vld [tilespmem:s10+$0x0]  }
0x75: {  	[dreg:$0x1d] =	wrdreg s24;
	s24 =	sor.u32 $0x2100, s18;
	s2 =	sor.u32 s0, s31;
	v6 =	vld [tilespmem:s23+$0x0]  }
0x76: {  	s3 =	sor.u32 $0x1180, s18;
	s16 =	sor.u32 s0, s24;
	v10 =	vld [tilespmem:s2+$0x0]  }
0x77: {  	s30 =	sor.u32 $0x1200, s18;
	s4 =	sor.u32 s0, s3;
	v18 =	vld [tilespmem:s16+$0x0]  }
0x78: {  	s25 =	sor.u32 $0x2180, s18;
	s5 =	sor.u32 s0, s30;
	v11 =	vld [tilespmem:s4+$0x0]  }
0x79: {  	[dreg:$0x1c] =	wrdreg s26;
	s8 =	sor.u32 $0x2200, s18;
	s26 =	sor.u32 s0, s25;
	v12 =	vld [tilespmem:s5+$0x0]  }
0x7a: {  	[dreg:$0x1b] =	wrdreg s31;
	s6 =	sor.u32 $0x3000, s18;
	s31 =	sor.u32 s0, s8;
	v19 =	vld [tilespmem:s26+$0x0]  }
0x7b: {  	s23 =	sor.u32 $0x2080, s18;
	s9 =	sor.u32 s0, s6;
	v20 =	vld [tilespmem:s31+$0x0]  }
0x7c: {  	s16 =	sor.u32 $0x2380, s18;
	s15 =	sor.u32 s0, s23;
	v24 =	vld [tilespmem:s9+$0x0]  }
0x7d: {  	s10 =	sor.u32 $0x3080, s18;
	s4 =	sor.u32 s0, s16;
	v17 =	vld [tilespmem:s15+$0x0]  }
0x7e: {  	s5 =	sor.u32 $0x2280, s18;
	s26 =	sor.u32 s0, s10;
	v23 =	vld [tilespmem:s4+$0x0]  }
0x7f: {  	s2 =	sor.u32 s0, s5;
	s15 =	sor.u32 $0x2300, s18;
	v25 =	vld [tilespmem:s26+$0x0]  }
0x80: {  	[dreg:$0x1a] =	wrdreg s3;
	s4 =	sor.u32 $0x3100, s18;
	v21 =	vld [tilespmem:s2+$0x0];
	s3 =	sor.u32 s0, s15  }
0x81: {  	s26 =	sor.u32 $0x3180, s18;
	s31 =	sor.u32 s0, s4;
	v22 =	vld [tilespmem:s3+$0x0]  }
0x82: {  	v63 =	vlaneseq.u32;
	s2 =	sor.u32 s0, s26;
	v26 =	vld [tilespmem:s31+$0x0];
	s31 =	sor.u32 $0x3200, s18  }
0x83: {  	s9 =	sor.u32 $0x3280, s18;
	v27 =	vld [tilespmem:s2+$0x0];
	s3 =	sor.u32 s0, s31  }
0x84: {  	s2 =	sor.u32 s0, s9;
	v28 =	vld [tilespmem:s3+$0x0];
	s3 =	sor.u32 $0x3300, s18  }
0x85: {  	v29 =	vld [tilespmem:s2+$0x0];
	s2 =	sor.u32 $0x3380, s18;
	s1 =	sor.u32 s0, s3  }
0x86: {  	s0 =	sor.u32 s0, s2;
	v30 =	vld [tilespmem:s1+$0x0]  }
0x87: {  	v31 =	vld [tilespmem:s0+$0x0];
	[tilespmem:v63+s28+$0x0] =	vst.idx.msk $0xffff, v0  }
0x88: {  	v39 =	vld [tilespmem:$0x1FC80];
	[tilespmem:v61+s28+$0x0] =	vst.idx.msk $0xffff, v1  }
0x89: {  	v41 =	vld [tilespmem:$0x1FCA0];
	[tilespmem:v33+s28+$0x0] =	vst.idx.msk $0xffff, v2  }
0x8a: {  	v43 =	vld [tilespmem:$0x1FCC0];
	[tilespmem:v62+s28+$0x0] =	vst.idx.msk $0xffff, v3  }
0x8b: {  	[tilespmem:v35+s28+$0x0] =	vst.idx.msk $0xffff, v4;
	v4 =	vld [tilespmem:$0x1FC50]  }
0x8c: {  	v45 =	vld [tilespmem:$0x1FCE0]  }
0x8d: {  	v47 =	vld [tilespmem:$0x1FD00]  }
0x8e: {  	v49 =	vld [tilespmem:$0x1FD20]  }
0x8f: {  	v51 =	vld [tilespmem:$0x1FD40]  }
0x90: {  	v53 =	vld [tilespmem:$0x1FD60]  }
0x91: {  	v55 =	vld [tilespmem:$0x1FD80]  }
0x92: {  	v57 =	vld [tilespmem:$0x1FDA0]  }
0x93: {  	v59 =	vld [tilespmem:$0x1FDB0];
	[tilespmem:v4+s28+$0x0] =	vst.idx.msk $0xffff, v5  }
0x94: {  	[tilespmem:v37+s28+$0x0] =	vst.idx.msk $0xffff, v6;
	v6 =	vld [tilespmem:$0x1FC70]  }
0x95: {  	v32 =	vld [tilespmem:$0x1FDF0]  }
0x96: {  	v36 =	vld [tilespmem:$0x1FE10]  }
0x97: {  	v40 =	vld [tilespmem:$0x1FE30]  }
0x98: {  	v44 =	vld [tilespmem:$0x1FE50]  }
0x99: {  	v48 =	vld [tilespmem:$0x1FE70]  }
0x9a: {  	v52 =	vld [tilespmem:$0x1FE90]  }
0x9b: {  	v56 =	vld [tilespmem:$0x1FEB0]  }
0x9c: {  	[tilespmem:v6+s28+$0x0] =	vst.idx.msk $0xffff, v7;
	v7 =	vld [tilespmem:$0x1FC90]  }
0x9d: {  	v60 =	vld [tilespmem:$0x1FED0]  }
0x9e: {  	v34 =	vld [tilespmem:$0x1FEF0]  }
0x9f: {  	v42 =	vld [tilespmem:$0x1FF10]  }
0xa0: {  	[tilespmem:v39+s28+$0x0] =	vst.idx.msk $0xffff, v8;
	v8 =	vld [tilespmem:$0x1FCB0]  }
0xa1: {  	v50 =	vld [tilespmem:$0x1FF30]  }
0xa2: {  	v58 =	vld [tilespmem:$0x1FF50]  }
0xa3: {  	v38 =	vld [tilespmem:$0x1FF70]  }
0xa4: {  	[tilespmem:v7+s28+$0x0] =	vst.idx.msk $0xffff, v9;
	v9 =	vld [tilespmem:$0x1FCD0]  }
0xa5: {  	v54 =	vld [tilespmem:$0x1FF90]  }
0xa6: {  	[tilespmem:v41+s28+$0x0] =	vst.idx.msk $0xffff, v10;
	v10 =	vld [tilespmem:$0x1FCF0]  }
0xa7: {  	v46 =	vld [tilespmem:$0x1FFA0]  }
0xa8: {  	[tilespmem:v8+s28+$0x0] =	vst.idx.msk $0xffff, v11;
	v11 =	vld [tilespmem:$0x1FD10]  }
0xa9: {  	v61 =	vld [tilespmem:$0x1FDD0]  }
0xaa: {  	[tilespmem:v43+s28+$0x0] =	vst.idx.msk $0xffff, v12;
	v12 =	vld [tilespmem:$0x1FD30]  }
0xab: {  	v62 =	vld [tilespmem:$0x1FFC0]  }
0xac: {  	[tilespmem:v9+s28+$0x0] =	vst.idx.msk $0xffff, v13;
	v13 =	vld [tilespmem:$0x1FD50]  }
0xad: {  	[tilespmem:v45+s28+$0x0] =	vst.idx.msk $0xffff, v14;
	v14 =	vld [tilespmem:$0x1FD70]  }
0xae: {  	[tilespmem:v10+s28+$0x0] =	vst.idx.msk $0xffff, v15;
	v15 =	vld [tilespmem:$0x1FD90]  }
0xaf: {  	[tilespmem:v47+s28+$0x0] =	vst.idx.msk $0xffff, v16;
	v16 =	vld [tilespmem:$0x1FDC0]  }
0xb0: {  	[tilespmem:v11+s28+$0x0] =	vst.idx.msk $0xffff, v17;
	v17 =	vld [tilespmem:$0x1FDE0]  }
0xb1: {  	[tilespmem:v49+s28+$0x0] =	vst.idx.msk $0xffff, v18;
	v18 =	vld [tilespmem:$0x1FFE0]  }
0xb2: {  	[tilespmem:v12+s28+$0x0] =	vst.idx.msk $0xffff, v19;
	v19 =	vld [tilespmem:$0x1FE00]  }
0xb3: {  	[tilespmem:v51+s28+$0x0] =	vst.idx.msk $0xffff, v20;
	v20 =	vld [tilespmem:$0x1FE20]  }
0xb4: {  	[tilespmem:v13+s28+$0x0] =	vst.idx.msk $0xffff, v21;
	v21 =	vld [tilespmem:$0x1FE40]  }
0xb5: {  	[tilespmem:v53+s28+$0x0] =	vst.idx.msk $0xffff, v22;
	v22 =	vld [tilespmem:$0x1FE60]  }
0xb6: {  	[tilespmem:v14+s28+$0x0] =	vst.idx.msk $0xffff, v23;
	v23 =	vld [tilespmem:$0x1FE80]  }
0xb7: {  	[tilespmem:v55+s28+$0x0] =	vst.idx.msk $0xffff, v24;
	v24 =	vld [tilespmem:$0x1FEA0]  }
0xb8: {  	[tilespmem:v15+s28+$0x0] =	vst.idx.msk $0xffff, v25;
	v25 =	vld [tilespmem:$0x1FEC0]  }
0xb9: {  	[tilespmem:v57+s28+$0x0] =	vst.idx.msk $0xffff, v26;
	v26 =	vld [tilespmem:$0x1FEE0]  }
0xba: {  	[tilespmem:v59+s28+$0x0] =	vst.idx.msk $0xffff, v27;
	v27 =	vld [tilespmem:$0x1FF00]  }
0xbb: {  	[tilespmem:v16+s28+$0x0] =	vst.idx.msk $0xffff, v28;
	v28 =	vld [tilespmem:$0x1FF20]  }
0xbc: {  	[tilespmem:v61+s28+$0x0] =	vst.idx.msk $0xffff, v29;
	v29 =	vld [tilespmem:$0x1FF40]  }
0xbd: {  	[tilespmem:v17+s28+$0x0] =	vst.idx.msk $0xffff, v30;
	v30 =	vld [tilespmem:$0x1FF60]  }
0xbe: {  	[tilespmem:v32+s28+$0x0] =	vst.idx.msk $0xffff, v31;
	v31 =	vld [tilespmem:$0x1FF80]  }
0xbf: {  	v0 =	vld.idx.msk [tilespmem:v18+s28+$0x0], $0xffff  }
0xc0: {  	v1 =	vld.idx.msk [tilespmem:v19+s28+$0x0], $0xffff  }
0xc1: {  	v2 =	vld.idx.msk [tilespmem:v36+s28+$0x0], $0xffff  }
0xc2: {  	v3 =	vld.idx.msk [tilespmem:v20+s28+$0x0], $0xffff  }
0xc3: {  	v4 =	vld.idx.msk [tilespmem:v40+s28+$0x0], $0xffff  }
0xc4: {  	v5 =	vld.idx.msk [tilespmem:v21+s28+$0x0], $0xffff  }
0xc5: {  	v6 =	vld.idx.msk [tilespmem:v44+s28+$0x0], $0xffff  }
0xc6: {  	v7 =	vld.idx.msk [tilespmem:v22+s28+$0x0], $0xffff  }
0xc7: {  	v8 =	vld.idx.msk [tilespmem:v48+s28+$0x0], $0xffff  }
0xc8: {  	v9 =	vld.idx.msk [tilespmem:v23+s28+$0x0], $0xffff  }
0xc9: {  	v10 =	vld.idx.msk [tilespmem:v52+s28+$0x0], $0xffff  }
0xca: {  	v11 =	vld.idx.msk [tilespmem:v24+s28+$0x0], $0xffff  }
0xcb: {  	v12 =	vld.idx.msk [tilespmem:v56+s28+$0x0], $0xffff  }
0xcc: {  	v14 =	vld.idx.msk [tilespmem:v60+s28+$0x0], $0xffff  }
0xcd: {  	v16 =	vld.idx.msk [tilespmem:v34+s28+$0x0], $0xffff  }
0xce: {  	v18 =	vld.idx.msk [tilespmem:v42+s28+$0x0], $0xffff  }
0xcf: {  	v20 =	vld.idx.msk [tilespmem:v50+s28+$0x0], $0xffff  }
0xd0: {  	v22 =	vld.idx.msk [tilespmem:v58+s28+$0x0], $0xffff  }
0xd1: {  	v13 =	vld.idx.msk [tilespmem:v25+s28+$0x0], $0xffff  }
0xd2: {  	v17 =	vld.idx.msk [tilespmem:v27+s28+$0x0], $0xffff  }
0xd3: {  	v27 =	vld.idx.msk [tilespmem:v46+s28+$0x0], $0xffff  }
0xd4: {  	v46 =	vld [tilespmem:$0x1FFB0]  }
0xd5: {  	v21 =	vld.idx.msk [tilespmem:v29+s28+$0x0], $0xffff  }
0xd6: {  	v29 =	vld.idx.msk [tilespmem:v62+s28+$0x0], $0xffff  }
0xd7: {  	v62 =	vld [tilespmem:$0x1FFD0]  }
0xd8: {  	v25 =	vld.idx.msk [tilespmem:v31+s28+$0x0], $0xffff  }
0xd9: {  	v31 =	vld [tilespmem:$0x1FFF0]  }
0xda: {  	v24 =	vld.idx.msk [tilespmem:v38+s28+$0x0], $0xffff  }
0xdb: {  	v15 =	vld.idx.msk [tilespmem:v26+s28+$0x0], $0xffff  }
0xdc: {  	v26 =	vld.idx.msk [tilespmem:v54+s28+$0x0], $0xffff  }
0xdd: {  	v19 =	vld.idx.msk [tilespmem:v28+s28+$0x0], $0xffff  }
0xde: {  	v23 =	vld.idx.msk [tilespmem:v30+s28+$0x0], $0xffff  }
0xdf: {  	v28 =	vld.idx.msk [tilespmem:v46+s28+$0x0], $0xffff  }
0xe0: {  	v30 =	vld.idx.msk [tilespmem:v62+s28+$0x0], $0xffff  }
0xe1: {  	v31 =	vld.idx.msk [tilespmem:v31+s28+$0x0], $0xffff;
	[tilespmem:s13+$0xFFFFFE00] =	vst v0  }
0xe2: {  	[tilespmem:s13+$0xFFFFFE10] =	vst v1  }
0xe3: {  	[tilespmem:s13+$0xFFFFFE20] =	vst v2  }
0xe4: {  	[tilespmem:s13+$0xFFFFFE30] =	vst v3  }
0xe5: {  	[tilespmem:s13+$0xFFFFFE40] =	vst v4  }
0xe6: {  	[tilespmem:s13+$0xFFFFFE50] =	vst v5  }
0xe7: {  	[tilespmem:s13+$0xFFFFFE60] =	vst v6  }
0xe8: {  	[tilespmem:s13+$0xFFFFFE70] =	vst v7  }
0xe9: {  	[tilespmem:s13+$0xFFFFFE80] =	vst v8  }
0xea: {  	[tilespmem:s13+$0xFFFFFE90] =	vst v9  }
0xeb: {  	[tilespmem:s13+$0xFFFFFEA0] =	vst v10  }
0xec: {  	[tilespmem:s13+$0xFFFFFEB0] =	vst v11  }
0xed: {  	[tilespmem:s13+$0xFFFFFEC0] =	vst v12  }
0xee: {  	[tilespmem:s13+$0xFFFFFED0] =	vst v13  }
0xef: {  	[tilespmem:s13+$0xFFFFFEE0] =	vst v14  }
0xf0: {  	[tilespmem:s13+$0xFFFFFEF0] =	vst v15  }
0xf1: {  	[tilespmem:s13+$0xFFFFFF00] =	vst v16  }
0xf2: {  	[tilespmem:s13+$0xFFFFFF10] =	vst v17  }
0xf3: {  	[tilespmem:s13+$0xFFFFFF20] =	vst v18  }
0xf4: {  	[tilespmem:s13+$0xFFFFFF30] =	vst v19  }
0xf5: {  	[tilespmem:s13+$0xFFFFFF40] =	vst v20  }
0xf6: {  	[tilespmem:s13+$0xFFFFFF50] =	vst v21  }
0xf7: {  	[tilespmem:s13+$0xFFFFFF60] =	vst v22  }
0xf8: {  	[tilespmem:s13+$0xFFFFFF70] =	vst v23  }
0xf9: {  	[tilespmem:s13+$0xFFFFFF80] =	vst v24  }
0xfa: {  	[tilespmem:s13+$0xFFFFFF90] =	vst v25  }
0xfb: {  	[tilespmem:s13+$0xFFFFFFA0] =	vst v26  }
0xfc: {  	[tilespmem:s13+$0xFFFFFFB0] =	vst v27  }
0xfd: {  	[tilespmem:s13+$0xFFFFFFD0] =	vst v29  }
0xfe: {  	[tilespmem:s13+$0xFFFFFFC0] =	vst v28  }
0xff: {  	s0 =	sand.u32 $0x70, s7;
	[tilespmem:s13+$0xFFFFFFE0] =	vst v30  }
0x100: {  	s1 =	sor.u32 s0, s18;
	[tilespmem:s13+$0xFFFFFFF0] =	vst v31  }
0x101: {  	v0 =	vld [tilespmem:s1+$0x0]  }
0x102: {  	v1 =	vld [tilespmem:s1+$0x80]  }
0x103: {  	v2 =	vld [tilespmem:s1+$0x100]  }
0x104: {  	v3 =	vld [tilespmem:s1+$0x180]  }
0x105: {  	v4 =	vld [tilespmem:s1+$0x200]  }
0x106: {  	s19 =	sor.u32 s0, s19;
	v5 =	vld [tilespmem:s1+$0x280]  }
0x107: {  	s20 =	sor.u32 s0, s20;
	v13 =	vld [tilespmem:s19+$0x0]  }
0x108: {  	s21 =	sor.u32 s0, s21;
	v14 =	vld [tilespmem:s20+$0x0]  }
0x109: {  	s18 =	sand.u32 $0x7, s17;
	s22 =	sor.u32 s0, s22;
	v15 =	vld [tilespmem:s21+$0x0]  }
0x10a: {  	s23 =	sor.u32 s0, s23;
	s18 =	sshll.u32 s18, $0x4;
	v16 =	vld [tilespmem:s22+$0x0]  }
0x10b: {  	s24 =	sor.u32 s0, s24;
	s18 =	sadd.s32 s18, s11;
	v17 =	vld [tilespmem:s23+$0x0]  }
0x10c: {  	s1 =	sor.u32 $0x300, s18;
	v18 =	vld [tilespmem:s24+$0x0]  }
0x10d: {  	s18 =	sor.u32 $0x380, s18;
	v6 =	vld [tilespmem:s1+$0x0]  }
0x10e: {  	s19 =	sor.u32 s0, s5;
	v7 =	vld [tilespmem:s18+$0x0]  }
0x10f: {  	s20 =	sor.u32 s0, s15;
	v21 =	vld [tilespmem:s19+$0x0]  }
0x110: {  	s21 =	sor.u32 s0, s16;
	v22 =	vld [tilespmem:s20+$0x0]  }
0x111: {  	s22 =	sor.u32 s0, s6;
	v23 =	vld [tilespmem:s21+$0x0]  }
0x112: {  	s23 =	sor.u32 s0, s10;
	v24 =	vld [tilespmem:s22+$0x0]  }
0x113: {  	s24 =	sor.u32 s0, s4;
	s18 =	rddreg [dreg:$0x1d];
	v25 =	vld [tilespmem:s23+$0x0]  }
0x114: {  	v26 =	vld [tilespmem:s24+$0x0];
	s1 =	sor.u32 s0, s18;
	s18 =	rddreg [dreg:$0x1c]  }
0x115: {  	v8 =	vld [tilespmem:s1+$0x0];
	s1 =	sor.u32 s0, s18;
	s18 =	rddreg [dreg:$0x1b]  }
0x116: {  	v9 =	vld [tilespmem:s1+$0x0];
	s1 =	sor.u32 s0, s18;
	s18 =	rddreg [dreg:$0x1a]  }
0x117: {  	v10 =	vld [tilespmem:s1+$0x0];
	s1 =	sor.u32 s0, s18  }
0x118: {  	s18 =	sor.u32 s0, s30;
	v11 =	vld [tilespmem:s1+$0x0]  }
0x119: {  	s30 =	sor.u32 s0, s25;
	v12 =	vld [tilespmem:s18+$0x0]  }
0x11a: {  	s25 =	sor.u32 s0, s26;
	v19 =	vld [tilespmem:s30+$0x0]  }
0x11b: {  	s26 =	sor.u32 s0, s31;
	v27 =	vld [tilespmem:s25+$0x0]  }
0x11c: {  	s31 =	sor.u32 s0, s3;
	v28 =	vld [tilespmem:s26+$0x0]  }
0x11d: {  	s18 =	sor.u32 s0, s8;
	v30 =	vld [tilespmem:s31+$0x0]  }
0x11e: {  	s30 =	sor.u32 s0, s9;
	v20 =	vld [tilespmem:s18+$0x0]  }
0x11f: {  	s0 =	sor.u32 s0, s2;
	v29 =	vld [tilespmem:s30+$0x0]  }
0x120: {  	v31 =	vld [tilespmem:s0+$0x0]  }
0x121: {  	[tilespmem:v63+s29+$0x0] =	vst.idx.msk $0xffff, v0;
	v0 =	vld [tilespmem:$0x1FC10];
	_ =	sdelay $0x7  }
0x122: {  	[tilespmem:v0+s29+$0x0] =	vst.idx.msk $0xffff, v1  }
0x123: {  	[tilespmem:v33+s29+$0x0] =	vst.idx.msk $0xffff, v2;
	v2 =	vld [tilespmem:$0x1FC30];
	_ =	sdelay $0x7  }
0x124: {  	[tilespmem:v2+s29+$0x0] =	vst.idx.msk $0xffff, v3  }
0x125: {  	[tilespmem:v35+s29+$0x0] =	vst.idx.msk $0xffff, v4;
	v4 =	vld [tilespmem:$0x1FC50];
	_ =	sdelay $0x7  }
0x126: {  	[tilespmem:v4+s29+$0x0] =	vst.idx.msk $0xffff, v5  }
0x127: {  	[tilespmem:v37+s29+$0x0] =	vst.idx.msk $0xffff, v6;
	v6 =	vld [tilespmem:$0x1FC70];
	_ =	sdelay $0x7  }
0x128: {  	[tilespmem:v6+s29+$0x0] =	vst.idx.msk $0xffff, v7  }
0x129: {  	[tilespmem:v39+s29+$0x0] =	vst.idx.msk $0xffff, v8;
	v8 =	vld [tilespmem:$0x1FC90];
	_ =	sdelay $0x7  }
0x12a: {  	[tilespmem:v8+s29+$0x0] =	vst.idx.msk $0xffff, v9  }
0x12b: {  	[tilespmem:v41+s29+$0x0] =	vst.idx.msk $0xffff, v10;
	v10 =	vld [tilespmem:$0x1FCB0];
	_ =	sdelay $0x7  }
0x12c: {  	[tilespmem:v10+s29+$0x0] =	vst.idx.msk $0xffff, v11  }
0x12d: {  	[tilespmem:v43+s29+$0x0] =	vst.idx.msk $0xffff, v12;
	v12 =	vld [tilespmem:$0x1FCD0];
	_ =	sdelay $0x7  }
0x12e: {  	[tilespmem:v12+s29+$0x0] =	vst.idx.msk $0xffff, v13  }
0x12f: {  	[tilespmem:v45+s29+$0x0] =	vst.idx.msk $0xffff, v14;
	v14 =	vld [tilespmem:$0x1FCF0];
	_ =	sdelay $0x7  }
0x130: {  	[tilespmem:v14+s29+$0x0] =	vst.idx.msk $0xffff, v15  }
0x131: {  	[tilespmem:v47+s29+$0x0] =	vst.idx.msk $0xffff, v16;
	v16 =	vld [tilespmem:$0x1FD10];
	_ =	sdelay $0x7  }
0x132: {  	[tilespmem:v16+s29+$0x0] =	vst.idx.msk $0xffff, v17  }
0x133: {  	[tilespmem:v49+s29+$0x0] =	vst.idx.msk $0xffff, v18;
	v18 =	vld [tilespmem:$0x1FD30];
	_ =	sdelay $0x7  }
0x134: {  	[tilespmem:v18+s29+$0x0] =	vst.idx.msk $0xffff, v19  }
0x135: {  	[tilespmem:v51+s29+$0x0] =	vst.idx.msk $0xffff, v20;
	v20 =	vld [tilespmem:$0x1FD50];
	_ =	sdelay $0x7  }
0x136: {  	[tilespmem:v20+s29+$0x0] =	vst.idx.msk $0xffff, v21  }
0x137: {  	[tilespmem:v53+s29+$0x0] =	vst.idx.msk $0xffff, v22;
	v22 =	vld [tilespmem:$0x1FD70];
	_ =	sdelay $0x7  }
0x138: {  	[tilespmem:v22+s29+$0x0] =	vst.idx.msk $0xffff, v23  }
0x139: {  	[tilespmem:v55+s29+$0x0] =	vst.idx.msk $0xffff, v24;
	v24 =	vld [tilespmem:$0x1FD90];
	_ =	sdelay $0x7  }
0x13a: {  	[tilespmem:v24+s29+$0x0] =	vst.idx.msk $0xffff, v25  }
0x13b: {  	[tilespmem:v57+s29+$0x0] =	vst.idx.msk $0xffff, v26  }
0x13c: {  	[tilespmem:v59+s29+$0x0] =	vst.idx.msk $0xffff, v27;
	v27 =	vld [tilespmem:$0x1FDC0];
	_ =	sdelay $0x3  }
0x13d: {  	v35 =	vld [tilespmem:$0x1FE20]  }
0x13e: {  	v37 =	vld [tilespmem:$0x1FE40]  }
0x13f: {  	v41 =	vld [tilespmem:$0x1FE60]  }
0x140: {  	v45 =	vld [tilespmem:$0x1FE80]  }
0x141: {  	[tilespmem:v27+s29+$0x0] =	vst.idx.msk $0xffff, v28;
	v28 =	vld [tilespmem:$0x1FDE0]  }
0x142: {  	v47 =	vld [tilespmem:$0x1FEA0]  }
0x143: {  	v26 =	vld [tilespmem:$0x1FFE0]  }
0x144: {  	[tilespmem:v61+s29+$0x0] =	vst.idx.msk $0xffff, v29;
	v29 =	vld [tilespmem:$0x1FE00]  }
0x145: {  	v49 =	vld [tilespmem:$0x1FEE0]  }
0x146: {  	v51 =	vld [tilespmem:$0x1FF00]  }
0x147: {  	v53 =	vld [tilespmem:$0x1FF40]  }
0x148: {  	v55 =	vld [tilespmem:$0x1FF60]  }
0x149: {  	v57 =	vld [tilespmem:$0x1FFA0];
	[tilespmem:v28+s29+$0x0] =	vst.idx.msk $0xffff, v30  }
0x14a: {  	v59 =	vld [tilespmem:$0x1FFF0];
	[tilespmem:v32+s29+$0x0] =	vst.idx.msk $0xffff, v31  }
0x14b: {  	v0 =	vld.idx.msk [tilespmem:v26+s29+$0x0], $0xffff  }
0x14c: {  	v1 =	vld.idx.msk [tilespmem:v29+s29+$0x0], $0xffff  }
0x14d: {  	v2 =	vld.idx.msk [tilespmem:v36+s29+$0x0], $0xffff  }
0x14e: {  	v3 =	vld.idx.msk [tilespmem:v35+s29+$0x0], $0xffff  }
0x14f: {  	v4 =	vld.idx.msk [tilespmem:v40+s29+$0x0], $0xffff  }
0x150: {  	v5 =	vld.idx.msk [tilespmem:v37+s29+$0x0], $0xffff  }
0x151: {  	v6 =	vld.idx.msk [tilespmem:v44+s29+$0x0], $0xffff  }
0x152: {  	v7 =	vld.idx.msk [tilespmem:v41+s29+$0x0], $0xffff  }
0x153: {  	v8 =	vld.idx.msk [tilespmem:v48+s29+$0x0], $0xffff  }
0x154: {  	v9 =	vld.idx.msk [tilespmem:v45+s29+$0x0], $0xffff  }
0x155: {  	v10 =	vld.idx.msk [tilespmem:v52+s29+$0x0], $0xffff  }
0x156: {  	v11 =	vld.idx.msk [tilespmem:v47+s29+$0x0], $0xffff  }
0x157: {  	v12 =	vld.idx.msk [tilespmem:v56+s29+$0x0], $0xffff  }
0x158: {  	v48 =	vld [tilespmem:$0x1FEC0]  }
0x159: {  	v14 =	vld.idx.msk [tilespmem:v60+s29+$0x0], $0xffff  }
0x15a: {  	v15 =	vld.idx.msk [tilespmem:v49+s29+$0x0], $0xffff  }
0x15b: {  	v16 =	vld.idx.msk [tilespmem:v34+s29+$0x0], $0xffff  }
0x15c: {  	v17 =	vld.idx.msk [tilespmem:v51+s29+$0x0], $0xffff  }
0x15d: {  	v18 =	vld.idx.msk [tilespmem:v42+s29+$0x0], $0xffff  }
0x15e: {  	v52 =	vld [tilespmem:$0x1FF20]  }
0x15f: {  	v20 =	vld.idx.msk [tilespmem:v50+s29+$0x0], $0xffff  }
0x160: {  	v21 =	vld.idx.msk [tilespmem:v53+s29+$0x0], $0xffff  }
0x161: {  	v22 =	vld.idx.msk [tilespmem:v58+s29+$0x0], $0xffff  }
0x162: {  	v23 =	vld.idx.msk [tilespmem:v55+s29+$0x0], $0xffff  }
0x163: {  	v24 =	vld.idx.msk [tilespmem:v38+s29+$0x0], $0xffff  }
0x164: {  	v56 =	vld [tilespmem:$0x1FF80]  }
0x165: {  	v26 =	vld.idx.msk [tilespmem:v54+s29+$0x0], $0xffff  }
0x166: {  	v58 =	vld [tilespmem:$0x1FFC0]  }
0x167: {  	v27 =	vld.idx.msk [tilespmem:v57+s29+$0x0], $0xffff  }
0x168: {  	v28 =	vld.idx.msk [tilespmem:v46+s29+$0x0], $0xffff  }
0x169: {  	v30 =	vld.idx.msk [tilespmem:v62+s29+$0x0], $0xffff  }
0x16a: {  	v31 =	vld.idx.msk [tilespmem:v59+s29+$0x0], $0xffff  }
0x16b: {  	v13 =	vld.idx.msk [tilespmem:v48+s29+$0x0], $0xffff  }
0x16c: {  	v19 =	vld.idx.msk [tilespmem:v52+s29+$0x0], $0xffff  }
0x16d: {  	v25 =	vld.idx.msk [tilespmem:v56+s29+$0x0], $0xffff  }
0x16e: {  	v29 =	vld.idx.msk [tilespmem:v58+s29+$0x0], $0xffff;
	[tilespmem:s13+$0x0] =	vst v0  }
0x16f: {  	[tilespmem:s13+$0x10] =	vst v1  }
0x170: {  	[tilespmem:s13+$0x20] =	vst v2  }
0x171: {  	[tilespmem:s13+$0x30] =	vst v3  }
0x172: {  	[tilespmem:s13+$0x40] =	vst v4  }
0x173: {  	[tilespmem:s13+$0x50] =	vst v5  }
0x174: {  	[tilespmem:s13+$0x60] =	vst v6  }
0x175: {  	[tilespmem:s13+$0x70] =	vst v7  }
0x176: {  	[tilespmem:s13+$0x80] =	vst v8  }
0x177: {  	[tilespmem:s13+$0x90] =	vst v9  }
0x178: {  	[tilespmem:s13+$0xA0] =	vst v10  }
0x179: {  	[tilespmem:s13+$0xB0] =	vst v11  }
0x17a: {  	[tilespmem:s13+$0xC0] =	vst v12  }
0x17b: {  	[tilespmem:s13+$0xE0] =	vst v14  }
0x17c: {  	[tilespmem:s13+$0xF0] =	vst v15  }
0x17d: {  	[tilespmem:s13+$0x100] =	vst v16  }
0x17e: {  	[tilespmem:s13+$0x110] =	vst v17  }
0x17f: {  	[tilespmem:s13+$0x120] =	vst v18  }
0x180: {  	[tilespmem:s13+$0x140] =	vst v20  }
0x181: {  	[tilespmem:s13+$0x150] =	vst v21  }
0x182: {  	[tilespmem:s13+$0x160] =	vst v22  }
0x183: {  	[tilespmem:s13+$0x170] =	vst v23  }
0x184: {  	[tilespmem:s13+$0x180] =	vst v24  }
0x185: {  	[tilespmem:s13+$0x1A0] =	vst v26  }
0x186: {  	[tilespmem:s13+$0x1B0] =	vst v27  }
0x187: {  	[tilespmem:s13+$0x1C0] =	vst v28  }
0x188: {  	p2 =	sne.s32 s7, $0x1F0;
	[tilespmem:s13+$0x1E0] =	vst v30  }
.Ltmp0:
0x189: {  	[tilespmem:s13+$0x1F0] =	vst v31;
	(pc) =	sbr.rel @p2 .LBB2_3-.Ltmp0, $4  }
0x18a: {  	[tilespmem:s13+$0xD0] =	vst v13  }
0x18b: {  	[tilespmem:s13+$0x130] =	vst v19  }
0x18c: {  	s12 =	sadd.s32 $0x1, s12;
	s14 =	sadd.s32 $0x100, s14;
	s7 =	sadd.s32 $0x20, s7;
	[tilespmem:s13+$0x190] =	vst v25  }
0x18d: {  	s17 =	sadd.s32 $0x2, s17;
	s11 =	sadd.s32 $0x100, s11;
	[tilespmem:s13+$0x1D0] =	vst v29;
	s13 =	sadd.s32 $0x400, s13  }
0x18e: {  	s0 =	rddreg [dreg:$0x4]  }
0x18f: {  	s3 =	rddreg [dreg:$0x14]  }
0x190: {  	s1 =	rddreg [dreg:$0x5];
	s0 =	sor.u32 s0, s3  }
0x191: {  	s2 =	simm.s32 $0x0;
	[dreg:$0x15] =	wrdreg s0;
	s0 =	sshll.u32 s0, $0xB  }
0x192: {  	s21 =	simm.s32 $0x8000;
	s22 =	rddreg [dreg:$0xe];
	s0 =	sadd.s32 s1, s0  }
0x193: {  	[hbm4b:s0+s2] =	stream.linear.scatter [tilespmem:s21], [sflag:$0x3], $0x4000, $0x38;
	[tilespmem:$0x10D80] =	vst v63  }
0x194: {  	s0 =	sadd.s32 s22, s3  }
0x195: {  	s0 =	smin.u32 s0, $0x7A0  }
0x196: {  	s23 =	rddreg [dreg:$0x0];
	s0 =	sshll.u32 s0, $0x9  }
0x197: {  	s0 =	sadd.s32 s23, s0  }
0x198: {  	[tilespmem:s2], [sflag:$0x1] =	stream.linear.gather [hbm4b:s0+s2], $0x1000, $0x38;
	[tilespmem:$0x10D80] =	vst v63  }
0x199: {  	s24 =	simm.s32 $0x1000;
	s1 =	sadd.s32 $0xF4280, s0  }
0x19a: {  	[tilespmem:s24], [sflag:$0x1] =	stream.linear.gather [hbm4b:s1+s2], $0x1000, $0x38;
	[tilespmem:$0x10D80] =	vst v63  }
0x19b: {  	s26 =	simm.s32 $0x2000;
	s25 =	sadd.s32 $0x1E8500, s0  }
0x19c: {  	[tilespmem:s26], [sflag:$0x1] =	stream.linear.gather [hbm4b:s25+s2], $0x1000, $0x38;
	[tilespmem:$0x10D80] =	vst v63  }
0x19d: {  	s30 =	simm.s32 $0x3000;
	s31 =	simm.s32 $0x2;
	s0 =	sadd.s32 $0x2DC780, s0  }
0x19e: {  	[tilespmem:s30], [sflag:$0x1] =	stream.linear.gather [hbm4b:s0+s2], $0x1000, $0x38;
	[tilespmem:$0x10D80] =	vst v63  }
0x19f: {  	_ =	swait.ge [sflag:s31], $0x1000  }
0x1a0: {  	[sflag:s31] =	ssyncset.done $0x0  }
0x1a1: {  	[sflag:s31] =	ssyncadd.s32 $0xFFFFF000  }
0x1a2: {  	_ =	swait.ge [sflag:s31], $0x1000  }
0x1a3: {  	[sflag:s31] =	ssyncset.done $0x0  }
0x1a4: {  	[sflag:s31] =	ssyncadd.s32 $0xFFFFF000  }
0x1a5: {  	_ =	swait.ge [sflag:s31], $0x1000  }
0x1a6: {  	[sflag:s31] =	ssyncset.done $0x0  }
0x1a7: {  	[sflag:s31] =	ssyncadd.s32 $0xFFFFF000  }
0x1a8: {  	_ =	swait.ge [sflag:s31], $0x1000  }
0x1a9: {  	[sflag:s31] =	ssyncset.done $0x0  }
0x1aa: {  	s0 =	simm.s32 @!p1 $0x4;
	[sflag:s31] =	ssyncadd.s32 $0xFFFFF000  }
0x1ab: {  	s12 =	simm.s32 $0x10;
	s13 =	simm.s32 $0x0;
	_ =	swait.ge @!p1 [sflag:s0], $0x4000  }
0x1ac: {  	s14 =	simm.s32 $0xC200;
	s17 =	simm.s32 $0x0;
	[sflag:s0] =	ssyncset.done @!p1 $0x0  }
0x1ad: {  	s18 =	simm.s32 $0x0;
	s7 =	simm.s32 $0x10;
	[sflag:s0] =	ssyncadd.s32 @!p1 $0xFFFFC000  }
.LBB2_5:
0x1ae: {  	v61 =	vld [tilespmem:$0x1FC10]  }
0x1af: {  	v33 =	vld [tilespmem:$0x1FC20]  }
0x1b0: {  	s2 =	sadd.s32 $0xFFFFFFF0, s7;
	s1 =	sand.u32 $0xC00, s17;
	v62 =	vld [tilespmem:$0x1FC30]  }
0x1b1: {  	v35 =	vld [tilespmem:$0x1FC40];
	s0 =	sand.u32 $0x60, s2;
	s30 =	sor.u32 $0x4000, s1  }
0x1b2: {  	v37 =	vld [tilespmem:$0x1FC60];
	s3 =	sor.u32 s0, s30  }
0x1b3: {  	v0 =	vld [tilespmem:s3+$0x0]  }
0x1b4: {  	v1 =	vld [tilespmem:s3+$0x80]  }
0x1b5: {  	v2 =	vld [tilespmem:s3+$0x100]  }
0x1b6: {  	v3 =	vld [tilespmem:s3+$0x180]  }
0x1b7: {  	s2 =	sor.u32 s17, s2;
	v4 =	vld [tilespmem:s3+$0x200]  }
0x1b8: {  	s9 =	sor.u32 $0x5000, s1;
	s2 =	sor.u32 $0x380, s2;
	v5 =	vld [tilespmem:s3+$0x280]  }
0x1b9: {  	s11 =	sor.u32 $0x5080, s1;
	s10 =	sor.u32 s0, s9;
	v7 =	vld [tilespmem:s2+$0x4000]  }
0x1ba: {  	s16 =	sor.u32 $0x5100, s1;
	s15 =	sor.u32 s0, s11;
	v8 =	vld [tilespmem:s10+$0x0]  }
0x1bb: {  	s4 =	sand.u32 $0x3, s13;
	s20 =	sor.u32 $0x5180, s1;
	s19 =	sor.u32 s0, s16;
	v9 =	vld [tilespmem:s15+$0x0]  }
0x1bc: {  	s4 =	sshll.u32 s4, $0x5;
	s5 =	sor.u32 $0x6200, s1;
	s21 =	sor.u32 s0, s20;
	v10 =	vld [tilespmem:s19+$0x0]  }
0x1bd: {  	s4 =	sadd.s32 s4, s17;
	s6 =	sor.u32 s0, s5;
	v11 =	vld [tilespmem:s21+$0x0]  }
0x1be: {  	[dreg:$0x19] =	wrdreg s20;
	s20 =	sor.u32 $0x5280, s1;
	s8 =	sor.u32 $0x300, s4;
	v20 =	vld [tilespmem:s6+$0x0]  }
0x1bf: {  	[dreg:$0x18] =	wrdreg s16;
	s16 =	sor.u32 $0x6300, s1;
	s23 =	sor.u32 s0, s20;
	v6 =	vld [tilespmem:s8+$0x4000]  }
0x1c0: {  	s19 =	sor.u32 $0x5200, s1;
	s10 =	sor.u32 s0, s16;
	v13 =	vld [tilespmem:s23+$0x0]  }
0x1c1: {  	s21 =	sor.u32 $0x5300, s1;
	s22 =	sor.u32 s0, s19;
	v22 =	vld [tilespmem:s10+$0x0]  }
0x1c2: {  	s15 =	sor.u32 $0x6280, s1;
	s24 =	sor.u32 s0, s21;
	v12 =	vld [tilespmem:s22+$0x0]  }
0x1c3: {  	[dreg:$0x16] =	wrdreg s9;
	s6 =	sor.u32 $0x6380, s1;
	s9 =	sor.u32 s0, s15;
	v14 =	vld [tilespmem:s24+$0x0]  }
0x1c4: {  	[dreg:$0x17] =	wrdreg s11;
	s23 =	sor.u32 $0x6000, s1;
	s11 =	sor.u32 s0, s6;
	v21 =	vld [tilespmem:s9+$0x0]  }
0x1c5: {  	s8 =	sor.u32 $0x6180, s1;
	s26 =	sor.u32 s0, s23;
	v23 =	vld [tilespmem:s11+$0x0]  }
0x1c6: {  	s22 =	sor.u32 $0x5380, s1;
	s4 =	sor.u32 s0, s8;
	v16 =	vld [tilespmem:s26+$0x0]  }
0x1c7: {  	s24 =	sor.u32 $0x6080, s1;
	s25 =	sor.u32 s0, s22;
	v19 =	vld [tilespmem:s4+$0x0]  }
0x1c8: {  	s10 =	sor.u32 $0x7000, s1;
	s31 =	sor.u32 s0, s24;
	v15 =	vld [tilespmem:s25+$0x0]  }
0x1c9: {  	s26 =	sor.u32 s0, s10;
	s4 =	sor.u32 $0x7080, s1;
	v17 =	vld [tilespmem:s31+$0x0]  }
0x1ca: {  	s25 =	sor.u32 $0x6100, s1;
	v24 =	vld [tilespmem:s26+$0x0];
	s31 =	sor.u32 s0, s4  }
0x1cb: {  	s26 =	sor.u32 $0x7100, s1;
	s3 =	sor.u32 s0, s25;
	v25 =	vld [tilespmem:s31+$0x0]  }
0x1cc: {  	s31 =	sor.u32 $0x7180, s1;
	v18 =	vld [tilespmem:s3+$0x0];
	s3 =	sor.u32 s0, s26  }
0x1cd: {  	v63 =	vlaneseq.u32;
	s11 =	sor.u32 $0x7200, s1;
	s9 =	sor.u32 s0, s31;
	v26 =	vld [tilespmem:s3+$0x0]  }
0x1ce: {  	v27 =	vld [tilespmem:s9+$0x0];
	s3 =	sor.u32 s0, s11;
	s9 =	sor.u32 $0x7280, s1  }
0x1cf: {  	v28 =	vld [tilespmem:s3+$0x0];
	s2 =	sor.u32 s0, s9;
	s3 =	sor.u32 $0x7300, s1  }
0x1d0: {  	s1 =	sor.u32 $0x7380, s1;
	v29 =	vld [tilespmem:s2+$0x0];
	s2 =	sor.u32 s0, s3  }
0x1d1: {  	s0 =	sor.u32 s0, s1;
	v30 =	vld [tilespmem:s2+$0x0]  }
0x1d2: {  	v31 =	vld [tilespmem:s0+$0x0];
	[tilespmem:v63+s28+$0x0] =	vst.idx.msk $0xffff, v0  }
0x1d3: {  	v39 =	vld [tilespmem:$0x1FC80];
	[tilespmem:v61+s28+$0x0] =	vst.idx.msk $0xffff, v1  }
0x1d4: {  	v41 =	vld [tilespmem:$0x1FCA0];
	[tilespmem:v33+s28+$0x0] =	vst.idx.msk $0xffff, v2  }
0x1d5: {  	v43 =	vld [tilespmem:$0x1FCC0];
	[tilespmem:v62+s28+$0x0] =	vst.idx.msk $0xffff, v3  }
0x1d6: {  	[tilespmem:v35+s28+$0x0] =	vst.idx.msk $0xffff, v4;
	v4 =	vld [tilespmem:$0x1FC50]  }
0x1d7: {  	v45 =	vld [tilespmem:$0x1FCE0]  }
0x1d8: {  	v47 =	vld [tilespmem:$0x1FD00]  }
0x1d9: {  	v49 =	vld [tilespmem:$0x1FD20]  }
0x1da: {  	v51 =	vld [tilespmem:$0x1FD40]  }
0x1db: {  	v53 =	vld [tilespmem:$0x1FD60]  }
0x1dc: {  	v55 =	vld [tilespmem:$0x1FD80]  }
0x1dd: {  	v57 =	vld [tilespmem:$0x1FDA0]  }
0x1de: {  	v59 =	vld [tilespmem:$0x1FDB0];
	[tilespmem:v4+s28+$0x0] =	vst.idx.msk $0xffff, v5  }
0x1df: {  	[tilespmem:v37+s28+$0x0] =	vst.idx.msk $0xffff, v6;
	v6 =	vld [tilespmem:$0x1FC70]  }
0x1e0: {  	v32 =	vld [tilespmem:$0x1FDF0]  }
0x1e1: {  	v36 =	vld [tilespmem:$0x1FE10]  }
0x1e2: {  	v40 =	vld [tilespmem:$0x1FE30]  }
0x1e3: {  	v44 =	vld [tilespmem:$0x1FE50]  }
0x1e4: {  	v48 =	vld [tilespmem:$0x1FE70]  }
0x1e5: {  	v52 =	vld [tilespmem:$0x1FE90]  }
0x1e6: {  	v56 =	vld [tilespmem:$0x1FEB0]  }
0x1e7: {  	[tilespmem:v6+s28+$0x0] =	vst.idx.msk $0xffff, v7;
	v7 =	vld [tilespmem:$0x1FC90]  }
0x1e8: {  	v60 =	vld [tilespmem:$0x1FED0]  }
0x1e9: {  	v34 =	vld [tilespmem:$0x1FEF0]  }
0x1ea: {  	v42 =	vld [tilespmem:$0x1FF10]  }
0x1eb: {  	[tilespmem:v39+s28+$0x0] =	vst.idx.msk $0xffff, v8;
	v8 =	vld [tilespmem:$0x1FCB0]  }
0x1ec: {  	v50 =	vld [tilespmem:$0x1FF30]  }
0x1ed: {  	v58 =	vld [tilespmem:$0x1FF50]  }
0x1ee: {  	v38 =	vld [tilespmem:$0x1FF70]  }
0x1ef: {  	[tilespmem:v7+s28+$0x0] =	vst.idx.msk $0xffff, v9;
	v9 =	vld [tilespmem:$0x1FCD0]  }
0x1f0: {  	v54 =	vld [tilespmem:$0x1FF90]  }
0x1f1: {  	[tilespmem:v41+s28+$0x0] =	vst.idx.msk $0xffff, v10;
	v10 =	vld [tilespmem:$0x1FCF0]  }
0x1f2: {  	v46 =	vld [tilespmem:$0x1FFA0]  }
0x1f3: {  	[tilespmem:v8+s28+$0x0] =	vst.idx.msk $0xffff, v11;
	v11 =	vld [tilespmem:$0x1FD10]  }
0x1f4: {  	v61 =	vld [tilespmem:$0x1FDD0]  }
0x1f5: {  	[tilespmem:v43+s28+$0x0] =	vst.idx.msk $0xffff, v12;
	v12 =	vld [tilespmem:$0x1FD30]  }
0x1f6: {  	v62 =	vld [tilespmem:$0x1FFC0]  }
0x1f7: {  	[tilespmem:v9+s28+$0x0] =	vst.idx.msk $0xffff, v13;
	v13 =	vld [tilespmem:$0x1FD50]  }
0x1f8: {  	[tilespmem:v45+s28+$0x0] =	vst.idx.msk $0xffff, v14;
	v14 =	vld [tilespmem:$0x1FD70]  }
0x1f9: {  	[tilespmem:v10+s28+$0x0] =	vst.idx.msk $0xffff, v15;
	v15 =	vld [tilespmem:$0x1FD90]  }
0x1fa: {  	[tilespmem:v47+s28+$0x0] =	vst.idx.msk $0xffff, v16;
	v16 =	vld [tilespmem:$0x1FDC0]  }
0x1fb: {  	[tilespmem:v11+s28+$0x0] =	vst.idx.msk $0xffff, v17;
	v17 =	vld [tilespmem:$0x1FDE0]  }
0x1fc: {  	[tilespmem:v49+s28+$0x0] =	vst.idx.msk $0xffff, v18;
	v18 =	vld [tilespmem:$0x1FFE0]  }
0x1fd: {  	[tilespmem:v12+s28+$0x0] =	vst.idx.msk $0xffff, v19;
	v19 =	vld [tilespmem:$0x1FE00]  }
0x1fe: {  	[tilespmem:v51+s28+$0x0] =	vst.idx.msk $0xffff, v20;
	v20 =	vld [tilespmem:$0x1FE20]  }
0x1ff: {  	[tilespmem:v13+s28+$0x0] =	vst.idx.msk $0xffff, v21;
	v21 =	vld [tilespmem:$0x1FE40]  }
0x200: {  	[tilespmem:v53+s28+$0x0] =	vst.idx.msk $0xffff, v22;
	v22 =	vld [tilespmem:$0x1FE60]  }
0x201: {  	[tilespmem:v14+s28+$0x0] =	vst.idx.msk $0xffff, v23;
	v23 =	vld [tilespmem:$0x1FE80]  }
0x202: {  	[tilespmem:v55+s28+$0x0] =	vst.idx.msk $0xffff, v24;
	v24 =	vld [tilespmem:$0x1FEA0]  }
0x203: {  	[tilespmem:v15+s28+$0x0] =	vst.idx.msk $0xffff, v25;
	v25 =	vld [tilespmem:$0x1FEC0]  }
0x204: {  	[tilespmem:v57+s28+$0x0] =	vst.idx.msk $0xffff, v26;
	v26 =	vld [tilespmem:$0x1FEE0]  }
0x205: {  	[tilespmem:v59+s28+$0x0] =	vst.idx.msk $0xffff, v27;
	v27 =	vld [tilespmem:$0x1FF00]  }
0x206: {  	[tilespmem:v16+s28+$0x0] =	vst.idx.msk $0xffff, v28;
	v28 =	vld [tilespmem:$0x1FF20]  }
0x207: {  	[tilespmem:v61+s28+$0x0] =	vst.idx.msk $0xffff, v29;
	v29 =	vld [tilespmem:$0x1FF40]  }
0x208: {  	[tilespmem:v17+s28+$0x0] =	vst.idx.msk $0xffff, v30;
	v30 =	vld [tilespmem:$0x1FF60]  }
0x209: {  	[tilespmem:v32+s28+$0x0] =	vst.idx.msk $0xffff, v31;
	v31 =	vld [tilespmem:$0x1FF80]  }
0x20a: {  	v0 =	vld.idx.msk [tilespmem:v18+s28+$0x0], $0xffff  }
0x20b: {  	v1 =	vld.idx.msk [tilespmem:v19+s28+$0x0], $0xffff  }
0x20c: {  	v2 =	vld.idx.msk [tilespmem:v36+s28+$0x0], $0xffff  }
0x20d: {  	v3 =	vld.idx.msk [tilespmem:v20+s28+$0x0], $0xffff  }
0x20e: {  	v4 =	vld.idx.msk [tilespmem:v40+s28+$0x0], $0xffff  }
0x20f: {  	v5 =	vld.idx.msk [tilespmem:v21+s28+$0x0], $0xffff  }
0x210: {  	v6 =	vld.idx.msk [tilespmem:v44+s28+$0x0], $0xffff  }
0x211: {  	v7 =	vld.idx.msk [tilespmem:v22+s28+$0x0], $0xffff  }
0x212: {  	v8 =	vld.idx.msk [tilespmem:v48+s28+$0x0], $0xffff  }
0x213: {  	v9 =	vld.idx.msk [tilespmem:v23+s28+$0x0], $0xffff  }
0x214: {  	v10 =	vld.idx.msk [tilespmem:v52+s28+$0x0], $0xffff  }
0x215: {  	v11 =	vld.idx.msk [tilespmem:v24+s28+$0x0], $0xffff  }
0x216: {  	v12 =	vld.idx.msk [tilespmem:v56+s28+$0x0], $0xffff  }
0x217: {  	v14 =	vld.idx.msk [tilespmem:v60+s28+$0x0], $0xffff  }
0x218: {  	v16 =	vld.idx.msk [tilespmem:v34+s28+$0x0], $0xffff  }
0x219: {  	v18 =	vld.idx.msk [tilespmem:v42+s28+$0x0], $0xffff  }
0x21a: {  	v20 =	vld.idx.msk [tilespmem:v50+s28+$0x0], $0xffff  }
0x21b: {  	v22 =	vld.idx.msk [tilespmem:v58+s28+$0x0], $0xffff  }
0x21c: {  	v13 =	vld.idx.msk [tilespmem:v25+s28+$0x0], $0xffff  }
0x21d: {  	v17 =	vld.idx.msk [tilespmem:v27+s28+$0x0], $0xffff  }
0x21e: {  	v27 =	vld.idx.msk [tilespmem:v46+s28+$0x0], $0xffff  }
0x21f: {  	v46 =	vld [tilespmem:$0x1FFB0]  }
0x220: {  	v21 =	vld.idx.msk [tilespmem:v29+s28+$0x0], $0xffff  }
0x221: {  	v29 =	vld.idx.msk [tilespmem:v62+s28+$0x0], $0xffff  }
0x222: {  	v62 =	vld [tilespmem:$0x1FFD0]  }
0x223: {  	v25 =	vld.idx.msk [tilespmem:v31+s28+$0x0], $0xffff  }
0x224: {  	v31 =	vld [tilespmem:$0x1FFF0]  }
0x225: {  	v24 =	vld.idx.msk [tilespmem:v38+s28+$0x0], $0xffff  }
0x226: {  	v15 =	vld.idx.msk [tilespmem:v26+s28+$0x0], $0xffff  }
0x227: {  	v26 =	vld.idx.msk [tilespmem:v54+s28+$0x0], $0xffff  }
0x228: {  	v19 =	vld.idx.msk [tilespmem:v28+s28+$0x0], $0xffff  }
0x229: {  	v23 =	vld.idx.msk [tilespmem:v30+s28+$0x0], $0xffff  }
0x22a: {  	v28 =	vld.idx.msk [tilespmem:v46+s28+$0x0], $0xffff  }
0x22b: {  	v30 =	vld.idx.msk [tilespmem:v62+s28+$0x0], $0xffff  }
0x22c: {  	v31 =	vld.idx.msk [tilespmem:v31+s28+$0x0], $0xffff;
	[tilespmem:s14+$0xFFFFFE00] =	vst v0  }
0x22d: {  	[tilespmem:s14+$0xFFFFFE10] =	vst v1  }
0x22e: {  	[tilespmem:s14+$0xFFFFFE20] =	vst v2  }
0x22f: {  	[tilespmem:s14+$0xFFFFFE30] =	vst v3  }
0x230: {  	[tilespmem:s14+$0xFFFFFE40] =	vst v4  }
0x231: {  	[tilespmem:s14+$0xFFFFFE50] =	vst v5  }
0x232: {  	[tilespmem:s14+$0xFFFFFE60] =	vst v6  }
0x233: {  	[tilespmem:s14+$0xFFFFFE70] =	vst v7  }
0x234: {  	[tilespmem:s14+$0xFFFFFE80] =	vst v8  }
0x235: {  	[tilespmem:s14+$0xFFFFFE90] =	vst v9  }
0x236: {  	[tilespmem:s14+$0xFFFFFEA0] =	vst v10  }
0x237: {  	[tilespmem:s14+$0xFFFFFEB0] =	vst v11  }
0x238: {  	[tilespmem:s14+$0xFFFFFEC0] =	vst v12  }
0x239: {  	[tilespmem:s14+$0xFFFFFED0] =	vst v13  }
0x23a: {  	[tilespmem:s14+$0xFFFFFEE0] =	vst v14  }
0x23b: {  	[tilespmem:s14+$0xFFFFFEF0] =	vst v15  }
0x23c: {  	[tilespmem:s14+$0xFFFFFF00] =	vst v16  }
0x23d: {  	[tilespmem:s14+$0xFFFFFF10] =	vst v17  }
0x23e: {  	[tilespmem:s14+$0xFFFFFF20] =	vst v18  }
0x23f: {  	[tilespmem:s14+$0xFFFFFF30] =	vst v19  }
0x240: {  	[tilespmem:s14+$0xFFFFFF40] =	vst v20  }
0x241: {  	[tilespmem:s14+$0xFFFFFF50] =	vst v21  }
0x242: {  	[tilespmem:s14+$0xFFFFFF60] =	vst v22  }
0x243: {  	[tilespmem:s14+$0xFFFFFF70] =	vst v23  }
0x244: {  	[tilespmem:s14+$0xFFFFFF80] =	vst v24  }
0x245: {  	[tilespmem:s14+$0xFFFFFF90] =	vst v25  }
0x246: {  	[tilespmem:s14+$0xFFFFFFA0] =	vst v26  }
0x247: {  	[tilespmem:s14+$0xFFFFFFB0] =	vst v27  }
0x248: {  	[tilespmem:s14+$0xFFFFFFD0] =	vst v29  }
0x249: {  	[tilespmem:s14+$0xFFFFFFC0] =	vst v28  }
0x24a: {  	s0 =	sand.u32 $0x70, s7;
	[tilespmem:s14+$0xFFFFFFE0] =	vst v30  }
0x24b: {  	s2 =	sor.u32 s0, s30;
	[tilespmem:s14+$0xFFFFFFF0] =	vst v31  }
0x24c: {  	v0 =	vld [tilespmem:s2+$0x0]  }
0x24d: {  	v1 =	vld [tilespmem:s2+$0x80]  }
0x24e: {  	v2 =	vld [tilespmem:s2+$0x100]  }
0x24f: {  	v3 =	vld [tilespmem:s2+$0x180]  }
0x250: {  	v4 =	vld [tilespmem:s2+$0x200]  }
0x251: {  	s19 =	sor.u32 s0, s19;
	v5 =	vld [tilespmem:s2+$0x280]  }
0x252: {  	s20 =	sor.u32 s0, s20;
	v12 =	vld [tilespmem:s19+$0x0]  }
0x253: {  	s21 =	sor.u32 s0, s21;
	v13 =	vld [tilespmem:s20+$0x0]  }
0x254: {  	s22 =	sor.u32 s0, s22;
	v14 =	vld [tilespmem:s21+$0x0]  }
0x255: {  	s30 =	sand.u32 $0x7, s18;
	s23 =	sor.u32 s0, s23;
	v15 =	vld [tilespmem:s22+$0x0]  }
0x256: {  	s24 =	sor.u32 s0, s24;
	s30 =	sshll.u32 s30, $0x4;
	v16 =	vld [tilespmem:s23+$0x0]  }
0x257: {  	s25 =	sor.u32 s0, s25;
	s30 =	sadd.s32 s30, s12;
	v17 =	vld [tilespmem:s24+$0x0]  }
0x258: {  	s2 =	sor.u32 $0x300, s30;
	v18 =	vld [tilespmem:s25+$0x0]  }
0x259: {  	s30 =	sor.u32 $0x380, s30;
	v6 =	vld [tilespmem:s2+$0x4000]  }
0x25a: {  	s19 =	sor.u32 s0, s15;
	v7 =	vld [tilespmem:s30+$0x4000]  }
0x25b: {  	s20 =	sor.u32 s0, s16;
	v21 =	vld [tilespmem:s19+$0x0]  }
0x25c: {  	s21 =	sor.u32 s0, s6;
	v22 =	vld [tilespmem:s20+$0x0]  }
0x25d: {  	s22 =	sor.u32 s0, s10;
	v23 =	vld [tilespmem:s21+$0x0]  }
0x25e: {  	s23 =	sor.u32 s0, s4;
	v24 =	vld [tilespmem:s22+$0x0]  }
0x25f: {  	s24 =	sor.u32 s0, s26;
	v25 =	vld [tilespmem:s23+$0x0]  }
0x260: {  	s25 =	sor.u32 s0, s31;
	v26 =	vld [tilespmem:s24+$0x0]  }
0x261: {  	s26 =	sor.u32 s0, s11;
	v27 =	vld [tilespmem:s25+$0x0]  }
0x262: {  	s31 =	sor.u32 s0, s3;
	s30 =	rddreg [dreg:$0x16];
	v28 =	vld [tilespmem:s26+$0x0]  }
0x263: {  	v30 =	vld [tilespmem:s31+$0x0];
	s2 =	sor.u32 s0, s30;
	s30 =	rddreg [dreg:$0x17]  }
0x264: {  	v8 =	vld [tilespmem:s2+$0x0];
	s2 =	sor.u32 s0, s30;
	s30 =	rddreg [dreg:$0x18]  }
0x265: {  	v9 =	vld [tilespmem:s2+$0x0];
	s2 =	sor.u32 s0, s30;
	s30 =	rddreg [dreg:$0x19]  }
0x266: {  	v10 =	vld [tilespmem:s2+$0x0];
	s2 =	sor.u32 s0, s30  }
0x267: {  	s30 =	sor.u32 s0, s8;
	v11 =	vld [tilespmem:s2+$0x0]  }
0x268: {  	s8 =	sor.u32 s0, s5;
	v19 =	vld [tilespmem:s30+$0x0]  }
0x269: {  	v20 =	vld [tilespmem:s8+$0x0];
	s30 =	sor.u32 s0, s9  }
0x26a: {  	s0 =	sor.u32 s0, s1;
	v29 =	vld [tilespmem:s30+$0x0]  }
0x26b: {  	v31 =	vld [tilespmem:s0+$0x0]  }
0x26c: {  	[tilespmem:v63+s29+$0x0] =	vst.idx.msk $0xffff, v0;
	v63 =	vld [tilespmem:$0x1FC10];
	_ =	sdelay $0x7  }
0x26d: {  	[tilespmem:v63+s29+$0x0] =	vst.idx.msk $0xffff, v1;
	v63 =	vld [tilespmem:$0x1FC30];
	_ =	sdelay $0x6  }
0x26e: {  	[tilespmem:v33+s29+$0x0] =	vst.idx.msk $0xffff, v2  }
0x26f: {  	[tilespmem:v63+s29+$0x0] =	vst.idx.msk $0xffff, v3  }
0x270: {  	[tilespmem:v35+s29+$0x0] =	vst.idx.msk $0xffff, v4;
	v4 =	vld [tilespmem:$0x1FC50];
	_ =	sdelay $0x7  }
0x271: {  	[tilespmem:v4+s29+$0x0] =	vst.idx.msk $0xffff, v5  }
0x272: {  	[tilespmem:v37+s29+$0x0] =	vst.idx.msk $0xffff, v6;
	v6 =	vld [tilespmem:$0x1FC70];
	_ =	sdelay $0x7  }
0x273: {  	[tilespmem:v6+s29+$0x0] =	vst.idx.msk $0xffff, v7  }
0x274: {  	[tilespmem:v39+s29+$0x0] =	vst.idx.msk $0xffff, v8;
	v8 =	vld [tilespmem:$0x1FC90];
	_ =	sdelay $0x7  }
0x275: {  	[tilespmem:v8+s29+$0x0] =	vst.idx.msk $0xffff, v9  }
0x276: {  	[tilespmem:v41+s29+$0x0] =	vst.idx.msk $0xffff, v10;
	v10 =	vld [tilespmem:$0x1FCB0];
	_ =	sdelay $0x7  }
0x277: {  	[tilespmem:v10+s29+$0x0] =	vst.idx.msk $0xffff, v11  }
0x278: {  	[tilespmem:v43+s29+$0x0] =	vst.idx.msk $0xffff, v12;
	v12 =	vld [tilespmem:$0x1FCD0];
	_ =	sdelay $0x7  }
0x279: {  	[tilespmem:v12+s29+$0x0] =	vst.idx.msk $0xffff, v13  }
0x27a: {  	[tilespmem:v45+s29+$0x0] =	vst.idx.msk $0xffff, v14;
	v14 =	vld [tilespmem:$0x1FCF0];
	_ =	sdelay $0x7  }
0x27b: {  	[tilespmem:v14+s29+$0x0] =	vst.idx.msk $0xffff, v15  }
0x27c: {  	[tilespmem:v47+s29+$0x0] =	vst.idx.msk $0xffff, v16;
	v16 =	vld [tilespmem:$0x1FD10];
	_ =	sdelay $0x7  }
0x27d: {  	[tilespmem:v16+s29+$0x0] =	vst.idx.msk $0xffff, v17  }
0x27e: {  	[tilespmem:v49+s29+$0x0] =	vst.idx.msk $0xffff, v18;
	v18 =	vld [tilespmem:$0x1FD30];
	_ =	sdelay $0x7  }
0x27f: {  	[tilespmem:v18+s29+$0x0] =	vst.idx.msk $0xffff, v19  }
0x280: {  	[tilespmem:v51+s29+$0x0] =	vst.idx.msk $0xffff, v20;
	v20 =	vld [tilespmem:$0x1FD50];
	_ =	sdelay $0x7  }
0x281: {  	[tilespmem:v20+s29+$0x0] =	vst.idx.msk $0xffff, v21  }
0x282: {  	[tilespmem:v53+s29+$0x0] =	vst.idx.msk $0xffff, v22;
	v22 =	vld [tilespmem:$0x1FD70]  }
0x283: {  	v33 =	vld [tilespmem:$0x1FD90]  }
0x284: {  	v63 =	vld [tilespmem:$0x1FFF0]  }
0x285: {  	v35 =	vld [tilespmem:$0x1FDC0]  }
0x286: {  	v37 =	vld [tilespmem:$0x1FDE0]  }
0x287: {  	v39 =	vld [tilespmem:$0x1FFE0]  }
0x288: {  	v41 =	vld [tilespmem:$0x1FE00]  }
0x289: {  	v43 =	vld [tilespmem:$0x1FE20]  }
0x28a: {  	v45 =	vld [tilespmem:$0x1FE40];
	[tilespmem:v22+s29+$0x0] =	vst.idx.msk $0xffff, v23  }
0x28b: {  	v47 =	vld [tilespmem:$0x1FE60];
	[tilespmem:v55+s29+$0x0] =	vst.idx.msk $0xffff, v24  }
0x28c: {  	v49 =	vld [tilespmem:$0x1FE80];
	[tilespmem:v33+s29+$0x0] =	vst.idx.msk $0xffff, v25  }
0x28d: {  	v51 =	vld [tilespmem:$0x1FEA0];
	[tilespmem:v57+s29+$0x0] =	vst.idx.msk $0xffff, v26  }
0x28e: {  	v53 =	vld [tilespmem:$0x1FEE0];
	[tilespmem:v59+s29+$0x0] =	vst.idx.msk $0xffff, v27  }
0x28f: {  	v55 =	vld [tilespmem:$0x1FF00];
	[tilespmem:v35+s29+$0x0] =	vst.idx.msk $0xffff, v28  }
0x290: {  	v57 =	vld [tilespmem:$0x1FF40];
	[tilespmem:v61+s29+$0x0] =	vst.idx.msk $0xffff, v29  }
0x291: {  	v59 =	vld [tilespmem:$0x1FF80];
	[tilespmem:v37+s29+$0x0] =	vst.idx.msk $0xffff, v30  }
0x292: {  	v61 =	vld [tilespmem:$0x1FFC0];
	[tilespmem:v32+s29+$0x0] =	vst.idx.msk $0xffff, v31  }
0x293: {  	v0 =	vld.idx.msk [tilespmem:v39+s29+$0x0], $0xffff  }
0x294: {  	v1 =	vld.idx.msk [tilespmem:v41+s29+$0x0], $0xffff  }
0x295: {  	v2 =	vld.idx.msk [tilespmem:v36+s29+$0x0], $0xffff  }
0x296: {  	v3 =	vld.idx.msk [tilespmem:v43+s29+$0x0], $0xffff  }
0x297: {  	v4 =	vld.idx.msk [tilespmem:v40+s29+$0x0], $0xffff  }
0x298: {  	v5 =	vld.idx.msk [tilespmem:v45+s29+$0x0], $0xffff  }
0x299: {  	v6 =	vld.idx.msk [tilespmem:v44+s29+$0x0], $0xffff  }
0x29a: {  	v7 =	vld.idx.msk [tilespmem:v47+s29+$0x0], $0xffff  }
0x29b: {  	v8 =	vld.idx.msk [tilespmem:v48+s29+$0x0], $0xffff  }
0x29c: {  	v9 =	vld.idx.msk [tilespmem:v49+s29+$0x0], $0xffff  }
0x29d: {  	v10 =	vld.idx.msk [tilespmem:v52+s29+$0x0], $0xffff  }
0x29e: {  	v11 =	vld.idx.msk [tilespmem:v51+s29+$0x0], $0xffff  }
0x29f: {  	v12 =	vld.idx.msk [tilespmem:v56+s29+$0x0], $0xffff  }
0x2a0: {  	v52 =	vld [tilespmem:$0x1FEC0]  }
0x2a1: {  	v14 =	vld.idx.msk [tilespmem:v60+s29+$0x0], $0xffff  }
0x2a2: {  	v15 =	vld.idx.msk [tilespmem:v53+s29+$0x0], $0xffff  }
0x2a3: {  	v16 =	vld.idx.msk [tilespmem:v34+s29+$0x0], $0xffff  }
0x2a4: {  	v17 =	vld.idx.msk [tilespmem:v55+s29+$0x0], $0xffff  }
0x2a5: {  	v18 =	vld.idx.msk [tilespmem:v42+s29+$0x0], $0xffff  }
0x2a6: {  	v56 =	vld [tilespmem:$0x1FF20]  }
0x2a7: {  	v20 =	vld.idx.msk [tilespmem:v50+s29+$0x0], $0xffff  }
0x2a8: {  	v22 =	vld.idx.msk [tilespmem:v58+s29+$0x0], $0xffff  }
0x2a9: {  	v58 =	vld [tilespmem:$0x1FF60]  }
0x2aa: {  	v24 =	vld.idx.msk [tilespmem:v38+s29+$0x0], $0xffff  }
0x2ab: {  	v26 =	vld.idx.msk [tilespmem:v54+s29+$0x0], $0xffff  }
0x2ac: {  	v60 =	vld [tilespmem:$0x1FFA0]  }
0x2ad: {  	v28 =	vld.idx.msk [tilespmem:v46+s29+$0x0], $0xffff  }
0x2ae: {  	v30 =	vld.idx.msk [tilespmem:v62+s29+$0x0], $0xffff  }
0x2af: {  	v31 =	vld.idx.msk [tilespmem:v63+s29+$0x0], $0xffff  }
0x2b0: {  	v21 =	vld.idx.msk [tilespmem:v57+s29+$0x0], $0xffff  }
0x2b1: {  	v25 =	vld.idx.msk [tilespmem:v59+s29+$0x0], $0xffff  }
0x2b2: {  	v29 =	vld.idx.msk [tilespmem:v61+s29+$0x0], $0xffff  }
0x2b3: {  	v13 =	vld.idx.msk [tilespmem:v52+s29+$0x0], $0xffff  }
0x2b4: {  	v19 =	vld.idx.msk [tilespmem:v56+s29+$0x0], $0xffff  }
0x2b5: {  	v23 =	vld.idx.msk [tilespmem:v58+s29+$0x0], $0xffff  }
0x2b6: {  	v27 =	vld.idx.msk [tilespmem:v60+s29+$0x0], $0xffff;
	[tilespmem:s14+$0x0] =	vst v0  }
0x2b7: {  	[tilespmem:s14+$0x10] =	vst v1  }
0x2b8: {  	[tilespmem:s14+$0x20] =	vst v2  }
0x2b9: {  	[tilespmem:s14+$0x30] =	vst v3  }
0x2ba: {  	[tilespmem:s14+$0x40] =	vst v4  }
0x2bb: {  	[tilespmem:s14+$0x50] =	vst v5  }
0x2bc: {  	[tilespmem:s14+$0x60] =	vst v6  }
0x2bd: {  	[tilespmem:s14+$0x70] =	vst v7  }
0x2be: {  	[tilespmem:s14+$0x80] =	vst v8  }
0x2bf: {  	[tilespmem:s14+$0x90] =	vst v9  }
0x2c0: {  	[tilespmem:s14+$0xA0] =	vst v10  }
0x2c1: {  	[tilespmem:s14+$0xB0] =	vst v11  }
0x2c2: {  	[tilespmem:s14+$0xC0] =	vst v12  }
0x2c3: {  	[tilespmem:s14+$0xE0] =	vst v14  }
0x2c4: {  	[tilespmem:s14+$0xF0] =	vst v15  }
0x2c5: {  	[tilespmem:s14+$0x100] =	vst v16  }
0x2c6: {  	[tilespmem:s14+$0x110] =	vst v17  }
0x2c7: {  	[tilespmem:s14+$0x120] =	vst v18  }
0x2c8: {  	[tilespmem:s14+$0x140] =	vst v20  }
0x2c9: {  	[tilespmem:s14+$0x150] =	vst v21  }
0x2ca: {  	[tilespmem:s14+$0x160] =	vst v22  }
0x2cb: {  	[tilespmem:s14+$0x180] =	vst v24  }
0x2cc: {  	[tilespmem:s14+$0x190] =	vst v25  }
0x2cd: {  	[tilespmem:s14+$0x1A0] =	vst v26  }
0x2ce: {  	[tilespmem:s14+$0x1C0] =	vst v28  }
0x2cf: {  	[tilespmem:s14+$0x1E0] =	vst v30  }
0x2d0: {  	p1 =	sne.s32 s7, $0x1F0;
	[tilespmem:s14+$0x1F0] =	vst v31  }
.Ltmp1:
0x2d1: {  	[tilespmem:s14+$0x1D0] =	vst v29;
	(pc) =	sbr.rel @p1 .LBB2_5-.Ltmp1, $4  }
0x2d2: {  	[tilespmem:s14+$0xD0] =	vst v13  }
0x2d3: {  	[tilespmem:s14+$0x130] =	vst v19  }
0x2d4: {  	s13 =	sadd.s32 $0x1, s13;
	s17 =	sadd.s32 $0x100, s17;
	s7 =	sadd.s32 $0x20, s7;
	[tilespmem:s14+$0x170] =	vst v23  }
0x2d5: {  	s18 =	sadd.s32 $0x2, s18;
	s12 =	sadd.s32 $0x100, s12;
	[tilespmem:s14+$0x1B0] =	vst v27;
	s14 =	sadd.s32 $0x400, s14  }
0x2d6: {  	s0 =	rddreg [dreg:$0x15]  }
0x2d7: {  	s0 =	sor.u32 $0x20, s0  }
0x2d8: {  	s1 =	smin.u32 s0, $0x7A0  }
0x2d9: {  	s18 =	rddreg [dreg:$0x5];
	p1 =	slt.u32 s0, $0x7A1;
	s0 =	sshll.u32 s1, $0xB  }
0x2da: {  	s2 =	simm.s32 $0x0;
	s20 =	rddreg [dreg:$0xf];
	s0 =	simm.s32 @!p1 $0x3D1000  }
0x2db: {  	s19 =	simm.s32 $0xC000;
	s21 =	rddreg [dreg:$0x14];
	s0 =	sadd.s32 s18, s0  }
0x2dc: {  	[hbm4b:s0+s2] =	stream.linear.scatter [tilespmem:s19], [sflag:$0x4], $0x4000, $0x38;
	[tilespmem:$0x10D80] =	vst v63  }
0x2dd: {  	s0 =	sadd.s32 s20, s21  }
0x2de: {  	s22 =	rddreg [dreg:$0x0];
	s0 =	smin.u32 s0, $0x7A0  }
0x2df: {  	s31 =	rddreg [dreg:$0x13];
	s0 =	sshll.u32 s0, $0x9  }
0x2e0: {  	s23 =	simm.s32 $0x4000;
	s1 =	sadd.s32 $0x1, s31;
	s0 =	sadd.s32 s22, s0  }
0x2e1: {  	[tilespmem:s23], [sflag:$0x2] =	stream.linear.gather [hbm4b:s0+s2], $0x1000, $0x38;
	[tilespmem:$0x10D80] =	vst v63  }
0x2e2: {  	s3 =	simm.s32 $0x5000;
	p1 =	sne.s32 s1, $0x1F;
	s24 =	sadd.s32 $0xF4280, s0  }
0x2e3: {  	[tilespmem:s3], [sflag:$0x2] =	stream.linear.gather [hbm4b:s24+s2], $0x1000, $0x38;
	[tilespmem:$0x10D80] =	vst v63  }
.Ltmp2:
0x2e4: {  	_ = 	snop;
	(pc) =	sbr.rel @p1 .LBB2_2-.Ltmp2, $4  }
0x2e5: {  	s26 =	simm.s32 $0x6000;
	s25 =	sadd.s32 $0x1E8500, s0  }
0x2e6: {  	[tilespmem:s26], [sflag:$0x2] =	stream.linear.gather [hbm4b:s25+s2], $0x1000, $0x38;
	[tilespmem:$0x10D80] =	vst v63  }
0x2e7: {  	s30 =	simm.s32 $0x7000;
	s0 =	sadd.s32 $0x2DC780, s0  }
0x2e8: {  	[tilespmem:s30], [sflag:$0x2] =	stream.linear.gather [hbm4b:s0+s2], $0x1000, $0x38;
	[tilespmem:$0x10D80] =	vst v63  }
0x2e9: {  	s0 =	simm.s32 $0x3  }
0x2ea: {  	_ =	swait.ge [sflag:s0], $0x4000  }
0x2eb: {  	[sflag:s0] =	ssyncset.done $0x0  }
0x2ec: {  	s24 =	simm.s32 $0x4;
	[sflag:s0] =	ssyncadd.s32 $0xFFFFC000  }
0x2ed: {  	_ =	swait.ge [sflag:s24], $0x4000  }
0x2ee: {  	[sflag:s24] =	ssyncset.done $0x0  }
0x2ef: {  	s25 =	simm.s32 $0x1;
	[sflag:s24] =	ssyncadd.s32 $0xFFFFC000  }
0x2f0: {  	_ =	swait.ge [sflag:s25], $0x1000  }
0x2f1: {  	[sflag:s25] =	ssyncset.done $0x0  }
0x2f2: {  	[sflag:s25] =	ssyncadd.s32 $0xFFFFF000  }
0x2f3: {  	_ =	swait.ge [sflag:s25], $0x1000  }
0x2f4: {  	[sflag:s25] =	ssyncset.done $0x0  }
0x2f5: {  	[sflag:s25] =	ssyncadd.s32 $0xFFFFF000  }
0x2f6: {  	_ =	swait.ge [sflag:s25], $0x1000  }
0x2f7: {  	[sflag:s25] =	ssyncset.done $0x0  }
0x2f8: {  	[sflag:s25] =	ssyncadd.s32 $0xFFFFF000  }
0x2f9: {  	_ =	swait.ge [sflag:s25], $0x1000  }
0x2fa: {  	[sflag:s25] =	ssyncset.done $0x0  }
0x2fb: {  	s26 =	simm.s32 $0x2;
	[sflag:s25] =	ssyncadd.s32 $0xFFFFF000  }
0x2fc: {  	_ =	swait.ge [sflag:s26], $0x1000  }
0x2fd: {  	[sflag:s26] =	ssyncset.done $0x0  }
0x2fe: {  	[sflag:s26] =	ssyncadd.s32 $0xFFFFF000  }
0x2ff: {  	_ =	swait.ge [sflag:s26], $0x1000  }
0x300: {  	[sflag:s26] =	ssyncset.done $0x0  }
0x301: {  	[sflag:s26] =	ssyncadd.s32 $0xFFFFF000  }
0x302: {  	_ =	swait.ge [sflag:s26], $0x1000  }
0x303: {  	[sflag:s26] =	ssyncset.done $0x0  }
0x304: {  	[sflag:s26] =	ssyncadd.s32 $0xFFFFF000  }
0x305: {  	_ =	swait.ge [sflag:s26], $0x1000  }
0x306: {  	[sflag:s26] =	ssyncset.done $0x0  }
0x307: {  	[sflag:s26] =	ssyncadd.s32 $0xFFFFF000  }
0x308: {  	s1 =	simm.s32 @!p0 $0x10500;
	s0 =	simm.s32 @!p0 $0x0;
	s2 =	rddreg [dreg:$0x1]  }
0x309: {  	[tilespmem:s1], [sflag:$0x5] =	stream.linear.gather @!p0 [hbm4b:s2+s0], $0x880, $0x38;
	[tilespmem:$0x10D80] =	vst v63  }
0x30a: {  	s2 =	simm.s32 @!p0 $0x5  }
0x30b: {  	_ =	swait.ge @!p0 [sflag:s2], $0x880  }
0x30c: {  	[sflag:s2] =	ssyncset.done @!p0 $0x0  }
0x30d: {  	s3 =	rddreg [dreg:$0x10];
	[sflag:s2] =	ssyncadd.s32 @!p0 $0xFFFFF780  }
0x30e: {  	[hbm4b:s3+s0] =	stream.linear.scatter @!p0 [tilespmem:s1], [sflag:$0x5], $0x820, $0x38;
	[tilespmem:$0x10D80] =	vst v63  }
0x30f: {  	_ =	swait.ge @!p0 [sflag:s2], $0x820  }
0x310: {  	s30 =	rddreg [dreg:$0x12]  }
0x311: {  	s31 =	rddreg [dreg:$0x11];
	s1 =	sadd.s32 $0x1, s30  }
0x312: {  	p1 =	sne.s32 s1, s31  }
.Ltmp3:
0x313: {  	_ = 	snop;
	(pc) =	sbr.rel @p1 .LBB2_1-.Ltmp3, $3  }
0x314: {  	_ =	sdelay $0x1  }
0x315: {  	[sflag:s2] =	ssyncset.done @!p0 $0x0  }
0x316: {  	[sflag:s2] =	ssyncadd.s32 @!p0 $0xFFFFF7E0  }
0x317: {  	_ =	sfence.sel $0x180000  }
0x318: {  	[bflag:$0x0] =	sbarrier.arrive $0xFFFF  }
0x319: {  	_ =	strace $0x90000047  }
0x31a: {  	s0 =	stileid.u32;
	[bflag:$0x2] =	sbarrier.arrive $0xFFFF  }
0x31b: {  	p0 =	sne.s32 s0, $0x0;
	s0 =	rddreg [dreg:$0x3]  }
0x31c: {  	s0 =	sadd.s32 @!p0 $0x100000, s0  }
0x31d: {  	[sflag:s0] =	ssyncadd.tile.s32 @!p0 $0x1;
	_ =	shalt  }
.Lfunc_end2:
_tile_overlayer_lowered:
.L_overlay_start_2:
0x31e: {  	(tag) =	ssettag $0x2  }
0x31f: {  	s0 =	rddreg [dreg:$0x0];
	s2 =	stileid.u32  }
0x320: {  	s1 =	rddreg [dreg:$0x1];
	p0 =	sne.s32 s2, $0x0  }
0x321: {  	s3 =	rddreg [dreg:$0x2];
	[bflag:$0x3] =	sbarrier.arrive $0xFFFF;
	s2 =	simm.s32 @!p0 $0x1C05  }
0x322: {  	[timem:s3], [sflag:s2] =	dma.local @!p0 [hbm:s0], s1  }
0x323: {  	s0 =	simm.s32 @!p0 $0x5  }
0x324: {  	_ =	swait.ge @!p0 [sflag:s0], s1  }
0x325: {  	s1 =	ssub.s32 @!p0 $0x0, s1;
	[sflag:s0] =	ssyncset.done @!p0 $0x0  }
0x326: {  	[sflag:s0] =	ssyncadd.s32 @!p0 s1  }
0x327: {  	[bflag:$0x3] =	sbarrier.arrive $0xFFFF  }
0x328: {  	_ =	shalt  }

// kernel: _run.7.cloned.1.call-start
scs
__scs_entry_jumppad:
0x0: {  	(pc) =	sbr.rel $0x88, $3  }
0x1: {  	(tag) =	ssettag $0x0;
	lr =	simm.s32 $0x1  }
0x2: {  	[smem:$0x3F99] =	sst lr;
	_ =	strace $0xD0000000  }
0x3: {  	_ = 	snop  }
0x4: {  	_ = 	snop  }
0x5: {  	_ = 	snop  }
0x6: {  	_ = 	snop  }
0x7: {  	_ = 	snop  }
__scs_overlays_trampoline_lowered:
0x8: {  	[smem:$0x3FA8] =	sst s0  }
0x9: {  	[smem:$0x3FA9] =	sst s1  }
0xa: {  	[smem:$0x3FAA] =	sst s2  }
0xb: {  	[smem:$0x3FAB] =	sst s3  }
0xc: {  	[smem:$0x3FAC] =	sst s4  }
0xd: {  	[smem:$0x3FAD] =	sst s5  }
0xe: {  	[smem:$0x3FAE] =	sst s6  }
0xf: {  	[smem:$0x3FAF] =	sst s7  }
0x10: {  	[smem:$0x3FB0] =	sst s8  }
0x11: {  	[smem:$0x3FB1] =	sst s9;
	s0 =	simm.s32 @!p0 $0x0  }
0x12: {  	s1 =	sld [smem:$0x3F97];
	s0 =	simm.s32 @p0 $0x1  }
0x13: {  	[smem:$0x3FB2] =	sst s0;
	s0 =	simm.s32 @!p1 $0x0  }
0x14: {  	s2 =	sld [smem:$0x3F96];
	s0 =	simm.s32 @p1 $0x1  }
0x15: {  	[smem:$0x3FB3] =	sst s0;
	s0 =	simm.s32 @!p2 $0x0  }
0x16: {  	s3 =	sld [smem:$0x3FDB];
	s0 =	simm.s32 @p2 $0x1  }
0x17: {  	s4 =	simm.s32 $0x1BF5;
	[smem:$0x3FB5] =	sst s0  }
0x18: {  	s0 =	sld [smem:$0x3F98];
	_ =	swait.ge [sflag:s4], $0x0  }
0x19: {  	s7 =	sld [smem:$0x3F99]  }
0x1a: {  	s8 =	sadd.s32 $0xFFFFE003, lr  }
0x1b: {  	s9 =	sadd.s32 $0xFFFFFEF7, lr;
	s5 =	simm.s32 $0xFFFFFFFF;
	p2 =	slt.u32 s8, $0xFFFFF086  }
0x1c: {  	p1 =	slt.u32 s9, $0xF7A;
	s5 =	simm.s32 @!p2 $0x0  }
0x1d: {  	s5 =	simm.s32 @p1 $0x1;
	p0 =	seq.s32 s7, s2  }
0x1e: {  	s7 =	smul.u32 @!p0 $0xF7A, s2;
	p2 =	seq.s32 @!p0 s5, $0x0  }
0x1f: {  	s9 =	smul.u32 $0xF7A, s1;
	s8 =	simm.s32 @!p0 $0x1BF5;
	p2 =	por !p2, p0  }
0x20: {  	[sflag:s8] =	ssyncset.s32 @!p0 $0xFFFFF086;
	s6 =	sadd.s32 @!p0 s3, s7;
	s7 =	simm.s32 @!p0 $0x108  }
0x21: {  	s3 =	sadd.s32 s3, s9;
	s6 =	sadd.s32 @!p0 $0x88, s6;
	s7 =	simm.s32 @p2 $0x1082  }
0x22: {  	[simem:s7], [sflag:s8] =	dma.local @!p0 [hbm:s6], $0xF7A  }
0x23: {  	s9 =	sor.u32 $0xD0000000, s2;
	s6 =	simm.s32 $0x108;
	_ =	swait.ge @!p0 [sflag:s8], $0x0  }
0x24: {  	s3 =	sadd.s32 $0x88, s3;
	s6 =	simm.s32 @!p1 $0x1082;
	[sflag:s4] =	ssyncset.s32 $0xFFFFF086  }
0x25: {  	[simem:s6], [sflag:s4] =	dma.local [hbm:s3], $0xF7A  }
0x26: {  	[smem:$0x3F99] =	sst s1;
	(tag) =	ssettag s2;
	_ =	strace s9  }
0x27: {  	s1 =	sld [smem:$0x3FA9]  }
0x28: {  	s2 =	sld [smem:$0x3FAA]  }
0x29: {  	s4 =	sld [smem:$0x3FAC]  }
0x2a: {  	p0 =	seq.s32 s5, $0x0;
	s5 =	sld [smem:$0x3FAD]  }
0x2b: {  	s6 =	sld [smem:$0x3FAE]  }
0x2c: {  	s7 =	sld [smem:$0x3FAF]  }
0x2d: {  	s3 =	simm.s32 $0x108;
	s8 =	sld [smem:$0x3FB0]  }
0x2e: {  	s3 =	simm.s32 @!p0 $0x1082;
	s9 =	sld [smem:$0x3FB1]  }
0x2f: {  	lr =	sadd.s32 s0, s3;
	s0 =	sld [smem:$0x3FA8]  }
0x30: {  	s3 =	sld [smem:$0x3FAB]  }
0x31: {  	[smem:$0x3FB4] =	sst s10  }
0x32: {  	s10 =	sld [smem:$0x3FB2];
	_ =	sdelay $0x3  }
0x33: {  	p0 =	seq.s32 s10, $0x1;
	s10 =	sld [smem:$0x3FB4];
	_ =	sdelay $0x3  }
0x34: {  	[smem:$0x3FB4] =	sst s10  }
0x35: {  	s10 =	sld [smem:$0x3FB3];
	_ =	sdelay $0x3  }
0x36: {  	p1 =	seq.s32 s10, $0x1;
	s10 =	sld [smem:$0x3FB4];
	_ =	sdelay $0x3  }
0x37: {  	[smem:$0x3FB4] =	sst s10  }
0x38: {  	s10 =	sld [smem:$0x3FB5]  }
0x39: {  	_ = 	snop;
	(pc) =	sbr.ind lr, $3  }
0x3a: {  	_ = 	snop  }
0x3b: {  	_ = 	snop  }
0x3c: {  	p2 =	seq.s32 s10, $0x1;
	s10 =	sld [smem:$0x3FB4]  }
0x3d: {  	_ =	shalt  }
0x3e: {  	_ =	shalt  }
0x3f: {  	_ =	shalt  }
0x40: {  	_ =	shalt  }
0x41: {  	_ =	shalt  }
0x42: {  	_ =	shalt  }
0x43: {  	_ =	shalt  }
0x44: {  	_ =	shalt  }
0x45: {  	_ =	shalt  }
0x46: {  	_ =	shalt  }
0x47: {  	_ =	shalt  }
0x48: {  	_ =	shalt  }
0x49: {  	_ =	shalt  }
0x4a: {  	_ =	shalt  }
0x4b: {  	_ =	shalt  }
0x4c: {  	_ =	shalt  }
0x4d: {  	_ =	shalt  }
0x4e: {  	_ =	shalt  }
0x4f: {  	_ =	shalt  }
0x50: {  	_ =	shalt  }
0x51: {  	_ =	shalt  }
0x52: {  	_ =	shalt  }
0x53: {  	_ =	shalt  }
0x54: {  	_ =	shalt  }
0x55: {  	_ =	shalt  }
0x56: {  	_ =	shalt  }
0x57: {  	_ =	shalt  }
0x58: {  	_ =	shalt  }
0x59: {  	_ =	shalt  }
0x5a: {  	_ =	shalt  }
0x5b: {  	_ =	shalt  }
0x5c: {  	_ =	shalt  }
0x5d: {  	_ =	shalt  }
0x5e: {  	_ =	shalt  }
0x5f: {  	_ =	shalt  }
0x60: {  	_ =	shalt  }
0x61: {  	_ =	shalt  }
0x62: {  	_ =	shalt  }
0x63: {  	_ =	shalt  }
0x64: {  	_ =	shalt  }
0x65: {  	_ =	shalt  }
0x66: {  	_ =	shalt  }
0x67: {  	_ =	shalt  }
0x68: {  	_ =	shalt  }
0x69: {  	_ =	shalt  }
0x6a: {  	_ =	shalt  }
0x6b: {  	_ =	shalt  }
0x6c: {  	_ =	shalt  }
0x6d: {  	_ =	shalt  }
0x6e: {  	_ =	shalt  }
0x6f: {  	_ =	shalt  }
0x70: {  	_ =	shalt  }
0x71: {  	_ =	shalt  }
0x72: {  	_ =	shalt  }
0x73: {  	_ =	shalt  }
0x74: {  	_ =	shalt  }
0x75: {  	_ =	shalt  }
0x76: {  	_ =	shalt  }
0x77: {  	_ =	shalt  }
0x78: {  	_ =	shalt  }
0x79: {  	_ =	shalt  }
0x7a: {  	_ =	shalt  }
0x7b: {  	_ =	shalt  }
0x7c: {  	_ =	shalt  }
0x7d: {  	_ =	shalt  }
0x7e: {  	_ =	shalt  }
0x7f: {  	_ =	shalt  }
0x80: {  	_ =	shalt  }
0x81: {  	_ =	shalt  }
0x82: {  	_ =	shalt  }
0x83: {  	_ =	shalt  }
0x84: {  	_ =	shalt  }
0x85: {  	_ =	shalt  }
0x86: {  	_ =	shalt  }
0x87: {  	_ =	shalt  }
.Lfunc_end0:
.L_simem_size_0:
called_computation.1_lowered:
.L_overlay_start_0:
0x88: {  	s2 =	sld [smem:$0x3FD9]  }
0x89: {  	s3 =	sld [smem:$0x3FFE];
	_ =	sdelay $0x1  }
0x8a: {  	s1 =	srdreg.scid  }
0x8b: {  	s0 =	sand.u32 $0x1, s1  }
0x8c: {  	s30 =	sshll.u32 s0, $0xA;
	s2 =	sadd.s32 s3, s2  }
0x8d: {  	s2 =	sadd.s32 s2, s30  }
0x8e: {  	[smem:$0x3FC0] =	sst s2  }
0x8f: {  	_ = 	snop  }
0x90: {  	s2 =	sld [smem:$0x3FC8]  }
0x91: {  	s31 =	sld [smem:$0x3FC6]  }
0x92: {  	s4 =	sld [smem:$0x3FC5]  }
0x93: {  	s5 =	sld [smem:$0x3FD0]  }
0x94: {  	s6 =	sld [smem:$0x3FC4]  }
0x95: {  	s7 =	sld [smem:$0x3FC3]  }
0x96: {  	s9 =	simm.s32 $0xA;
	s10 =	simm.s32 $0x10;
	s8 =	sld [smem:$0x3FC2]  }
0x97: {  	[smem:s10], [sflag:s9] =	dma.local [hbm:s5], $0x1  }
0x98: {  	_ =	swait.eq [sflag:s9], $0x1  }
0x99: {  	s16 =	sld [smem:$0x10];
	[sflag:s9] =	ssyncset.done $0x0  }
0x9a: {  	s17 =	sld [smem:$0x11];
	[sflag:s9] =	ssyncadd.s32 $0xFFFFFFFF  }
0x9b: {  	s18 =	sld [smem:$0x12];
	(tm) =	ssettm $0x1  }
0x9c: {  	s11 =	sld [smem:$0x3FFB];
	_ =	sdelay $0x3  }
0x9d: {  	_ =	strace s11  }
0x9e: {  	s11 =	sld [smem:$0x3FFC];
	_ =	sdelay $0x3  }
0x9f: {  	_ =	strace s11  }
0xa0: {  	s11 =	sld [smem:$0x3FFD];
	_ =	sdelay $0x3  }
0xa1: {  	_ =	strace s11  }
0xa2: {  	_ =	strace $0x8FFFFFFF  }
0xa3: {  	s19 =	sld [smem:$0x3FDB];
	_ =	sdelay $0x1  }
0xa4: {  	s12 =	simm.s32 $_scs_section_size  }
0xa5: {  	s13 =	simm.s32 $_size__tile_overlayer_lowered;
	s14 =	simm.s32 $_tile_overlayer_lowered  }
0xa6: {  	s22 =	simm.s32 $0x1BFF;
	s21 =	sshll.u32 s14, $0x1;
	s11 =	sadd.s32 s12, s19  }
0xa7: {  	s15 =	simm.s32 $0x0;
	s20 =	sshll.u32 s13, $0x1;
	s13 =	sadd.s32 s21, s11  }
0xa8: {  	[timem:s15], [sflag:s22] =	dma.local [hbm:s13], s20  }
0xa9: {  	_ =	swait.ge [sflag:s22], s20  }
0xaa: {  	s12 =	ssub.s32 $0x0, s20;
	[sflag:s22] =	ssyncset.done $0x0  }
0xab: {  	[sflag:s22] =	ssyncadd.s32 s12;
	_ =	sdelay $0x1  }
0xac: {  	s23 =	simm.s32 $0x1B8B  }
0xad: {  	_ =	swait.ge [sflag:s23], $0x1  }
0xae: {  	[sflag:s23] =	ssyncset.done $0x0  }
0xaf: {  	s25 =	simm.s32 $0x1B8E;
	s24 =	sld [smem:$0x3FFE];
	[sflag:s23] =	ssyncadd.s32 $0xFFFFFFFF  }
0xb0: {  	s26 =	simm.s32 $execute0_lowered;
	[smem:$0x3FD2] =	sst s25  }
0xb1: {  	s13 =	sshll.u32 s26, $0x1;
	_ =	strace $0x80000049;
	[dreg:$0x1] =	wrdreg $0xFFFFFFFF  }
0xb2: {  	s28 =	simm.s32 $_size_execute0_lowered;
	s11 =	sadd.s32 s11, s13;
	[dreg:$0x0] =	wrdreg $0x0  }
0xb3: {  	s13 =	sshll.u32 s28, $0x1;
	[dreg:$0x2] =	wrdreg s11  }
0xb4: {  	[dreg:$0x3] =	wrdreg s13  }
0xb5: {  	[dreg:$0x4] =	wrdreg $0xC0  }
0xb6: {  	_ =	task [dreg:s15], $0x5FFFF  }
0xb7: {  	[dreg:$0x1] =	wrdreg $0xFFFFFFFF  }
0xb8: {  	[dreg:$0x0] =	wrdreg $0x60  }
0xb9: {  	[dreg:$0x2] =	wrdreg s24  }
0xba: {  	[dreg:$0x3] =	wrdreg s2  }
0xbb: {  	[dreg:$0x4] =	wrdreg s16  }
0xbc: {  	[dreg:$0x5] =	wrdreg s31  }
0xbd: {  	[dreg:$0x6] =	wrdreg s4  }
0xbe: {  	[dreg:$0x7] =	wrdreg s6  }
0xbf: {  	[dreg:$0x8] =	wrdreg s7  }
0xc0: {  	[dreg:$0x9] =	wrdreg s8  }
0xc1: {  	[dreg:$0xa] =	wrdreg s18  }
0xc2: {  	[dreg:$0xb] =	wrdreg s17  }
0xc3: {  	[dreg:$0xc] =	wrdreg $0x9  }
0xc4: {  	_ =	task.clear_ibuf [dreg:s15], $0xDFFFF;
	_ =	strace $0x90000049  }
0xc5: {  	s29 =	simm.s32 $0x9;
	_ =	strace $0x8000004B  }
0xc6: {  	_ =	swait.ge [sflag:s29], $0x1  }
0xc7: {  	[sflag:s29] =	ssyncadd.s32 $0xFFFFFFFF  }
0xc8: {  	_ =	strace $0x9000004B  }
0xc9: {  	_ =	sfence  }
0xca: {  	s30 =	sld [smem:$0x0];
	_ =	sdelay $0x2  }
0xcb: {  	s31 =	sshll.u32 s1, $0xD;
	s1 =	sshrl.u32 s1, $0x2  }
0xcc: {  	s3 =	sand.u32 $0x4000, s31;
	s1 =	sadd.s32 s1, s30  }
0xcd: {  	s0 =	sor.u32 s3, s0;
	s1 =	sshll.u32 s1, $0x11  }
0xce: {  	s0 =	sor.u32 s1, s0  }
0xcf: {  	s0 =	sadd.s32 $0x8F2B, s0  }
0xd0: {  	[sflag:s0] =	ssyncadd.remote.s32 $0x1  }
0xd1: {  	_ =	sfence.sel $0xFFFF  }
0xd2: {  	[dreg:$0x0] =	wrdreg $0xFFFFFFFF;
	(pc) =	sbr.abs _section_cstart, $3  }
0xd3: {  	[dreg:$0x1] =	wrdreg $0xFFFFFFFF  }
0xd4: {  	_ =	task.clear_ibuf [dreg:s15], $0x2FFFF;
	_ =	strace $0x9FFFFFFF  }
0xd5: {  	(tm) =	ssettm $0x7FFFFFFF  }
tec
execute0_lowered:
.L_overlay_start_1:
0x0: {  	(tag) =	ssettag $0x1  }
0x1: {  	s1 =	rddreg [dreg:$0x0]  }
0x2: {  	s0 =	rddreg [dreg:$0x1]  }
0x3: {  	s2 =	rddreg [dreg:$0x3]  }
0x4: {  	s3 =	rddreg [dreg:$0x4]  }
0x5: {  	s6 =	rddreg [dreg:$0x5]  }
0x6: {  	s7 =	rddreg [dreg:$0x6]  }
0x7: {  	s8 =	rddreg [dreg:$0x7]  }
0x8: {  	s9 =	rddreg [dreg:$0x8]  }
0x9: {  	s10 =	rddreg [dreg:$0x9];
	s4 =	simm.s32 $0x0  }
0xa: {  	s5 =	srdreg.scid;
	s11 =	stileid.u32;
	s30 =	simm.s32 $0xA1C0  }
0xb: {  	s31 =	simm.s32 $0xB1C0;
	s16 =	simm.s32 $0x98C0;
	s17 =	simm.s32 $0x6580  }
0xc: {  	s18 =	simm.s32 $0x9910;
	s19 =	simm.s32 $0x6F80;
	s20 =	simm.s32 $0x7980  }
0xd: {  	s21 =	simm.s32 $0x8380;
	s28 =	simm.s32 $0x0;
	[smem:$0x7FF] =	sst s4  }
0xe: {  	s5 =	sand.u32 $0x1, s5;
	s11 =	sshll.u32 s11, $0x1;
	_ =	strace $0x8000004A  }
0xf: {  	s11 =	sor.u32 s5, s11;
	s12 =	ssub.s32 $0x2, s5;
	s5 =	sadd.s32 $0x1200, s1  }
0x10: {  	s13 =	sshll.u32 s11, $0x9;
	s14 =	sshrl.u32 s12, $0x1;
	s15 =	smul.u32 $0x320, s11  }
0x11: {  	s23 =	sshll.u32 s11, $0x4;
	s1 =	sadd.s32 s13, s1;
	s12 =	ssub.s32 s12, s14  }
0x12: {  	s24 =	sadd.s32 s6, s23;
	s25 =	sadd.s32 s7, s23;
	s11 =	sadd.s32 s9, s13  }
0x13: {  	v2 =	vlaneseq.u32;
	s26 =	sadd.s32 s10, s13;
	s6 =	simm.s32 $0x9960;
	s7 =	simm.s32 $0x99B0  }
0x14: {  	v0 =	vmul.u32 $0x20, v2;
	s9 =	simm.s32 $0x9A50;
	s10 =	simm.s32 $0x10;
	[dreg:$0xd] =	wrdreg s24  }
0x15: {  	s13 =	simm.s32 $0x1;
	s14 =	simm.s32 $0x2;
	[dreg:$0xe] =	wrdreg s25  }
0x16: {  	v1 =	vmul.u32 $0x32, v2;
	v2 =	vmul.u32 $0x640, v2;
	v3 =	vor.u32 $0x1, v0;
	s2 =	sadd.s32 s2, s15;
	s22 =	sadd.s32 s3, s15;
	[dreg:$0x10] =	wrdreg s26  }
0x17: {  	v8 =	vor.u32 $0x6, v0;
	v9 =	vor.u32 $0x7, v0;
	v10 =	vor.u32 $0x8, v0;
	s1 =	sadd.s32 $0x3D2A00, s1;
	s29 =	smax.u32 s12, $0x1;
	s15 =	simm.s32 $0x6  }
0x18: {  	v11 =	vor.u32 $0x9, v0;
	v12 =	vor.u32 $0xA, v0;
	[tilespmem:$0x1FFB0] =	vst v3;
	v3 =	vor.u32 $0x2, v0;
	s24 =	simm.s32 $0x3380;
	s25 =	simm.s32 $0x9780;
	[dreg:$0xb] =	wrdreg s2  }
0x19: {  	v13 =	vor.u32 $0xB, v0;
	v14 =	vor.u32 $0xC, v0;
	s3 =	simm.s32 $0x5B80;
	[tilespmem:$0x1FFC0] =	vst v3;
	v3 =	vor.u32 $0x3, v0;
	s12 =	simm.s32 $0x9DC0;
	[dreg:$0xc] =	wrdreg s22  }
0x1a: {  	v15 =	vor.u32 $0xD, v0;
	v16 =	vor.u32 $0xE, v0;
	s26 =	simm.s32 $0x9FC0;
	s2 =	sadd.s32 s8, s23;
	[dreg:$0x11] =	wrdreg s1;
	[tilespmem:$0x1FFD0] =	vst v3;
	v3 =	vor.u32 $0x4, v0  }
0x1b: {  	v17 =	vor.u32 $0xF, v0;
	v18 =	vor.u32 $0x10, v0;
	[dreg:$0x12] =	wrdreg s29;
	s23 =	simm.s32 $0x50;
	s22 =	simm.s32 $0x9A00;
	[tilespmem:$0x1FFE0] =	vst v3;
	v3 =	vor.u32 $0x5, v0  }
0x1c: {  	v19 =	vor.u32 $0x11, v0;
	v20 =	vor.u32 $0x12, v0;
	v21 =	vor.u32 $0x13, v0;
	s8 =	simm.s32 $0x8D80;
	s1 =	simm.s32 $0x3;
	[dreg:$0xf] =	wrdreg s2;
	[tilespmem:$0x1FFF0] =	vst v3  }
.LBB2_1:
0x1d: {  	[dreg:$0x13] =	wrdreg s28  }
0x1e: {  	s2 =	rddreg [dreg:$0xb]  }
0x1f: {  	[tilespmem:s4], [sflag:$0x6] =	stream.linear.gather [hbm4b:s2+s4], $0x1900, $0x38;
	[tilespmem:$0xC1C0] =	vst v63  }
0x20: {  	_ =	swait.ge [sflag:s15], $0x1900  }
0x21: {  	[sflag:s15] =	ssyncset.done $0x0  }
0x22: {  	s28 =	simm.s32 $0x1900;
	s29 =	rddreg [dreg:$0xc];
	[sflag:s15] =	ssyncadd.s32 $0xFFFFE700  }
0x23: {  	[tilespmem:s28], [sflag:$0x6] =	stream.linear.gather [hbm4b:s29+s4], $0x1900, $0x38;
	[tilespmem:$0xC1C0] =	vst v63  }
0x24: {  	_ =	swait.ge [sflag:s15], $0x1900  }
0x25: {  	[sflag:s15] =	ssyncset.done $0x0  }
0x26: {  	s28 =	simm.s32 $0x3200;
	s29 =	rddreg [dreg:$0xd];
	[sflag:s15] =	ssyncadd.s32 $0xFFFFE700  }
0x27: {  	[tilespmem:s28], [sflag:$0x6] =	stream.linear.gather [hbm4b:s29+s4], $0x80, $0x38;
	[tilespmem:$0xC1C0] =	vst v63  }
0x28: {  	_ =	swait.ge [sflag:s15], $0x80  }
0x29: {  	[sflag:s15] =	ssyncset.done $0x0  }
0x2a: {  	s28 =	simm.s32 $0x3280;
	s29 =	rddreg [dreg:$0xe];
	[sflag:s15] =	ssyncadd.s32 $0xFFFFFF80  }
0x2b: {  	[tilespmem:s28], [sflag:$0x6] =	stream.linear.gather [hbm4b:s29+s4], $0x80, $0x38;
	[tilespmem:$0xC1C0] =	vst v63  }
0x2c: {  	_ =	swait.ge [sflag:s15], $0x80  }
0x2d: {  	[sflag:s15] =	ssyncset.done $0x0  }
0x2e: {  	s29 =	simm.s32 $0x3300;
	s2 =	rddreg [dreg:$0xf];
	[sflag:s15] =	ssyncadd.s32 $0xFFFFFF80  }
0x2f: {  	[tilespmem:s29], [sflag:$0x6] =	stream.linear.gather [hbm4b:s2+s4], $0x80, $0x38;
	[tilespmem:$0xC1C0] =	vst v63  }
0x30: {  	_ =	swait.ge [sflag:s15], $0x80  }
0x31: {  	[sflag:s15] =	ssyncset.done $0x0  }
0x32: {  	s2 =	simm.s32 $0x80;
	[sflag:s15] =	ssyncadd.s32 $0xFFFFFF80  }
0x33: {  	[tilespmem:s30], [sflag:$0x4] =	stream.indirect.gather [hbm4b:s5+s2], $0x20, s28, s2, $0xb8;
	[tilespmem:$0xC1C0] =	vst v63  }
0x34: {  	s28 =	simm.s32 $0x0  }
0x35: {  	[tilespmem:s31], [sflag:$0x5] =	stream.indirect.gather [hbm4b:s5+s2], $0x20, s29, s2, $0xb8;
	[tilespmem:$0xC1C0] =	vst v63  }
.LBB2_2:
0x36: {  	s2 =	smul.u32 $0x320, s28;
	_ =	sdelay $0x1  }
0x37: {  	[tilespmem:s24], [sflag:$0x1] =	stream.indirect.gather [hbm4b:s5+s23], $0x20, s2, s23, $0xb8;
	[tilespmem:$0xC1C0] =	vst v63  }
0x38: {  	s29 =	sadd.s32 $0x1900, s2  }
0x39: {  	[tilespmem:s25], [sflag:$0x2] =	stream.indirect.gather [hbm4b:s0+s23], $0x1, s29, s23, $0xb8;
	[tilespmem:$0xC1C0] =	vst v63  }
0x3a: {  	s30 =	simm.s32 $0x3D80;
	s29 =	sadd.s32 $0x50, s2  }
0x3b: {  	[tilespmem:s30], [sflag:$0x1] =	stream.indirect.gather [hbm4b:s5+s23], $0x20, s29, s23, $0xb8;
	[tilespmem:$0xC1C0] =	vst v63  }
0x3c: {  	s31 =	simm.s32 $0x97D0;
	s29 =	sadd.s32 $0x1950, s2  }
0x3d: {  	[tilespmem:s31], [sflag:$0x2] =	stream.indirect.gather [hbm4b:s0+s23], $0x1, s29, s23, $0xb8;
	[tilespmem:$0xC1C0] =	vst v63  }
0x3e: {  	s29 =	sadd.s32 $0xA0, s2;
	s31 =	simm.s32 $0x4780  }
0x3f: {  	[tilespmem:s31], [sflag:$0x1] =	stream.indirect.gather [hbm4b:s5+s23], $0x20, s29, s23, $0xb8;
	[tilespmem:$0xC1C0] =	vst v63  }
0x40: {  	s29 =	sadd.s32 $0x19A0, s2;
	s31 =	simm.s32 $0x9820  }
0x41: {  	[tilespmem:s31], [sflag:$0x2] =	stream.indirect.gather [hbm4b:s0+s23], $0x1, s29, s23, $0xb8;
	[tilespmem:$0xC1C0] =	vst v63  }
0x42: {  	s29 =	sadd.s32 $0xF0, s2;
	s31 =	simm.s32 $0x5180  }
0x43: {  	[tilespmem:s31], [sflag:$0x1] =	stream.indirect.gather [hbm4b:s5+s23], $0x20, s29, s23, $0xb8;
	[tilespmem:$0xC1C0] =	vst v63  }
0x44: {  	s29 =	sadd.s32 $0x19F0, s2;
	s31 =	simm.s32 $0x9870  }
0x45: {  	[tilespmem:s31], [sflag:$0x2] =	stream.indirect.gather [hbm4b:s0+s23], $0x1, s29, s23, $0xb8;
	[tilespmem:$0xC1C0] =	vst v63  }
0x46: {  	s29 =	sadd.s32 $0x140, s2  }
0x47: {  	[tilespmem:s3], [sflag:$0x1] =	stream.indirect.gather [hbm4b:s5+s23], $0x20, s29, s23, $0xb8;
	[tilespmem:$0xC1C0] =	vst v63  }
0x48: {  	s29 =	sadd.s32 $0x1A40, s2  }
0x49: {  	[tilespmem:s16], [sflag:$0x2] =	stream.indirect.gather [hbm4b:s0+s23], $0x1, s29, s23, $0xb8;
	[tilespmem:$0xC1C0] =	vst v63  }
0x4a: {  	s29 =	sadd.s32 $0x190, s2  }
0x4b: {  	[tilespmem:s17], [sflag:$0x1] =	stream.indirect.gather [hbm4b:s5+s23], $0x20, s29, s23, $0xb8;
	[tilespmem:$0xC1C0] =	vst v63  }
0x4c: {  	s29 =	sadd.s32 $0x1A90, s2  }
0x4d: {  	[tilespmem:s18], [sflag:$0x2] =	stream.indirect.gather [hbm4b:s0+s23], $0x1, s29, s23, $0xb8;
	[tilespmem:$0xC1C0] =	vst v63  }
0x4e: {  	s29 =	sadd.s32 $0x1E0, s2  }
0x4f: {  	[tilespmem:s19], [sflag:$0x1] =	stream.indirect.gather [hbm4b:s5+s23], $0x20, s29, s23, $0xb8;
	[tilespmem:$0xC1C0] =	vst v63  }
0x50: {  	s29 =	sadd.s32 $0x1AE0, s2  }
0x51: {  	[tilespmem:s6], [sflag:$0x2] =	stream.indirect.gather [hbm4b:s0+s23], $0x1, s29, s23, $0xb8;
	[tilespmem:$0xC1C0] =	vst v63  }
0x52: {  	s29 =	sadd.s32 $0x230, s2  }
0x53: {  	[tilespmem:s20], [sflag:$0x1] =	stream.indirect.gather [hbm4b:s5+s23], $0x20, s29, s23, $0xb8;
	[tilespmem:$0xC1C0] =	vst v63  }
0x54: {  	s29 =	sadd.s32 $0x1B30, s2  }
0x55: {  	[tilespmem:s7], [sflag:$0x2] =	stream.indirect.gather [hbm4b:s0+s23], $0x1, s29, s23, $0xb8;
	[tilespmem:$0xC1C0] =	vst v63  }
0x56: {  	s29 =	sadd.s32 $0x280, s2  }
0x57: {  	[tilespmem:s21], [sflag:$0x1] =	stream.indirect.gather [hbm4b:s5+s23], $0x20, s29, s23, $0xb8;
	[tilespmem:$0xC1C0] =	vst v63  }
0x58: {  	s29 =	sadd.s32 $0x1B80, s2  }
0x59: {  	[tilespmem:s22], [sflag:$0x2] =	stream.indirect.gather [hbm4b:s0+s23], $0x1, s29, s23, $0xb8;
	[tilespmem:$0xC1C0] =	vst v63  }
0x5a: {  	s29 =	sadd.s32 $0x2D0, s2  }
0x5b: {  	[tilespmem:s8], [sflag:$0x1] =	stream.indirect.gather [hbm4b:s5+s23], $0x20, s29, s23, $0xb8;
	[tilespmem:$0xC1C0] =	vst v63  }
0x5c: {  	s29 =	sshll.u32 s28, $0x6  }
0x5d: {  	s2 =	sadd.s32 $0x1BD0, s2;
	s30 =	sshrl.u32 s29, $0x2  }
0x5e: {  	[tilespmem:s9], [sflag:$0x2] =	stream.indirect.gather [hbm4b:s0+s23], $0x1, s2, s23, $0xb8;
	[tilespmem:$0xC1C0] =	vst v63  }
0x5f: {  	s31 =	rddreg [dreg:$0x2];
	s2 =	sadd.s32 $0x3200, s30  }
0x60: {  	[tilespmem:s12], [sflag:$0x3] =	stream.indirect.gather [hbm4b:s31+s10], $0x20, s2, s10, $0xb8;
	[tilespmem:$0xC1C0] =	vst v63  }
0x61: {  	_ =	swait.ge [sflag:s13], $0xA00  }
0x62: {  	[sflag:s13] =	ssyncset.done $0x0  }
0x63: {  	[sflag:s13] =	ssyncadd.s32 $0xFFFFF600  }
0x64: {  	_ =	swait.ge [sflag:s14], $0x50  }
0x65: {  	[sflag:s14] =	ssyncset.done $0x0  }
0x66: {  	[sflag:s14] =	ssyncadd.s32 $0xFFFFFFB0  }
0x67: {  	_ =	swait.ge [sflag:s13], $0xA00  }
0x68: {  	[sflag:s13] =	ssyncset.done $0x0  }
0x69: {  	[sflag:s13] =	ssyncadd.s32 $0xFFFFF600  }
0x6a: {  	_ =	swait.ge [sflag:s14], $0x50  }
0x6b: {  	[sflag:s14] =	ssyncset.done $0x0  }
0x6c: {  	[sflag:s14] =	ssyncadd.s32 $0xFFFFFFB0  }
0x6d: {  	_ =	swait.ge [sflag:s13], $0xA00  }
0x6e: {  	[sflag:s13] =	ssyncset.done $0x0  }
0x6f: {  	[sflag:s13] =	ssyncadd.s32 $0xFFFFF600  }
0x70: {  	_ =	swait.ge [sflag:s14], $0x50  }
0x71: {  	[sflag:s14] =	ssyncset.done $0x0  }
0x72: {  	[sflag:s14] =	ssyncadd.s32 $0xFFFFFFB0  }
0x73: {  	_ =	swait.ge [sflag:s13], $0xA00  }
0x74: {  	[sflag:s13] =	ssyncset.done $0x0  }
0x75: {  	[sflag:s13] =	ssyncadd.s32 $0xFFFFF600  }
0x76: {  	_ =	swait.ge [sflag:s14], $0x50  }
0x77: {  	[sflag:s14] =	ssyncset.done $0x0  }
0x78: {  	[sflag:s14] =	ssyncadd.s32 $0xFFFFFFB0  }
0x79: {  	_ =	swait.ge [sflag:s13], $0xA00  }
0x7a: {  	[sflag:s13] =	ssyncset.done $0x0  }
0x7b: {  	[sflag:s13] =	ssyncadd.s32 $0xFFFFF600  }
0x7c: {  	_ =	swait.ge [sflag:s14], $0x50  }
0x7d: {  	[sflag:s14] =	ssyncset.done $0x0  }
0x7e: {  	[sflag:s14] =	ssyncadd.s32 $0xFFFFFFB0  }
0x7f: {  	_ =	swait.ge [sflag:s13], $0xA00  }
0x80: {  	[sflag:s13] =	ssyncset.done $0x0  }
0x81: {  	[sflag:s13] =	ssyncadd.s32 $0xFFFFF600  }
0x82: {  	_ =	swait.ge [sflag:s14], $0x50  }
0x83: {  	[sflag:s14] =	ssyncset.done $0x0  }
0x84: {  	[sflag:s14] =	ssyncadd.s32 $0xFFFFFFB0  }
0x85: {  	_ =	swait.ge [sflag:s13], $0xA00  }
0x86: {  	[sflag:s13] =	ssyncset.done $0x0  }
0x87: {  	[sflag:s13] =	ssyncadd.s32 $0xFFFFF600  }
0x88: {  	_ =	swait.ge [sflag:s14], $0x50  }
0x89: {  	[sflag:s14] =	ssyncset.done $0x0  }
0x8a: {  	[sflag:s14] =	ssyncadd.s32 $0xFFFFFFB0  }
0x8b: {  	_ =	swait.ge [sflag:s13], $0xA00  }
0x8c: {  	[sflag:s13] =	ssyncset.done $0x0  }
0x8d: {  	[sflag:s13] =	ssyncadd.s32 $0xFFFFF600  }
0x8e: {  	_ =	swait.ge [sflag:s14], $0x50  }
0x8f: {  	[sflag:s14] =	ssyncset.done $0x0  }
0x90: {  	[sflag:s14] =	ssyncadd.s32 $0xFFFFFFB0  }
0x91: {  	_ =	swait.ge [sflag:s13], $0xA00  }
0x92: {  	[sflag:s13] =	ssyncset.done $0x0  }
0x93: {  	[sflag:s13] =	ssyncadd.s32 $0xFFFFF600  }
0x94: {  	_ =	swait.ge [sflag:s14], $0x50  }
0x95: {  	[sflag:s14] =	ssyncset.done $0x0  }
0x96: {  	[sflag:s14] =	ssyncadd.s32 $0xFFFFFFB0  }
0x97: {  	_ =	swait.ge [sflag:s13], $0xA00  }
0x98: {  	[sflag:s13] =	ssyncset.done $0x0  }
0x99: {  	[sflag:s13] =	ssyncadd.s32 $0xFFFFF600  }
0x9a: {  	s31 =	simm.s32 $0x0;
	_ =	swait.ge [sflag:s14], $0x50  }
0x9b: {  	v22 =	vadd.s32 s31, v1;
	[sflag:s14] =	ssyncset.done $0x0  }
0x9c: {  	[sflag:s14] =	ssyncadd.s32 $0xFFFFFFB0  }
0x9d: {  	_ =	swait.ge [sflag:s1], $0x200  }
0x9e: {  	[sflag:s1] =	ssyncset.done $0x0  }
0x9f: {  	[sflag:s1] =	ssyncadd.s32 $0xFFFFFE00  }
0xa0: {  	v24 =	vimm.f32 $-Inf;
	s2 =	simm.s32 $0x1;
	v25 =	vld.idx.msk [tilespmem:v22+s25+$0x0], $0xffff  }
.LBB2_3:
0xa1: {  	v23 =	vadd.s32 s2, v1;
	p0 =	sne.s32 s2, $0x31;
	s2 =	sadd.s32 $0x1, s2  }
.Ltmp0:
0xa2: {  	(pc) =	sbr.rel @p0 .LBB2_3-.Ltmp0, $2  }
0xa3: {  	_ =	sdelay $0x2  }
0xa4: {  	s30 =	simm.s32 $0x9AA0;
	v24 =	vmax.f32 v24, v25;
	v25 =	vld.idx.msk [tilespmem:v23+s25+$0x0], $0xffff;
	v23 =	vimm.f32 $0.0e+00  }
0xa5: {  	_ =	sdelay $0x3  }
0xa6: {  	v22 =	vld.idx.msk [tilespmem:v22+s25+$0x0], $0xffff;
	_ =	sdelay $0x3  }
0xa7: {  	v24 =	vmax.f32 v24, v25  }
0xa8: {  	v22 =	vsub.f32 v22, v24;
	_ =	sdelay $0x1  }
0xa9: {  	v22 =	vmul.f32 $1.442695020e+00, v22;
	_ =	sdelay $0x1  }
0xaa: {  	(erf) = vpow2.f32 v22;
	_ =	sdelay $0x4  }
0xab: {  	s2 =	simm.s32 $0x1  }
0xac: {  	v22 =	vadd.s32 s2, v1;
	_ =	sdelay $0x2  }
0xad: {  	v25 =	vpop (erf)  }
0xae: {  	[tilespmem:s30+$0x0] =	vst v25  }
0xaf: {  	v22 =	vld.idx.msk [tilespmem:v22+s25+$0x0], $0xffff;
	_ =	sdelay $0x4  }
0xb0: {  	v22 =	vsub.f32 v22, v24;
	_ =	sdelay $0x1  }
0xb1: {  	v26 =	vmul.f32 $1.442695020e+00, v22;
	_ =	sdelay $0x1  }
0xb2: {  	(erf) = vpow2.f32 v26;
	_ =	sdelay $0x4  }
0xb3: {  	s2 =	simm.s32 $0x2  }
0xb4: {  	s31 =	simm.s32 $0x9AA0;
	v22 =	vadd.f32 v25, v23;
	v25 =	vadd.s32 s2, v1;
	s2 =	simm.s32 $0x3  }
.LBB2_5:
0xb5: {  	p0 =	sne.s32 s2, $0x31;
	_ =	sdelay $0x1  }
0xb6: {  	s31 =	sadd.s32 $0x10, s31;
	v26 =	vpop (erf)  }
0xb7: {  	[tilespmem:s31+$0x0] =	vst v26;
	v22 =	vadd.f32 v26, v22  }
0xb8: {  	v25 =	vld.idx.msk [tilespmem:v25+s25+$0x0], $0xffff;
	_ =	sdelay $0x5  }
0xb9: {  	v25 =	vsub.f32 v25, v24;
	_ =	sdelay $0x1  }
0xba: {  	v25 =	vmul.f32 $1.442695020e+00, v25;
	_ =	sdelay $0x1  }
0xbb: {  	(erf) = vpow2.f32 v25;
	_ =	sdelay $0x1  }
.Ltmp1:
0xbc: {  	(pc) =	sbr.rel @p0 .LBB2_5-.Ltmp1, $2  }
0xbd: {  	_ =	sdelay $0x2  }
0xbe: {  	v25 =	vadd.s32 s2, v1;
	s2 =	sadd.s32 $0x1, s2  }
0xbf: {  	_ =	sdelay $0x1  }
0xc0: {  	s2 =	sadd.s32 $0x10, s31;
	v26 =	vpop (erf)  }
0xc1: {  	[tilespmem:s2+$0x0] =	vst v26  }
0xc2: {  	v25 =	vld.idx.msk [tilespmem:v25+s25+$0x0], $0xffff;
	_ =	sdelay $0x4  }
0xc3: {  	v24 =	vsub.f32 v25, v24;
	_ =	sdelay $0x1  }
0xc4: {  	v24 =	vmul.f32 $1.442695020e+00, v24;
	_ =	sdelay $0x1  }
0xc5: {  	(erf) = vpow2.f32 v24;
	_ =	sdelay $0x3  }
0xc6: {  	s31 =	simm.s32 $0x0  }
0xc7: {  	v24 =	vmov s31  }
0xc8: {  	v24 =	vshll.u32 v24, $0x5  }
0xc9: {  	v24 =	vadd.s32 v2, v24  }
0xca: {  	v25 =	vor.u32 $0x1, v24  }
0xcb: {  	s2 =	sadd.s32 $0x10, s2;
	v28 =	vor.u32 $0x2, v24;
	v27 =	vpop (erf)  }
0xcc: {  	v30 =	vor.u32 $0x5, v24;
	[tilespmem:s2+$0x0] =	vst v27  }
0xcd: {  	v31 =	vor.u32 $0x3, v24;
	v37 =	vld [tilespmem:s30+$0x0]  }
0xce: {  	v29 =	vor.u32 $0x4, v24;
	v32 =	vld.idx.msk [tilespmem:v24+s24+$0x0], $0xffff  }
0xcf: {  	v34 =	vor.u32 $0xB, v24;
	v25 =	vld.idx.msk [tilespmem:v25+s24+$0x0], $0xffff  }
0xd0: {  	v35 =	vor.u32 $0x6, v24;
	v28 =	vld.idx.msk [tilespmem:v28+s24+$0x0], $0xffff  }
0xd1: {  	v39 =	vor.u32 $0xF, v24;
	v30 =	vld.idx.msk [tilespmem:v30+s24+$0x0], $0xffff  }
0xd2: {  	v22 =	vadd.f32 v26, v22;
	v33 =	vor.u32 $0xD, v24;
	v36 =	vld.idx.msk [tilespmem:v31+s24+$0x0], $0xffff  }
0xd3: {  	v26 =	vor.u32 $0xA, v24;
	v38 =	vor.u32 $0x9, v24;
	v29 =	vld.idx.msk [tilespmem:v29+s24+$0x0], $0xffff  }
0xd4: {  	v40 =	vor.u32 $0xC, v24;
	v41 =	vor.u32 $0xE, v24;
	v22 =	vadd.f32 v27, v22;
	v34 =	vld.idx.msk [tilespmem:v34+s24+$0x0], $0xffff  }
0xd5: {  	v27 =	vor.u32 $0x8, v24;
	v42 =	vld.idx.msk [tilespmem:v35+s24+$0x0], $0xffff;
	v24 =	vor.u32 $0x7, v24;
	v31 =	vmul.f32 v32, v37  }
0xd6: {  	v5 =	vld.idx.msk [tilespmem:v39+s24+$0x0], $0xffff;
	v25 =	vmul.f32 v25, v37;
	v28 =	vmul.f32 v28, v37  }
0xd7: {  	s2 =	simm.s32 $0x1;
	v33 =	vld.idx.msk [tilespmem:v33+s24+$0x0], $0xffff;
	v61 =	vmul.f32 v36, v37;
	v62 =	vmul.f32 v30, v37  }
0xd8: {  	v44 =	vadd.f32 v31, v23;
	v32 =	vadd.f32 v25, v23;
	v25 =	vld.idx.msk [tilespmem:v26+s24+$0x0], $0xffff;
	v26 =	vmov s2  }
0xd9: {  	v41 =	vld.idx.msk [tilespmem:v41+s24+$0x0], $0xffff;
	v31 =	vadd.f32 v28, v23;
	v28 =	vmul.f32 v29, v37;
	v26 =	vshll.u32 v26, $0x5  }
0xda: {  	v52 =	vld.idx.msk [tilespmem:v24+s24+$0x0], $0xffff;
	v24 =	vmul.f32 v34, v37;
	v54 =	vmul.f32 v42, v37;
	v50 =	vadd.s32 v2, v26  }
0xdb: {  	v53 =	vld.idx.msk [tilespmem:v40+s24+$0x0], $0xffff;
	v5 =	vmul.f32 v5, v37;
	v30 =	vadd.f32 v28, v23;
	v28 =	vor.u32 $0x1, v50  }
0xdc: {  	v29 =	vld.idx.msk [tilespmem:v38+s24+$0x0], $0xffff;
	v35 =	vadd.f32 v61, v23;
	v36 =	vadd.f32 v62, v23;
	v63 =	vor.u32 $0x2, v50  }
0xdd: {  	s30 =	simm.s32 $0x9AB0;
	v38 =	vld.idx.msk [tilespmem:v27+s24+$0x0], $0xffff;
	v26 =	vmul.f32 v33, v37;
	v51 =	vor.u32 $0x3, v50;
	v46 =	vor.u32 $0x4, v50  }
0xde: {  	v27 =	vld [tilespmem:s30+$0x0];
	v4 =	vor.u32 $0x5, v50;
	v56 =	vor.u32 $0x6, v50;
	v42 =	vor.u32 $0x8, v50  }
0xdf: {  	v49 =	vor.u32 $0xA, v50;
	v40 =	vor.u32 $0xC, v50;
	v57 =	vor.u32 $0xD, v50;
	v55 =	vld.idx.msk [tilespmem:v50+s24+$0x0], $0xffff  }
0xe0: {  	v43 =	vor.u32 $0xE, v50;
	v45 =	vor.u32 $0xF, v50;
	v61 =	vor.u32 $0xB, v50;
	v59 =	vld.idx.msk [tilespmem:v28+s24+$0x0], $0xffff  }
0xe1: {  	v52 =	vmul.f32 v52, v37;
	v26 =	vadd.f32 v26, v23;
	v29 =	vmul.f32 v29, v37;
	v60 =	vld.idx.msk [tilespmem:v63+s24+$0x0], $0xffff  }
0xe2: {  	v58 =	vmul.f32 v25, v37;
	v62 =	vmul.f32 v38, v37;
	v38 =	vadd.f32 v54, v23;
	v47 =	vld.idx.msk [tilespmem:v46+s24+$0x0], $0xffff  }
0xe3: {  	v33 =	vadd.f32 v29, v23;
	v29 =	vmul.f32 v53, v37;
	v53 =	vor.u32 $0x9, v50;
	v46 =	vld.idx.msk [tilespmem:v4+s24+$0x0], $0xffff  }
0xe4: {  	v34 =	vadd.f32 v58, v23;
	v28 =	vadd.f32 v24, v23;
	v24 =	vmul.f32 v41, v37;
	v51 =	vld.idx.msk [tilespmem:v51+s24+$0x0], $0xffff  }
0xe5: {  	v39 =	vld.idx.msk [tilespmem:v57+s24+$0x0], $0xffff;
	v37 =	vadd.f32 v62, v23;
	v29 =	vadd.f32 v29, v23;
	v63 =	vmul.f32 v55, v27  }
0xe6: {  	v48 =	vor.u32 $0x7, v50;
	v41 =	vld.idx.msk [tilespmem:v61+s24+$0x0], $0xffff;
	v25 =	vadd.f32 v24, v23;
	v24 =	vadd.f32 v5, v23  }
0xe7: {  	s31 =	simm.s32 $0x2;
	v50 =	vld.idx.msk [tilespmem:v56+s24+$0x0], $0xffff;
	v55 =	vmul.f32 v59, v27;
	v54 =	vmul.f32 v60, v27;
	v44 =	vadd.f32 v63, v44  }
.LBB2_7:
0xe8: {  	p0 =	sne.s32 s31, $0x31  }
0xe9: {  	v32 =	vadd.f32 v55, v32;
	v55 =	vld.idx.msk [tilespmem:v49+s24+$0x0], $0xffff;
	s30 =	sadd.s32 $0x10, s30;
	v23 =	vadd.f32 v52, v23;
	v52 =	vmov v27;
	s2 =	smov.u32 s31;
	s31 =	sadd.s32 $0x1, s31  }
0xea: {  	v27 =	vmov s2;
	v31 =	vadd.f32 v54, v31;
	v47 =	vmul.f32 v47, v52;
	v53 =	vld.idx.msk [tilespmem:v53+s24+$0x0], $0xffff  }
0xeb: {  	v49 =	vmul.f32 v51, v52;
	v46 =	vmul.f32 v46, v52;
	v27 =	vshll.u32 v27, $0x5;
	v54 =	vld.idx.msk [tilespmem:v42+s24+$0x0], $0xffff  }
0xec: {  	v39 =	vmul.f32 v39, v52;
	v56 =	vadd.s32 v2, v27;
	v30 =	vadd.f32 v47, v30;
	v51 =	vld.idx.msk [tilespmem:v45+s24+$0x0], $0xffff  }
0xed: {  	v35 =	vadd.f32 v49, v35;
	v45 =	vor.u32 $0x1, v56;
	v47 =	vor.u32 $0x2, v56;
	v57 =	vld.idx.msk [tilespmem:v43+s24+$0x0], $0xffff  }
0xee: {  	v41 =	vmul.f32 v41, v52;
	v58 =	vor.u32 $0x3, v56;
	v59 =	vor.u32 $0x4, v56;
	v60 =	vld.idx.msk [tilespmem:v48+s24+$0x0], $0xffff  }
0xef: {  	v61 =	vor.u32 $0x5, v56;
	v62 =	vor.u32 $0x6, v56;
	v50 =	vmul.f32 v50, v52;
	v63 =	vld.idx.msk [tilespmem:v40+s24+$0x0], $0xffff  }
0xf0: {  	v42 =	vor.u32 $0x8, v56;
	v49 =	vor.u32 $0xA, v56;
	v53 =	vmul.f32 v53, v52;
	v27 =	vld [tilespmem:s30+$0x0]  }
0xf1: {  	v4 =	vor.u32 $0xD, v56;
	v55 =	vmul.f32 v55, v52;
	v40 =	vor.u32 $0xC, v56;
	v3 =	vld.idx.msk [tilespmem:v56+s24+$0x0], $0xffff  }
0xf2: {  	v36 =	vadd.f32 v46, v36;
	v43 =	vor.u32 $0xE, v56;
	v5 =	vld.idx.msk [tilespmem:v45+s24+$0x0], $0xffff;
	v45 =	vor.u32 $0xF, v56  }
0xf3: {  	v7 =	vor.u32 $0xB, v56;
	v28 =	vadd.f32 v41, v28;
	v41 =	vmul.f32 v57, v52;
	v6 =	vld.idx.msk [tilespmem:v47+s24+$0x0], $0xffff  }
0xf4: {  	v26 =	vadd.f32 v39, v26;
	v48 =	vor.u32 $0x7, v56;
	v39 =	vmul.f32 v51, v52;
	v47 =	vld.idx.msk [tilespmem:v59+s24+$0x0], $0xffff  }
.Ltmp2:
0xf5: {  	v33 =	vadd.f32 v53, v33;
	v57 =	vmul.f32 v63, v52;
	v25 =	vadd.f32 v41, v25;
	v46 =	vld.idx.msk [tilespmem:v61+s24+$0x0], $0xffff;
	(pc) =	sbr.rel @p0 .LBB2_7-.Ltmp2, $4  }
0xf6: {  	v53 =	vor.u32 $0x9, v56;
	v56 =	vmul.f32 v54, v52;
	v24 =	vadd.f32 v39, v24;
	v51 =	vld.idx.msk [tilespmem:v58+s24+$0x0], $0xffff  }
0xf7: {  	v34 =	vadd.f32 v55, v34;
	v3 =	vmul.f32 v3, v27;
	v29 =	vadd.f32 v57, v29;
	v39 =	vld.idx.msk [tilespmem:v4+s24+$0x0], $0xffff  }
0xf8: {  	v38 =	vadd.f32 v50, v38;
	v52 =	vmul.f32 v60, v52;
	v55 =	vmul.f32 v5, v27;
	v41 =	vld.idx.msk [tilespmem:v7+s24+$0x0], $0xffff  }
0xf9: {  	v37 =	vadd.f32 v56, v37;
	v44 =	vadd.f32 v3, v44;
	v54 =	vmul.f32 v6, v27;
	v50 =	vld.idx.msk [tilespmem:v62+s24+$0x0], $0xffff  }
0xfa: {  	(erf) = vrcp.f32 v22;
	_ =	sdelay $0x4  }
0xfb: {  	v3 =	vld.idx.msk [tilespmem:v49+s24+$0x0], $0xffff  }
0xfc: {  	v4 =	vld.idx.msk [tilespmem:v0+s12+$0x0], $0xffff  }
0xfd: {  	v60 =	vld [tilespmem:$0x1FFB0]  }
0xfe: {  	v5 =	vld.idx.msk [tilespmem:v53+s24+$0x0], $0xffff  }
0xff: {  	v6 =	vld.idx.msk [tilespmem:v42+s24+$0x0], $0xffff;
	v22 =	vpop (erf)  }
0x100: {  	v7 =	vld.idx.msk [tilespmem:v45+s24+$0x0], $0xffff;
	v58 =	vmul.f32 v44, v22  }
0x101: {  	v43 =	vld.idx.msk [tilespmem:v43+s24+$0x0], $0xffff  }
0x102: {  	v59 =	vld.idx.msk [tilespmem:v48+s24+$0x0], $0xffff;
	v4 =	vadd.f32 v4, v58  }
0x103: {  	v40 =	vld.idx.msk [tilespmem:v40+s24+$0x0], $0xffff  }
0x104: {  	v61 =	vld [tilespmem:$0x1FFC0];
	[tilespmem:v0+s26+$0x0] =	vst.idx.msk $0xffff, v4  }
0x105: {  	v4 =	vld.idx.msk [tilespmem:v60+s12+$0x0], $0xffff  }
0x106: {  	v32 =	vadd.f32 v55, v32;
	_ =	sdelay $0x1  }
0x107: {  	v32 =	vmul.f32 v32, v22;
	_ =	sdelay $0x1  }
0x108: {  	v4 =	vadd.f32 v4, v32;
	_ =	sdelay $0x1  }
0x109: {  	v62 =	vld [tilespmem:$0x1FFD0];
	[tilespmem:v60+s26+$0x0] =	vst.idx.msk $0xffff, v4  }
0x10a: {  	v4 =	vld.idx.msk [tilespmem:v61+s12+$0x0], $0xffff  }
0x10b: {  	v31 =	vadd.f32 v54, v31;
	_ =	sdelay $0x1  }
0x10c: {  	v31 =	vmul.f32 v31, v22;
	_ =	sdelay $0x1  }
0x10d: {  	v4 =	vadd.f32 v4, v31;
	_ =	sdelay $0x1  }
0x10e: {  	v63 =	vld [tilespmem:$0x1FFE0];
	v31 =	vmul.f32 v51, v27;
	[tilespmem:v61+s26+$0x0] =	vst.idx.msk $0xffff, v4  }
0x10f: {  	v4 =	vld.idx.msk [tilespmem:v62+s12+$0x0], $0xffff  }
0x110: {  	v31 =	vadd.f32 v31, v35;
	_ =	sdelay $0x1  }
0x111: {  	v31 =	vmul.f32 v31, v22;
	_ =	sdelay $0x1  }
0x112: {  	v4 =	vadd.f32 v4, v31;
	v31 =	vmul.f32 v47, v27;
	_ =	sdelay $0x1  }
0x113: {  	[tilespmem:v62+s26+$0x0] =	vst.idx.msk $0xffff, v4;
	v30 =	vadd.f32 v31, v30;
	v31 =	vld [tilespmem:$0x1FFF0]  }
0x114: {  	v4 =	vld.idx.msk [tilespmem:v63+s12+$0x0], $0xffff;
	_ =	sdelay $0x2  }
0x115: {  	v30 =	vmul.f32 v30, v22;
	_ =	sdelay $0x1  }
0x116: {  	v4 =	vadd.f32 v4, v30;
	_ =	sdelay $0x1  }
0x117: {  	v30 =	vmul.f32 v46, v27;
	[tilespmem:v63+s26+$0x0] =	vst.idx.msk $0xffff, v4  }
0x118: {  	v4 =	vld.idx.msk [tilespmem:v31+s12+$0x0], $0xffff  }
0x119: {  	v30 =	vadd.f32 v30, v36;
	_ =	sdelay $0x1  }
0x11a: {  	v30 =	vmul.f32 v30, v22;
	_ =	sdelay $0x1  }
0x11b: {  	v4 =	vadd.f32 v4, v30;
	_ =	sdelay $0x1  }
0x11c: {  	v30 =	vmul.f32 v50, v27;
	[tilespmem:v31+s26+$0x0] =	vst.idx.msk $0xffff, v4  }
0x11d: {  	v4 =	vld.idx.msk [tilespmem:v8+s12+$0x0], $0xffff  }
0x11e: {  	v30 =	vadd.f32 v30, v38;
	_ =	sdelay $0x1  }
0x11f: {  	v30 =	vmul.f32 v30, v22;
	_ =	sdelay $0x1  }
0x120: {  	v4 =	vadd.f32 v4, v30;
	_ =	sdelay $0x1  }
0x121: {  	v23 =	vadd.f32 v52, v23;
	v30 =	vmul.f32 v59, v27;
	[tilespmem:v8+s26+$0x0] =	vst.idx.msk $0xffff, v4  }
0x122: {  	v4 =	vld.idx.msk [tilespmem:v9+s12+$0x0], $0xffff  }
0x123: {  	v23 =	vadd.f32 v30, v23;
	_ =	sdelay $0x1  }
0x124: {  	v23 =	vmul.f32 v23, v22;
	_ =	sdelay $0x1  }
0x125: {  	v4 =	vadd.f32 v4, v23;
	_ =	sdelay $0x1  }
0x126: {  	v6 =	vmul.f32 v6, v27;
	[tilespmem:v9+s26+$0x0] =	vst.idx.msk $0xffff, v4  }
0x127: {  	v4 =	vld.idx.msk [tilespmem:v10+s12+$0x0], $0xffff  }
0x128: {  	v6 =	vadd.f32 v6, v37;
	_ =	sdelay $0x1  }
0x129: {  	v6 =	vmul.f32 v6, v22;
	_ =	sdelay $0x1  }
0x12a: {  	v4 =	vadd.f32 v4, v6;
	_ =	sdelay $0x1  }
0x12b: {  	v5 =	vmul.f32 v5, v27;
	[tilespmem:v10+s26+$0x0] =	vst.idx.msk $0xffff, v4  }
0x12c: {  	v4 =	vld.idx.msk [tilespmem:v11+s12+$0x0], $0xffff  }
0x12d: {  	v5 =	vadd.f32 v5, v33;
	_ =	sdelay $0x1  }
0x12e: {  	v5 =	vmul.f32 v5, v22;
	_ =	sdelay $0x1  }
0x12f: {  	v4 =	vadd.f32 v4, v5;
	_ =	sdelay $0x1  }
0x130: {  	v3 =	vmul.f32 v3, v27;
	[tilespmem:v11+s26+$0x0] =	vst.idx.msk $0xffff, v4  }
0x131: {  	v4 =	vld.idx.msk [tilespmem:v12+s12+$0x0], $0xffff  }
0x132: {  	v3 =	vadd.f32 v3, v34;
	_ =	sdelay $0x1  }
0x133: {  	v3 =	vmul.f32 v3, v22;
	_ =	sdelay $0x1  }
0x134: {  	v3 =	vadd.f32 v4, v3;
	_ =	sdelay $0x1  }
0x135: {  	v42 =	vmul.f32 v41, v27;
	[tilespmem:v12+s26+$0x0] =	vst.idx.msk $0xffff, v3  }
0x136: {  	v3 =	vld.idx.msk [tilespmem:v13+s12+$0x0], $0xffff  }
0x137: {  	v4 =	vadd.f32 v42, v28;
	_ =	sdelay $0x1  }
0x138: {  	v4 =	vmul.f32 v4, v22;
	_ =	sdelay $0x1  }
0x139: {  	v3 =	vadd.f32 v3, v4;
	_ =	sdelay $0x1  }
0x13a: {  	v44 =	vmul.f32 v40, v27;
	[tilespmem:v13+s26+$0x0] =	vst.idx.msk $0xffff, v3  }
0x13b: {  	v3 =	vld.idx.msk [tilespmem:v14+s12+$0x0], $0xffff  }
0x13c: {  	v4 =	vadd.f32 v44, v29;
	_ =	sdelay $0x1  }
0x13d: {  	v4 =	vmul.f32 v4, v22;
	_ =	sdelay $0x1  }
0x13e: {  	v3 =	vadd.f32 v3, v4;
	_ =	sdelay $0x1  }
0x13f: {  	v45 =	vmul.f32 v39, v27;
	[tilespmem:v14+s26+$0x0] =	vst.idx.msk $0xffff, v3  }
0x140: {  	v3 =	vld.idx.msk [tilespmem:v15+s12+$0x0], $0xffff  }
0x141: {  	v4 =	vadd.f32 v45, v26;
	_ =	sdelay $0x1  }
0x142: {  	v4 =	vmul.f32 v4, v22;
	_ =	sdelay $0x1  }
0x143: {  	v3 =	vadd.f32 v3, v4;
	_ =	sdelay $0x1  }
0x144: {  	v46 =	vmul.f32 v43, v27;
	[tilespmem:v15+s26+$0x0] =	vst.idx.msk $0xffff, v3  }
0x145: {  	v3 =	vld.idx.msk [tilespmem:v16+s12+$0x0], $0xffff  }
0x146: {  	v4 =	vadd.f32 v46, v25;
	_ =	sdelay $0x1  }
0x147: {  	v4 =	vmul.f32 v4, v22;
	_ =	sdelay $0x1  }
0x148: {  	v3 =	vadd.f32 v3, v4;
	_ =	sdelay $0x1  }
0x149: {  	v47 =	vmul.f32 v7, v27;
	[tilespmem:v16+s26+$0x0] =	vst.idx.msk $0xffff, v3  }
0x14a: {  	s2 =	simm.s32 $0x0;
	v3 =	vld.idx.msk [tilespmem:v17+s12+$0x0], $0xffff  }
0x14b: {  	v48 =	vmov s2;
	v4 =	vadd.f32 v47, v24  }
0x14c: {  	v5 =	vshll.u32 v48, $0x5  }
0x14d: {  	v5 =	vadd.s32 v2, v5;
	v4 =	vmul.f32 v4, v22  }
0x14e: {  	v6 =	vor.u32 $0x10, v5  }
0x14f: {  	v49 =	vor.u32 $0x11, v5;
	v3 =	vadd.f32 v3, v4  }
0x150: {  	v7 =	vor.u32 $0x15, v5  }
0x151: {  	s2 =	simm.s32 $0x9AA0;
	v23 =	vor.u32 $0x14, v5;
	[tilespmem:v17+s26+$0x0] =	vst.idx.msk $0xffff, v3  }
0x152: {  	v24 =	vor.u32 $0x1C, v5;
	v27 =	vld [tilespmem:s2+$0x0]  }
0x153: {  	v25 =	vor.u32 $0x13, v5;
	v6 =	vld.idx.msk [tilespmem:v6+s24+$0x0], $0xffff  }
0x154: {  	v26 =	vor.u32 $0x19, v5;
	v4 =	vld.idx.msk [tilespmem:v49+s24+$0x0], $0xffff  }
0x155: {  	v29 =	vor.u32 $0x1A, v5;
	v7 =	vld.idx.msk [tilespmem:v7+s24+$0x0], $0xffff  }
0x156: {  	v51 =	vor.u32 $0x1B, v5;
	v30 =	vld.idx.msk [tilespmem:v23+s24+$0x0], $0xffff  }
0x157: {  	v3 =	vor.u32 $0x12, v5;
	v24 =	vld.idx.msk [tilespmem:v24+s24+$0x0], $0xffff  }
0x158: {  	v25 =	vld.idx.msk [tilespmem:v25+s24+$0x0], $0xffff  }
0x159: {  	v28 =	vor.u32 $0x17, v5;
	v26 =	vld.idx.msk [tilespmem:v26+s24+$0x0], $0xffff  }
0x15a: {  	v50 =	vor.u32 $0x1F, v5;
	v29 =	vld.idx.msk [tilespmem:v29+s24+$0x0], $0xffff  }
0x15b: {  	v52 =	vor.u32 $0x16, v5;
	v53 =	vor.u32 $0x1D, v5;
	v54 =	vor.u32 $0x18, v5;
	v40 =	vld.idx.msk [tilespmem:v51+s24+$0x0], $0xffff  }
0x15c: {  	v5 =	vor.u32 $0x1E, v5;
	v3 =	vld.idx.msk [tilespmem:v3+s24+$0x0], $0xffff;
	v6 =	vmul.f32 v6, v27;
	v4 =	vmul.f32 v4, v27  }
0x15d: {  	v23 =	vimm.f32 $0.0e+00;
	s2 =	simm.s32 $0x1;
	v7 =	vmul.f32 v7, v27;
	v24 =	vmul.f32 v24, v27  }
0x15e: {  	v25 =	vmul.f32 v25, v27;
	v33 =	vadd.f32 v6, v23;
	v6 =	vld.idx.msk [tilespmem:v28+s24+$0x0], $0xffff;
	v28 =	vmov s2  }
0x15f: {  	v38 =	vld.idx.msk [tilespmem:v50+s24+$0x0], $0xffff;
	v58 =	vmul.f32 v26, v27;
	v29 =	vmul.f32 v29, v27;
	v28 =	vshll.u32 v28, $0x5  }
0x160: {  	v63 =	vmul.f32 v40, v27;
	v31 =	vadd.f32 v4, v23;
	v28 =	vadd.s32 v2, v28  }
0x161: {  	v59 =	vld.idx.msk [tilespmem:v53+s24+$0x0], $0xffff;
	v4 =	vmul.f32 v30, v27;
	v3 =	vmul.f32 v3, v27;
	v55 =	vor.u32 $0x10, v28  }
0x162: {  	v37 =	vld.idx.msk [tilespmem:v54+s24+$0x0], $0xffff;
	v34 =	vadd.f32 v25, v23;
	v32 =	vadd.f32 v7, v23;
	v53 =	vor.u32 $0x15, v28  }
0x163: {  	v25 =	vadd.f32 v24, v23;
	v30 =	vadd.f32 v3, v23;
	v3 =	vld.idx.msk [tilespmem:v52+s24+$0x0], $0xffff;
	v52 =	vor.u32 $0x11, v28  }
0x164: {  	s30 =	simm.s32 $0x9AB0;
	v5 =	vld.idx.msk [tilespmem:v5+s24+$0x0], $0xffff;
	v24 =	vmul.f32 v38, v27;
	v29 =	vadd.f32 v29, v23;
	v41 =	vor.u32 $0x12, v28  }
0x165: {  	v26 =	vld [tilespmem:s30+$0x0];
	v35 =	vadd.f32 v58, v23;
	v39 =	vadd.f32 v4, v23;
	v36 =	vor.u32 $0x14, v28  }
0x166: {  	v24 =	vadd.f32 v24, v23;
	v44 =	vor.u32 $0x13, v28;
	v47 =	vor.u32 $0x17, v28;
	v7 =	vld.idx.msk [tilespmem:v55+s24+$0x0], $0xffff  }
0x167: {  	v60 =	vor.u32 $0x19, v28;
	v43 =	vor.u32 $0x1B, v28;
	v62 =	vor.u32 $0x1C, v28;
	v48 =	vld.idx.msk [tilespmem:v53+s24+$0x0], $0xffff  }
0x168: {  	v42 =	vor.u32 $0x1D, v28;
	v50 =	vor.u32 $0x1A, v28;
	v6 =	vmul.f32 v6, v27;
	v56 =	vld.idx.msk [tilespmem:v52+s24+$0x0], $0xffff  }
0x169: {  	v45 =	vor.u32 $0x18, v28;
	v49 =	vor.u32 $0x1E, v28;
	v53 =	vld.idx.msk [tilespmem:v41+s24+$0x0], $0xffff;
	v3 =	vmul.f32 v3, v27  }
0x16a: {  	v51 =	vld.idx.msk [tilespmem:v36+s24+$0x0], $0xffff;
	v36 =	vadd.f32 v6, v23;
	v55 =	vor.u32 $0x1F, v28;
	v41 =	vmul.f32 v5, v27  }
0x16b: {  	v54 =	vld.idx.msk [tilespmem:v44+s24+$0x0], $0xffff;
	v44 =	vmul.f32 v59, v27;
	v38 =	vadd.f32 v3, v23;
	v3 =	vmul.f32 v37, v27  }
0x16c: {  	v40 =	vld.idx.msk [tilespmem:v62+s24+$0x0], $0xffff;
	v52 =	vor.u32 $0x16, v28;
	v28 =	vadd.f32 v63, v23;
	v57 =	vmul.f32 v7, v26  }
0x16d: {  	s31 =	simm.s32 $0x2;
	v46 =	vld.idx.msk [tilespmem:v60+s24+$0x0], $0xffff;
	v27 =	vimm.f32 $0.0e+00;
	v37 =	vadd.f32 v3, v23;
	v56 =	vmul.f32 v56, v26  }
.LBB2_9:
0x16e: {  	p0 =	sne.s32 s31, $0x31;
	v33 =	vadd.f32 v57, v33  }
0x16f: {  	v3 =	vmul.f32 v48, v26;
	v4 =	vld.idx.msk [tilespmem:v47+s24+$0x0], $0xffff;
	s30 =	sadd.s32 $0x10, s30;
	v23 =	vadd.f32 v41, v23;
	v5 =	vmov v26;
	s2 =	smov.u32 s31;
	s31 =	sadd.s32 $0x1, s31  }
0x170: {  	v6 =	vmov s2;
	v31 =	vadd.f32 v56, v31;
	v7 =	vmul.f32 v53, v5;
	v26 =	vld.idx.msk [tilespmem:v50+s24+$0x0], $0xffff  }
0x171: {  	v41 =	vmul.f32 v51, v5;
	v27 =	vadd.f32 v44, v27;
	v6 =	vshll.u32 v6, $0x5;
	v48 =	vld.idx.msk [tilespmem:v55+s24+$0x0], $0xffff  }
0x172: {  	v40 =	vmul.f32 v40, v5;
	v6 =	vadd.s32 v2, v6;
	v30 =	vadd.f32 v7, v30;
	v7 =	vld.idx.msk [tilespmem:v52+s24+$0x0], $0xffff  }
0x173: {  	v47 =	vmul.f32 v54, v5;
	v44 =	vor.u32 $0x10, v6;
	v51 =	vor.u32 $0x11, v6;
	v54 =	vld.idx.msk [tilespmem:v43+s24+$0x0], $0xffff  }
0x174: {  	v53 =	vor.u32 $0x12, v6;
	v56 =	vor.u32 $0x13, v6;
	v58 =	vmul.f32 v46, v5;
	v59 =	vld.idx.msk [tilespmem:v42+s24+$0x0], $0xffff  }
0x175: {  	v46 =	vor.u32 $0x14, v6;
	v52 =	vor.u32 $0x15, v6;
	v34 =	vadd.f32 v47, v34;
	v57 =	vld.idx.msk [tilespmem:v49+s24+$0x0], $0xffff  }
0x176: {  	v60 =	vor.u32 $0x19, v6;
	v47 =	vor.u32 $0x17, v6;
	v61 =	vmul.f32 v26, v5;
	v55 =	vld.idx.msk [tilespmem:v45+s24+$0x0], $0xffff  }
0x177: {  	v32 =	vadd.f32 v3, v32;
	v43 =	vor.u32 $0x1B, v6;
	v42 =	vor.u32 $0x1D, v6;
	v26 =	vld [tilespmem:s30+$0x0]  }
0x178: {  	v50 =	vor.u32 $0x1A, v6;
	v25 =	vadd.f32 v40, v25;
	v3 =	vld.idx.msk [tilespmem:v44+s24+$0x0], $0xffff;
	v44 =	vor.u32 $0x1C, v6  }
0x179: {  	v4 =	vmul.f32 v4, v5;
	v45 =	vor.u32 $0x18, v6;
	v40 =	vmul.f32 v48, v5;
	v62 =	vld.idx.msk [tilespmem:v51+s24+$0x0], $0xffff  }
0x17a: {  	v39 =	vadd.f32 v41, v39;
	v7 =	vmul.f32 v7, v5;
	v48 =	vld.idx.msk [tilespmem:v52+s24+$0x0], $0xffff;
	v52 =	vor.u32 $0x16, v6  }
.Ltmp3:
0x17b: {  	v49 =	vor.u32 $0x1E, v6;
	v41 =	vmul.f32 v54, v5;
	v24 =	vadd.f32 v40, v24;
	v53 =	vld.idx.msk [tilespmem:v53+s24+$0x0], $0xffff;
	(pc) =	sbr.rel @p0 .LBB2_9-.Ltmp3, $4  }
0x17c: {  	v36 =	vadd.f32 v4, v36;
	v38 =	vadd.f32 v7, v38;
	v4 =	vmul.f32 v55, v5;
	v51 =	vld.idx.msk [tilespmem:v46+s24+$0x0], $0xffff  }
0x17d: {  	v28 =	vadd.f32 v41, v28;
	v41 =	vmul.f32 v57, v5;
	v55 =	vor.u32 $0x1F, v6;
	v40 =	vld.idx.msk [tilespmem:v44+s24+$0x0], $0xffff  }
0x17e: {  	v29 =	vadd.f32 v61, v29;
	v57 =	vmul.f32 v3, v26;
	v37 =	vadd.f32 v4, v37;
	v54 =	vld.idx.msk [tilespmem:v56+s24+$0x0], $0xffff  }
0x17f: {  	v35 =	vadd.f32 v58, v35;
	v44 =	vmul.f32 v59, v5;
	v56 =	vmul.f32 v62, v26;
	v46 =	vld.idx.msk [tilespmem:v60+s24+$0x0], $0xffff  }
0x180: {  	_ =	sdelay $0x3  }
0x181: {  	v3 =	vld.idx.msk [tilespmem:v47+s24+$0x0], $0xffff  }
0x182: {  	v5 =	vld.idx.msk [tilespmem:v18+s12+$0x0], $0xffff  }
0x183: {  	v4 =	vld.idx.msk [tilespmem:v50+s24+$0x0], $0xffff;
	v6 =	vadd.f32 v57, v33  }
0x184: {  	v7 =	vld.idx.msk [tilespmem:v55+s24+$0x0], $0xffff  }
0x185: {  	v60 =	vld.idx.msk [tilespmem:v52+s24+$0x0], $0xffff;
	v6 =	vmul.f32 v6, v22  }
0x186: {  	v43 =	vld.idx.msk [tilespmem:v43+s24+$0x0], $0xffff  }
0x187: {  	v42 =	vld.idx.msk [tilespmem:v42+s24+$0x0], $0xffff;
	v5 =	vadd.f32 v5, v6  }
0x188: {  	v47 =	vld.idx.msk [tilespmem:v49+s24+$0x0], $0xffff  }
0x189: {  	v6 =	vld.idx.msk [tilespmem:v45+s24+$0x0], $0xffff;
	[tilespmem:v18+s26+$0x0] =	vst.idx.msk $0xffff, v5  }
0x18a: {  	v5 =	vld.idx.msk [tilespmem:v19+s12+$0x0], $0xffff  }
0x18b: {  	v31 =	vadd.f32 v56, v31;
	_ =	sdelay $0x1  }
0x18c: {  	v31 =	vmul.f32 v31, v22;
	_ =	sdelay $0x1  }
0x18d: {  	v5 =	vadd.f32 v5, v31;
	_ =	sdelay $0x1  }
0x18e: {  	v61 =	vmul.f32 v53, v26;
	[tilespmem:v19+s26+$0x0] =	vst.idx.msk $0xffff, v5  }
0x18f: {  	v5 =	vld.idx.msk [tilespmem:v20+s12+$0x0], $0xffff  }
0x190: {  	v30 =	vadd.f32 v61, v30;
	_ =	sdelay $0x1  }
0x191: {  	v30 =	vmul.f32 v30, v22;
	_ =	sdelay $0x1  }
0x192: {  	v5 =	vadd.f32 v5, v30;
	_ =	sdelay $0x1  }
0x193: {  	v62 =	vmul.f32 v54, v26;
	[tilespmem:v20+s26+$0x0] =	vst.idx.msk $0xffff, v5  }
0x194: {  	v5 =	vld.idx.msk [tilespmem:v21+s12+$0x0], $0xffff  }
0x195: {  	v30 =	vadd.f32 v62, v34;
	_ =	sdelay $0x1  }
0x196: {  	v63 =	vor.u32 $0x14, v0;
	v30 =	vmul.f32 v30, v22;
	_ =	sdelay $0x1  }
0x197: {  	v5 =	vadd.f32 v5, v30;
	_ =	sdelay $0x1  }
0x198: {  	v34 =	vmul.f32 v51, v26;
	[tilespmem:v21+s26+$0x0] =	vst.idx.msk $0xffff, v5  }
0x199: {  	v5 =	vld.idx.msk [tilespmem:v63+s12+$0x0], $0xffff  }
0x19a: {  	v30 =	vadd.f32 v34, v39;
	_ =	sdelay $0x1  }
0x19b: {  	v39 =	vor.u32 $0x15, v0;
	v30 =	vmul.f32 v30, v22;
	_ =	sdelay $0x1  }
0x19c: {  	v5 =	vadd.f32 v5, v30;
	_ =	sdelay $0x1  }
0x19d: {  	v45 =	vmul.f32 v48, v26;
	[tilespmem:v63+s26+$0x0] =	vst.idx.msk $0xffff, v5  }
0x19e: {  	v5 =	vld.idx.msk [tilespmem:v39+s12+$0x0], $0xffff  }
0x19f: {  	v30 =	vadd.f32 v45, v32;
	_ =	sdelay $0x1  }
0x1a0: {  	v48 =	vor.u32 $0x16, v0;
	v30 =	vmul.f32 v30, v22;
	_ =	sdelay $0x1  }
0x1a1: {  	v5 =	vadd.f32 v5, v30;
	_ =	sdelay $0x1  }
0x1a2: {  	v49 =	vmul.f32 v60, v26;
	[tilespmem:v39+s26+$0x0] =	vst.idx.msk $0xffff, v5  }
0x1a3: {  	v5 =	vld.idx.msk [tilespmem:v48+s12+$0x0], $0xffff  }
0x1a4: {  	v30 =	vadd.f32 v49, v38;
	_ =	sdelay $0x1  }
0x1a5: {  	v50 =	vor.u32 $0x17, v0;
	v30 =	vmul.f32 v30, v22;
	_ =	sdelay $0x1  }
0x1a6: {  	v5 =	vadd.f32 v5, v30;
	_ =	sdelay $0x1  }
0x1a7: {  	v3 =	vmul.f32 v3, v26;
	[tilespmem:v48+s26+$0x0] =	vst.idx.msk $0xffff, v5  }
0x1a8: {  	v5 =	vld.idx.msk [tilespmem:v50+s12+$0x0], $0xffff  }
0x1a9: {  	v3 =	vadd.f32 v3, v36;
	_ =	sdelay $0x1  }
0x1aa: {  	v3 =	vmul.f32 v3, v22;
	v51 =	vor.u32 $0x18, v0;
	_ =	sdelay $0x1  }
0x1ab: {  	v3 =	vadd.f32 v5, v3;
	_ =	sdelay $0x1  }
0x1ac: {  	v52 =	vmul.f32 v6, v26;
	[tilespmem:v50+s26+$0x0] =	vst.idx.msk $0xffff, v3  }
0x1ad: {  	v3 =	vld.idx.msk [tilespmem:v51+s12+$0x0], $0xffff  }
0x1ae: {  	v5 =	vadd.f32 v52, v37;
	_ =	sdelay $0x1  }
0x1af: {  	v6 =	vor.u32 $0x19, v0;
	v5 =	vmul.f32 v5, v22;
	_ =	sdelay $0x1  }
0x1b0: {  	v3 =	vadd.f32 v3, v5;
	_ =	sdelay $0x1  }
0x1b1: {  	v53 =	vmul.f32 v46, v26;
	[tilespmem:v51+s26+$0x0] =	vst.idx.msk $0xffff, v3  }
0x1b2: {  	v3 =	vld.idx.msk [tilespmem:v6+s12+$0x0], $0xffff  }
0x1b3: {  	v5 =	vadd.f32 v53, v35;
	_ =	sdelay $0x1  }
0x1b4: {  	v54 =	vor.u32 $0x1A, v0;
	v5 =	vmul.f32 v5, v22;
	_ =	sdelay $0x1  }
0x1b5: {  	v3 =	vadd.f32 v3, v5;
	_ =	sdelay $0x1  }
0x1b6: {  	v4 =	vmul.f32 v4, v26;
	[tilespmem:v6+s26+$0x0] =	vst.idx.msk $0xffff, v3  }
0x1b7: {  	v3 =	vld.idx.msk [tilespmem:v54+s12+$0x0], $0xffff  }
0x1b8: {  	v4 =	vadd.f32 v4, v29;
	_ =	sdelay $0x1  }
0x1b9: {  	v55 =	vor.u32 $0x1B, v0;
	v4 =	vmul.f32 v4, v22;
	_ =	sdelay $0x1  }
0x1ba: {  	v3 =	vadd.f32 v3, v4;
	_ =	sdelay $0x1  }
0x1bb: {  	v56 =	vmul.f32 v43, v26;
	[tilespmem:v54+s26+$0x0] =	vst.idx.msk $0xffff, v3  }
0x1bc: {  	v3 =	vld.idx.msk [tilespmem:v55+s12+$0x0], $0xffff  }
0x1bd: {  	v4 =	vadd.f32 v56, v28;
	_ =	sdelay $0x1  }
0x1be: {  	v6 =	vor.u32 $0x1C, v0;
	v4 =	vmul.f32 v4, v22;
	_ =	sdelay $0x1  }
0x1bf: {  	v3 =	vadd.f32 v3, v4;
	_ =	sdelay $0x1  }
0x1c0: {  	v57 =	vmul.f32 v40, v26;
	[tilespmem:v55+s26+$0x0] =	vst.idx.msk $0xffff, v3  }
0x1c1: {  	v3 =	vld.idx.msk [tilespmem:v6+s12+$0x0], $0xffff  }
0x1c2: {  	v4 =	vadd.f32 v57, v25;
	_ =	sdelay $0x1  }
0x1c3: {  	v58 =	vor.u32 $0x1D, v0;
	v4 =	vmul.f32 v4, v22;
	_ =	sdelay $0x1  }
0x1c4: {  	v3 =	vadd.f32 v3, v4;
	_ =	sdelay $0x1  }
0x1c5: {  	v59 =	vadd.f32 v44, v27;
	v60 =	vmul.f32 v42, v26;
	[tilespmem:v6+s26+$0x0] =	vst.idx.msk $0xffff, v3  }
0x1c6: {  	v3 =	vld.idx.msk [tilespmem:v58+s12+$0x0], $0xffff  }
0x1c7: {  	v4 =	vadd.f32 v60, v59;
	_ =	sdelay $0x1  }
0x1c8: {  	v4 =	vmul.f32 v4, v22;
	v6 =	vor.u32 $0x1E, v0;
	_ =	sdelay $0x1  }
0x1c9: {  	v3 =	vadd.f32 v3, v4;
	_ =	sdelay $0x1  }
0x1ca: {  	v61 =	vadd.f32 v41, v23;
	v23 =	vmul.f32 v47, v26;
	[tilespmem:v58+s26+$0x0] =	vst.idx.msk $0xffff, v3  }
0x1cb: {  	v3 =	vld.idx.msk [tilespmem:v6+s12+$0x0], $0xffff  }
0x1cc: {  	v4 =	vadd.f32 v23, v61;
	_ =	sdelay $0x1  }
0x1cd: {  	v62 =	vor.u32 $0x1F, v0;
	v4 =	vmul.f32 v4, v22;
	_ =	sdelay $0x1  }
0x1ce: {  	v3 =	vadd.f32 v3, v4;
	_ =	sdelay $0x1  }
0x1cf: {  	v63 =	vmul.f32 v7, v26;
	[tilespmem:v6+s26+$0x0] =	vst.idx.msk $0xffff, v3  }
0x1d0: {  	v3 =	vld.idx.msk [tilespmem:v62+s12+$0x0], $0xffff  }
0x1d1: {  	v4 =	vadd.f32 v63, v24;
	_ =	sdelay $0x1  }
0x1d2: {  	v4 =	vmul.f32 v4, v22;
	_ =	sdelay $0x1  }
0x1d3: {  	s28 =	sadd.s32 $0x1, s28;
	v3 =	vadd.f32 v3, v4  }
0x1d4: {  	p0 =	sne.s32 s28, $0x8  }
.Ltmp4:
0x1d5: {  	s2 =	sadd.s32 s29, s11;
	[tilespmem:v62+s26+$0x0] =	vst.idx.msk $0xffff, v3;
	(pc) =	sbr.rel @p0 .LBB2_2-.Ltmp4, $4  }
0x1d6: {  	[hbm4b:s2+s4] =	stream.linear.scatter [tilespmem:s26], [sflag:$0x6], $0x200, $0x38;
	[tilespmem:$0xC1C0] =	vst v63  }
0x1d7: {  	_ =	swait.ge [sflag:s15], $0x200  }
0x1d8: {  	[sflag:s15] =	ssyncset.done $0x0  }
0x1d9: {  	[sflag:s15] =	ssyncadd.s32 $0xFFFFFE00  }
0x1da: {  	s2 =	simm.s32 $0x4  }
0x1db: {  	_ =	swait.ge [sflag:s2], $0x1000  }
0x1dc: {  	[sflag:s2] =	ssyncset.done $0x0  }
0x1dd: {  	s29 =	simm.s32 $0x5;
	[sflag:s2] =	ssyncadd.s32 $0xFFFFF000  }
0x1de: {  	_ =	swait.ge [sflag:s29], $0x1000  }
0x1df: {  	[sflag:s29] =	ssyncset.done $0x0  }
0x1e0: {  	s30 =	simm.s32 $0xA1C0;
	[sflag:s29] =	ssyncadd.s32 $0xFFFFF000;
	s29 =	rddreg [dreg:$0x10]  }
0x1e1: {  	[hbm4b:s29+s4] =	stream.linear.scatter [tilespmem:s30], [sflag:$0x6], $0x1000, $0x38;
	[tilespmem:$0xC1C0] =	vst v63  }
0x1e2: {  	_ =	swait.ge [sflag:s15], $0x1000  }
0x1e3: {  	[sflag:s15] =	ssyncset.done $0x0  }
0x1e4: {  	s31 =	simm.s32 $0xB1C0;
	s29 =	rddreg [dreg:$0x11];
	[sflag:s15] =	ssyncadd.s32 $0xFFFFF000  }
0x1e5: {  	[hbm4b:s29+s4] =	stream.linear.scatter [tilespmem:s31], [sflag:$0x6], $0x1000, $0x38;
	[tilespmem:$0xC1C0] =	vst v63  }
0x1e6: {  	_ =	swait.ge [sflag:s15], $0x1000  }
0x1e7: {  	s28 =	rddreg [dreg:$0x13]  }
0x1e8: {  	s29 =	rddreg [dreg:$0x12];
	s28 =	sadd.s32 $0x1, s28  }
0x1e9: {  	p0 =	sne.s32 s28, s29  }
.Ltmp5:
0x1ea: {  	_ = 	snop;
	(pc) =	sbr.rel @p0 .LBB2_1-.Ltmp5, $3  }
0x1eb: {  	_ =	sdelay $0x1  }
0x1ec: {  	[sflag:s15] =	ssyncset.done $0x0  }
0x1ed: {  	[sflag:s15] =	ssyncadd.s32 $0xFFFFF000  }
0x1ee: {  	_ =	sfence.sel $0x180000  }
0x1ef: {  	[bflag:$0x0] =	sbarrier.arrive $0xFFFF  }
0x1f0: {  	_ =	strace $0x9000004A  }
0x1f1: {  	s0 =	stileid.u32;
	[bflag:$0x2] =	sbarrier.arrive $0xFFFF  }
0x1f2: {  	p0 =	sne.s32 s0, $0x0;
	s0 =	rddreg [dreg:$0xa]  }
0x1f3: {  	s0 =	sadd.s32 @!p0 $0x100000, s0  }
0x1f4: {  	[sflag:s0] =	ssyncadd.tile.s32 @!p0 $0x1;
	_ =	shalt  }
.Lfunc_end2:
_tile_overlayer_lowered:
.L_overlay_start_2:
0x1f5: {  	(tag) =	ssettag $0x2  }
0x1f6: {  	s0 =	rddreg [dreg:$0x0];
	s2 =	stileid.u32  }
0x1f7: {  	s1 =	rddreg [dreg:$0x1];
	p0 =	sne.s32 s2, $0x0  }
0x1f8: {  	s3 =	rddreg [dreg:$0x2];
	[bflag:$0x3] =	sbarrier.arrive $0xFFFF;
	s2 =	simm.s32 @!p0 $0x1C06  }
0x1f9: {  	[timem:s3], [sflag:s2] =	dma.local @!p0 [hbm:s0], s1  }
0x1fa: {  	s0 =	simm.s32 @!p0 $0x6  }
0x1fb: {  	_ =	swait.ge @!p0 [sflag:s0], s1  }
0x1fc: {  	s1 =	ssub.s32 @!p0 $0x0, s1;
	[sflag:s0] =	ssyncset.done @!p0 $0x0  }
0x1fd: {  	[sflag:s0] =	ssyncadd.s32 @!p0 s1  }
0x1fe: {  	[bflag:$0x3] =	sbarrier.arrive $0xFFFF  }
0x1ff: {  	_ =	shalt  }

</sc_bundles>
